<compile_context>
chip_gen: v7x
topology: tpu7x:2x2x1
jax: 0.10.2.dev20260603
libtpu: 0.0.44.dev20260713+nightly
codegen_flags: <defaults>
</compile_context>

<pallas_src>
import functools

import jax
import jax.numpy as jnp
from jax import lax
from jax.experimental import pallas as pl
from jax.experimental.pallas import tpu as pltpu
from jax.experimental.pallas import tpu_sc as plsc

N = 10000
D = 128
E = 320000
NC = 2
NS = 16
NW = NC * NS
EPW = E // NW
CH = 80
NCHUNK = EPW // CH
NBUF = 4
NIDX = 2 * NBUF
GLAG = 3
NOUT = NCHUNK // NIDX
NP = 10240
RPT = NP // NS

_mesh = plsc.VectorSubcoreMesh(core_axis_name="c", subcore_axis_name="s")


def _sc_body(compute_deg, h_hbm, src_hbm, dst_hbm, zrow_hbm, zdeg_hbm,
             ones_hbm, out_hbm, deg_hbm,
             src_v, dst_v, rows, ones_v, acc_sh, deg_sh, sem_i, sem_g, sem_s):
    c = lax.axis_index("c")
    s = lax.axis_index("s")
    w = c * NS + s
    r0 = s * RPT
    base = w * EPW

    pltpu.sync_copy(zrow_hbm, acc_sh.at[pl.ds(r0, RPT)])
    if compute_deg:
        pltpu.sync_copy(zdeg_hbm, deg_sh.at[pl.ds(r0, RPT)])
        pltpu.sync_copy(ones_hbm, ones_v)
    plsc.subcore_barrier()

    def idx_start(chunk, bi):
        off = base + chunk * CH
        pltpu.async_copy(src_hbm.at[pl.ds(off, CH)], src_v[bi], sem_i[bi])
        pltpu.async_copy(dst_hbm.at[pl.ds(off, CH)], dst_v[bi], sem_i[bi])

    def idx_wait(chunk, bi):
        off = base + chunk * CH
        pltpu.make_async_copy(src_hbm.at[pl.ds(off, CH)], src_v[bi],
                              sem_i[bi]).wait()
        pltpu.make_async_copy(dst_hbm.at[pl.ds(off, CH)], dst_v[bi],
                              sem_i[bi]).wait()

    def gather_start(b, bi):
        pltpu.async_copy(h_hbm.at[src_v[bi]], rows[b], sem_g[b])

    def gather_wait(b, bi):
        pltpu.make_async_copy(h_hbm.at[src_v[bi]], rows[b], sem_g[b]).wait()

    def scatter_start(b, bi):
        pltpu.async_copy(rows[b], acc_sh.at[dst_v[bi]], sem_s[b], add=True)

    def scatter_wait(b, bi):
        pltpu.make_async_copy(rows[b], acc_sh.at[dst_v[bi]], sem_s[b]).wait()

    for ch0 in range(NIDX - 1):
        idx_start(ch0, ch0)
    for ch0 in range(GLAG):
        idx_wait(ch0, ch0)
        gather_start(ch0 % NBUF, ch0)

    def when(cond, fn):
        if isinstance(cond, bool):
            if cond:
                fn()
        else:
            pl.when(cond)(fn)

    def drain(chunk, k):
        b = k % NBUF
        bi = k % NIDX
        bp = (k - 1) % NBUF
        bip = (k - 1) % NIDX
        gather_wait(b, bi)
        when(chunk >= 1, lambda: scatter_wait(bp, bip))
        scatter_start(b, bi)
        if compute_deg:
            pltpu.sync_copy(ones_v, deg_sh.at[dst_v[bi]], add=True)
        when(chunk + NIDX - 1 < NCHUNK,
             lambda: idx_start(chunk + NIDX - 1, bip))

        def issue_gather():
            idx_wait(chunk + GLAG, (bi + GLAG) % NIDX)
            gather_start((b + GLAG) % NBUF, (bi + GLAG) % NIDX)

        when(chunk + GLAG < NCHUNK, issue_gather)

    def outer(g, carry):
        for k in range(NIDX):
            drain(g * NIDX + k, k)
        return carry

    lax.fori_loop(0, NOUT, outer, 0)

    for t in range(NOUT * NIDX, NCHUNK):
        drain(t, t)
    scatter_wait((NCHUNK - 1) % NBUF, (NCHUNK - 1) % NIDX)

    plsc.subcore_barrier()
    pltpu.sync_copy(acc_sh.at[pl.ds(r0, RPT)], out_hbm.at[c, pl.ds(r0, RPT)])
    if compute_deg:
        pltpu.sync_copy(deg_sh.at[pl.ds(r0, RPT)],
                        deg_hbm.at[pl.ds(c * NP + r0, RPT)])


def _make_sc(compute_deg):
    return functools.partial(
        pl.kernel,
        mesh=_mesh,
        out_type=[
            jax.ShapeDtypeStruct((NC, NP, D), jnp.float32),
            jax.ShapeDtypeStruct((NC * NP,), jnp.float32),
        ],
        scratch_types=[
            [pltpu.VMEM((CH,), jnp.int32)] * NIDX,
            [pltpu.VMEM((CH,), jnp.int32)] * NIDX,
            [pltpu.VMEM((CH, D), jnp.float32)] * NBUF,
            pltpu.VMEM((CH,), jnp.float32),
            pltpu.VMEM_SHARED((NP, D), jnp.float32),
            pltpu.VMEM_SHARED((NP,), jnp.float32),
            [pltpu.SemaphoreType.DMA] * NIDX,
            [pltpu.SemaphoreType.DMA] * NBUF,
            [pltpu.SemaphoreType.DMA] * NBUF,
        ],
    )(functools.partial(_sc_body, compute_deg))


_sc_aggregate_deg = _make_sc(True)
_sc_aggregate_nodeg = _make_sc(False)


def _dense_body(relu, x_ref, p_ref, d_ref, ws_ref, wn_ref, b_ref, o_ref):
    deg = d_ref[:, 0:1] + d_ref[:, 1:2]
    inv = 1.0 / jnp.maximum(deg, 1.0)
    hn = (p_ref[0] + p_ref[1]) * inv
    acc = lax.dot_general(x_ref[...], ws_ref[...], (((1,), (1,)), ((), ())),
                          preferred_element_type=jnp.float32)
    acc = acc + lax.dot_general(hn, wn_ref[...], (((1,), (1,)), ((), ())),
                                preferred_element_type=jnp.float32)
    acc = acc + b_ref[0, :][None, :]
    if relu:
        acc = jnp.maximum(acc, 0.0)
    o_ref[...] = acc


def _dense(x, p, d, W_self, W_neigh, b, relu):
    bm = 1000
    grid = (N // bm,)
    return pl.pallas_call(
        functools.partial(_dense_body, relu),
        grid=grid,
        in_specs=[
            pl.BlockSpec((bm, D), lambda i: (i, 0)),
            pl.BlockSpec((NC, bm, D), lambda i: (0, i, 0)),
            pl.BlockSpec((bm, NC), lambda i: (i, 0)),
            pl.BlockSpec((D, D), lambda i: (0, 0)),
            pl.BlockSpec((D, D), lambda i: (0, 0)),
            pl.BlockSpec((1, D), lambda i: (0, 0)),
        ],
        out_specs=pl.BlockSpec((bm, D), lambda i: (i, 0)),
        out_shape=jax.ShapeDtypeStruct((N, D), jnp.float32),
    )(x, p, d, W_self, W_neigh, b.reshape(1, D))


def kernel(x, edge_index, W_neigh1, W_self1, b1, W_neigh2, W_self2, b2):
    ei = edge_index.astype(jnp.int32)
    src, dst = ei[0], ei[1]
    zrow = jnp.zeros((RPT, D), jnp.float32)
    zdeg = jnp.zeros((RPT,), jnp.float32)
    ones = jnp.ones((CH,), jnp.float32)

    p1, dflat = _sc_aggregate_deg(x, src, dst, zrow, zdeg, ones)
    d = dflat.reshape(NC, NP).T
    h1 = _dense(x, p1, d, W_self1, W_neigh1, b1, relu=True)
    p2, _ = _sc_aggregate_nodeg(h1, src, dst, zrow, zdeg, ones)
    out = _dense(h1, p2, d, W_self2, W_neigh2, b2, relu=False)
    return out

# --- scband reference (transcript-rebuilt; emitter-appended) ---
"""Pipeline reference for scband-ignet-42099269436028 (READ-ONLY COPY).

The authoritative reference and input builder live on the scoring server;
editing this copy changes nothing except your own understanding.
"""

import jax, jax.numpy as jnp
import numpy as np

N = 10000
E = 320000
D = 128

def setup_inputs(seed: int = 0) -> dict:
    key = jax.random.key(seed)
    ks = jax.random.split(key, 8)
    x = jax.random.normal(ks[0], (N, D), dtype=jnp.float32)
    edge_index = jax.random.randint(ks[1], (2, E), 0, N, dtype=jnp.int64)
    s = 1.0 / np.sqrt(D)
    W_neigh1 = jax.random.uniform(ks[2], (D, D), jnp.float32, -s, s)
    W_self1 = jax.random.uniform(ks[3], (D, D), jnp.float32, -s, s)
    b1 = jnp.zeros((D,), jnp.float32)
    W_neigh2 = jax.random.uniform(ks[4], (D, D), jnp.float32, -s, s)
    W_self2 = jax.random.uniform(ks[5], (D, D), jnp.float32, -s, s)
    b2 = jnp.zeros((D,), jnp.float32)
    return {"x": x, "edge_index": edge_index, "W_neigh1": W_neigh1, "W_self1": W_self1, "b1": b1, "W_neigh2": W_neigh2, "W_self2": W_self2, "b2": b2}

def _sage_mean_layer(h, src, dst, W_neigh, W_self, b):
    # message: copy_u -> mean over incoming edges per dst node
    msg = jnp.take(h, src, axis=0)                      # gather [E, D]
    summed = jax.ops.segment_sum(msg, dst, num_segments=N)
    deg = jax.ops.segment_sum(jnp.ones((msg.shape[0],), jnp.float32), dst, num_segments=N)
    h_neigh = summed / jnp.clip(deg, 1.0)[:, None]      # fn.mean('m','neigh')
    # lin_before_mp is False (in_feats == out_feats), so fc_neigh applied after aggregation
    return h @ W_self.T + b + h_neigh @ W_neigh.T       # fc_self(h_self) + fc_neigh(h_neigh)

def reference(x, edge_index, W_neigh1, W_self1, b1, W_neigh2, W_self2, b2):
    src = edge_index[0]
    dst = edge_index[1]
    h1 = _sage_mean_layer(x, src, dst, W_neigh1, W_self1, b1)
    h1 = jax.nn.relu(h1)
    out = _sage_mean_layer(h1, src, dst, W_neigh2, W_self2, b2)
    return out

if __name__ == "__main__":
    import jax
    _d = setup_inputs()
    print(jax.jit(kernel)(*tuple(_d.values())))

</pallas_src>

<mosaic_0001>
#map = affine_map<(d0, d1) -> (0, 0)>
#map1 = affine_map<(d0, d1) -> (0)>
#map2 = affine_map<(d0, d1) -> (0, 0, 0)>
module attributes {stable_mosaic.version = 14 : i64} {
  func.func @_sc_body(%arg0: i32, %arg1: i32, %arg2: memref<10000x128xf32, #tpu.memory_space<hbm>>, %arg3: memref<320000xi32, #tpu.memory_space<hbm>>, %arg4: memref<320000xi32, #tpu.memory_space<hbm>>, %arg5: memref<640x128xf32, #tpu.memory_space<hbm>>, %arg6: memref<640xf32, #tpu.memory_space<hbm>>, %arg7: memref<80xf32, #tpu.memory_space<hbm>>, %arg8: memref<2x10240x128xf32, #tpu.memory_space<hbm>>, %arg9: memref<20480xf32, #tpu.memory_space<hbm>>, %arg10: memref<80xi32, #tpu.memory_space<vmem>>, %arg11: memref<80xi32, #tpu.memory_space<vmem>>, %arg12: memref<80xi32, #tpu.memory_space<vmem>>, %arg13: memref<80xi32, #tpu.memory_space<vmem>>, %arg14: memref<80xi32, #tpu.memory_space<vmem>>, %arg15: memref<80xi32, #tpu.memory_space<vmem>>, %arg16: memref<80xi32, #tpu.memory_space<vmem>>, %arg17: memref<80xi32, #tpu.memory_space<vmem>>, %arg18: memref<80xi32, #tpu.memory_space<vmem>>, %arg19: memref<80xi32, #tpu.memory_space<vmem>>, %arg20: memref<80xi32, #tpu.memory_space<vmem>>, %arg21: memref<80xi32, #tpu.memory_space<vmem>>, %arg22: memref<80xi32, #tpu.memory_space<vmem>>, %arg23: memref<80xi32, #tpu.memory_space<vmem>>, %arg24: memref<80xi32, #tpu.memory_space<vmem>>, %arg25: memref<80xi32, #tpu.memory_space<vmem>>, %arg26: memref<80x128xf32, #tpu.memory_space<vmem>>, %arg27: memref<80x128xf32, #tpu.memory_space<vmem>>, %arg28: memref<80x128xf32, #tpu.memory_space<vmem>>, %arg29: memref<80x128xf32, #tpu.memory_space<vmem>>, %arg30: memref<80xf32, #tpu.memory_space<vmem>>, %arg31: memref<10240x128xf32, #tpu.memory_space<vmem_shared>>, %arg32: memref<10240xf32, #tpu.memory_space<vmem_shared>>, %arg33: memref<!tpu.dma_semaphore, #tpu.memory_space<semaphore_mem>>, %arg34: memref<!tpu.dma_semaphore, #tpu.memory_space<semaphore_mem>>, %arg35: memref<!tpu.dma_semaphore, #tpu.memory_space<semaphore_mem>>, %arg36: memref<!tpu.dma_semaphore, #tpu.memory_space<semaphore_mem>>, %arg37: memref<!tpu.dma_semaphore, #tpu.memory_space<semaphore_mem>>, %arg38: memref<!tpu.dma_semaphore, #tpu.memory_space<semaphore_mem>>, %arg39: memref<!tpu.dma_semaphore, #tpu.memory_space<semaphore_mem>>, %arg40: memref<!tpu.dma_semaphore, #tpu.memory_space<semaphore_mem>>, %arg41: memref<!tpu.dma_semaphore, #tpu.memory_space<semaphore_mem>>, %arg42: memref<!tpu.dma_semaphore, #tpu.memory_space<semaphore_mem>>, %arg43: memref<!tpu.dma_semaphore, #tpu.memory_space<semaphore_mem>>, %arg44: memref<!tpu.dma_semaphore, #tpu.memory_space<semaphore_mem>>, %arg45: memref<!tpu.dma_semaphore, #tpu.memory_space<semaphore_mem>>, %arg46: memref<!tpu.dma_semaphore, #tpu.memory_space<semaphore_mem>>, %arg47: memref<!tpu.dma_semaphore, #tpu.memory_space<semaphore_mem>>, %arg48: memref<!tpu.dma_semaphore, #tpu.memory_space<semaphore_mem>>) attributes {dimension_semantics = [#tpu.dimension_semantics<core_parallel>, #tpu.dimension_semantics<subcore_parallel>], iteration_bounds = array<i64: 2, 16>, scalar_prefetch = 0 : i64, scratch_operands = 39 : i64, tpu.core_type = #tpu.core_type<sc_vector_subcore>, window_params = [{transform_indices = #map}, {transform_indices = #map1}, {transform_indices = #map1}, {transform_indices = #map}, {transform_indices = #map1}, {transform_indices = #map1}, {transform_indices = #map2}, {transform_indices = #map1}]} {
    %mul3A = arith.constant 16 : i32
    %mul3A_0 = arith.muli %arg0, %mul3A : i32
    %add3A = arith.addi %mul3A_0, %arg1 : i32
    %mul3A_1 = arith.constant 640 : i32
    %mul3A_2 = arith.muli %arg1, %mul3A_1 : i32
    %mul3A_3 = arith.constant 10000 : i32
    %mul3A_4 = arith.muli %add3A, %mul3A_3 : i32
    "tpu.region"() ({
      %run_scoped3A = tpu.sem_alloc : memref<!tpu.dma_semaphore, #tpu.memory_space<semaphore_mem>>
      %dma_start3A_147 = arith.constant 0 : i32
      %dma_start3A_148 = tpu.memref_slice %arg31[%mul3A_2, %dma_start3A_147] : memref<10240x128xf32, #tpu.memory_space<vmem_shared>> -> memref<640x128xf32, #tpu.memory_space<vmem_shared>>
      tpu.enqueue_dma source(%arg5 : memref<640x128xf32, #tpu.memory_space<hbm>>) target(%dma_start3A_148 : memref<640x128xf32, #tpu.memory_space<vmem_shared>>) target_semaphore(%run_scoped3A : memref<!tpu.dma_semaphore, #tpu.memory_space<semaphore_mem>>)
      %dma_wait3A_149 = arith.constant 0 : i32
      %dma_wait3A_150 = tpu.memref_slice %arg31[%mul3A_2, %dma_wait3A_149] : memref<10240x128xf32, #tpu.memory_space<vmem_shared>> -> memref<640x128xf32, #tpu.memory_space<vmem_shared>>
      tpu.wait_dma2 semaphore(%run_scoped3A : memref<!tpu.dma_semaphore, #tpu.memory_space<semaphore_mem>>) src(%arg5 : memref<640x128xf32, #tpu.memory_space<hbm>>) dst(%dma_wait3A_150 : memref<640x128xf32, #tpu.memory_space<vmem_shared>>)
      tpu.yield
    }) : () -> ()
    "tpu.region"() ({
      %run_scoped3A = tpu.sem_alloc : memref<!tpu.dma_semaphore, #tpu.memory_space<semaphore_mem>>
      %dma_start3A_147 = tpu.memref_slice %arg32[%mul3A_2] : memref<10240xf32, #tpu.memory_space<vmem_shared>> -> memref<640xf32, #tpu.memory_space<vmem_shared>>
      tpu.enqueue_dma source(%arg6 : memref<640xf32, #tpu.memory_space<hbm>>) target(%dma_start3A_147 : memref<640xf32, #tpu.memory_space<vmem_shared>>) target_semaphore(%run_scoped3A : memref<!tpu.dma_semaphore, #tpu.memory_space<semaphore_mem>>)
      %dma_wait3A_148 = tpu.memref_slice %arg32[%mul3A_2] : memref<10240xf32, #tpu.memory_space<vmem_shared>> -> memref<640xf32, #tpu.memory_space<vmem_shared>>
      tpu.wait_dma2 semaphore(%run_scoped3A : memref<!tpu.dma_semaphore, #tpu.memory_space<semaphore_mem>>) src(%arg6 : memref<640xf32, #tpu.memory_space<hbm>>) dst(%dma_wait3A_148 : memref<640xf32, #tpu.memory_space<vmem_shared>>)
      tpu.yield
    }) : () -> ()
    "tpu.region"() ({
      %run_scoped3A = tpu.sem_alloc : memref<!tpu.dma_semaphore, #tpu.memory_space<semaphore_mem>>
      tpu.enqueue_dma source(%arg7 : memref<80xf32, #tpu.memory_space<hbm>>) target(%arg30 : memref<80xf32, #tpu.memory_space<vmem>>) target_semaphore(%run_scoped3A : memref<!tpu.dma_semaphore, #tpu.memory_space<semaphore_mem>>)
      tpu.wait_dma2 semaphore(%run_scoped3A : memref<!tpu.dma_semaphore, #tpu.memory_space<semaphore_mem>>) src(%arg7 : memref<80xf32, #tpu.memory_space<hbm>>) dst(%arg30 : memref<80xf32, #tpu.memory_space<vmem>>)
      tpu.yield
    }) : () -> ()
    %barrier3A = arith.constant 0 : index
    tpu.barrier barrier_id(%barrier3A)
    %add3A_5 = arith.constant 0 : i32
    %add3A_6 = arith.addi %mul3A_4, %add3A_5 : i32
    %dma_start3A = tpu.memref_slice %arg3[%add3A_6] : memref<320000xi32, #tpu.memory_space<hbm>> -> memref<80xi32, #tpu.memory_space<hbm>>
    %dma_start3A_7 = tpu.memref_slice %arg3[%add3A_6] : memref<320000xi32, #tpu.memory_space<hbm>> -> memref<80xi32, #tpu.memory_space<hbm>>
    tpu.enqueue_dma source(%dma_start3A_7 : memref<80xi32, #tpu.memory_space<hbm>>) target(%arg10 : memref<80xi32, #tpu.memory_space<vmem>>) target_semaphore(%arg33 : memref<!tpu.dma_semaphore, #tpu.memory_space<semaphore_mem>>)
    %dma_start3A_8 = tpu.memref_slice %arg4[%add3A_6] : memref<320000xi32, #tpu.memory_space<hbm>> -> memref<80xi32, #tpu.memory_space<hbm>>
    %dma_start3A_9 = tpu.memref_slice %arg4[%add3A_6] : memref<320000xi32, #tpu.memory_space<hbm>> -> memref<80xi32, #tpu.memory_space<hbm>>
    tpu.enqueue_dma source(%dma_start3A_9 : memref<80xi32, #tpu.memory_space<hbm>>) target(%arg18 : memref<80xi32, #tpu.memory_space<vmem>>) target_semaphore(%arg33 : memref<!tpu.dma_semaphore, #tpu.memory_space<semaphore_mem>>)
    %add3A_10 = arith.constant 80 : i32
    %add3A_11 = arith.addi %mul3A_4, %add3A_10 : i32
    %dma_start3A_12 = tpu.memref_slice %arg3[%add3A_11] : memref<320000xi32, #tpu.memory_space<hbm>> -> memref<80xi32, #tpu.memory_space<hbm>>
    %dma_start3A_13 = tpu.memref_slice %arg3[%add3A_11] : memref<320000xi32, #tpu.memory_space<hbm>> -> memref<80xi32, #tpu.memory_space<hbm>>
    tpu.enqueue_dma source(%dma_start3A_13 : memref<80xi32, #tpu.memory_space<hbm>>) target(%arg11 : memref<80xi32, #tpu.memory_space<vmem>>) target_semaphore(%arg34 : memref<!tpu.dma_semaphore, #tpu.memory_space<semaphore_mem>>)
    %dma_start3A_14 = tpu.memref_slice %arg4[%add3A_11] : memref<320000xi32, #tpu.memory_space<hbm>> -> memref<80xi32, #tpu.memory_space<hbm>>
    %dma_start3A_15 = tpu.memref_slice %arg4[%add3A_11] : memref<320000xi32, #tpu.memory_space<hbm>> -> memref<80xi32, #tpu.memory_space<hbm>>
    tpu.enqueue_dma source(%dma_start3A_15 : memref<80xi32, #tpu.memory_space<hbm>>) target(%arg19 : memref<80xi32, #tpu.memory_space<vmem>>) target_semaphore(%arg34 : memref<!tpu.dma_semaphore, #tpu.memory_space<semaphore_mem>>)
    %add3A_16 = arith.constant 160 : i32
    %add3A_17 = arith.addi %mul3A_4, %add3A_16 : i32
    %dma_start3A_18 = tpu.memref_slice %arg3[%add3A_17] : memref<320000xi32, #tpu.memory_space<hbm>> -> memref<80xi32, #tpu.memory_space<hbm>>
    %dma_start3A_19 = tpu.memref_slice %arg3[%add3A_17] : memref<320000xi32, #tpu.memory_space<hbm>> -> memref<80xi32, #tpu.memory_space<hbm>>
    tpu.enqueue_dma source(%dma_start3A_19 : memref<80xi32, #tpu.memory_space<hbm>>) target(%arg12 : memref<80xi32, #tpu.memory_space<vmem>>) target_semaphore(%arg35 : memref<!tpu.dma_semaphore, #tpu.memory_space<semaphore_mem>>)
    %dma_start3A_20 = tpu.memref_slice %arg4[%add3A_17] : memref<320000xi32, #tpu.memory_space<hbm>> -> memref<80xi32, #tpu.memory_space<hbm>>
    %dma_start3A_21 = tpu.memref_slice %arg4[%add3A_17] : memref<320000xi32, #tpu.memory_space<hbm>> -> memref<80xi32, #tpu.memory_space<hbm>>
    tpu.enqueue_dma source(%dma_start3A_21 : memref<80xi32, #tpu.memory_space<hbm>>) target(%arg20 : memref<80xi32, #tpu.memory_space<vmem>>) target_semaphore(%arg35 : memref<!tpu.dma_semaphore, #tpu.memory_space<semaphore_mem>>)
    %add3A_22 = arith.constant 240 : i32
    %add3A_23 = arith.addi %mul3A_4, %add3A_22 : i32
    %dma_start3A_24 = tpu.memref_slice %arg3[%add3A_23] : memref<320000xi32, #tpu.memory_space<hbm>> -> memref<80xi32, #tpu.memory_space<hbm>>
    %dma_start3A_25 = tpu.memref_slice %arg3[%add3A_23] : memref<320000xi32, #tpu.memory_space<hbm>> -> memref<80xi32, #tpu.memory_space<hbm>>
    tpu.enqueue_dma source(%dma_start3A_25 : memref<80xi32, #tpu.memory_space<hbm>>) target(%arg13 : memref<80xi32, #tpu.memory_space<vmem>>) target_semaphore(%arg36 : memref<!tpu.dma_semaphore, #tpu.memory_space<semaphore_mem>>)
    %dma_start3A_26 = tpu.memref_slice %arg4[%add3A_23] : memref<320000xi32, #tpu.memory_space<hbm>> -> memref<80xi32, #tpu.memory_space<hbm>>
    %dma_start3A_27 = tpu.memref_slice %arg4[%add3A_23] : memref<320000xi32, #tpu.memory_space<hbm>> -> memref<80xi32, #tpu.memory_space<hbm>>
    tpu.enqueue_dma source(%dma_start3A_27 : memref<80xi32, #tpu.memory_space<hbm>>) target(%arg21 : memref<80xi32, #tpu.memory_space<vmem>>) target_semaphore(%arg36 : memref<!tpu.dma_semaphore, #tpu.memory_space<semaphore_mem>>)
    %add3A_28 = arith.constant 320 : i32
    %add3A_29 = arith.addi %mul3A_4, %add3A_28 : i32
    %dma_start3A_30 = tpu.memref_slice %arg3[%add3A_29] : memref<320000xi32, #tpu.memory_space<hbm>> -> memref<80xi32, #tpu.memory_space<hbm>>
    %dma_start3A_31 = tpu.memref_slice %arg3[%add3A_29] : memref<320000xi32, #tpu.memory_space<hbm>> -> memref<80xi32, #tpu.memory_space<hbm>>
    tpu.enqueue_dma source(%dma_start3A_31 : memref<80xi32, #tpu.memory_space<hbm>>) target(%arg14 : memref<80xi32, #tpu.memory_space<vmem>>) target_semaphore(%arg37 : memref<!tpu.dma_semaphore, #tpu.memory_space<semaphore_mem>>)
    %dma_start3A_32 = tpu.memref_slice %arg4[%add3A_29] : memref<320000xi32, #tpu.memory_space<hbm>> -> memref<80xi32, #tpu.memory_space<hbm>>
    %dma_start3A_33 = tpu.memref_slice %arg4[%add3A_29] : memref<320000xi32, #tpu.memory_space<hbm>> -> memref<80xi32, #tpu.memory_space<hbm>>
    tpu.enqueue_dma source(%dma_start3A_33 : memref<80xi32, #tpu.memory_space<hbm>>) target(%arg22 : memref<80xi32, #tpu.memory_space<vmem>>) target_semaphore(%arg37 : memref<!tpu.dma_semaphore, #tpu.memory_space<semaphore_mem>>)
    %add3A_34 = arith.constant 400 : i32
    %add3A_35 = arith.addi %mul3A_4, %add3A_34 : i32
    %dma_start3A_36 = tpu.memref_slice %arg3[%add3A_35] : memref<320000xi32, #tpu.memory_space<hbm>> -> memref<80xi32, #tpu.memory_space<hbm>>
    %dma_start3A_37 = tpu.memref_slice %arg3[%add3A_35] : memref<320000xi32, #tpu.memory_space<hbm>> -> memref<80xi32, #tpu.memory_space<hbm>>
    tpu.enqueue_dma source(%dma_start3A_37 : memref<80xi32, #tpu.memory_space<hbm>>) target(%arg15 : memref<80xi32, #tpu.memory_space<vmem>>) target_semaphore(%arg38 : memref<!tpu.dma_semaphore, #tpu.memory_space<semaphore_mem>>)
    %dma_start3A_38 = tpu.memref_slice %arg4[%add3A_35] : memref<320000xi32, #tpu.memory_space<hbm>> -> memref<80xi32, #tpu.memory_space<hbm>>
    %dma_start3A_39 = tpu.memref_slice %arg4[%add3A_35] : memref<320000xi32, #tpu.memory_space<hbm>> -> memref<80xi32, #tpu.memory_space<hbm>>
    tpu.enqueue_dma source(%dma_start3A_39 : memref<80xi32, #tpu.memory_space<hbm>>) target(%arg23 : memref<80xi32, #tpu.memory_space<vmem>>) target_semaphore(%arg38 : memref<!tpu.dma_semaphore, #tpu.memory_space<semaphore_mem>>)
    %add3A_40 = arith.constant 480 : i32
    %add3A_41 = arith.addi %mul3A_4, %add3A_40 : i32
    %dma_start3A_42 = tpu.memref_slice %arg3[%add3A_41] : memref<320000xi32, #tpu.memory_space<hbm>> -> memref<80xi32, #tpu.memory_space<hbm>>
    %dma_start3A_43 = tpu.memref_slice %arg3[%add3A_41] : memref<320000xi32, #tpu.memory_space<hbm>> -> memref<80xi32, #tpu.memory_space<hbm>>
    tpu.enqueue_dma source(%dma_start3A_43 : memref<80xi32, #tpu.memory_space<hbm>>) target(%arg16 : memref<80xi32, #tpu.memory_space<vmem>>) target_semaphore(%arg39 : memref<!tpu.dma_semaphore, #tpu.memory_space<semaphore_mem>>)
    %dma_start3A_44 = tpu.memref_slice %arg4[%add3A_41] : memref<320000xi32, #tpu.memory_space<hbm>> -> memref<80xi32, #tpu.memory_space<hbm>>
    %dma_start3A_45 = tpu.memref_slice %arg4[%add3A_41] : memref<320000xi32, #tpu.memory_space<hbm>> -> memref<80xi32, #tpu.memory_space<hbm>>
    tpu.enqueue_dma source(%dma_start3A_45 : memref<80xi32, #tpu.memory_space<hbm>>) target(%arg24 : memref<80xi32, #tpu.memory_space<vmem>>) target_semaphore(%arg39 : memref<!tpu.dma_semaphore, #tpu.memory_space<semaphore_mem>>)
    %add3A_46 = arith.constant 0 : i32
    %add3A_47 = arith.addi %mul3A_4, %add3A_46 : i32
    %dma_wait3A = tpu.memref_slice %arg3[%add3A_47] : memref<320000xi32, #tpu.memory_space<hbm>> -> memref<80xi32, #tpu.memory_space<hbm>>
    %dma_wait3A_48 = tpu.memref_slice %arg3[%add3A_47] : memref<320000xi32, #tpu.memory_space<hbm>> -> memref<80xi32, #tpu.memory_space<hbm>>
    tpu.wait_dma2 semaphore(%arg33 : memref<!tpu.dma_semaphore, #tpu.memory_space<semaphore_mem>>) src(%dma_wait3A_48 : memref<80xi32, #tpu.memory_space<hbm>>) dst(%arg10 : memref<80xi32, #tpu.memory_space<vmem>>)
    %dma_wait3A_49 = tpu.memref_slice %arg4[%add3A_47] : memref<320000xi32, #tpu.memory_space<hbm>> -> memref<80xi32, #tpu.memory_space<hbm>>
    %dma_wait3A_50 = tpu.memref_slice %arg4[%add3A_47] : memref<320000xi32, #tpu.memory_space<hbm>> -> memref<80xi32, #tpu.memory_space<hbm>>
    tpu.wait_dma2 semaphore(%arg33 : memref<!tpu.dma_semaphore, #tpu.memory_space<semaphore_mem>>) src(%dma_wait3A_50 : memref<80xi32, #tpu.memory_space<hbm>>) dst(%arg18 : memref<80xi32, #tpu.memory_space<vmem>>)
    %dma_start3A_51 = arith.constant 0 : i32
    %dma_start3A_52 = arith.constant 0 : i32
    %dma_start3A_53 = tpu.memref_slice %arg2[%dma_start3A_51, %dma_start3A_52] : memref<10000x128xf32, #tpu.memory_space<hbm>> -> memref<10000x128xf32, #tpu.memory_space<hbm>>
    tpu.enqueue_indirect_dma source(%dma_start3A_53 : memref<10000x128xf32, #tpu.memory_space<hbm>>) target(%arg26 : memref<80x128xf32, #tpu.memory_space<vmem>>) offsets(%arg10 : memref<80xi32, #tpu.memory_space<vmem>>) semaphore(%arg41 : memref<!tpu.dma_semaphore, #tpu.memory_space<semaphore_mem>>)
    %add3A_54 = arith.constant 80 : i32
    %add3A_55 = arith.addi %mul3A_4, %add3A_54 : i32
    %dma_wait3A_56 = tpu.memref_slice %arg3[%add3A_55] : memref<320000xi32, #tpu.memory_space<hbm>> -> memref<80xi32, #tpu.memory_space<hbm>>
    %dma_wait3A_57 = tpu.memref_slice %arg3[%add3A_55] : memref<320000xi32, #tpu.memory_space<hbm>> -> memref<80xi32, #tpu.memory_space<hbm>>
    tpu.wait_dma2 semaphore(%arg34 : memref<!tpu.dma_semaphore, #tpu.memory_space<semaphore_mem>>) src(%dma_wait3A_57 : memref<80xi32, #tpu.memory_space<hbm>>) dst(%arg11 : memref<80xi32, #tpu.memory_space<vmem>>)
    %dma_wait3A_58 = tpu.memref_slice %arg4[%add3A_55] : memref<320000xi32, #tpu.memory_space<hbm>> -> memref<80xi32, #tpu.memory_space<hbm>>
    %dma_wait3A_59 = tpu.memref_slice %arg4[%add3A_55] : memref<320000xi32, #tpu.memory_space<hbm>> -> memref<80xi32, #tpu.memory_space<hbm>>
    tpu.wait_dma2 semaphore(%arg34 : memref<!tpu.dma_semaphore, #tpu.memory_space<semaphore_mem>>) src(%dma_wait3A_59 : memref<80xi32, #tpu.memory_space<hbm>>) dst(%arg19 : memref<80xi32, #tpu.memory_space<vmem>>)
    %dma_start3A_60 = arith.constant 0 : i32
    %dma_start3A_61 = arith.constant 0 : i32
    %dma_start3A_62 = tpu.memref_slice %arg2[%dma_start3A_60, %dma_start3A_61] : memref<10000x128xf32, #tpu.memory_space<hbm>> -> memref<10000x128xf32, #tpu.memory_space<hbm>>
    tpu.enqueue_indirect_dma source(%dma_start3A_62 : memref<10000x128xf32, #tpu.memory_space<hbm>>) target(%arg27 : memref<80x128xf32, #tpu.memory_space<vmem>>) offsets(%arg11 : memref<80xi32, #tpu.memory_space<vmem>>) semaphore(%arg42 : memref<!tpu.dma_semaphore, #tpu.memory_space<semaphore_mem>>)
    %add3A_63 = arith.constant 160 : i32
    %add3A_64 = arith.addi %mul3A_4, %add3A_63 : i32
    %dma_wait3A_65 = tpu.memref_slice %arg3[%add3A_64] : memref<320000xi32, #tpu.memory_space<hbm>> -> memref<80xi32, #tpu.memory_space<hbm>>
    %dma_wait3A_66 = tpu.memref_slice %arg3[%add3A_64] : memref<320000xi32, #tpu.memory_space<hbm>> -> memref<80xi32, #tpu.memory_space<hbm>>
    tpu.wait_dma2 semaphore(%arg35 : memref<!tpu.dma_semaphore, #tpu.memory_space<semaphore_mem>>) src(%dma_wait3A_66 : memref<80xi32, #tpu.memory_space<hbm>>) dst(%arg12 : memref<80xi32, #tpu.memory_space<vmem>>)
    %dma_wait3A_67 = tpu.memref_slice %arg4[%add3A_64] : memref<320000xi32, #tpu.memory_space<hbm>> -> memref<80xi32, #tpu.memory_space<hbm>>
    %dma_wait3A_68 = tpu.memref_slice %arg4[%add3A_64] : memref<320000xi32, #tpu.memory_space<hbm>> -> memref<80xi32, #tpu.memory_space<hbm>>
    tpu.wait_dma2 semaphore(%arg35 : memref<!tpu.dma_semaphore, #tpu.memory_space<semaphore_mem>>) src(%dma_wait3A_68 : memref<80xi32, #tpu.memory_space<hbm>>) dst(%arg20 : memref<80xi32, #tpu.memory_space<vmem>>)
    %dma_start3A_69 = arith.constant 0 : i32
    %dma_start3A_70 = arith.constant 0 : i32
    %dma_start3A_71 = tpu.memref_slice %arg2[%dma_start3A_69, %dma_start3A_70] : memref<10000x128xf32, #tpu.memory_space<hbm>> -> memref<10000x128xf32, #tpu.memory_space<hbm>>
    tpu.enqueue_indirect_dma source(%dma_start3A_71 : memref<10000x128xf32, #tpu.memory_space<hbm>>) target(%arg28 : memref<80x128xf32, #tpu.memory_space<vmem>>) offsets(%arg12 : memref<80xi32, #tpu.memory_space<vmem>>) semaphore(%arg43 : memref<!tpu.dma_semaphore, #tpu.memory_space<semaphore_mem>>)
    %scan3A = arith.constant 0 : i32
    %scan3A_72 = arith.constant 0 : i32
    %scan3A_73 = arith.constant 15 : i32
    %scan3A_74 = arith.addi %scan3A_72, %scan3A_73 : i32
    %scan3A_75 = arith.constant 1 : i32
    scf.for %scan3A_147 = %scan3A_72 to %scan3A_74 step %scan3A_75  : i32 {
      %mul3A_148 = arith.constant 8 : i32
      %mul3A_149 = arith.muli %scan3A_147, %mul3A_148 : i32
      %add3A_150 = arith.constant 0 : i32
      %add3A_151 = arith.addi %mul3A_149, %add3A_150 : i32
      %dma_wait3A_152 = arith.constant 0 : i32
      %dma_wait3A_153 = arith.constant 0 : i32
      %dma_wait3A_154 = tpu.memref_slice %arg2[%dma_wait3A_152, %dma_wait3A_153] : memref<10000x128xf32, #tpu.memory_space<hbm>> -> memref<10000x128xf32, #tpu.memory_space<hbm>>
      tpu.wait_indirect_dma semaphore(%arg41 : memref<!tpu.dma_semaphore, #tpu.memory_space<semaphore_mem>>) src(%dma_wait3A_154 : memref<10000x128xf32, #tpu.memory_space<hbm>>) dst(%arg26 : memref<80x128xf32, #tpu.memory_space<vmem>>)
      %ge3A = arith.constant 1 : i32
      %ge3A_155 = arith.cmpi sge, %add3A_151, %ge3A : i32
      %convert_element_type3A = arith.extui %ge3A_155 : i1 to i32
      %cond3A = arith.constant 0 : i32
      %cond3A_156 = arith.cmpi ne, %convert_element_type3A, %cond3A : i32
      scf.if %cond3A_156 {
        %dma_wait3A_391 = arith.constant 0 : i32
        %dma_wait3A_392 = arith.constant 0 : i32
        %dma_wait3A_393 = tpu.memref_slice %arg31[%dma_wait3A_391, %dma_wait3A_392] : memref<10240x128xf32, #tpu.memory_space<vmem_shared>> -> memref<10240x128xf32, #tpu.memory_space<vmem_shared>>
        tpu.wait_indirect_dma semaphore(%arg48 : memref<!tpu.dma_semaphore, #tpu.memory_space<semaphore_mem>>) src(%arg29 : memref<80x128xf32, #tpu.memory_space<vmem>>) dst(%dma_wait3A_393 : memref<10240x128xf32, #tpu.memory_space<vmem_shared>>)
      } else {
      }
      %dma_start3A_157 = arith.constant 0 : i32
      %dma_start3A_158 = arith.constant 0 : i32
      %dma_start3A_159 = tpu.memref_slice %arg31[%dma_start3A_157, %dma_start3A_158] : memref<10240x128xf32, #tpu.memory_space<vmem_shared>> -> memref<10240x128xf32, #tpu.memory_space<vmem_shared>>
      tpu.enqueue_indirect_dma source(%arg26 : memref<80x128xf32, #tpu.memory_space<vmem>>) target(%dma_start3A_159 : memref<10240x128xf32, #tpu.memory_space<vmem_shared>>) offsets(%arg18 : memref<80xi32, #tpu.memory_space<vmem>>) semaphore(%arg45 : memref<!tpu.dma_semaphore, #tpu.memory_space<semaphore_mem>>) {add = true}
      "tpu.region"() ({
        %run_scoped3A = tpu.sem_alloc : memref<!tpu.dma_semaphore, #tpu.memory_space<semaphore_mem>>
        %dma_start3A_391 = arith.constant 0 : i32
        %dma_start3A_392 = tpu.memref_slice %arg32[%dma_start3A_391] : memref<10240xf32, #tpu.memory_space<vmem_shared>> -> memref<10240xf32, #tpu.memory_space<vmem_shared>>
        tpu.enqueue_indirect_dma source(%arg30 : memref<80xf32, #tpu.memory_space<vmem>>) target(%dma_start3A_392 : memref<10240xf32, #tpu.memory_space<vmem_shared>>) offsets(%arg18 : memref<80xi32, #tpu.memory_space<vmem>>) semaphore(%run_scoped3A : memref<!tpu.dma_semaphore, #tpu.memory_space<semaphore_mem>>) {add = true}
        %dma_wait3A_393 = arith.constant 0 : i32
        %dma_wait3A_394 = tpu.memref_slice %arg32[%dma_wait3A_393] : memref<10240xf32, #tpu.memory_space<vmem_shared>> -> memref<10240xf32, #tpu.memory_space<vmem_shared>>
        tpu.wait_indirect_dma semaphore(%run_scoped3A : memref<!tpu.dma_semaphore, #tpu.memory_space<semaphore_mem>>) src(%arg30 : memref<80xf32, #tpu.memory_space<vmem>>) dst(%dma_wait3A_394 : memref<10240xf32, #tpu.memory_space<vmem_shared>>)
        tpu.yield
      }) : () -> ()
      %add3A_160 = arith.constant 8 : i32
      %add3A_161 = arith.addi %add3A_151, %add3A_160 : i32
      %sub3A = arith.constant 1 : i32
      %sub3A_162 = arith.subi %add3A_161, %sub3A : i32
      %lt3A = arith.constant 125 : i32
      %lt3A_163 = arith.cmpi slt, %sub3A_162, %lt3A : i32
      %convert_element_type3A_164 = arith.extui %lt3A_163 : i1 to i32
      %cond3A_165 = arith.constant 0 : i32
      %cond3A_166 = arith.cmpi ne, %convert_element_type3A_164, %cond3A_165 : i32
      scf.if %cond3A_166 {
        %add3A_391 = arith.constant 8 : i32
        %add3A_392 = arith.addi %add3A_151, %add3A_391 : i32
        %sub3A_393 = arith.constant 1 : i32
        %sub3A_394 = arith.subi %add3A_392, %sub3A_393 : i32
        %mul3A_395 = arith.constant 80 : i32
        %mul3A_396 = arith.muli %sub3A_394, %mul3A_395 : i32
        %add3A_397 = arith.addi %mul3A_4, %mul3A_396 : i32
        %dma_start3A_398 = tpu.memref_slice %arg3[%add3A_397] : memref<320000xi32, #tpu.memory_space<hbm>> -> memref<80xi32, #tpu.memory_space<hbm>>
        %dma_start3A_399 = tpu.memref_slice %arg3[%add3A_397] : memref<320000xi32, #tpu.memory_space<hbm>> -> memref<80xi32, #tpu.memory_space<hbm>>
        tpu.enqueue_dma source(%dma_start3A_399 : memref<80xi32, #tpu.memory_space<hbm>>) target(%arg17 : memref<80xi32, #tpu.memory_space<vmem>>) target_semaphore(%arg40 : memref<!tpu.dma_semaphore, #tpu.memory_space<semaphore_mem>>)
        %dma_start3A_400 = tpu.memref_slice %arg4[%add3A_397] : memref<320000xi32, #tpu.memory_space<hbm>> -> memref<80xi32, #tpu.memory_space<hbm>>
        %dma_start3A_401 = tpu.memref_slice %arg4[%add3A_397] : memref<320000xi32, #tpu.memory_space<hbm>> -> memref<80xi32, #tpu.memory_space<hbm>>
        tpu.enqueue_dma source(%dma_start3A_401 : memref<80xi32, #tpu.memory_space<hbm>>) target(%arg25 : memref<80xi32, #tpu.memory_space<vmem>>) target_semaphore(%arg40 : memref<!tpu.dma_semaphore, #tpu.memory_space<semaphore_mem>>)
      } else {
      }
      %add3A_167 = arith.constant 3 : i32
      %add3A_168 = arith.addi %add3A_151, %add3A_167 : i32
      %lt3A_169 = arith.constant 125 : i32
      %lt3A_170 = arith.cmpi slt, %add3A_168, %lt3A_169 : i32
      %convert_element_type3A_171 = arith.extui %lt3A_170 : i1 to i32
      %cond3A_172 = arith.constant 0 : i32
      %cond3A_173 = arith.cmpi ne, %convert_element_type3A_171, %cond3A_172 : i32
      scf.if %cond3A_173 {
        %add3A_391 = arith.constant 3 : i32
        %add3A_392 = arith.addi %add3A_151, %add3A_391 : i32
        %mul3A_393 = arith.constant 80 : i32
        %mul3A_394 = arith.muli %add3A_392, %mul3A_393 : i32
        %add3A_395 = arith.addi %mul3A_4, %mul3A_394 : i32
        %dma_wait3A_396 = tpu.memref_slice %arg3[%add3A_395] : memref<320000xi32, #tpu.memory_space<hbm>> -> memref<80xi32, #tpu.memory_space<hbm>>
        %dma_wait3A_397 = tpu.memref_slice %arg3[%add3A_395] : memref<320000xi32, #tpu.memory_space<hbm>> -> memref<80xi32, #tpu.memory_space<hbm>>
        tpu.wait_dma2 semaphore(%arg36 : memref<!tpu.dma_semaphore, #tpu.memory_space<semaphore_mem>>) src(%dma_wait3A_397 : memref<80xi32, #tpu.memory_space<hbm>>) dst(%arg13 : memref<80xi32, #tpu.memory_space<vmem>>)
        %dma_wait3A_398 = tpu.memref_slice %arg4[%add3A_395] : memref<320000xi32, #tpu.memory_space<hbm>> -> memref<80xi32, #tpu.memory_space<hbm>>
        %dma_wait3A_399 = tpu.memref_slice %arg4[%add3A_395] : memref<320000xi32, #tpu.memory_space<hbm>> -> memref<80xi32, #tpu.memory_space<hbm>>
        tpu.wait_dma2 semaphore(%arg36 : memref<!tpu.dma_semaphore, #tpu.memory_space<semaphore_mem>>) src(%dma_wait3A_399 : memref<80xi32, #tpu.memory_space<hbm>>) dst(%arg21 : memref<80xi32, #tpu.memory_space<vmem>>)
        %dma_start3A_400 = arith.constant 0 : i32
        %dma_start3A_401 = arith.constant 0 : i32
        %dma_start3A_402 = tpu.memref_slice %arg2[%dma_start3A_400, %dma_start3A_401] : memref<10000x128xf32, #tpu.memory_space<hbm>> -> memref<10000x128xf32, #tpu.memory_space<hbm>>
        tpu.enqueue_indirect_dma source(%dma_start3A_402 : memref<10000x128xf32, #tpu.memory_space<hbm>>) target(%arg29 : memref<80x128xf32, #tpu.memory_space<vmem>>) offsets(%arg13 : memref<80xi32, #tpu.memory_space<vmem>>) semaphore(%arg44 : memref<!tpu.dma_semaphore, #tpu.memory_space<semaphore_mem>>)
      } else {
      }
      %mul3A_174 = arith.constant 8 : i32
      %mul3A_175 = arith.muli %scan3A_147, %mul3A_174 : i32
      %add3A_176 = arith.constant 1 : i32
      %add3A_177 = arith.addi %mul3A_175, %add3A_176 : i32
      %dma_wait3A_178 = arith.constant 0 : i32
      %dma_wait3A_179 = arith.constant 0 : i32
      %dma_wait3A_180 = tpu.memref_slice %arg2[%dma_wait3A_178, %dma_wait3A_179] : memref<10000x128xf32, #tpu.memory_space<hbm>> -> memref<10000x128xf32, #tpu.memory_space<hbm>>
      tpu.wait_indirect_dma semaphore(%arg42 : memref<!tpu.dma_semaphore, #tpu.memory_space<semaphore_mem>>) src(%dma_wait3A_180 : memref<10000x128xf32, #tpu.memory_space<hbm>>) dst(%arg27 : memref<80x128xf32, #tpu.memory_space<vmem>>)
      %ge3A_181 = arith.constant 1 : i32
      %ge3A_182 = arith.cmpi sge, %add3A_177, %ge3A_181 : i32
      %convert_element_type3A_183 = arith.extui %ge3A_182 : i1 to i32
      %cond3A_184 = arith.constant 0 : i32
      %cond3A_185 = arith.cmpi ne, %convert_element_type3A_183, %cond3A_184 : i32
      scf.if %cond3A_185 {
        %dma_wait3A_391 = arith.constant 0 : i32
        %dma_wait3A_392 = arith.constant 0 : i32
        %dma_wait3A_393 = tpu.memref_slice %arg31[%dma_wait3A_391, %dma_wait3A_392] : memref<10240x128xf32, #tpu.memory_space<vmem_shared>> -> memref<10240x128xf32, #tpu.memory_space<vmem_shared>>
        tpu.wait_indirect_dma semaphore(%arg45 : memref<!tpu.dma_semaphore, #tpu.memory_space<semaphore_mem>>) src(%arg26 : memref<80x128xf32, #tpu.memory_space<vmem>>) dst(%dma_wait3A_393 : memref<10240x128xf32, #tpu.memory_space<vmem_shared>>)
      } else {
      }
      %dma_start3A_186 = arith.constant 0 : i32
      %dma_start3A_187 = arith.constant 0 : i32
      %dma_start3A_188 = tpu.memref_slice %arg31[%dma_start3A_186, %dma_start3A_187] : memref<10240x128xf32, #tpu.memory_space<vmem_shared>> -> memref<10240x128xf32, #tpu.memory_space<vmem_shared>>
      tpu.enqueue_indirect_dma source(%arg27 : memref<80x128xf32, #tpu.memory_space<vmem>>) target(%dma_start3A_188 : memref<10240x128xf32, #tpu.memory_space<vmem_shared>>) offsets(%arg19 : memref<80xi32, #tpu.memory_space<vmem>>) semaphore(%arg46 : memref<!tpu.dma_semaphore, #tpu.memory_space<semaphore_mem>>) {add = true}
      "tpu.region"() ({
        %run_scoped3A = tpu.sem_alloc : memref<!tpu.dma_semaphore, #tpu.memory_space<semaphore_mem>>
        %dma_start3A_391 = arith.constant 0 : i32
        %dma_start3A_392 = tpu.memref_slice %arg32[%dma_start3A_391] : memref<10240xf32, #tpu.memory_space<vmem_shared>> -> memref<10240xf32, #tpu.memory_space<vmem_shared>>
        tpu.enqueue_indirect_dma source(%arg30 : memref<80xf32, #tpu.memory_space<vmem>>) target(%dma_start3A_392 : memref<10240xf32, #tpu.memory_space<vmem_shared>>) offsets(%arg19 : memref<80xi32, #tpu.memory_space<vmem>>) semaphore(%run_scoped3A : memref<!tpu.dma_semaphore, #tpu.memory_space<semaphore_mem>>) {add = true}
        %dma_wait3A_393 = arith.constant 0 : i32
        %dma_wait3A_394 = tpu.memref_slice %arg32[%dma_wait3A_393] : memref<10240xf32, #tpu.memory_space<vmem_shared>> -> memref<10240xf32, #tpu.memory_space<vmem_shared>>
        tpu.wait_indirect_dma semaphore(%run_scoped3A : memref<!tpu.dma_semaphore, #tpu.memory_space<semaphore_mem>>) src(%arg30 : memref<80xf32, #tpu.memory_space<vmem>>) dst(%dma_wait3A_394 : memref<10240xf32, #tpu.memory_space<vmem_shared>>)
        tpu.yield
      }) : () -> ()
      %add3A_189 = arith.constant 8 : i32
      %add3A_190 = arith.addi %add3A_177, %add3A_189 : i32
      %sub3A_191 = arith.constant 1 : i32
      %sub3A_192 = arith.subi %add3A_190, %sub3A_191 : i32
      %lt3A_193 = arith.constant 125 : i32
      %lt3A_194 = arith.cmpi slt, %sub3A_192, %lt3A_193 : i32
      %convert_element_type3A_195 = arith.extui %lt3A_194 : i1 to i32
      %cond3A_196 = arith.constant 0 : i32
      %cond3A_197 = arith.cmpi ne, %convert_element_type3A_195, %cond3A_196 : i32
      scf.if %cond3A_197 {
        %add3A_391 = arith.constant 8 : i32
        %add3A_392 = arith.addi %add3A_177, %add3A_391 : i32
        %sub3A_393 = arith.constant 1 : i32
        %sub3A_394 = arith.subi %add3A_392, %sub3A_393 : i32
        %mul3A_395 = arith.constant 80 : i32
        %mul3A_396 = arith.muli %sub3A_394, %mul3A_395 : i32
        %add3A_397 = arith.addi %mul3A_4, %mul3A_396 : i32
        %dma_start3A_398 = tpu.memref_slice %arg3[%add3A_397] : memref<320000xi32, #tpu.memory_space<hbm>> -> memref<80xi32, #tpu.memory_space<hbm>>
        %dma_start3A_399 = tpu.memref_slice %arg3[%add3A_397] : memref<320000xi32, #tpu.memory_space<hbm>> -> memref<80xi32, #tpu.memory_space<hbm>>
        tpu.enqueue_dma source(%dma_start3A_399 : memref<80xi32, #tpu.memory_space<hbm>>) target(%arg10 : memref<80xi32, #tpu.memory_space<vmem>>) target_semaphore(%arg33 : memref<!tpu.dma_semaphore, #tpu.memory_space<semaphore_mem>>)
        %dma_start3A_400 = tpu.memref_slice %arg4[%add3A_397] : memref<320000xi32, #tpu.memory_space<hbm>> -> memref<80xi32, #tpu.memory_space<hbm>>
        %dma_start3A_401 = tpu.memref_slice %arg4[%add3A_397] : memref<320000xi32, #tpu.memory_space<hbm>> -> memref<80xi32, #tpu.memory_space<hbm>>
        tpu.enqueue_dma source(%dma_start3A_401 : memref<80xi32, #tpu.memory_space<hbm>>) target(%arg18 : memref<80xi32, #tpu.memory_space<vmem>>) target_semaphore(%arg33 : memref<!tpu.dma_semaphore, #tpu.memory_space<semaphore_mem>>)
      } else {
      }
      %add3A_198 = arith.constant 3 : i32
      %add3A_199 = arith.addi %add3A_177, %add3A_198 : i32
      %lt3A_200 = arith.constant 125 : i32
      %lt3A_201 = arith.cmpi slt, %add3A_199, %lt3A_200 : i32
      %convert_element_type3A_202 = arith.extui %lt3A_201 : i1 to i32
      %cond3A_203 = arith.constant 0 : i32
      %cond3A_204 = arith.cmpi ne, %convert_element_type3A_202, %cond3A_203 : i32
      scf.if %cond3A_204 {
        %add3A_391 = arith.constant 3 : i32
        %add3A_392 = arith.addi %add3A_177, %add3A_391 : i32
        %mul3A_393 = arith.constant 80 : i32
        %mul3A_394 = arith.muli %add3A_392, %mul3A_393 : i32
        %add3A_395 = arith.addi %mul3A_4, %mul3A_394 : i32
        %dma_wait3A_396 = tpu.memref_slice %arg3[%add3A_395] : memref<320000xi32, #tpu.memory_space<hbm>> -> memref<80xi32, #tpu.memory_space<hbm>>
        %dma_wait3A_397 = tpu.memref_slice %arg3[%add3A_395] : memref<320000xi32, #tpu.memory_space<hbm>> -> memref<80xi32, #tpu.memory_space<hbm>>
        tpu.wait_dma2 semaphore(%arg37 : memref<!tpu.dma_semaphore, #tpu.memory_space<semaphore_mem>>) src(%dma_wait3A_397 : memref<80xi32, #tpu.memory_space<hbm>>) dst(%arg14 : memref<80xi32, #tpu.memory_space<vmem>>)
        %dma_wait3A_398 = tpu.memref_slice %arg4[%add3A_395] : memref<320000xi32, #tpu.memory_space<hbm>> -> memref<80xi32, #tpu.memory_space<hbm>>
        %dma_wait3A_399 = tpu.memref_slice %arg4[%add3A_395] : memref<320000xi32, #tpu.memory_space<hbm>> -> memref<80xi32, #tpu.memory_space<hbm>>
        tpu.wait_dma2 semaphore(%arg37 : memref<!tpu.dma_semaphore, #tpu.memory_space<semaphore_mem>>) src(%dma_wait3A_399 : memref<80xi32, #tpu.memory_space<hbm>>) dst(%arg22 : memref<80xi32, #tpu.memory_space<vmem>>)
        %dma_start3A_400 = arith.constant 0 : i32
        %dma_start3A_401 = arith.constant 0 : i32
        %dma_start3A_402 = tpu.memref_slice %arg2[%dma_start3A_400, %dma_start3A_401] : memref<10000x128xf32, #tpu.memory_space<hbm>> -> memref<10000x128xf32, #tpu.memory_space<hbm>>
        tpu.enqueue_indirect_dma source(%dma_start3A_402 : memref<10000x128xf32, #tpu.memory_space<hbm>>) target(%arg26 : memref<80x128xf32, #tpu.memory_space<vmem>>) offsets(%arg14 : memref<80xi32, #tpu.memory_space<vmem>>) semaphore(%arg41 : memref<!tpu.dma_semaphore, #tpu.memory_space<semaphore_mem>>)
      } else {
      }
      %mul3A_205 = arith.constant 8 : i32
      %mul3A_206 = arith.muli %scan3A_147, %mul3A_205 : i32
      %add3A_207 = arith.constant 2 : i32
      %add3A_208 = arith.addi %mul3A_206, %add3A_207 : i32
      %dma_wait3A_209 = arith.constant 0 : i32
      %dma_wait3A_210 = arith.constant 0 : i32
      %dma_wait3A_211 = tpu.memref_slice %arg2[%dma_wait3A_209, %dma_wait3A_210] : memref<10000x128xf32, #tpu.memory_space<hbm>> -> memref<10000x128xf32, #tpu.memory_space<hbm>>
      tpu.wait_indirect_dma semaphore(%arg43 : memref<!tpu.dma_semaphore, #tpu.memory_space<semaphore_mem>>) src(%dma_wait3A_211 : memref<10000x128xf32, #tpu.memory_space<hbm>>) dst(%arg28 : memref<80x128xf32, #tpu.memory_space<vmem>>)
      %ge3A_212 = arith.constant 1 : i32
      %ge3A_213 = arith.cmpi sge, %add3A_208, %ge3A_212 : i32
      %convert_element_type3A_214 = arith.extui %ge3A_213 : i1 to i32
      %cond3A_215 = arith.constant 0 : i32
      %cond3A_216 = arith.cmpi ne, %convert_element_type3A_214, %cond3A_215 : i32
      scf.if %cond3A_216 {
        %dma_wait3A_391 = arith.constant 0 : i32
        %dma_wait3A_392 = arith.constant 0 : i32
        %dma_wait3A_393 = tpu.memref_slice %arg31[%dma_wait3A_391, %dma_wait3A_392] : memref<10240x128xf32, #tpu.memory_space<vmem_shared>> -> memref<10240x128xf32, #tpu.memory_space<vmem_shared>>
        tpu.wait_indirect_dma semaphore(%arg46 : memref<!tpu.dma_semaphore, #tpu.memory_space<semaphore_mem>>) src(%arg27 : memref<80x128xf32, #tpu.memory_space<vmem>>) dst(%dma_wait3A_393 : memref<10240x128xf32, #tpu.memory_space<vmem_shared>>)
      } else {
      }
      %dma_start3A_217 = arith.constant 0 : i32
      %dma_start3A_218 = arith.constant 0 : i32
      %dma_start3A_219 = tpu.memref_slice %arg31[%dma_start3A_217, %dma_start3A_218] : memref<10240x128xf32, #tpu.memory_space<vmem_shared>> -> memref<10240x128xf32, #tpu.memory_space<vmem_shared>>
      tpu.enqueue_indirect_dma source(%arg28 : memref<80x128xf32, #tpu.memory_space<vmem>>) target(%dma_start3A_219 : memref<10240x128xf32, #tpu.memory_space<vmem_shared>>) offsets(%arg20 : memref<80xi32, #tpu.memory_space<vmem>>) semaphore(%arg47 : memref<!tpu.dma_semaphore, #tpu.memory_space<semaphore_mem>>) {add = true}
      "tpu.region"() ({
        %run_scoped3A = tpu.sem_alloc : memref<!tpu.dma_semaphore, #tpu.memory_space<semaphore_mem>>
        %dma_start3A_391 = arith.constant 0 : i32
        %dma_start3A_392 = tpu.memref_slice %arg32[%dma_start3A_391] : memref<10240xf32, #tpu.memory_space<vmem_shared>> -> memref<10240xf32, #tpu.memory_space<vmem_shared>>
        tpu.enqueue_indirect_dma source(%arg30 : memref<80xf32, #tpu.memory_space<vmem>>) target(%dma_start3A_392 : memref<10240xf32, #tpu.memory_space<vmem_shared>>) offsets(%arg20 : memref<80xi32, #tpu.memory_space<vmem>>) semaphore(%run_scoped3A : memref<!tpu.dma_semaphore, #tpu.memory_space<semaphore_mem>>) {add = true}
        %dma_wait3A_393 = arith.constant 0 : i32
        %dma_wait3A_394 = tpu.memref_slice %arg32[%dma_wait3A_393] : memref<10240xf32, #tpu.memory_space<vmem_shared>> -> memref<10240xf32, #tpu.memory_space<vmem_shared>>
        tpu.wait_indirect_dma semaphore(%run_scoped3A : memref<!tpu.dma_semaphore, #tpu.memory_space<semaphore_mem>>) src(%arg30 : memref<80xf32, #tpu.memory_space<vmem>>) dst(%dma_wait3A_394 : memref<10240xf32, #tpu.memory_space<vmem_shared>>)
        tpu.yield
      }) : () -> ()
      %add3A_220 = arith.constant 8 : i32
      %add3A_221 = arith.addi %add3A_208, %add3A_220 : i32
      %sub3A_222 = arith.constant 1 : i32
      %sub3A_223 = arith.subi %add3A_221, %sub3A_222 : i32
      %lt3A_224 = arith.constant 125 : i32
      %lt3A_225 = arith.cmpi slt, %sub3A_223, %lt3A_224 : i32
      %convert_element_type3A_226 = arith.extui %lt3A_225 : i1 to i32
      %cond3A_227 = arith.constant 0 : i32
      %cond3A_228 = arith.cmpi ne, %convert_element_type3A_226, %cond3A_227 : i32
      scf.if %cond3A_228 {
        %add3A_391 = arith.constant 8 : i32
        %add3A_392 = arith.addi %add3A_208, %add3A_391 : i32
        %sub3A_393 = arith.constant 1 : i32
        %sub3A_394 = arith.subi %add3A_392, %sub3A_393 : i32
        %mul3A_395 = arith.constant 80 : i32
        %mul3A_396 = arith.muli %sub3A_394, %mul3A_395 : i32
        %add3A_397 = arith.addi %mul3A_4, %mul3A_396 : i32
        %dma_start3A_398 = tpu.memref_slice %arg3[%add3A_397] : memref<320000xi32, #tpu.memory_space<hbm>> -> memref<80xi32, #tpu.memory_space<hbm>>
        %dma_start3A_399 = tpu.memref_slice %arg3[%add3A_397] : memref<320000xi32, #tpu.memory_space<hbm>> -> memref<80xi32, #tpu.memory_space<hbm>>
        tpu.enqueue_dma source(%dma_start3A_399 : memref<80xi32, #tpu.memory_space<hbm>>) target(%arg11 : memref<80xi32, #tpu.memory_space<vmem>>) target_semaphore(%arg34 : memref<!tpu.dma_semaphore, #tpu.memory_space<semaphore_mem>>)
        %dma_start3A_400 = tpu.memref_slice %arg4[%add3A_397] : memref<320000xi32, #tpu.memory_space<hbm>> -> memref<80xi32, #tpu.memory_space<hbm>>
        %dma_start3A_401 = tpu.memref_slice %arg4[%add3A_397] : memref<320000xi32, #tpu.memory_space<hbm>> -> memref<80xi32, #tpu.memory_space<hbm>>
        tpu.enqueue_dma source(%dma_start3A_401 : memref<80xi32, #tpu.memory_space<hbm>>) target(%arg19 : memref<80xi32, #tpu.memory_space<vmem>>) target_semaphore(%arg34 : memref<!tpu.dma_semaphore, #tpu.memory_space<semaphore_mem>>)
      } else {
      }
      %add3A_229 = arith.constant 3 : i32
      %add3A_230 = arith.addi %add3A_208, %add3A_229 : i32
      %lt3A_231 = arith.constant 125 : i32
      %lt3A_232 = arith.cmpi slt, %add3A_230, %lt3A_231 : i32
      %convert_element_type3A_233 = arith.extui %lt3A_232 : i1 to i32
      %cond3A_234 = arith.constant 0 : i32
      %cond3A_235 = arith.cmpi ne, %convert_element_type3A_233, %cond3A_234 : i32
      scf.if %cond3A_235 {
        %add3A_391 = arith.constant 3 : i32
        %add3A_392 = arith.addi %add3A_208, %add3A_391 : i32
        %mul3A_393 = arith.constant 80 : i32
        %mul3A_394 = arith.muli %add3A_392, %mul3A_393 : i32
        %add3A_395 = arith.addi %mul3A_4, %mul3A_394 : i32
        %dma_wait3A_396 = tpu.memref_slice %arg3[%add3A_395] : memref<320000xi32, #tpu.memory_space<hbm>> -> memref<80xi32, #tpu.memory_space<hbm>>
        %dma_wait3A_397 = tpu.memref_slice %arg3[%add3A_395] : memref<320000xi32, #tpu.memory_space<hbm>> -> memref<80xi32, #tpu.memory_space<hbm>>
        tpu.wait_dma2 semaphore(%arg38 : memref<!tpu.dma_semaphore, #tpu.memory_space<semaphore_mem>>) src(%dma_wait3A_397 : memref<80xi32, #tpu.memory_space<hbm>>) dst(%arg15 : memref<80xi32, #tpu.memory_space<vmem>>)
        %dma_wait3A_398 = tpu.memref_slice %arg4[%add3A_395] : memref<320000xi32, #tpu.memory_space<hbm>> -> memref<80xi32, #tpu.memory_space<hbm>>
        %dma_wait3A_399 = tpu.memref_slice %arg4[%add3A_395] : memref<320000xi32, #tpu.memory_space<hbm>> -> memref<80xi32, #tpu.memory_space<hbm>>
        tpu.wait_dma2 semaphore(%arg38 : memref<!tpu.dma_semaphore, #tpu.memory_space<semaphore_mem>>) src(%dma_wait3A_399 : memref<80xi32, #tpu.memory_space<hbm>>) dst(%arg23 : memref<80xi32, #tpu.memory_space<vmem>>)
        %dma_start3A_400 = arith.constant 0 : i32
        %dma_start3A_401 = arith.constant 0 : i32
        %dma_start3A_402 = tpu.memref_slice %arg2[%dma_start3A_400, %dma_start3A_401] : memref<10000x128xf32, #tpu.memory_space<hbm>> -> memref<10000x128xf32, #tpu.memory_space<hbm>>
        tpu.enqueue_indirect_dma source(%dma_start3A_402 : memref<10000x128xf32, #tpu.memory_space<hbm>>) target(%arg27 : memref<80x128xf32, #tpu.memory_space<vmem>>) offsets(%arg15 : memref<80xi32, #tpu.memory_space<vmem>>) semaphore(%arg42 : memref<!tpu.dma_semaphore, #tpu.memory_space<semaphore_mem>>)
      } else {
      }
      %mul3A_236 = arith.constant 8 : i32
      %mul3A_237 = arith.muli %scan3A_147, %mul3A_236 : i32
      %add3A_238 = arith.constant 3 : i32
      %add3A_239 = arith.addi %mul3A_237, %add3A_238 : i32
      %dma_wait3A_240 = arith.constant 0 : i32
      %dma_wait3A_241 = arith.constant 0 : i32
      %dma_wait3A_242 = tpu.memref_slice %arg2[%dma_wait3A_240, %dma_wait3A_241] : memref<10000x128xf32, #tpu.memory_space<hbm>> -> memref<10000x128xf32, #tpu.memory_space<hbm>>
      tpu.wait_indirect_dma semaphore(%arg44 : memref<!tpu.dma_semaphore, #tpu.memory_space<semaphore_mem>>) src(%dma_wait3A_242 : memref<10000x128xf32, #tpu.memory_space<hbm>>) dst(%arg29 : memref<80x128xf32, #tpu.memory_space<vmem>>)
      %ge3A_243 = arith.constant 1 : i32
      %ge3A_244 = arith.cmpi sge, %add3A_239, %ge3A_243 : i32
      %convert_element_type3A_245 = arith.extui %ge3A_244 : i1 to i32
      %cond3A_246 = arith.constant 0 : i32
      %cond3A_247 = arith.cmpi ne, %convert_element_type3A_245, %cond3A_246 : i32
      scf.if %cond3A_247 {
        %dma_wait3A_391 = arith.constant 0 : i32
        %dma_wait3A_392 = arith.constant 0 : i32
        %dma_wait3A_393 = tpu.memref_slice %arg31[%dma_wait3A_391, %dma_wait3A_392] : memref<10240x128xf32, #tpu.memory_space<vmem_shared>> -> memref<10240x128xf32, #tpu.memory_space<vmem_shared>>
        tpu.wait_indirect_dma semaphore(%arg47 : memref<!tpu.dma_semaphore, #tpu.memory_space<semaphore_mem>>) src(%arg28 : memref<80x128xf32, #tpu.memory_space<vmem>>) dst(%dma_wait3A_393 : memref<10240x128xf32, #tpu.memory_space<vmem_shared>>)
      } else {
      }
      %dma_start3A_248 = arith.constant 0 : i32
      %dma_start3A_249 = arith.constant 0 : i32
      %dma_start3A_250 = tpu.memref_slice %arg31[%dma_start3A_248, %dma_start3A_249] : memref<10240x128xf32, #tpu.memory_space<vmem_shared>> -> memref<10240x128xf32, #tpu.memory_space<vmem_shared>>
      tpu.enqueue_indirect_dma source(%arg29 : memref<80x128xf32, #tpu.memory_space<vmem>>) target(%dma_start3A_250 : memref<10240x128xf32, #tpu.memory_space<vmem_shared>>) offsets(%arg21 : memref<80xi32, #tpu.memory_space<vmem>>) semaphore(%arg48 : memref<!tpu.dma_semaphore, #tpu.memory_space<semaphore_mem>>) {add = true}
      "tpu.region"() ({
        %run_scoped3A = tpu.sem_alloc : memref<!tpu.dma_semaphore, #tpu.memory_space<semaphore_mem>>
        %dma_start3A_391 = arith.constant 0 : i32
        %dma_start3A_392 = tpu.memref_slice %arg32[%dma_start3A_391] : memref<10240xf32, #tpu.memory_space<vmem_shared>> -> memref<10240xf32, #tpu.memory_space<vmem_shared>>
        tpu.enqueue_indirect_dma source(%arg30 : memref<80xf32, #tpu.memory_space<vmem>>) target(%dma_start3A_392 : memref<10240xf32, #tpu.memory_space<vmem_shared>>) offsets(%arg21 : memref<80xi32, #tpu.memory_space<vmem>>) semaphore(%run_scoped3A : memref<!tpu.dma_semaphore, #tpu.memory_space<semaphore_mem>>) {add = true}
        %dma_wait3A_393 = arith.constant 0 : i32
        %dma_wait3A_394 = tpu.memref_slice %arg32[%dma_wait3A_393] : memref<10240xf32, #tpu.memory_space<vmem_shared>> -> memref<10240xf32, #tpu.memory_space<vmem_shared>>
        tpu.wait_indirect_dma semaphore(%run_scoped3A : memref<!tpu.dma_semaphore, #tpu.memory_space<semaphore_mem>>) src(%arg30 : memref<80xf32, #tpu.memory_space<vmem>>) dst(%dma_wait3A_394 : memref<10240xf32, #tpu.memory_space<vmem_shared>>)
        tpu.yield
      }) : () -> ()
      %add3A_251 = arith.constant 8 : i32
      %add3A_252 = arith.addi %add3A_239, %add3A_251 : i32
      %sub3A_253 = arith.constant 1 : i32
      %sub3A_254 = arith.subi %add3A_252, %sub3A_253 : i32
      %lt3A_255 = arith.constant 125 : i32
      %lt3A_256 = arith.cmpi slt, %sub3A_254, %lt3A_255 : i32
      %convert_element_type3A_257 = arith.extui %lt3A_256 : i1 to i32
      %cond3A_258 = arith.constant 0 : i32
      %cond3A_259 = arith.cmpi ne, %convert_element_type3A_257, %cond3A_258 : i32
      scf.if %cond3A_259 {
        %add3A_391 = arith.constant 8 : i32
        %add3A_392 = arith.addi %add3A_239, %add3A_391 : i32
        %sub3A_393 = arith.constant 1 : i32
        %sub3A_394 = arith.subi %add3A_392, %sub3A_393 : i32
        %mul3A_395 = arith.constant 80 : i32
        %mul3A_396 = arith.muli %sub3A_394, %mul3A_395 : i32
        %add3A_397 = arith.addi %mul3A_4, %mul3A_396 : i32
        %dma_start3A_398 = tpu.memref_slice %arg3[%add3A_397] : memref<320000xi32, #tpu.memory_space<hbm>> -> memref<80xi32, #tpu.memory_space<hbm>>
        %dma_start3A_399 = tpu.memref_slice %arg3[%add3A_397] : memref<320000xi32, #tpu.memory_space<hbm>> -> memref<80xi32, #tpu.memory_space<hbm>>
        tpu.enqueue_dma source(%dma_start3A_399 : memref<80xi32, #tpu.memory_space<hbm>>) target(%arg12 : memref<80xi32, #tpu.memory_space<vmem>>) target_semaphore(%arg35 : memref<!tpu.dma_semaphore, #tpu.memory_space<semaphore_mem>>)
        %dma_start3A_400 = tpu.memref_slice %arg4[%add3A_397] : memref<320000xi32, #tpu.memory_space<hbm>> -> memref<80xi32, #tpu.memory_space<hbm>>
        %dma_start3A_401 = tpu.memref_slice %arg4[%add3A_397] : memref<320000xi32, #tpu.memory_space<hbm>> -> memref<80xi32, #tpu.memory_space<hbm>>
        tpu.enqueue_dma source(%dma_start3A_401 : memref<80xi32, #tpu.memory_space<hbm>>) target(%arg20 : memref<80xi32, #tpu.memory_space<vmem>>) target_semaphore(%arg35 : memref<!tpu.dma_semaphore, #tpu.memory_space<semaphore_mem>>)
      } else {
      }
      %add3A_260 = arith.constant 3 : i32
      %add3A_261 = arith.addi %add3A_239, %add3A_260 : i32
      %lt3A_262 = arith.constant 125 : i32
      %lt3A_263 = arith.cmpi slt, %add3A_261, %lt3A_262 : i32
      %convert_element_type3A_264 = arith.extui %lt3A_263 : i1 to i32
      %cond3A_265 = arith.constant 0 : i32
      %cond3A_266 = arith.cmpi ne, %convert_element_type3A_264, %cond3A_265 : i32
      scf.if %cond3A_266 {
        %add3A_391 = arith.constant 3 : i32
        %add3A_392 = arith.addi %add3A_239, %add3A_391 : i32
        %mul3A_393 = arith.constant 80 : i32
        %mul3A_394 = arith.muli %add3A_392, %mul3A_393 : i32
        %add3A_395 = arith.addi %mul3A_4, %mul3A_394 : i32
        %dma_wait3A_396 = tpu.memref_slice %arg3[%add3A_395] : memref<320000xi32, #tpu.memory_space<hbm>> -> memref<80xi32, #tpu.memory_space<hbm>>
        %dma_wait3A_397 = tpu.memref_slice %arg3[%add3A_395] : memref<320000xi32, #tpu.memory_space<hbm>> -> memref<80xi32, #tpu.memory_space<hbm>>
        tpu.wait_dma2 semaphore(%arg39 : memref<!tpu.dma_semaphore, #tpu.memory_space<semaphore_mem>>) src(%dma_wait3A_397 : memref<80xi32, #tpu.memory_space<hbm>>) dst(%arg16 : memref<80xi32, #tpu.memory_space<vmem>>)
        %dma_wait3A_398 = tpu.memref_slice %arg4[%add3A_395] : memref<320000xi32, #tpu.memory_space<hbm>> -> memref<80xi32, #tpu.memory_space<hbm>>
        %dma_wait3A_399 = tpu.memref_slice %arg4[%add3A_395] : memref<320000xi32, #tpu.memory_space<hbm>> -> memref<80xi32, #tpu.memory_space<hbm>>
        tpu.wait_dma2 semaphore(%arg39 : memref<!tpu.dma_semaphore, #tpu.memory_space<semaphore_mem>>) src(%dma_wait3A_399 : memref<80xi32, #tpu.memory_space<hbm>>) dst(%arg24 : memref<80xi32, #tpu.memory_space<vmem>>)
        %dma_start3A_400 = arith.constant 0 : i32
        %dma_start3A_401 = arith.constant 0 : i32
        %dma_start3A_402 = tpu.memref_slice %arg2[%dma_start3A_400, %dma_start3A_401] : memref<10000x128xf32, #tpu.memory_space<hbm>> -> memref<10000x128xf32, #tpu.memory_space<hbm>>
        tpu.enqueue_indirect_dma source(%dma_start3A_402 : memref<10000x128xf32, #tpu.memory_space<hbm>>) target(%arg28 : memref<80x128xf32, #tpu.memory_space<vmem>>) offsets(%arg16 : memref<80xi32, #tpu.memory_space<vmem>>) semaphore(%arg43 : memref<!tpu.dma_semaphore, #tpu.memory_space<semaphore_mem>>)
      } else {
      }
      %mul3A_267 = arith.constant 8 : i32
      %mul3A_268 = arith.muli %scan3A_147, %mul3A_267 : i32
      %add3A_269 = arith.constant 4 : i32
      %add3A_270 = arith.addi %mul3A_268, %add3A_269 : i32
      %dma_wait3A_271 = arith.constant 0 : i32
      %dma_wait3A_272 = arith.constant 0 : i32
      %dma_wait3A_273 = tpu.memref_slice %arg2[%dma_wait3A_271, %dma_wait3A_272] : memref<10000x128xf32, #tpu.memory_space<hbm>> -> memref<10000x128xf32, #tpu.memory_space<hbm>>
      tpu.wait_indirect_dma semaphore(%arg41 : memref<!tpu.dma_semaphore, #tpu.memory_space<semaphore_mem>>) src(%dma_wait3A_273 : memref<10000x128xf32, #tpu.memory_space<hbm>>) dst(%arg26 : memref<80x128xf32, #tpu.memory_space<vmem>>)
      %ge3A_274 = arith.constant 1 : i32
      %ge3A_275 = arith.cmpi sge, %add3A_270, %ge3A_274 : i32
      %convert_element_type3A_276 = arith.extui %ge3A_275 : i1 to i32
      %cond3A_277 = arith.constant 0 : i32
      %cond3A_278 = arith.cmpi ne, %convert_element_type3A_276, %cond3A_277 : i32
      scf.if %cond3A_278 {
        %dma_wait3A_391 = arith.constant 0 : i32
        %dma_wait3A_392 = arith.constant 0 : i32
        %dma_wait3A_393 = tpu.memref_slice %arg31[%dma_wait3A_391, %dma_wait3A_392] : memref<10240x128xf32, #tpu.memory_space<vmem_shared>> -> memref<10240x128xf32, #tpu.memory_space<vmem_shared>>
        tpu.wait_indirect_dma semaphore(%arg48 : memref<!tpu.dma_semaphore, #tpu.memory_space<semaphore_mem>>) src(%arg29 : memref<80x128xf32, #tpu.memory_space<vmem>>) dst(%dma_wait3A_393 : memref<10240x128xf32, #tpu.memory_space<vmem_shared>>)
      } else {
      }
      %dma_start3A_279 = arith.constant 0 : i32
      %dma_start3A_280 = arith.constant 0 : i32
      %dma_start3A_281 = tpu.memref_slice %arg31[%dma_start3A_279, %dma_start3A_280] : memref<10240x128xf32, #tpu.memory_space<vmem_shared>> -> memref<10240x128xf32, #tpu.memory_space<vmem_shared>>
      tpu.enqueue_indirect_dma source(%arg26 : memref<80x128xf32, #tpu.memory_space<vmem>>) target(%dma_start3A_281 : memref<10240x128xf32, #tpu.memory_space<vmem_shared>>) offsets(%arg22 : memref<80xi32, #tpu.memory_space<vmem>>) semaphore(%arg45 : memref<!tpu.dma_semaphore, #tpu.memory_space<semaphore_mem>>) {add = true}
      "tpu.region"() ({
        %run_scoped3A = tpu.sem_alloc : memref<!tpu.dma_semaphore, #tpu.memory_space<semaphore_mem>>
        %dma_start3A_391 = arith.constant 0 : i32
        %dma_start3A_392 = tpu.memref_slice %arg32[%dma_start3A_391] : memref<10240xf32, #tpu.memory_space<vmem_shared>> -> memref<10240xf32, #tpu.memory_space<vmem_shared>>
        tpu.enqueue_indirect_dma source(%arg30 : memref<80xf32, #tpu.memory_space<vmem>>) target(%dma_start3A_392 : memref<10240xf32, #tpu.memory_space<vmem_shared>>) offsets(%arg22 : memref<80xi32, #tpu.memory_space<vmem>>) semaphore(%run_scoped3A : memref<!tpu.dma_semaphore, #tpu.memory_space<semaphore_mem>>) {add = true}
        %dma_wait3A_393 = arith.constant 0 : i32
        %dma_wait3A_394 = tpu.memref_slice %arg32[%dma_wait3A_393] : memref<10240xf32, #tpu.memory_space<vmem_shared>> -> memref<10240xf32, #tpu.memory_space<vmem_shared>>
        tpu.wait_indirect_dma semaphore(%run_scoped3A : memref<!tpu.dma_semaphore, #tpu.memory_space<semaphore_mem>>) src(%arg30 : memref<80xf32, #tpu.memory_space<vmem>>) dst(%dma_wait3A_394 : memref<10240xf32, #tpu.memory_space<vmem_shared>>)
        tpu.yield
      }) : () -> ()
      %add3A_282 = arith.constant 8 : i32
      %add3A_283 = arith.addi %add3A_270, %add3A_282 : i32
      %sub3A_284 = arith.constant 1 : i32
      %sub3A_285 = arith.subi %add3A_283, %sub3A_284 : i32
      %lt3A_286 = arith.constant 125 : i32
      %lt3A_287 = arith.cmpi slt, %sub3A_285, %lt3A_286 : i32
      %convert_element_type3A_288 = arith.extui %lt3A_287 : i1 to i32
      %cond3A_289 = arith.constant 0 : i32
      %cond3A_290 = arith.cmpi ne, %convert_element_type3A_288, %cond3A_289 : i32
      scf.if %cond3A_290 {
        %add3A_391 = arith.constant 8 : i32
        %add3A_392 = arith.addi %add3A_270, %add3A_391 : i32
        %sub3A_393 = arith.constant 1 : i32
        %sub3A_394 = arith.subi %add3A_392, %sub3A_393 : i32
        %mul3A_395 = arith.constant 80 : i32
        %mul3A_396 = arith.muli %sub3A_394, %mul3A_395 : i32
        %add3A_397 = arith.addi %mul3A_4, %mul3A_396 : i32
        %dma_start3A_398 = tpu.memref_slice %arg3[%add3A_397] : memref<320000xi32, #tpu.memory_space<hbm>> -> memref<80xi32, #tpu.memory_space<hbm>>
        %dma_start3A_399 = tpu.memref_slice %arg3[%add3A_397] : memref<320000xi32, #tpu.memory_space<hbm>> -> memref<80xi32, #tpu.memory_space<hbm>>
        tpu.enqueue_dma source(%dma_start3A_399 : memref<80xi32, #tpu.memory_space<hbm>>) target(%arg13 : memref<80xi32, #tpu.memory_space<vmem>>) target_semaphore(%arg36 : memref<!tpu.dma_semaphore, #tpu.memory_space<semaphore_mem>>)
        %dma_start3A_400 = tpu.memref_slice %arg4[%add3A_397] : memref<320000xi32, #tpu.memory_space<hbm>> -> memref<80xi32, #tpu.memory_space<hbm>>
        %dma_start3A_401 = tpu.memref_slice %arg4[%add3A_397] : memref<320000xi32, #tpu.memory_space<hbm>> -> memref<80xi32, #tpu.memory_space<hbm>>
        tpu.enqueue_dma source(%dma_start3A_401 : memref<80xi32, #tpu.memory_space<hbm>>) target(%arg21 : memref<80xi32, #tpu.memory_space<vmem>>) target_semaphore(%arg36 : memref<!tpu.dma_semaphore, #tpu.memory_space<semaphore_mem>>)
      } else {
      }
      %add3A_291 = arith.constant 3 : i32
      %add3A_292 = arith.addi %add3A_270, %add3A_291 : i32
      %lt3A_293 = arith.constant 125 : i32
      %lt3A_294 = arith.cmpi slt, %add3A_292, %lt3A_293 : i32
      %convert_element_type3A_295 = arith.extui %lt3A_294 : i1 to i32
      %cond3A_296 = arith.constant 0 : i32
      %cond3A_297 = arith.cmpi ne, %convert_element_type3A_295, %cond3A_296 : i32
      scf.if %cond3A_297 {
        %add3A_391 = arith.constant 3 : i32
        %add3A_392 = arith.addi %add3A_270, %add3A_391 : i32
        %mul3A_393 = arith.constant 80 : i32
        %mul3A_394 = arith.muli %add3A_392, %mul3A_393 : i32
        %add3A_395 = arith.addi %mul3A_4, %mul3A_394 : i32
        %dma_wait3A_396 = tpu.memref_slice %arg3[%add3A_395] : memref<320000xi32, #tpu.memory_space<hbm>> -> memref<80xi32, #tpu.memory_space<hbm>>
        %dma_wait3A_397 = tpu.memref_slice %arg3[%add3A_395] : memref<320000xi32, #tpu.memory_space<hbm>> -> memref<80xi32, #tpu.memory_space<hbm>>
        tpu.wait_dma2 semaphore(%arg40 : memref<!tpu.dma_semaphore, #tpu.memory_space<semaphore_mem>>) src(%dma_wait3A_397 : memref<80xi32, #tpu.memory_space<hbm>>) dst(%arg17 : memref<80xi32, #tpu.memory_space<vmem>>)
        %dma_wait3A_398 = tpu.memref_slice %arg4[%add3A_395] : memref<320000xi32, #tpu.memory_space<hbm>> -> memref<80xi32, #tpu.memory_space<hbm>>
        %dma_wait3A_399 = tpu.memref_slice %arg4[%add3A_395] : memref<320000xi32, #tpu.memory_space<hbm>> -> memref<80xi32, #tpu.memory_space<hbm>>
        tpu.wait_dma2 semaphore(%arg40 : memref<!tpu.dma_semaphore, #tpu.memory_space<semaphore_mem>>) src(%dma_wait3A_399 : memref<80xi32, #tpu.memory_space<hbm>>) dst(%arg25 : memref<80xi32, #tpu.memory_space<vmem>>)
        %dma_start3A_400 = arith.constant 0 : i32
        %dma_start3A_401 = arith.constant 0 : i32
        %dma_start3A_402 = tpu.memref_slice %arg2[%dma_start3A_400, %dma_start3A_401] : memref<10000x128xf32, #tpu.memory_space<hbm>> -> memref<10000x128xf32, #tpu.memory_space<hbm>>
        tpu.enqueue_indirect_dma source(%dma_start3A_402 : memref<10000x128xf32, #tpu.memory_space<hbm>>) target(%arg29 : memref<80x128xf32, #tpu.memory_space<vmem>>) offsets(%arg17 : memref<80xi32, #tpu.memory_space<vmem>>) semaphore(%arg44 : memref<!tpu.dma_semaphore, #tpu.memory_space<semaphore_mem>>)
      } else {
      }
      %mul3A_298 = arith.constant 8 : i32
      %mul3A_299 = arith.muli %scan3A_147, %mul3A_298 : i32
      %add3A_300 = arith.constant 5 : i32
      %add3A_301 = arith.addi %mul3A_299, %add3A_300 : i32
      %dma_wait3A_302 = arith.constant 0 : i32
      %dma_wait3A_303 = arith.constant 0 : i32
      %dma_wait3A_304 = tpu.memref_slice %arg2[%dma_wait3A_302, %dma_wait3A_303] : memref<10000x128xf32, #tpu.memory_space<hbm>> -> memref<10000x128xf32, #tpu.memory_space<hbm>>
      tpu.wait_indirect_dma semaphore(%arg42 : memref<!tpu.dma_semaphore, #tpu.memory_space<semaphore_mem>>) src(%dma_wait3A_304 : memref<10000x128xf32, #tpu.memory_space<hbm>>) dst(%arg27 : memref<80x128xf32, #tpu.memory_space<vmem>>)
      %ge3A_305 = arith.constant 1 : i32
      %ge3A_306 = arith.cmpi sge, %add3A_301, %ge3A_305 : i32
      %convert_element_type3A_307 = arith.extui %ge3A_306 : i1 to i32
      %cond3A_308 = arith.constant 0 : i32
      %cond3A_309 = arith.cmpi ne, %convert_element_type3A_307, %cond3A_308 : i32
      scf.if %cond3A_309 {
        %dma_wait3A_391 = arith.constant 0 : i32
        %dma_wait3A_392 = arith.constant 0 : i32
        %dma_wait3A_393 = tpu.memref_slice %arg31[%dma_wait3A_391, %dma_wait3A_392] : memref<10240x128xf32, #tpu.memory_space<vmem_shared>> -> memref<10240x128xf32, #tpu.memory_space<vmem_shared>>
        tpu.wait_indirect_dma semaphore(%arg45 : memref<!tpu.dma_semaphore, #tpu.memory_space<semaphore_mem>>) src(%arg26 : memref<80x128xf32, #tpu.memory_space<vmem>>) dst(%dma_wait3A_393 : memref<10240x128xf32, #tpu.memory_space<vmem_shared>>)
      } else {
      }
      %dma_start3A_310 = arith.constant 0 : i32
      %dma_start3A_311 = arith.constant 0 : i32
      %dma_start3A_312 = tpu.memref_slice %arg31[%dma_start3A_310, %dma_start3A_311] : memref<10240x128xf32, #tpu.memory_space<vmem_shared>> -> memref<10240x128xf32, #tpu.memory_space<vmem_shared>>
      tpu.enqueue_indirect_dma source(%arg27 : memref<80x128xf32, #tpu.memory_space<vmem>>) target(%dma_start3A_312 : memref<10240x128xf32, #tpu.memory_space<vmem_shared>>) offsets(%arg23 : memref<80xi32, #tpu.memory_space<vmem>>) semaphore(%arg46 : memref<!tpu.dma_semaphore, #tpu.memory_space<semaphore_mem>>) {add = true}
      "tpu.region"() ({
        %run_scoped3A = tpu.sem_alloc : memref<!tpu.dma_semaphore, #tpu.memory_space<semaphore_mem>>
        %dma_start3A_391 = arith.constant 0 : i32
        %dma_start3A_392 = tpu.memref_slice %arg32[%dma_start3A_391] : memref<10240xf32, #tpu.memory_space<vmem_shared>> -> memref<10240xf32, #tpu.memory_space<vmem_shared>>
        tpu.enqueue_indirect_dma source(%arg30 : memref<80xf32, #tpu.memory_space<vmem>>) target(%dma_start3A_392 : memref<10240xf32, #tpu.memory_space<vmem_shared>>) offsets(%arg23 : memref<80xi32, #tpu.memory_space<vmem>>) semaphore(%run_scoped3A : memref<!tpu.dma_semaphore, #tpu.memory_space<semaphore_mem>>) {add = true}
        %dma_wait3A_393 = arith.constant 0 : i32
        %dma_wait3A_394 = tpu.memref_slice %arg32[%dma_wait3A_393] : memref<10240xf32, #tpu.memory_space<vmem_shared>> -> memref<10240xf32, #tpu.memory_space<vmem_shared>>
        tpu.wait_indirect_dma semaphore(%run_scoped3A : memref<!tpu.dma_semaphore, #tpu.memory_space<semaphore_mem>>) src(%arg30 : memref<80xf32, #tpu.memory_space<vmem>>) dst(%dma_wait3A_394 : memref<10240xf32, #tpu.memory_space<vmem_shared>>)
        tpu.yield
      }) : () -> ()
      %add3A_313 = arith.constant 8 : i32
      %add3A_314 = arith.addi %add3A_301, %add3A_313 : i32
      %sub3A_315 = arith.constant 1 : i32
      %sub3A_316 = arith.subi %add3A_314, %sub3A_315 : i32
      %lt3A_317 = arith.constant 125 : i32
      %lt3A_318 = arith.cmpi slt, %sub3A_316, %lt3A_317 : i32
      %convert_element_type3A_319 = arith.extui %lt3A_318 : i1 to i32
      %cond3A_320 = arith.constant 0 : i32
      %cond3A_321 = arith.cmpi ne, %convert_element_type3A_319, %cond3A_320 : i32
      scf.if %cond3A_321 {
        %add3A_391 = arith.constant 8 : i32
        %add3A_392 = arith.addi %add3A_301, %add3A_391 : i32
        %sub3A_393 = arith.constant 1 : i32
        %sub3A_394 = arith.subi %add3A_392, %sub3A_393 : i32
        %mul3A_395 = arith.constant 80 : i32
        %mul3A_396 = arith.muli %sub3A_394, %mul3A_395 : i32
        %add3A_397 = arith.addi %mul3A_4, %mul3A_396 : i32
        %dma_start3A_398 = tpu.memref_slice %arg3[%add3A_397] : memref<320000xi32, #tpu.memory_space<hbm>> -> memref<80xi32, #tpu.memory_space<hbm>>
        %dma_start3A_399 = tpu.memref_slice %arg3[%add3A_397] : memref<320000xi32, #tpu.memory_space<hbm>> -> memref<80xi32, #tpu.memory_space<hbm>>
        tpu.enqueue_dma source(%dma_start3A_399 : memref<80xi32, #tpu.memory_space<hbm>>) target(%arg14 : memref<80xi32, #tpu.memory_space<vmem>>) target_semaphore(%arg37 : memref<!tpu.dma_semaphore, #tpu.memory_space<semaphore_mem>>)
        %dma_start3A_400 = tpu.memref_slice %arg4[%add3A_397] : memref<320000xi32, #tpu.memory_space<hbm>> -> memref<80xi32, #tpu.memory_space<hbm>>
        %dma_start3A_401 = tpu.memref_slice %arg4[%add3A_397] : memref<320000xi32, #tpu.memory_space<hbm>> -> memref<80xi32, #tpu.memory_space<hbm>>
        tpu.enqueue_dma source(%dma_start3A_401 : memref<80xi32, #tpu.memory_space<hbm>>) target(%arg22 : memref<80xi32, #tpu.memory_space<vmem>>) target_semaphore(%arg37 : memref<!tpu.dma_semaphore, #tpu.memory_space<semaphore_mem>>)
      } else {
      }
      %add3A_322 = arith.constant 3 : i32
      %add3A_323 = arith.addi %add3A_301, %add3A_322 : i32
      %lt3A_324 = arith.constant 125 : i32
      %lt3A_325 = arith.cmpi slt, %add3A_323, %lt3A_324 : i32
      %convert_element_type3A_326 = arith.extui %lt3A_325 : i1 to i32
      %cond3A_327 = arith.constant 0 : i32
      %cond3A_328 = arith.cmpi ne, %convert_element_type3A_326, %cond3A_327 : i32
      scf.if %cond3A_328 {
        %add3A_391 = arith.constant 3 : i32
        %add3A_392 = arith.addi %add3A_301, %add3A_391 : i32
        %mul3A_393 = arith.constant 80 : i32
        %mul3A_394 = arith.muli %add3A_392, %mul3A_393 : i32
        %add3A_395 = arith.addi %mul3A_4, %mul3A_394 : i32
        %dma_wait3A_396 = tpu.memref_slice %arg3[%add3A_395] : memref<320000xi32, #tpu.memory_space<hbm>> -> memref<80xi32, #tpu.memory_space<hbm>>
        %dma_wait3A_397 = tpu.memref_slice %arg3[%add3A_395] : memref<320000xi32, #tpu.memory_space<hbm>> -> memref<80xi32, #tpu.memory_space<hbm>>
        tpu.wait_dma2 semaphore(%arg33 : memref<!tpu.dma_semaphore, #tpu.memory_space<semaphore_mem>>) src(%dma_wait3A_397 : memref<80xi32, #tpu.memory_space<hbm>>) dst(%arg10 : memref<80xi32, #tpu.memory_space<vmem>>)
        %dma_wait3A_398 = tpu.memref_slice %arg4[%add3A_395] : memref<320000xi32, #tpu.memory_space<hbm>> -> memref<80xi32, #tpu.memory_space<hbm>>
        %dma_wait3A_399 = tpu.memref_slice %arg4[%add3A_395] : memref<320000xi32, #tpu.memory_space<hbm>> -> memref<80xi32, #tpu.memory_space<hbm>>
        tpu.wait_dma2 semaphore(%arg33 : memref<!tpu.dma_semaphore, #tpu.memory_space<semaphore_mem>>) src(%dma_wait3A_399 : memref<80xi32, #tpu.memory_space<hbm>>) dst(%arg18 : memref<80xi32, #tpu.memory_space<vmem>>)
        %dma_start3A_400 = arith.constant 0 : i32
        %dma_start3A_401 = arith.constant 0 : i32
        %dma_start3A_402 = tpu.memref_slice %arg2[%dma_start3A_400, %dma_start3A_401] : memref<10000x128xf32, #tpu.memory_space<hbm>> -> memref<10000x128xf32, #tpu.memory_space<hbm>>
        tpu.enqueue_indirect_dma source(%dma_start3A_402 : memref<10000x128xf32, #tpu.memory_space<hbm>>) target(%arg26 : memref<80x128xf32, #tpu.memory_space<vmem>>) offsets(%arg10 : memref<80xi32, #tpu.memory_space<vmem>>) semaphore(%arg41 : memref<!tpu.dma_semaphore, #tpu.memory_space<semaphore_mem>>)
      } else {
      }
      %mul3A_329 = arith.constant 8 : i32
      %mul3A_330 = arith.muli %scan3A_147, %mul3A_329 : i32
      %add3A_331 = arith.constant 6 : i32
      %add3A_332 = arith.addi %mul3A_330, %add3A_331 : i32
      %dma_wait3A_333 = arith.constant 0 : i32
      %dma_wait3A_334 = arith.constant 0 : i32
      %dma_wait3A_335 = tpu.memref_slice %arg2[%dma_wait3A_333, %dma_wait3A_334] : memref<10000x128xf32, #tpu.memory_space<hbm>> -> memref<10000x128xf32, #tpu.memory_space<hbm>>
      tpu.wait_indirect_dma semaphore(%arg43 : memref<!tpu.dma_semaphore, #tpu.memory_space<semaphore_mem>>) src(%dma_wait3A_335 : memref<10000x128xf32, #tpu.memory_space<hbm>>) dst(%arg28 : memref<80x128xf32, #tpu.memory_space<vmem>>)
      %ge3A_336 = arith.constant 1 : i32
      %ge3A_337 = arith.cmpi sge, %add3A_332, %ge3A_336 : i32
      %convert_element_type3A_338 = arith.extui %ge3A_337 : i1 to i32
      %cond3A_339 = arith.constant 0 : i32
      %cond3A_340 = arith.cmpi ne, %convert_element_type3A_338, %cond3A_339 : i32
      scf.if %cond3A_340 {
        %dma_wait3A_391 = arith.constant 0 : i32
        %dma_wait3A_392 = arith.constant 0 : i32
        %dma_wait3A_393 = tpu.memref_slice %arg31[%dma_wait3A_391, %dma_wait3A_392] : memref<10240x128xf32, #tpu.memory_space<vmem_shared>> -> memref<10240x128xf32, #tpu.memory_space<vmem_shared>>
        tpu.wait_indirect_dma semaphore(%arg46 : memref<!tpu.dma_semaphore, #tpu.memory_space<semaphore_mem>>) src(%arg27 : memref<80x128xf32, #tpu.memory_space<vmem>>) dst(%dma_wait3A_393 : memref<10240x128xf32, #tpu.memory_space<vmem_shared>>)
      } else {
      }
      %dma_start3A_341 = arith.constant 0 : i32
      %dma_start3A_342 = arith.constant 0 : i32
      %dma_start3A_343 = tpu.memref_slice %arg31[%dma_start3A_341, %dma_start3A_342] : memref<10240x128xf32, #tpu.memory_space<vmem_shared>> -> memref<10240x128xf32, #tpu.memory_space<vmem_shared>>
      tpu.enqueue_indirect_dma source(%arg28 : memref<80x128xf32, #tpu.memory_space<vmem>>) target(%dma_start3A_343 : memref<10240x128xf32, #tpu.memory_space<vmem_shared>>) offsets(%arg24 : memref<80xi32, #tpu.memory_space<vmem>>) semaphore(%arg47 : memref<!tpu.dma_semaphore, #tpu.memory_space<semaphore_mem>>) {add = true}
      "tpu.region"() ({
        %run_scoped3A = tpu.sem_alloc : memref<!tpu.dma_semaphore, #tpu.memory_space<semaphore_mem>>
        %dma_start3A_391 = arith.constant 0 : i32
        %dma_start3A_392 = tpu.memref_slice %arg32[%dma_start3A_391] : memref<10240xf32, #tpu.memory_space<vmem_shared>> -> memref<10240xf32, #tpu.memory_space<vmem_shared>>
        tpu.enqueue_indirect_dma source(%arg30 : memref<80xf32, #tpu.memory_space<vmem>>) target(%dma_start3A_392 : memref<10240xf32, #tpu.memory_space<vmem_shared>>) offsets(%arg24 : memref<80xi32, #tpu.memory_space<vmem>>) semaphore(%run_scoped3A : memref<!tpu.dma_semaphore, #tpu.memory_space<semaphore_mem>>) {add = true}
        %dma_wait3A_393 = arith.constant 0 : i32
        %dma_wait3A_394 = tpu.memref_slice %arg32[%dma_wait3A_393] : memref<10240xf32, #tpu.memory_space<vmem_shared>> -> memref<10240xf32, #tpu.memory_space<vmem_shared>>
        tpu.wait_indirect_dma semaphore(%run_scoped3A : memref<!tpu.dma_semaphore, #tpu.memory_space<semaphore_mem>>) src(%arg30 : memref<80xf32, #tpu.memory_space<vmem>>) dst(%dma_wait3A_394 : memref<10240xf32, #tpu.memory_space<vmem_shared>>)
        tpu.yield
      }) : () -> ()
      %add3A_344 = arith.constant 8 : i32
      %add3A_345 = arith.addi %add3A_332, %add3A_344 : i32
      %sub3A_346 = arith.constant 1 : i32
      %sub3A_347 = arith.subi %add3A_345, %sub3A_346 : i32
      %lt3A_348 = arith.constant 125 : i32
      %lt3A_349 = arith.cmpi slt, %sub3A_347, %lt3A_348 : i32
      %convert_element_type3A_350 = arith.extui %lt3A_349 : i1 to i32
      %cond3A_351 = arith.constant 0 : i32
      %cond3A_352 = arith.cmpi ne, %convert_element_type3A_350, %cond3A_351 : i32
      scf.if %cond3A_352 {
        %add3A_391 = arith.constant 8 : i32
        %add3A_392 = arith.addi %add3A_332, %add3A_391 : i32
        %sub3A_393 = arith.constant 1 : i32
        %sub3A_394 = arith.subi %add3A_392, %sub3A_393 : i32
        %mul3A_395 = arith.constant 80 : i32
        %mul3A_396 = arith.muli %sub3A_394, %mul3A_395 : i32
        %add3A_397 = arith.addi %mul3A_4, %mul3A_396 : i32
        %dma_start3A_398 = tpu.memref_slice %arg3[%add3A_397] : memref<320000xi32, #tpu.memory_space<hbm>> -> memref<80xi32, #tpu.memory_space<hbm>>
        %dma_start3A_399 = tpu.memref_slice %arg3[%add3A_397] : memref<320000xi32, #tpu.memory_space<hbm>> -> memref<80xi32, #tpu.memory_space<hbm>>
        tpu.enqueue_dma source(%dma_start3A_399 : memref<80xi32, #tpu.memory_space<hbm>>) target(%arg15 : memref<80xi32, #tpu.memory_space<vmem>>) target_semaphore(%arg38 : memref<!tpu.dma_semaphore, #tpu.memory_space<semaphore_mem>>)
        %dma_start3A_400 = tpu.memref_slice %arg4[%add3A_397] : memref<320000xi32, #tpu.memory_space<hbm>> -> memref<80xi32, #tpu.memory_space<hbm>>
        %dma_start3A_401 = tpu.memref_slice %arg4[%add3A_397] : memref<320000xi32, #tpu.memory_space<hbm>> -> memref<80xi32, #tpu.memory_space<hbm>>
        tpu.enqueue_dma source(%dma_start3A_401 : memref<80xi32, #tpu.memory_space<hbm>>) target(%arg23 : memref<80xi32, #tpu.memory_space<vmem>>) target_semaphore(%arg38 : memref<!tpu.dma_semaphore, #tpu.memory_space<semaphore_mem>>)
      } else {
      }
      %add3A_353 = arith.constant 3 : i32
      %add3A_354 = arith.addi %add3A_332, %add3A_353 : i32
      %lt3A_355 = arith.constant 125 : i32
      %lt3A_356 = arith.cmpi slt, %add3A_354, %lt3A_355 : i32
      %convert_element_type3A_357 = arith.extui %lt3A_356 : i1 to i32
      %cond3A_358 = arith.constant 0 : i32
      %cond3A_359 = arith.cmpi ne, %convert_element_type3A_357, %cond3A_358 : i32
      scf.if %cond3A_359 {
        %add3A_391 = arith.constant 3 : i32
        %add3A_392 = arith.addi %add3A_332, %add3A_391 : i32
        %mul3A_393 = arith.constant 80 : i32
        %mul3A_394 = arith.muli %add3A_392, %mul3A_393 : i32
        %add3A_395 = arith.addi %mul3A_4, %mul3A_394 : i32
        %dma_wait3A_396 = tpu.memref_slice %arg3[%add3A_395] : memref<320000xi32, #tpu.memory_space<hbm>> -> memref<80xi32, #tpu.memory_space<hbm>>
        %dma_wait3A_397 = tpu.memref_slice %arg3[%add3A_395] : memref<320000xi32, #tpu.memory_space<hbm>> -> memref<80xi32, #tpu.memory_space<hbm>>
        tpu.wait_dma2 semaphore(%arg34 : memref<!tpu.dma_semaphore, #tpu.memory_space<semaphore_mem>>) src(%dma_wait3A_397 : memref<80xi32, #tpu.memory_space<hbm>>) dst(%arg11 : memref<80xi32, #tpu.memory_space<vmem>>)
        %dma_wait3A_398 = tpu.memref_slice %arg4[%add3A_395] : memref<320000xi32, #tpu.memory_space<hbm>> -> memref<80xi32, #tpu.memory_space<hbm>>
        %dma_wait3A_399 = tpu.memref_slice %arg4[%add3A_395] : memref<320000xi32, #tpu.memory_space<hbm>> -> memref<80xi32, #tpu.memory_space<hbm>>
        tpu.wait_dma2 semaphore(%arg34 : memref<!tpu.dma_semaphore, #tpu.memory_space<semaphore_mem>>) src(%dma_wait3A_399 : memref<80xi32, #tpu.memory_space<hbm>>) dst(%arg19 : memref<80xi32, #tpu.memory_space<vmem>>)
        %dma_start3A_400 = arith.constant 0 : i32
        %dma_start3A_401 = arith.constant 0 : i32
        %dma_start3A_402 = tpu.memref_slice %arg2[%dma_start3A_400, %dma_start3A_401] : memref<10000x128xf32, #tpu.memory_space<hbm>> -> memref<10000x128xf32, #tpu.memory_space<hbm>>
        tpu.enqueue_indirect_dma source(%dma_start3A_402 : memref<10000x128xf32, #tpu.memory_space<hbm>>) target(%arg27 : memref<80x128xf32, #tpu.memory_space<vmem>>) offsets(%arg11 : memref<80xi32, #tpu.memory_space<vmem>>) semaphore(%arg42 : memref<!tpu.dma_semaphore, #tpu.memory_space<semaphore_mem>>)
      } else {
      }
      %mul3A_360 = arith.constant 8 : i32
      %mul3A_361 = arith.muli %scan3A_147, %mul3A_360 : i32
      %add3A_362 = arith.constant 7 : i32
      %add3A_363 = arith.addi %mul3A_361, %add3A_362 : i32
      %dma_wait3A_364 = arith.constant 0 : i32
      %dma_wait3A_365 = arith.constant 0 : i32
      %dma_wait3A_366 = tpu.memref_slice %arg2[%dma_wait3A_364, %dma_wait3A_365] : memref<10000x128xf32, #tpu.memory_space<hbm>> -> memref<10000x128xf32, #tpu.memory_space<hbm>>
      tpu.wait_indirect_dma semaphore(%arg44 : memref<!tpu.dma_semaphore, #tpu.memory_space<semaphore_mem>>) src(%dma_wait3A_366 : memref<10000x128xf32, #tpu.memory_space<hbm>>) dst(%arg29 : memref<80x128xf32, #tpu.memory_space<vmem>>)
      %ge3A_367 = arith.constant 1 : i32
      %ge3A_368 = arith.cmpi sge, %add3A_363, %ge3A_367 : i32
      %convert_element_type3A_369 = arith.extui %ge3A_368 : i1 to i32
      %cond3A_370 = arith.constant 0 : i32
      %cond3A_371 = arith.cmpi ne, %convert_element_type3A_369, %cond3A_370 : i32
      scf.if %cond3A_371 {
        %dma_wait3A_391 = arith.constant 0 : i32
        %dma_wait3A_392 = arith.constant 0 : i32
        %dma_wait3A_393 = tpu.memref_slice %arg31[%dma_wait3A_391, %dma_wait3A_392] : memref<10240x128xf32, #tpu.memory_space<vmem_shared>> -> memref<10240x128xf32, #tpu.memory_space<vmem_shared>>
        tpu.wait_indirect_dma semaphore(%arg47 : memref<!tpu.dma_semaphore, #tpu.memory_space<semaphore_mem>>) src(%arg28 : memref<80x128xf32, #tpu.memory_space<vmem>>) dst(%dma_wait3A_393 : memref<10240x128xf32, #tpu.memory_space<vmem_shared>>)
      } else {
      }
      %dma_start3A_372 = arith.constant 0 : i32
      %dma_start3A_373 = arith.constant 0 : i32
      %dma_start3A_374 = tpu.memref_slice %arg31[%dma_start3A_372, %dma_start3A_373] : memref<10240x128xf32, #tpu.memory_space<vmem_shared>> -> memref<10240x128xf32, #tpu.memory_space<vmem_shared>>
      tpu.enqueue_indirect_dma source(%arg29 : memref<80x128xf32, #tpu.memory_space<vmem>>) target(%dma_start3A_374 : memref<10240x128xf32, #tpu.memory_space<vmem_shared>>) offsets(%arg25 : memref<80xi32, #tpu.memory_space<vmem>>) semaphore(%arg48 : memref<!tpu.dma_semaphore, #tpu.memory_space<semaphore_mem>>) {add = true}
      "tpu.region"() ({
        %run_scoped3A = tpu.sem_alloc : memref<!tpu.dma_semaphore, #tpu.memory_space<semaphore_mem>>
        %dma_start3A_391 = arith.constant 0 : i32
        %dma_start3A_392 = tpu.memref_slice %arg32[%dma_start3A_391] : memref<10240xf32, #tpu.memory_space<vmem_shared>> -> memref<10240xf32, #tpu.memory_space<vmem_shared>>
        tpu.enqueue_indirect_dma source(%arg30 : memref<80xf32, #tpu.memory_space<vmem>>) target(%dma_start3A_392 : memref<10240xf32, #tpu.memory_space<vmem_shared>>) offsets(%arg25 : memref<80xi32, #tpu.memory_space<vmem>>) semaphore(%run_scoped3A : memref<!tpu.dma_semaphore, #tpu.memory_space<semaphore_mem>>) {add = true}
        %dma_wait3A_393 = arith.constant 0 : i32
        %dma_wait3A_394 = tpu.memref_slice %arg32[%dma_wait3A_393] : memref<10240xf32, #tpu.memory_space<vmem_shared>> -> memref<10240xf32, #tpu.memory_space<vmem_shared>>
        tpu.wait_indirect_dma semaphore(%run_scoped3A : memref<!tpu.dma_semaphore, #tpu.memory_space<semaphore_mem>>) src(%arg30 : memref<80xf32, #tpu.memory_space<vmem>>) dst(%dma_wait3A_394 : memref<10240xf32, #tpu.memory_space<vmem_shared>>)
        tpu.yield
      }) : () -> ()
      %add3A_375 = arith.constant 8 : i32
      %add3A_376 = arith.addi %add3A_363, %add3A_375 : i32
      %sub3A_377 = arith.constant 1 : i32
      %sub3A_378 = arith.subi %add3A_376, %sub3A_377 : i32
      %lt3A_379 = arith.constant 125 : i32
      %lt3A_380 = arith.cmpi slt, %sub3A_378, %lt3A_379 : i32
      %convert_element_type3A_381 = arith.extui %lt3A_380 : i1 to i32
      %cond3A_382 = arith.constant 0 : i32
      %cond3A_383 = arith.cmpi ne, %convert_element_type3A_381, %cond3A_382 : i32
      scf.if %cond3A_383 {
        %add3A_391 = arith.constant 8 : i32
        %add3A_392 = arith.addi %add3A_363, %add3A_391 : i32
        %sub3A_393 = arith.constant 1 : i32
        %sub3A_394 = arith.subi %add3A_392, %sub3A_393 : i32
        %mul3A_395 = arith.constant 80 : i32
        %mul3A_396 = arith.muli %sub3A_394, %mul3A_395 : i32
        %add3A_397 = arith.addi %mul3A_4, %mul3A_396 : i32
        %dma_start3A_398 = tpu.memref_slice %arg3[%add3A_397] : memref<320000xi32, #tpu.memory_space<hbm>> -> memref<80xi32, #tpu.memory_space<hbm>>
        %dma_start3A_399 = tpu.memref_slice %arg3[%add3A_397] : memref<320000xi32, #tpu.memory_space<hbm>> -> memref<80xi32, #tpu.memory_space<hbm>>
        tpu.enqueue_dma source(%dma_start3A_399 : memref<80xi32, #tpu.memory_space<hbm>>) target(%arg16 : memref<80xi32, #tpu.memory_space<vmem>>) target_semaphore(%arg39 : memref<!tpu.dma_semaphore, #tpu.memory_space<semaphore_mem>>)
        %dma_start3A_400 = tpu.memref_slice %arg4[%add3A_397] : memref<320000xi32, #tpu.memory_space<hbm>> -> memref<80xi32, #tpu.memory_space<hbm>>
        %dma_start3A_401 = tpu.memref_slice %arg4[%add3A_397] : memref<320000xi32, #tpu.memory_space<hbm>> -> memref<80xi32, #tpu.memory_space<hbm>>
        tpu.enqueue_dma source(%dma_start3A_401 : memref<80xi32, #tpu.memory_space<hbm>>) target(%arg24 : memref<80xi32, #tpu.memory_space<vmem>>) target_semaphore(%arg39 : memref<!tpu.dma_semaphore, #tpu.memory_space<semaphore_mem>>)
      } else {
      }
      %add3A_384 = arith.constant 3 : i32
      %add3A_385 = arith.addi %add3A_363, %add3A_384 : i32
      %lt3A_386 = arith.constant 125 : i32
      %lt3A_387 = arith.cmpi slt, %add3A_385, %lt3A_386 : i32
      %convert_element_type3A_388 = arith.extui %lt3A_387 : i1 to i32
      %cond3A_389 = arith.constant 0 : i32
      %cond3A_390 = arith.cmpi ne, %convert_element_type3A_388, %cond3A_389 : i32
      scf.if %cond3A_390 {
        %add3A_391 = arith.constant 3 : i32
        %add3A_392 = arith.addi %add3A_363, %add3A_391 : i32
        %mul3A_393 = arith.constant 80 : i32
        %mul3A_394 = arith.muli %add3A_392, %mul3A_393 : i32
        %add3A_395 = arith.addi %mul3A_4, %mul3A_394 : i32
        %dma_wait3A_396 = tpu.memref_slice %arg3[%add3A_395] : memref<320000xi32, #tpu.memory_space<hbm>> -> memref<80xi32, #tpu.memory_space<hbm>>
        %dma_wait3A_397 = tpu.memref_slice %arg3[%add3A_395] : memref<320000xi32, #tpu.memory_space<hbm>> -> memref<80xi32, #tpu.memory_space<hbm>>
        tpu.wait_dma2 semaphore(%arg35 : memref<!tpu.dma_semaphore, #tpu.memory_space<semaphore_mem>>) src(%dma_wait3A_397 : memref<80xi32, #tpu.memory_space<hbm>>) dst(%arg12 : memref<80xi32, #tpu.memory_space<vmem>>)
        %dma_wait3A_398 = tpu.memref_slice %arg4[%add3A_395] : memref<320000xi32, #tpu.memory_space<hbm>> -> memref<80xi32, #tpu.memory_space<hbm>>
        %dma_wait3A_399 = tpu.memref_slice %arg4[%add3A_395] : memref<320000xi32, #tpu.memory_space<hbm>> -> memref<80xi32, #tpu.memory_space<hbm>>
        tpu.wait_dma2 semaphore(%arg35 : memref<!tpu.dma_semaphore, #tpu.memory_space<semaphore_mem>>) src(%dma_wait3A_399 : memref<80xi32, #tpu.memory_space<hbm>>) dst(%arg20 : memref<80xi32, #tpu.memory_space<vmem>>)
        %dma_start3A_400 = arith.constant 0 : i32
        %dma_start3A_401 = arith.constant 0 : i32
        %dma_start3A_402 = tpu.memref_slice %arg2[%dma_start3A_400, %dma_start3A_401] : memref<10000x128xf32, #tpu.memory_space<hbm>> -> memref<10000x128xf32, #tpu.memory_space<hbm>>
        tpu.enqueue_indirect_dma source(%dma_start3A_402 : memref<10000x128xf32, #tpu.memory_space<hbm>>) target(%arg28 : memref<80x128xf32, #tpu.memory_space<vmem>>) offsets(%arg12 : memref<80xi32, #tpu.memory_space<vmem>>) semaphore(%arg43 : memref<!tpu.dma_semaphore, #tpu.memory_space<semaphore_mem>>)
      } else {
      }
    }
    %scan3A_76 = arith.constant 15 : i32
    %dma_wait3A_77 = arith.constant 0 : i32
    %dma_wait3A_78 = arith.constant 0 : i32
    %dma_wait3A_79 = tpu.memref_slice %arg2[%dma_wait3A_77, %dma_wait3A_78] : memref<10000x128xf32, #tpu.memory_space<hbm>> -> memref<10000x128xf32, #tpu.memory_space<hbm>>
    tpu.wait_indirect_dma semaphore(%arg41 : memref<!tpu.dma_semaphore, #tpu.memory_space<semaphore_mem>>) src(%dma_wait3A_79 : memref<10000x128xf32, #tpu.memory_space<hbm>>) dst(%arg26 : memref<80x128xf32, #tpu.memory_space<vmem>>)
    %dma_wait3A_80 = arith.constant 0 : i32
    %dma_wait3A_81 = arith.constant 0 : i32
    %dma_wait3A_82 = tpu.memref_slice %arg31[%dma_wait3A_80, %dma_wait3A_81] : memref<10240x128xf32, #tpu.memory_space<vmem_shared>> -> memref<10240x128xf32, #tpu.memory_space<vmem_shared>>
    tpu.wait_indirect_dma semaphore(%arg48 : memref<!tpu.dma_semaphore, #tpu.memory_space<semaphore_mem>>) src(%arg29 : memref<80x128xf32, #tpu.memory_space<vmem>>) dst(%dma_wait3A_82 : memref<10240x128xf32, #tpu.memory_space<vmem_shared>>)
    %dma_start3A_83 = arith.constant 0 : i32
    %dma_start3A_84 = arith.constant 0 : i32
    %dma_start3A_85 = tpu.memref_slice %arg31[%dma_start3A_83, %dma_start3A_84] : memref<10240x128xf32, #tpu.memory_space<vmem_shared>> -> memref<10240x128xf32, #tpu.memory_space<vmem_shared>>
    tpu.enqueue_indirect_dma source(%arg26 : memref<80x128xf32, #tpu.memory_space<vmem>>) target(%dma_start3A_85 : memref<10240x128xf32, #tpu.memory_space<vmem_shared>>) offsets(%arg18 : memref<80xi32, #tpu.memory_space<vmem>>) semaphore(%arg45 : memref<!tpu.dma_semaphore, #tpu.memory_space<semaphore_mem>>) {add = true}
    "tpu.region"() ({
      %run_scoped3A = tpu.sem_alloc : memref<!tpu.dma_semaphore, #tpu.memory_space<semaphore_mem>>
      %dma_start3A_147 = arith.constant 0 : i32
      %dma_start3A_148 = tpu.memref_slice %arg32[%dma_start3A_147] : memref<10240xf32, #tpu.memory_space<vmem_shared>> -> memref<10240xf32, #tpu.memory_space<vmem_shared>>
      tpu.enqueue_indirect_dma source(%arg30 : memref<80xf32, #tpu.memory_space<vmem>>) target(%dma_start3A_148 : memref<10240xf32, #tpu.memory_space<vmem_shared>>) offsets(%arg18 : memref<80xi32, #tpu.memory_space<vmem>>) semaphore(%run_scoped3A : memref<!tpu.dma_semaphore, #tpu.memory_space<semaphore_mem>>) {add = true}
      %dma_wait3A_149 = arith.constant 0 : i32
      %dma_wait3A_150 = tpu.memref_slice %arg32[%dma_wait3A_149] : memref<10240xf32, #tpu.memory_space<vmem_shared>> -> memref<10240xf32, #tpu.memory_space<vmem_shared>>
      tpu.wait_indirect_dma semaphore(%run_scoped3A : memref<!tpu.dma_semaphore, #tpu.memory_space<semaphore_mem>>) src(%arg30 : memref<80xf32, #tpu.memory_space<vmem>>) dst(%dma_wait3A_150 : memref<10240xf32, #tpu.memory_space<vmem_shared>>)
      tpu.yield
    }) : () -> ()
    %add3A_86 = arith.constant 9840 : i32
    %add3A_87 = arith.addi %mul3A_4, %add3A_86 : i32
    %dma_wait3A_88 = tpu.memref_slice %arg3[%add3A_87] : memref<320000xi32, #tpu.memory_space<hbm>> -> memref<80xi32, #tpu.memory_space<hbm>>
    %dma_wait3A_89 = tpu.memref_slice %arg3[%add3A_87] : memref<320000xi32, #tpu.memory_space<hbm>> -> memref<80xi32, #tpu.memory_space<hbm>>
    tpu.wait_dma2 semaphore(%arg36 : memref<!tpu.dma_semaphore, #tpu.memory_space<semaphore_mem>>) src(%dma_wait3A_89 : memref<80xi32, #tpu.memory_space<hbm>>) dst(%arg13 : memref<80xi32, #tpu.memory_space<vmem>>)
    %dma_wait3A_90 = tpu.memref_slice %arg4[%add3A_87] : memref<320000xi32, #tpu.memory_space<hbm>> -> memref<80xi32, #tpu.memory_space<hbm>>
    %dma_wait3A_91 = tpu.memref_slice %arg4[%add3A_87] : memref<320000xi32, #tpu.memory_space<hbm>> -> memref<80xi32, #tpu.memory_space<hbm>>
    tpu.wait_dma2 semaphore(%arg36 : memref<!tpu.dma_semaphore, #tpu.memory_space<semaphore_mem>>) src(%dma_wait3A_91 : memref<80xi32, #tpu.memory_space<hbm>>) dst(%arg21 : memref<80xi32, #tpu.memory_space<vmem>>)
    %dma_start3A_92 = arith.constant 0 : i32
    %dma_start3A_93 = arith.constant 0 : i32
    %dma_start3A_94 = tpu.memref_slice %arg2[%dma_start3A_92, %dma_start3A_93] : memref<10000x128xf32, #tpu.memory_space<hbm>> -> memref<10000x128xf32, #tpu.memory_space<hbm>>
    tpu.enqueue_indirect_dma source(%dma_start3A_94 : memref<10000x128xf32, #tpu.memory_space<hbm>>) target(%arg29 : memref<80x128xf32, #tpu.memory_space<vmem>>) offsets(%arg13 : memref<80xi32, #tpu.memory_space<vmem>>) semaphore(%arg44 : memref<!tpu.dma_semaphore, #tpu.memory_space<semaphore_mem>>)
    %dma_wait3A_95 = arith.constant 0 : i32
    %dma_wait3A_96 = arith.constant 0 : i32
    %dma_wait3A_97 = tpu.memref_slice %arg2[%dma_wait3A_95, %dma_wait3A_96] : memref<10000x128xf32, #tpu.memory_space<hbm>> -> memref<10000x128xf32, #tpu.memory_space<hbm>>
    tpu.wait_indirect_dma semaphore(%arg42 : memref<!tpu.dma_semaphore, #tpu.memory_space<semaphore_mem>>) src(%dma_wait3A_97 : memref<10000x128xf32, #tpu.memory_space<hbm>>) dst(%arg27 : memref<80x128xf32, #tpu.memory_space<vmem>>)
    %dma_wait3A_98 = arith.constant 0 : i32
    %dma_wait3A_99 = arith.constant 0 : i32
    %dma_wait3A_100 = tpu.memref_slice %arg31[%dma_wait3A_98, %dma_wait3A_99] : memref<10240x128xf32, #tpu.memory_space<vmem_shared>> -> memref<10240x128xf32, #tpu.memory_space<vmem_shared>>
    tpu.wait_indirect_dma semaphore(%arg45 : memref<!tpu.dma_semaphore, #tpu.memory_space<semaphore_mem>>) src(%arg26 : memref<80x128xf32, #tpu.memory_space<vmem>>) dst(%dma_wait3A_100 : memref<10240x128xf32, #tpu.memory_space<vmem_shared>>)
    %dma_start3A_101 = arith.constant 0 : i32
    %dma_start3A_102 = arith.constant 0 : i32
    %dma_start3A_103 = tpu.memref_slice %arg31[%dma_start3A_101, %dma_start3A_102] : memref<10240x128xf32, #tpu.memory_space<vmem_shared>> -> memref<10240x128xf32, #tpu.memory_space<vmem_shared>>
    tpu.enqueue_indirect_dma source(%arg27 : memref<80x128xf32, #tpu.memory_space<vmem>>) target(%dma_start3A_103 : memref<10240x128xf32, #tpu.memory_space<vmem_shared>>) offsets(%arg19 : memref<80xi32, #tpu.memory_space<vmem>>) semaphore(%arg46 : memref<!tpu.dma_semaphore, #tpu.memory_space<semaphore_mem>>) {add = true}
    "tpu.region"() ({
      %run_scoped3A = tpu.sem_alloc : memref<!tpu.dma_semaphore, #tpu.memory_space<semaphore_mem>>
      %dma_start3A_147 = arith.constant 0 : i32
      %dma_start3A_148 = tpu.memref_slice %arg32[%dma_start3A_147] : memref<10240xf32, #tpu.memory_space<vmem_shared>> -> memref<10240xf32, #tpu.memory_space<vmem_shared>>
      tpu.enqueue_indirect_dma source(%arg30 : memref<80xf32, #tpu.memory_space<vmem>>) target(%dma_start3A_148 : memref<10240xf32, #tpu.memory_space<vmem_shared>>) offsets(%arg19 : memref<80xi32, #tpu.memory_space<vmem>>) semaphore(%run_scoped3A : memref<!tpu.dma_semaphore, #tpu.memory_space<semaphore_mem>>) {add = true}
      %dma_wait3A_149 = arith.constant 0 : i32
      %dma_wait3A_150 = tpu.memref_slice %arg32[%dma_wait3A_149] : memref<10240xf32, #tpu.memory_space<vmem_shared>> -> memref<10240xf32, #tpu.memory_space<vmem_shared>>
      tpu.wait_indirect_dma semaphore(%run_scoped3A : memref<!tpu.dma_semaphore, #tpu.memory_space<semaphore_mem>>) src(%arg30 : memref<80xf32, #tpu.memory_space<vmem>>) dst(%dma_wait3A_150 : memref<10240xf32, #tpu.memory_space<vmem_shared>>)
      tpu.yield
    }) : () -> ()
    %add3A_104 = arith.constant 9920 : i32
    %add3A_105 = arith.addi %mul3A_4, %add3A_104 : i32
    %dma_wait3A_106 = tpu.memref_slice %arg3[%add3A_105] : memref<320000xi32, #tpu.memory_space<hbm>> -> memref<80xi32, #tpu.memory_space<hbm>>
    %dma_wait3A_107 = tpu.memref_slice %arg3[%add3A_105] : memref<320000xi32, #tpu.memory_space<hbm>> -> memref<80xi32, #tpu.memory_space<hbm>>
    tpu.wait_dma2 semaphore(%arg37 : memref<!tpu.dma_semaphore, #tpu.memory_space<semaphore_mem>>) src(%dma_wait3A_107 : memref<80xi32, #tpu.memory_space<hbm>>) dst(%arg14 : memref<80xi32, #tpu.memory_space<vmem>>)
    %dma_wait3A_108 = tpu.memref_slice %arg4[%add3A_105] : memref<320000xi32, #tpu.memory_space<hbm>> -> memref<80xi32, #tpu.memory_space<hbm>>
    %dma_wait3A_109 = tpu.memref_slice %arg4[%add3A_105] : memref<320000xi32, #tpu.memory_space<hbm>> -> memref<80xi32, #tpu.memory_space<hbm>>
    tpu.wait_dma2 semaphore(%arg37 : memref<!tpu.dma_semaphore, #tpu.memory_space<semaphore_mem>>) src(%dma_wait3A_109 : memref<80xi32, #tpu.memory_space<hbm>>) dst(%arg22 : memref<80xi32, #tpu.memory_space<vmem>>)
    %dma_start3A_110 = arith.constant 0 : i32
    %dma_start3A_111 = arith.constant 0 : i32
    %dma_start3A_112 = tpu.memref_slice %arg2[%dma_start3A_110, %dma_start3A_111] : memref<10000x128xf32, #tpu.memory_space<hbm>> -> memref<10000x128xf32, #tpu.memory_space<hbm>>
    tpu.enqueue_indirect_dma source(%dma_start3A_112 : memref<10000x128xf32, #tpu.memory_space<hbm>>) target(%arg26 : memref<80x128xf32, #tpu.memory_space<vmem>>) offsets(%arg14 : memref<80xi32, #tpu.memory_space<vmem>>) semaphore(%arg41 : memref<!tpu.dma_semaphore, #tpu.memory_space<semaphore_mem>>)
    %dma_wait3A_113 = arith.constant 0 : i32
    %dma_wait3A_114 = arith.constant 0 : i32
    %dma_wait3A_115 = tpu.memref_slice %arg2[%dma_wait3A_113, %dma_wait3A_114] : memref<10000x128xf32, #tpu.memory_space<hbm>> -> memref<10000x128xf32, #tpu.memory_space<hbm>>
    tpu.wait_indirect_dma semaphore(%arg43 : memref<!tpu.dma_semaphore, #tpu.memory_space<semaphore_mem>>) src(%dma_wait3A_115 : memref<10000x128xf32, #tpu.memory_space<hbm>>) dst(%arg28 : memref<80x128xf32, #tpu.memory_space<vmem>>)
    %dma_wait3A_116 = arith.constant 0 : i32
    %dma_wait3A_117 = arith.constant 0 : i32
    %dma_wait3A_118 = tpu.memref_slice %arg31[%dma_wait3A_116, %dma_wait3A_117] : memref<10240x128xf32, #tpu.memory_space<vmem_shared>> -> memref<10240x128xf32, #tpu.memory_space<vmem_shared>>
    tpu.wait_indirect_dma semaphore(%arg46 : memref<!tpu.dma_semaphore, #tpu.memory_space<semaphore_mem>>) src(%arg27 : memref<80x128xf32, #tpu.memory_space<vmem>>) dst(%dma_wait3A_118 : memref<10240x128xf32, #tpu.memory_space<vmem_shared>>)
    %dma_start3A_119 = arith.constant 0 : i32
    %dma_start3A_120 = arith.constant 0 : i32
    %dma_start3A_121 = tpu.memref_slice %arg31[%dma_start3A_119, %dma_start3A_120] : memref<10240x128xf32, #tpu.memory_space<vmem_shared>> -> memref<10240x128xf32, #tpu.memory_space<vmem_shared>>
    tpu.enqueue_indirect_dma source(%arg28 : memref<80x128xf32, #tpu.memory_space<vmem>>) target(%dma_start3A_121 : memref<10240x128xf32, #tpu.memory_space<vmem_shared>>) offsets(%arg20 : memref<80xi32, #tpu.memory_space<vmem>>) semaphore(%arg47 : memref<!tpu.dma_semaphore, #tpu.memory_space<semaphore_mem>>) {add = true}
    "tpu.region"() ({
      %run_scoped3A = tpu.sem_alloc : memref<!tpu.dma_semaphore, #tpu.memory_space<semaphore_mem>>
      %dma_start3A_147 = arith.constant 0 : i32
      %dma_start3A_148 = tpu.memref_slice %arg32[%dma_start3A_147] : memref<10240xf32, #tpu.memory_space<vmem_shared>> -> memref<10240xf32, #tpu.memory_space<vmem_shared>>
      tpu.enqueue_indirect_dma source(%arg30 : memref<80xf32, #tpu.memory_space<vmem>>) target(%dma_start3A_148 : memref<10240xf32, #tpu.memory_space<vmem_shared>>) offsets(%arg20 : memref<80xi32, #tpu.memory_space<vmem>>) semaphore(%run_scoped3A : memref<!tpu.dma_semaphore, #tpu.memory_space<semaphore_mem>>) {add = true}
      %dma_wait3A_149 = arith.constant 0 : i32
      %dma_wait3A_150 = tpu.memref_slice %arg32[%dma_wait3A_149] : memref<10240xf32, #tpu.memory_space<vmem_shared>> -> memref<10240xf32, #tpu.memory_space<vmem_shared>>
      tpu.wait_indirect_dma semaphore(%run_scoped3A : memref<!tpu.dma_semaphore, #tpu.memory_space<semaphore_mem>>) src(%arg30 : memref<80xf32, #tpu.memory_space<vmem>>) dst(%dma_wait3A_150 : memref<10240xf32, #tpu.memory_space<vmem_shared>>)
      tpu.yield
    }) : () -> ()
    %dma_wait3A_122 = arith.constant 0 : i32
    %dma_wait3A_123 = arith.constant 0 : i32
    %dma_wait3A_124 = tpu.memref_slice %arg2[%dma_wait3A_122, %dma_wait3A_123] : memref<10000x128xf32, #tpu.memory_space<hbm>> -> memref<10000x128xf32, #tpu.memory_space<hbm>>
    tpu.wait_indirect_dma semaphore(%arg44 : memref<!tpu.dma_semaphore, #tpu.memory_space<semaphore_mem>>) src(%dma_wait3A_124 : memref<10000x128xf32, #tpu.memory_space<hbm>>) dst(%arg29 : memref<80x128xf32, #tpu.memory_space<vmem>>)
    %dma_wait3A_125 = arith.constant 0 : i32
    %dma_wait3A_126 = arith.constant 0 : i32
    %dma_wait3A_127 = tpu.memref_slice %arg31[%dma_wait3A_125, %dma_wait3A_126] : memref<10240x128xf32, #tpu.memory_space<vmem_shared>> -> memref<10240x128xf32, #tpu.memory_space<vmem_shared>>
    tpu.wait_indirect_dma semaphore(%arg47 : memref<!tpu.dma_semaphore, #tpu.memory_space<semaphore_mem>>) src(%arg28 : memref<80x128xf32, #tpu.memory_space<vmem>>) dst(%dma_wait3A_127 : memref<10240x128xf32, #tpu.memory_space<vmem_shared>>)
    %dma_start3A_128 = arith.constant 0 : i32
    %dma_start3A_129 = arith.constant 0 : i32
    %dma_start3A_130 = tpu.memref_slice %arg31[%dma_start3A_128, %dma_start3A_129] : memref<10240x128xf32, #tpu.memory_space<vmem_shared>> -> memref<10240x128xf32, #tpu.memory_space<vmem_shared>>
    tpu.enqueue_indirect_dma source(%arg29 : memref<80x128xf32, #tpu.memory_space<vmem>>) target(%dma_start3A_130 : memref<10240x128xf32, #tpu.memory_space<vmem_shared>>) offsets(%arg21 : memref<80xi32, #tpu.memory_space<vmem>>) semaphore(%arg48 : memref<!tpu.dma_semaphore, #tpu.memory_space<semaphore_mem>>) {add = true}
    "tpu.region"() ({
      %run_scoped3A = tpu.sem_alloc : memref<!tpu.dma_semaphore, #tpu.memory_space<semaphore_mem>>
      %dma_start3A_147 = arith.constant 0 : i32
      %dma_start3A_148 = tpu.memref_slice %arg32[%dma_start3A_147] : memref<10240xf32, #tpu.memory_space<vmem_shared>> -> memref<10240xf32, #tpu.memory_space<vmem_shared>>
      tpu.enqueue_indirect_dma source(%arg30 : memref<80xf32, #tpu.memory_space<vmem>>) target(%dma_start3A_148 : memref<10240xf32, #tpu.memory_space<vmem_shared>>) offsets(%arg21 : memref<80xi32, #tpu.memory_space<vmem>>) semaphore(%run_scoped3A : memref<!tpu.dma_semaphore, #tpu.memory_space<semaphore_mem>>) {add = true}
      %dma_wait3A_149 = arith.constant 0 : i32
      %dma_wait3A_150 = tpu.memref_slice %arg32[%dma_wait3A_149] : memref<10240xf32, #tpu.memory_space<vmem_shared>> -> memref<10240xf32, #tpu.memory_space<vmem_shared>>
      tpu.wait_indirect_dma semaphore(%run_scoped3A : memref<!tpu.dma_semaphore, #tpu.memory_space<semaphore_mem>>) src(%arg30 : memref<80xf32, #tpu.memory_space<vmem>>) dst(%dma_wait3A_150 : memref<10240xf32, #tpu.memory_space<vmem_shared>>)
      tpu.yield
    }) : () -> ()
    %dma_wait3A_131 = arith.constant 0 : i32
    %dma_wait3A_132 = arith.constant 0 : i32
    %dma_wait3A_133 = tpu.memref_slice %arg2[%dma_wait3A_131, %dma_wait3A_132] : memref<10000x128xf32, #tpu.memory_space<hbm>> -> memref<10000x128xf32, #tpu.memory_space<hbm>>
    tpu.wait_indirect_dma semaphore(%arg41 : memref<!tpu.dma_semaphore, #tpu.memory_space<semaphore_mem>>) src(%dma_wait3A_133 : memref<10000x128xf32, #tpu.memory_space<hbm>>) dst(%arg26 : memref<80x128xf32, #tpu.memory_space<vmem>>)
    %dma_wait3A_134 = arith.constant 0 : i32
    %dma_wait3A_135 = arith.constant 0 : i32
    %dma_wait3A_136 = tpu.memref_slice %arg31[%dma_wait3A_134, %dma_wait3A_135] : memref<10240x128xf32, #tpu.memory_space<vmem_shared>> -> memref<10240x128xf32, #tpu.memory_space<vmem_shared>>
    tpu.wait_indirect_dma semaphore(%arg48 : memref<!tpu.dma_semaphore, #tpu.memory_space<semaphore_mem>>) src(%arg29 : memref<80x128xf32, #tpu.memory_space<vmem>>) dst(%dma_wait3A_136 : memref<10240x128xf32, #tpu.memory_space<vmem_shared>>)
    %dma_start3A_137 = arith.constant 0 : i32
    %dma_start3A_138 = arith.constant 0 : i32
    %dma_start3A_139 = tpu.memref_slice %arg31[%dma_start3A_137, %dma_start3A_138] : memref<10240x128xf32, #tpu.memory_space<vmem_shared>> -> memref<10240x128xf32, #tpu.memory_space<vmem_shared>>
    tpu.enqueue_indirect_dma source(%arg26 : memref<80x128xf32, #tpu.memory_space<vmem>>) target(%dma_start3A_139 : memref<10240x128xf32, #tpu.memory_space<vmem_shared>>) offsets(%arg22 : memref<80xi32, #tpu.memory_space<vmem>>) semaphore(%arg45 : memref<!tpu.dma_semaphore, #tpu.memory_space<semaphore_mem>>) {add = true}
    "tpu.region"() ({
      %run_scoped3A = tpu.sem_alloc : memref<!tpu.dma_semaphore, #tpu.memory_space<semaphore_mem>>
      %dma_start3A_147 = arith.constant 0 : i32
      %dma_start3A_148 = tpu.memref_slice %arg32[%dma_start3A_147] : memref<10240xf32, #tpu.memory_space<vmem_shared>> -> memref<10240xf32, #tpu.memory_space<vmem_shared>>
      tpu.enqueue_indirect_dma source(%arg30 : memref<80xf32, #tpu.memory_space<vmem>>) target(%dma_start3A_148 : memref<10240xf32, #tpu.memory_space<vmem_shared>>) offsets(%arg22 : memref<80xi32, #tpu.memory_space<vmem>>) semaphore(%run_scoped3A : memref<!tpu.dma_semaphore, #tpu.memory_space<semaphore_mem>>) {add = true}
      %dma_wait3A_149 = arith.constant 0 : i32
      %dma_wait3A_150 = tpu.memref_slice %arg32[%dma_wait3A_149] : memref<10240xf32, #tpu.memory_space<vmem_shared>> -> memref<10240xf32, #tpu.memory_space<vmem_shared>>
      tpu.wait_indirect_dma semaphore(%run_scoped3A : memref<!tpu.dma_semaphore, #tpu.memory_space<semaphore_mem>>) src(%arg30 : memref<80xf32, #tpu.memory_space<vmem>>) dst(%dma_wait3A_150 : memref<10240xf32, #tpu.memory_space<vmem_shared>>)
      tpu.yield
    }) : () -> ()
    %dma_wait3A_140 = arith.constant 0 : i32
    %dma_wait3A_141 = arith.constant 0 : i32
    %dma_wait3A_142 = tpu.memref_slice %arg31[%dma_wait3A_140, %dma_wait3A_141] : memref<10240x128xf32, #tpu.memory_space<vmem_shared>> -> memref<10240x128xf32, #tpu.memory_space<vmem_shared>>
    tpu.wait_indirect_dma semaphore(%arg45 : memref<!tpu.dma_semaphore, #tpu.memory_space<semaphore_mem>>) src(%arg26 : memref<80x128xf32, #tpu.memory_space<vmem>>) dst(%dma_wait3A_142 : memref<10240x128xf32, #tpu.memory_space<vmem_shared>>)
    %barrier3A_143 = arith.constant 0 : index
    tpu.barrier barrier_id(%barrier3A_143)
    "tpu.region"() ({
      %run_scoped3A = tpu.sem_alloc : memref<!tpu.dma_semaphore, #tpu.memory_space<semaphore_mem>>
      %dma_start3A_147 = arith.constant 0 : i32
      %dma_start3A_148 = tpu.memref_slice %arg8[%arg0, %mul3A_2, %dma_start3A_147] : memref<2x10240x128xf32, #tpu.memory_space<hbm>> -> memref<1x640x128xf32, #tpu.memory_space<hbm>>
      %dma_start3A_149 = tpu.memref_squeeze %dma_start3A_148 : memref<1x640x128xf32, #tpu.memory_space<hbm>> -> memref<640x128xf32, #tpu.memory_space<hbm>>
      %dma_start3A_150 = arith.constant 0 : i32
      %dma_start3A_151 = tpu.memref_slice %arg31[%mul3A_2, %dma_start3A_150] : memref<10240x128xf32, #tpu.memory_space<vmem_shared>> -> memref<640x128xf32, #tpu.memory_space<vmem_shared>>
      tpu.enqueue_dma source(%dma_start3A_151 : memref<640x128xf32, #tpu.memory_space<vmem_shared>>) target(%dma_start3A_149 : memref<640x128xf32, #tpu.memory_space<hbm>>) target_semaphore(%run_scoped3A : memref<!tpu.dma_semaphore, #tpu.memory_space<semaphore_mem>>)
      %dma_wait3A_152 = arith.constant 0 : i32
      %dma_wait3A_153 = tpu.memref_slice %arg8[%arg0, %mul3A_2, %dma_wait3A_152] : memref<2x10240x128xf32, #tpu.memory_space<hbm>> -> memref<1x640x128xf32, #tpu.memory_space<hbm>>
      %dma_wait3A_154 = tpu.memref_squeeze %dma_wait3A_153 : memref<1x640x128xf32, #tpu.memory_space<hbm>> -> memref<640x128xf32, #tpu.memory_space<hbm>>
      %dma_wait3A_155 = arith.constant 0 : i32
      %dma_wait3A_156 = tpu.memref_slice %arg31[%mul3A_2, %dma_wait3A_155] : memref<10240x128xf32, #tpu.memory_space<vmem_shared>> -> memref<640x128xf32, #tpu.memory_space<vmem_shared>>
      tpu.wait_dma2 semaphore(%run_scoped3A : memref<!tpu.dma_semaphore, #tpu.memory_space<semaphore_mem>>) src(%dma_wait3A_156 : memref<640x128xf32, #tpu.memory_space<vmem_shared>>) dst(%dma_wait3A_154 : memref<640x128xf32, #tpu.memory_space<hbm>>)
      tpu.yield
    }) : () -> ()
    %mul3A_144 = arith.constant 10240 : i32
    %mul3A_145 = arith.muli %arg0, %mul3A_144 : i32
    %add3A_146 = arith.addi %mul3A_145, %mul3A_2 : i32
    "tpu.region"() ({
      %run_scoped3A = tpu.sem_alloc : memref<!tpu.dma_semaphore, #tpu.memory_space<semaphore_mem>>
      %dma_start3A_147 = tpu.memref_slice %arg9[%add3A_146] : memref<20480xf32, #tpu.memory_space<hbm>> -> memref<640xf32, #tpu.memory_space<hbm>>
      %dma_start3A_148 = tpu.memref_slice %arg32[%mul3A_2] : memref<10240xf32, #tpu.memory_space<vmem_shared>> -> memref<640xf32, #tpu.memory_space<vmem_shared>>
      tpu.enqueue_dma source(%dma_start3A_148 : memref<640xf32, #tpu.memory_space<vmem_shared>>) target(%dma_start3A_147 : memref<640xf32, #tpu.memory_space<hbm>>) target_semaphore(%run_scoped3A : memref<!tpu.dma_semaphore, #tpu.memory_space<semaphore_mem>>)
      %dma_wait3A_149 = tpu.memref_slice %arg9[%add3A_146] : memref<20480xf32, #tpu.memory_space<hbm>> -> memref<640xf32, #tpu.memory_space<hbm>>
      %dma_wait3A_150 = tpu.memref_slice %arg32[%mul3A_2] : memref<10240xf32, #tpu.memory_space<vmem_shared>> -> memref<640xf32, #tpu.memory_space<vmem_shared>>
      tpu.wait_dma2 semaphore(%run_scoped3A : memref<!tpu.dma_semaphore, #tpu.memory_space<semaphore_mem>>) src(%dma_wait3A_150 : memref<640xf32, #tpu.memory_space<vmem_shared>>) dst(%dma_wait3A_149 : memref<640xf32, #tpu.memory_space<hbm>>)
      tpu.yield
    }) : () -> ()
    return
  }
}

#map = affine_map<(d0, d1) -> (0, 0)>
#map1 = affine_map<(d0, d1) -> (0)>
#map2 = affine_map<(d0, d1) -> (0, 0, 0)>
module attributes {stable_mosaic.version = 14 : i64} {
  func.func @_sc_body(%arg0: i32, %arg1: i32, %arg2: memref<10000x128xf32, #tpu.memory_space<hbm>>, %arg3: memref<320000xi32, #tpu.memory_space<hbm>>, %arg4: memref<320000xi32, #tpu.memory_space<hbm>>, %arg5: memref<640x128xf32, #tpu.memory_space<hbm>>, %arg6: memref<640xf32, #tpu.memory_space<hbm>>, %arg7: memref<80xf32, #tpu.memory_space<hbm>>, %arg8: memref<2x10240x128xf32, #tpu.memory_space<hbm>>, %arg9: memref<20480xf32, #tpu.memory_space<hbm>>, %arg10: memref<80xi32, #tpu.memory_space<vmem>>, %arg11: memref<80xi32, #tpu.memory_space<vmem>>, %arg12: memref<80xi32, #tpu.memory_space<vmem>>, %arg13: memref<80xi32, #tpu.memory_space<vmem>>, %arg14: memref<80xi32, #tpu.memory_space<vmem>>, %arg15: memref<80xi32, #tpu.memory_space<vmem>>, %arg16: memref<80xi32, #tpu.memory_space<vmem>>, %arg17: memref<80xi32, #tpu.memory_space<vmem>>, %arg18: memref<80xi32, #tpu.memory_space<vmem>>, %arg19: memref<80xi32, #tpu.memory_space<vmem>>, %arg20: memref<80xi32, #tpu.memory_space<vmem>>, %arg21: memref<80xi32, #tpu.memory_space<vmem>>, %arg22: memref<80xi32, #tpu.memory_space<vmem>>, %arg23: memref<80xi32, #tpu.memory_space<vmem>>, %arg24: memref<80xi32, #tpu.memory_space<vmem>>, %arg25: memref<80xi32, #tpu.memory_space<vmem>>, %arg26: memref<80x128xf32, #tpu.memory_space<vmem>>, %arg27: memref<80x128xf32, #tpu.memory_space<vmem>>, %arg28: memref<80x128xf32, #tpu.memory_space<vmem>>, %arg29: memref<80x128xf32, #tpu.memory_space<vmem>>, %arg30: memref<80xf32, #tpu.memory_space<vmem>>, %arg31: memref<10240x128xf32, #tpu.memory_space<vmem_shared>>, %arg32: memref<10240xf32, #tpu.memory_space<vmem_shared>>, %arg33: memref<!tpu.dma_semaphore, #tpu.memory_space<semaphore_mem>>, %arg34: memref<!tpu.dma_semaphore, #tpu.memory_space<semaphore_mem>>, %arg35: memref<!tpu.dma_semaphore, #tpu.memory_space<semaphore_mem>>, %arg36: memref<!tpu.dma_semaphore, #tpu.memory_space<semaphore_mem>>, %arg37: memref<!tpu.dma_semaphore, #tpu.memory_space<semaphore_mem>>, %arg38: memref<!tpu.dma_semaphore, #tpu.memory_space<semaphore_mem>>, %arg39: memref<!tpu.dma_semaphore, #tpu.memory_space<semaphore_mem>>, %arg40: memref<!tpu.dma_semaphore, #tpu.memory_space<semaphore_mem>>, %arg41: memref<!tpu.dma_semaphore, #tpu.memory_space<semaphore_mem>>, %arg42: memref<!tpu.dma_semaphore, #tpu.memory_space<semaphore_mem>>, %arg43: memref<!tpu.dma_semaphore, #tpu.memory_space<semaphore_mem>>, %arg44: memref<!tpu.dma_semaphore, #tpu.memory_space<semaphore_mem>>, %arg45: memref<!tpu.dma_semaphore, #tpu.memory_space<semaphore_mem>>, %arg46: memref<!tpu.dma_semaphore, #tpu.memory_space<semaphore_mem>>, %arg47: memref<!tpu.dma_semaphore, #tpu.memory_space<semaphore_mem>>, %arg48: memref<!tpu.dma_semaphore, #tpu.memory_space<semaphore_mem>>) attributes {dimension_semantics = [#tpu.dimension_semantics<core_parallel>, #tpu.dimension_semantics<subcore_parallel>], iteration_bounds = array<i64: 2, 16>, scalar_prefetch = 0 : i64, scratch_operands = 39 : i64, tpu.core_type = #tpu.core_type<sc_vector_subcore>, window_params = [{transform_indices = #map}, {transform_indices = #map1}, {transform_indices = #map1}, {transform_indices = #map}, {transform_indices = #map1}, {transform_indices = #map1}, {transform_indices = #map2}, {transform_indices = #map1}]} {
    %mul3A = arith.constant 16 : i32
    %mul3A_0 = arith.muli %arg0, %mul3A : i32
    %add3A = arith.addi %mul3A_0, %arg1 : i32
    %mul3A_1 = arith.constant 640 : i32
    %mul3A_2 = arith.muli %arg1, %mul3A_1 : i32
    %mul3A_3 = arith.constant 10000 : i32
    %mul3A_4 = arith.muli %add3A, %mul3A_3 : i32
    "tpu.region"() ({
      %run_scoped3A = tpu.sem_alloc : memref<!tpu.dma_semaphore, #tpu.memory_space<semaphore_mem>>
      %dma_start3A_144 = arith.constant 0 : i32
      %dma_start3A_145 = tpu.memref_slice %arg31[%mul3A_2, %dma_start3A_144] : memref<10240x128xf32, #tpu.memory_space<vmem_shared>> -> memref<640x128xf32, #tpu.memory_space<vmem_shared>>
      tpu.enqueue_dma source(%arg5 : memref<640x128xf32, #tpu.memory_space<hbm>>) target(%dma_start3A_145 : memref<640x128xf32, #tpu.memory_space<vmem_shared>>) target_semaphore(%run_scoped3A : memref<!tpu.dma_semaphore, #tpu.memory_space<semaphore_mem>>)
      %dma_wait3A_146 = arith.constant 0 : i32
      %dma_wait3A_147 = tpu.memref_slice %arg31[%mul3A_2, %dma_wait3A_146] : memref<10240x128xf32, #tpu.memory_space<vmem_shared>> -> memref<640x128xf32, #tpu.memory_space<vmem_shared>>
      tpu.wait_dma2 semaphore(%run_scoped3A : memref<!tpu.dma_semaphore, #tpu.memory_space<semaphore_mem>>) src(%arg5 : memref<640x128xf32, #tpu.memory_space<hbm>>) dst(%dma_wait3A_147 : memref<640x128xf32, #tpu.memory_space<vmem_shared>>)
      tpu.yield
    }) : () -> ()
    %barrier3A = arith.constant 0 : index
    tpu.barrier barrier_id(%barrier3A)
    %add3A_5 = arith.constant 0 : i32
    %add3A_6 = arith.addi %mul3A_4, %add3A_5 : i32
    %dma_start3A = tpu.memref_slice %arg3[%add3A_6] : memref<320000xi32, #tpu.memory_space<hbm>> -> memref<80xi32, #tpu.memory_space<hbm>>
    %dma_start3A_7 = tpu.memref_slice %arg3[%add3A_6] : memref<320000xi32, #tpu.memory_space<hbm>> -> memref<80xi32, #tpu.memory_space<hbm>>
    tpu.enqueue_dma source(%dma_start3A_7 : memref<80xi32, #tpu.memory_space<hbm>>) target(%arg10 : memref<80xi32, #tpu.memory_space<vmem>>) target_semaphore(%arg33 : memref<!tpu.dma_semaphore, #tpu.memory_space<semaphore_mem>>)
    %dma_start3A_8 = tpu.memref_slice %arg4[%add3A_6] : memref<320000xi32, #tpu.memory_space<hbm>> -> memref<80xi32, #tpu.memory_space<hbm>>
    %dma_start3A_9 = tpu.memref_slice %arg4[%add3A_6] : memref<320000xi32, #tpu.memory_space<hbm>> -> memref<80xi32, #tpu.memory_space<hbm>>
    tpu.enqueue_dma source(%dma_start3A_9 : memref<80xi32, #tpu.memory_space<hbm>>) target(%arg18 : memref<80xi32, #tpu.memory_space<vmem>>) target_semaphore(%arg33 : memref<!tpu.dma_semaphore, #tpu.memory_space<semaphore_mem>>)
    %add3A_10 = arith.constant 80 : i32
    %add3A_11 = arith.addi %mul3A_4, %add3A_10 : i32
    %dma_start3A_12 = tpu.memref_slice %arg3[%add3A_11] : memref<320000xi32, #tpu.memory_space<hbm>> -> memref<80xi32, #tpu.memory_space<hbm>>
    %dma_start3A_13 = tpu.memref_slice %arg3[%add3A_11] : memref<320000xi32, #tpu.memory_space<hbm>> -> memref<80xi32, #tpu.memory_space<hbm>>
    tpu.enqueue_dma source(%dma_start3A_13 : memref<80xi32, #tpu.memory_space<hbm>>) target(%arg11 : memref<80xi32, #tpu.memory_space<vmem>>) target_semaphore(%arg34 : memref<!tpu.dma_semaphore, #tpu.memory_space<semaphore_mem>>)
    %dma_start3A_14 = tpu.memref_slice %arg4[%add3A_11] : memref<320000xi32, #tpu.memory_space<hbm>> -> memref<80xi32, #tpu.memory_space<hbm>>
    %dma_start3A_15 = tpu.memref_slice %arg4[%add3A_11] : memref<320000xi32, #tpu.memory_space<hbm>> -> memref<80xi32, #tpu.memory_space<hbm>>
    tpu.enqueue_dma source(%dma_start3A_15 : memref<80xi32, #tpu.memory_space<hbm>>) target(%arg19 : memref<80xi32, #tpu.memory_space<vmem>>) target_semaphore(%arg34 : memref<!tpu.dma_semaphore, #tpu.memory_space<semaphore_mem>>)
    %add3A_16 = arith.constant 160 : i32
    %add3A_17 = arith.addi %mul3A_4, %add3A_16 : i32
    %dma_start3A_18 = tpu.memref_slice %arg3[%add3A_17] : memref<320000xi32, #tpu.memory_space<hbm>> -> memref<80xi32, #tpu.memory_space<hbm>>
    %dma_start3A_19 = tpu.memref_slice %arg3[%add3A_17] : memref<320000xi32, #tpu.memory_space<hbm>> -> memref<80xi32, #tpu.memory_space<hbm>>
    tpu.enqueue_dma source(%dma_start3A_19 : memref<80xi32, #tpu.memory_space<hbm>>) target(%arg12 : memref<80xi32, #tpu.memory_space<vmem>>) target_semaphore(%arg35 : memref<!tpu.dma_semaphore, #tpu.memory_space<semaphore_mem>>)
    %dma_start3A_20 = tpu.memref_slice %arg4[%add3A_17] : memref<320000xi32, #tpu.memory_space<hbm>> -> memref<80xi32, #tpu.memory_space<hbm>>
    %dma_start3A_21 = tpu.memref_slice %arg4[%add3A_17] : memref<320000xi32, #tpu.memory_space<hbm>> -> memref<80xi32, #tpu.memory_space<hbm>>
    tpu.enqueue_dma source(%dma_start3A_21 : memref<80xi32, #tpu.memory_space<hbm>>) target(%arg20 : memref<80xi32, #tpu.memory_space<vmem>>) target_semaphore(%arg35 : memref<!tpu.dma_semaphore, #tpu.memory_space<semaphore_mem>>)
    %add3A_22 = arith.constant 240 : i32
    %add3A_23 = arith.addi %mul3A_4, %add3A_22 : i32
    %dma_start3A_24 = tpu.memref_slice %arg3[%add3A_23] : memref<320000xi32, #tpu.memory_space<hbm>> -> memref<80xi32, #tpu.memory_space<hbm>>
    %dma_start3A_25 = tpu.memref_slice %arg3[%add3A_23] : memref<320000xi32, #tpu.memory_space<hbm>> -> memref<80xi32, #tpu.memory_space<hbm>>
    tpu.enqueue_dma source(%dma_start3A_25 : memref<80xi32, #tpu.memory_space<hbm>>) target(%arg13 : memref<80xi32, #tpu.memory_space<vmem>>) target_semaphore(%arg36 : memref<!tpu.dma_semaphore, #tpu.memory_space<semaphore_mem>>)
    %dma_start3A_26 = tpu.memref_slice %arg4[%add3A_23] : memref<320000xi32, #tpu.memory_space<hbm>> -> memref<80xi32, #tpu.memory_space<hbm>>
    %dma_start3A_27 = tpu.memref_slice %arg4[%add3A_23] : memref<320000xi32, #tpu.memory_space<hbm>> -> memref<80xi32, #tpu.memory_space<hbm>>
    tpu.enqueue_dma source(%dma_start3A_27 : memref<80xi32, #tpu.memory_space<hbm>>) target(%arg21 : memref<80xi32, #tpu.memory_space<vmem>>) target_semaphore(%arg36 : memref<!tpu.dma_semaphore, #tpu.memory_space<semaphore_mem>>)
    %add3A_28 = arith.constant 320 : i32
    %add3A_29 = arith.addi %mul3A_4, %add3A_28 : i32
    %dma_start3A_30 = tpu.memref_slice %arg3[%add3A_29] : memref<320000xi32, #tpu.memory_space<hbm>> -> memref<80xi32, #tpu.memory_space<hbm>>
    %dma_start3A_31 = tpu.memref_slice %arg3[%add3A_29] : memref<320000xi32, #tpu.memory_space<hbm>> -> memref<80xi32, #tpu.memory_space<hbm>>
    tpu.enqueue_dma source(%dma_start3A_31 : memref<80xi32, #tpu.memory_space<hbm>>) target(%arg14 : memref<80xi32, #tpu.memory_space<vmem>>) target_semaphore(%arg37 : memref<!tpu.dma_semaphore, #tpu.memory_space<semaphore_mem>>)
    %dma_start3A_32 = tpu.memref_slice %arg4[%add3A_29] : memref<320000xi32, #tpu.memory_space<hbm>> -> memref<80xi32, #tpu.memory_space<hbm>>
    %dma_start3A_33 = tpu.memref_slice %arg4[%add3A_29] : memref<320000xi32, #tpu.memory_space<hbm>> -> memref<80xi32, #tpu.memory_space<hbm>>
    tpu.enqueue_dma source(%dma_start3A_33 : memref<80xi32, #tpu.memory_space<hbm>>) target(%arg22 : memref<80xi32, #tpu.memory_space<vmem>>) target_semaphore(%arg37 : memref<!tpu.dma_semaphore, #tpu.memory_space<semaphore_mem>>)
    %add3A_34 = arith.constant 400 : i32
    %add3A_35 = arith.addi %mul3A_4, %add3A_34 : i32
    %dma_start3A_36 = tpu.memref_slice %arg3[%add3A_35] : memref<320000xi32, #tpu.memory_space<hbm>> -> memref<80xi32, #tpu.memory_space<hbm>>
    %dma_start3A_37 = tpu.memref_slice %arg3[%add3A_35] : memref<320000xi32, #tpu.memory_space<hbm>> -> memref<80xi32, #tpu.memory_space<hbm>>
    tpu.enqueue_dma source(%dma_start3A_37 : memref<80xi32, #tpu.memory_space<hbm>>) target(%arg15 : memref<80xi32, #tpu.memory_space<vmem>>) target_semaphore(%arg38 : memref<!tpu.dma_semaphore, #tpu.memory_space<semaphore_mem>>)
    %dma_start3A_38 = tpu.memref_slice %arg4[%add3A_35] : memref<320000xi32, #tpu.memory_space<hbm>> -> memref<80xi32, #tpu.memory_space<hbm>>
    %dma_start3A_39 = tpu.memref_slice %arg4[%add3A_35] : memref<320000xi32, #tpu.memory_space<hbm>> -> memref<80xi32, #tpu.memory_space<hbm>>
    tpu.enqueue_dma source(%dma_start3A_39 : memref<80xi32, #tpu.memory_space<hbm>>) target(%arg23 : memref<80xi32, #tpu.memory_space<vmem>>) target_semaphore(%arg38 : memref<!tpu.dma_semaphore, #tpu.memory_space<semaphore_mem>>)
    %add3A_40 = arith.constant 480 : i32
    %add3A_41 = arith.addi %mul3A_4, %add3A_40 : i32
    %dma_start3A_42 = tpu.memref_slice %arg3[%add3A_41] : memref<320000xi32, #tpu.memory_space<hbm>> -> memref<80xi32, #tpu.memory_space<hbm>>
    %dma_start3A_43 = tpu.memref_slice %arg3[%add3A_41] : memref<320000xi32, #tpu.memory_space<hbm>> -> memref<80xi32, #tpu.memory_space<hbm>>
    tpu.enqueue_dma source(%dma_start3A_43 : memref<80xi32, #tpu.memory_space<hbm>>) target(%arg16 : memref<80xi32, #tpu.memory_space<vmem>>) target_semaphore(%arg39 : memref<!tpu.dma_semaphore, #tpu.memory_space<semaphore_mem>>)
    %dma_start3A_44 = tpu.memref_slice %arg4[%add3A_41] : memref<320000xi32, #tpu.memory_space<hbm>> -> memref<80xi32, #tpu.memory_space<hbm>>
    %dma_start3A_45 = tpu.memref_slice %arg4[%add3A_41] : memref<320000xi32, #tpu.memory_space<hbm>> -> memref<80xi32, #tpu.memory_space<hbm>>
    tpu.enqueue_dma source(%dma_start3A_45 : memref<80xi32, #tpu.memory_space<hbm>>) target(%arg24 : memref<80xi32, #tpu.memory_space<vmem>>) target_semaphore(%arg39 : memref<!tpu.dma_semaphore, #tpu.memory_space<semaphore_mem>>)
    %add3A_46 = arith.constant 0 : i32
    %add3A_47 = arith.addi %mul3A_4, %add3A_46 : i32
    %dma_wait3A = tpu.memref_slice %arg3[%add3A_47] : memref<320000xi32, #tpu.memory_space<hbm>> -> memref<80xi32, #tpu.memory_space<hbm>>
    %dma_wait3A_48 = tpu.memref_slice %arg3[%add3A_47] : memref<320000xi32, #tpu.memory_space<hbm>> -> memref<80xi32, #tpu.memory_space<hbm>>
    tpu.wait_dma2 semaphore(%arg33 : memref<!tpu.dma_semaphore, #tpu.memory_space<semaphore_mem>>) src(%dma_wait3A_48 : memref<80xi32, #tpu.memory_space<hbm>>) dst(%arg10 : memref<80xi32, #tpu.memory_space<vmem>>)
    %dma_wait3A_49 = tpu.memref_slice %arg4[%add3A_47] : memref<320000xi32, #tpu.memory_space<hbm>> -> memref<80xi32, #tpu.memory_space<hbm>>
    %dma_wait3A_50 = tpu.memref_slice %arg4[%add3A_47] : memref<320000xi32, #tpu.memory_space<hbm>> -> memref<80xi32, #tpu.memory_space<hbm>>
    tpu.wait_dma2 semaphore(%arg33 : memref<!tpu.dma_semaphore, #tpu.memory_space<semaphore_mem>>) src(%dma_wait3A_50 : memref<80xi32, #tpu.memory_space<hbm>>) dst(%arg18 : memref<80xi32, #tpu.memory_space<vmem>>)
    %dma_start3A_51 = arith.constant 0 : i32
    %dma_start3A_52 = arith.constant 0 : i32
    %dma_start3A_53 = tpu.memref_slice %arg2[%dma_start3A_51, %dma_start3A_52] : memref<10000x128xf32, #tpu.memory_space<hbm>> -> memref<10000x128xf32, #tpu.memory_space<hbm>>
    tpu.enqueue_indirect_dma source(%dma_start3A_53 : memref<10000x128xf32, #tpu.memory_space<hbm>>) target(%arg26 : memref<80x128xf32, #tpu.memory_space<vmem>>) offsets(%arg10 : memref<80xi32, #tpu.memory_space<vmem>>) semaphore(%arg41 : memref<!tpu.dma_semaphore, #tpu.memory_space<semaphore_mem>>)
    %add3A_54 = arith.constant 80 : i32
    %add3A_55 = arith.addi %mul3A_4, %add3A_54 : i32
    %dma_wait3A_56 = tpu.memref_slice %arg3[%add3A_55] : memref<320000xi32, #tpu.memory_space<hbm>> -> memref<80xi32, #tpu.memory_space<hbm>>
    %dma_wait3A_57 = tpu.memref_slice %arg3[%add3A_55] : memref<320000xi32, #tpu.memory_space<hbm>> -> memref<80xi32, #tpu.memory_space<hbm>>
    tpu.wait_dma2 semaphore(%arg34 : memref<!tpu.dma_semaphore, #tpu.memory_space<semaphore_mem>>) src(%dma_wait3A_57 : memref<80xi32, #tpu.memory_space<hbm>>) dst(%arg11 : memref<80xi32, #tpu.memory_space<vmem>>)
    %dma_wait3A_58 = tpu.memref_slice %arg4[%add3A_55] : memref<320000xi32, #tpu.memory_space<hbm>> -> memref<80xi32, #tpu.memory_space<hbm>>
    %dma_wait3A_59 = tpu.memref_slice %arg4[%add3A_55] : memref<320000xi32, #tpu.memory_space<hbm>> -> memref<80xi32, #tpu.memory_space<hbm>>
    tpu.wait_dma2 semaphore(%arg34 : memref<!tpu.dma_semaphore, #tpu.memory_space<semaphore_mem>>) src(%dma_wait3A_59 : memref<80xi32, #tpu.memory_space<hbm>>) dst(%arg19 : memref<80xi32, #tpu.memory_space<vmem>>)
    %dma_start3A_60 = arith.constant 0 : i32
    %dma_start3A_61 = arith.constant 0 : i32
    %dma_start3A_62 = tpu.memref_slice %arg2[%dma_start3A_60, %dma_start3A_61] : memref<10000x128xf32, #tpu.memory_space<hbm>> -> memref<10000x128xf32, #tpu.memory_space<hbm>>
    tpu.enqueue_indirect_dma source(%dma_start3A_62 : memref<10000x128xf32, #tpu.memory_space<hbm>>) target(%arg27 : memref<80x128xf32, #tpu.memory_space<vmem>>) offsets(%arg11 : memref<80xi32, #tpu.memory_space<vmem>>) semaphore(%arg42 : memref<!tpu.dma_semaphore, #tpu.memory_space<semaphore_mem>>)
    %add3A_63 = arith.constant 160 : i32
    %add3A_64 = arith.addi %mul3A_4, %add3A_63 : i32
    %dma_wait3A_65 = tpu.memref_slice %arg3[%add3A_64] : memref<320000xi32, #tpu.memory_space<hbm>> -> memref<80xi32, #tpu.memory_space<hbm>>
    %dma_wait3A_66 = tpu.memref_slice %arg3[%add3A_64] : memref<320000xi32, #tpu.memory_space<hbm>> -> memref<80xi32, #tpu.memory_space<hbm>>
    tpu.wait_dma2 semaphore(%arg35 : memref<!tpu.dma_semaphore, #tpu.memory_space<semaphore_mem>>) src(%dma_wait3A_66 : memref<80xi32, #tpu.memory_space<hbm>>) dst(%arg12 : memref<80xi32, #tpu.memory_space<vmem>>)
    %dma_wait3A_67 = tpu.memref_slice %arg4[%add3A_64] : memref<320000xi32, #tpu.memory_space<hbm>> -> memref<80xi32, #tpu.memory_space<hbm>>
    %dma_wait3A_68 = tpu.memref_slice %arg4[%add3A_64] : memref<320000xi32, #tpu.memory_space<hbm>> -> memref<80xi32, #tpu.memory_space<hbm>>
    tpu.wait_dma2 semaphore(%arg35 : memref<!tpu.dma_semaphore, #tpu.memory_space<semaphore_mem>>) src(%dma_wait3A_68 : memref<80xi32, #tpu.memory_space<hbm>>) dst(%arg20 : memref<80xi32, #tpu.memory_space<vmem>>)
    %dma_start3A_69 = arith.constant 0 : i32
    %dma_start3A_70 = arith.constant 0 : i32
    %dma_start3A_71 = tpu.memref_slice %arg2[%dma_start3A_69, %dma_start3A_70] : memref<10000x128xf32, #tpu.memory_space<hbm>> -> memref<10000x128xf32, #tpu.memory_space<hbm>>
    tpu.enqueue_indirect_dma source(%dma_start3A_71 : memref<10000x128xf32, #tpu.memory_space<hbm>>) target(%arg28 : memref<80x128xf32, #tpu.memory_space<vmem>>) offsets(%arg12 : memref<80xi32, #tpu.memory_space<vmem>>) semaphore(%arg43 : memref<!tpu.dma_semaphore, #tpu.memory_space<semaphore_mem>>)
    %scan3A = arith.constant 0 : i32
    %scan3A_72 = arith.constant 0 : i32
    %scan3A_73 = arith.constant 15 : i32
    %scan3A_74 = arith.addi %scan3A_72, %scan3A_73 : i32
    %scan3A_75 = arith.constant 1 : i32
    scf.for %scan3A_144 = %scan3A_72 to %scan3A_74 step %scan3A_75  : i32 {
      %mul3A_145 = arith.constant 8 : i32
      %mul3A_146 = arith.muli %scan3A_144, %mul3A_145 : i32
      %add3A_147 = arith.constant 0 : i32
      %add3A_148 = arith.addi %mul3A_146, %add3A_147 : i32
      %dma_wait3A_149 = arith.constant 0 : i32
      %dma_wait3A_150 = arith.constant 0 : i32
      %dma_wait3A_151 = tpu.memref_slice %arg2[%dma_wait3A_149, %dma_wait3A_150] : memref<10000x128xf32, #tpu.memory_space<hbm>> -> memref<10000x128xf32, #tpu.memory_space<hbm>>
      tpu.wait_indirect_dma semaphore(%arg41 : memref<!tpu.dma_semaphore, #tpu.memory_space<semaphore_mem>>) src(%dma_wait3A_151 : memref<10000x128xf32, #tpu.memory_space<hbm>>) dst(%arg26 : memref<80x128xf32, #tpu.memory_space<vmem>>)
      %ge3A = arith.constant 1 : i32
      %ge3A_152 = arith.cmpi sge, %add3A_148, %ge3A : i32
      %convert_element_type3A = arith.extui %ge3A_152 : i1 to i32
      %cond3A = arith.constant 0 : i32
      %cond3A_153 = arith.cmpi ne, %convert_element_type3A, %cond3A : i32
      scf.if %cond3A_153 {
        %dma_wait3A_388 = arith.constant 0 : i32
        %dma_wait3A_389 = arith.constant 0 : i32
        %dma_wait3A_390 = tpu.memref_slice %arg31[%dma_wait3A_388, %dma_wait3A_389] : memref<10240x128xf32, #tpu.memory_space<vmem_shared>> -> memref<10240x128xf32, #tpu.memory_space<vmem_shared>>
        tpu.wait_indirect_dma semaphore(%arg48 : memref<!tpu.dma_semaphore, #tpu.memory_space<semaphore_mem>>) src(%arg29 : memref<80x128xf32, #tpu.memory_space<vmem>>) dst(%dma_wait3A_390 : memref<10240x128xf32, #tpu.memory_space<vmem_shared>>)
      } else {
      }
      %dma_start3A_154 = arith.constant 0 : i32
      %dma_start3A_155 = arith.constant 0 : i32
      %dma_start3A_156 = tpu.memref_slice %arg31[%dma_start3A_154, %dma_start3A_155] : memref<10240x128xf32, #tpu.memory_space<vmem_shared>> -> memref<10240x128xf32, #tpu.memory_space<vmem_shared>>
      tpu.enqueue_indirect_dma source(%arg26 : memref<80x128xf32, #tpu.memory_space<vmem>>) target(%dma_start3A_156 : memref<10240x128xf32, #tpu.memory_space<vmem_shared>>) offsets(%arg18 : memref<80xi32, #tpu.memory_space<vmem>>) semaphore(%arg45 : memref<!tpu.dma_semaphore, #tpu.memory_space<semaphore_mem>>) {add = true}
      %add3A_157 = arith.constant 8 : i32
      %add3A_158 = arith.addi %add3A_148, %add3A_157 : i32
      %sub3A = arith.constant 1 : i32
      %sub3A_159 = arith.subi %add3A_158, %sub3A : i32
      %lt3A = arith.constant 125 : i32
      %lt3A_160 = arith.cmpi slt, %sub3A_159, %lt3A : i32
      %convert_element_type3A_161 = arith.extui %lt3A_160 : i1 to i32
      %cond3A_162 = arith.constant 0 : i32
      %cond3A_163 = arith.cmpi ne, %convert_element_type3A_161, %cond3A_162 : i32
      scf.if %cond3A_163 {
        %add3A_388 = arith.constant 8 : i32
        %add3A_389 = arith.addi %add3A_148, %add3A_388 : i32
        %sub3A_390 = arith.constant 1 : i32
        %sub3A_391 = arith.subi %add3A_389, %sub3A_390 : i32
        %mul3A_392 = arith.constant 80 : i32
        %mul3A_393 = arith.muli %sub3A_391, %mul3A_392 : i32
        %add3A_394 = arith.addi %mul3A_4, %mul3A_393 : i32
        %dma_start3A_395 = tpu.memref_slice %arg3[%add3A_394] : memref<320000xi32, #tpu.memory_space<hbm>> -> memref<80xi32, #tpu.memory_space<hbm>>
        %dma_start3A_396 = tpu.memref_slice %arg3[%add3A_394] : memref<320000xi32, #tpu.memory_space<hbm>> -> memref<80xi32, #tpu.memory_space<hbm>>
        tpu.enqueue_dma source(%dma_start3A_396 : memref<80xi32, #tpu.memory_space<hbm>>) target(%arg17 : memref<80xi32, #tpu.memory_space<vmem>>) target_semaphore(%arg40 : memref<!tpu.dma_semaphore, #tpu.memory_space<semaphore_mem>>)
        %dma_start3A_397 = tpu.memref_slice %arg4[%add3A_394] : memref<320000xi32, #tpu.memory_space<hbm>> -> memref<80xi32, #tpu.memory_space<hbm>>
        %dma_start3A_398 = tpu.memref_slice %arg4[%add3A_394] : memref<320000xi32, #tpu.memory_space<hbm>> -> memref<80xi32, #tpu.memory_space<hbm>>
        tpu.enqueue_dma source(%dma_start3A_398 : memref<80xi32, #tpu.memory_space<hbm>>) target(%arg25 : memref<80xi32, #tpu.memory_space<vmem>>) target_semaphore(%arg40 : memref<!tpu.dma_semaphore, #tpu.memory_space<semaphore_mem>>)
      } else {
      }
      %add3A_164 = arith.constant 3 : i32
      %add3A_165 = arith.addi %add3A_148, %add3A_164 : i32
      %lt3A_166 = arith.constant 125 : i32
      %lt3A_167 = arith.cmpi slt, %add3A_165, %lt3A_166 : i32
      %convert_element_type3A_168 = arith.extui %lt3A_167 : i1 to i32
      %cond3A_169 = arith.constant 0 : i32
      %cond3A_170 = arith.cmpi ne, %convert_element_type3A_168, %cond3A_169 : i32
      scf.if %cond3A_170 {
        %add3A_388 = arith.constant 3 : i32
        %add3A_389 = arith.addi %add3A_148, %add3A_388 : i32
        %mul3A_390 = arith.constant 80 : i32
        %mul3A_391 = arith.muli %add3A_389, %mul3A_390 : i32
        %add3A_392 = arith.addi %mul3A_4, %mul3A_391 : i32
        %dma_wait3A_393 = tpu.memref_slice %arg3[%add3A_392] : memref<320000xi32, #tpu.memory_space<hbm>> -> memref<80xi32, #tpu.memory_space<hbm>>
        %dma_wait3A_394 = tpu.memref_slice %arg3[%add3A_392] : memref<320000xi32, #tpu.memory_space<hbm>> -> memref<80xi32, #tpu.memory_space<hbm>>
        tpu.wait_dma2 semaphore(%arg36 : memref<!tpu.dma_semaphore, #tpu.memory_space<semaphore_mem>>) src(%dma_wait3A_394 : memref<80xi32, #tpu.memory_space<hbm>>) dst(%arg13 : memref<80xi32, #tpu.memory_space<vmem>>)
        %dma_wait3A_395 = tpu.memref_slice %arg4[%add3A_392] : memref<320000xi32, #tpu.memory_space<hbm>> -> memref<80xi32, #tpu.memory_space<hbm>>
        %dma_wait3A_396 = tpu.memref_slice %arg4[%add3A_392] : memref<320000xi32, #tpu.memory_space<hbm>> -> memref<80xi32, #tpu.memory_space<hbm>>
        tpu.wait_dma2 semaphore(%arg36 : memref<!tpu.dma_semaphore, #tpu.memory_space<semaphore_mem>>) src(%dma_wait3A_396 : memref<80xi32, #tpu.memory_space<hbm>>) dst(%arg21 : memref<80xi32, #tpu.memory_space<vmem>>)
        %dma_start3A_397 = arith.constant 0 : i32
        %dma_start3A_398 = arith.constant 0 : i32
        %dma_start3A_399 = tpu.memref_slice %arg2[%dma_start3A_397, %dma_start3A_398] : memref<10000x128xf32, #tpu.memory_space<hbm>> -> memref<10000x128xf32, #tpu.memory_space<hbm>>
        tpu.enqueue_indirect_dma source(%dma_start3A_399 : memref<10000x128xf32, #tpu.memory_space<hbm>>) target(%arg29 : memref<80x128xf32, #tpu.memory_space<vmem>>) offsets(%arg13 : memref<80xi32, #tpu.memory_space<vmem>>) semaphore(%arg44 : memref<!tpu.dma_semaphore, #tpu.memory_space<semaphore_mem>>)
      } else {
      }
      %mul3A_171 = arith.constant 8 : i32
      %mul3A_172 = arith.muli %scan3A_144, %mul3A_171 : i32
      %add3A_173 = arith.constant 1 : i32
      %add3A_174 = arith.addi %mul3A_172, %add3A_173 : i32
      %dma_wait3A_175 = arith.constant 0 : i32
      %dma_wait3A_176 = arith.constant 0 : i32
      %dma_wait3A_177 = tpu.memref_slice %arg2[%dma_wait3A_175, %dma_wait3A_176] : memref<10000x128xf32, #tpu.memory_space<hbm>> -> memref<10000x128xf32, #tpu.memory_space<hbm>>
      tpu.wait_indirect_dma semaphore(%arg42 : memref<!tpu.dma_semaphore, #tpu.memory_space<semaphore_mem>>) src(%dma_wait3A_177 : memref<10000x128xf32, #tpu.memory_space<hbm>>) dst(%arg27 : memref<80x128xf32, #tpu.memory_space<vmem>>)
      %ge3A_178 = arith.constant 1 : i32
      %ge3A_179 = arith.cmpi sge, %add3A_174, %ge3A_178 : i32
      %convert_element_type3A_180 = arith.extui %ge3A_179 : i1 to i32
      %cond3A_181 = arith.constant 0 : i32
      %cond3A_182 = arith.cmpi ne, %convert_element_type3A_180, %cond3A_181 : i32
      scf.if %cond3A_182 {
        %dma_wait3A_388 = arith.constant 0 : i32
        %dma_wait3A_389 = arith.constant 0 : i32
        %dma_wait3A_390 = tpu.memref_slice %arg31[%dma_wait3A_388, %dma_wait3A_389] : memref<10240x128xf32, #tpu.memory_space<vmem_shared>> -> memref<10240x128xf32, #tpu.memory_space<vmem_shared>>
        tpu.wait_indirect_dma semaphore(%arg45 : memref<!tpu.dma_semaphore, #tpu.memory_space<semaphore_mem>>) src(%arg26 : memref<80x128xf32, #tpu.memory_space<vmem>>) dst(%dma_wait3A_390 : memref<10240x128xf32, #tpu.memory_space<vmem_shared>>)
      } else {
      }
      %dma_start3A_183 = arith.constant 0 : i32
      %dma_start3A_184 = arith.constant 0 : i32
      %dma_start3A_185 = tpu.memref_slice %arg31[%dma_start3A_183, %dma_start3A_184] : memref<10240x128xf32, #tpu.memory_space<vmem_shared>> -> memref<10240x128xf32, #tpu.memory_space<vmem_shared>>
      tpu.enqueue_indirect_dma source(%arg27 : memref<80x128xf32, #tpu.memory_space<vmem>>) target(%dma_start3A_185 : memref<10240x128xf32, #tpu.memory_space<vmem_shared>>) offsets(%arg19 : memref<80xi32, #tpu.memory_space<vmem>>) semaphore(%arg46 : memref<!tpu.dma_semaphore, #tpu.memory_space<semaphore_mem>>) {add = true}
      %add3A_186 = arith.constant 8 : i32
      %add3A_187 = arith.addi %add3A_174, %add3A_186 : i32
      %sub3A_188 = arith.constant 1 : i32
      %sub3A_189 = arith.subi %add3A_187, %sub3A_188 : i32
      %lt3A_190 = arith.constant 125 : i32
      %lt3A_191 = arith.cmpi slt, %sub3A_189, %lt3A_190 : i32
      %convert_element_type3A_192 = arith.extui %lt3A_191 : i1 to i32
      %cond3A_193 = arith.constant 0 : i32
      %cond3A_194 = arith.cmpi ne, %convert_element_type3A_192, %cond3A_193 : i32
      scf.if %cond3A_194 {
        %add3A_388 = arith.constant 8 : i32
        %add3A_389 = arith.addi %add3A_174, %add3A_388 : i32
        %sub3A_390 = arith.constant 1 : i32
        %sub3A_391 = arith.subi %add3A_389, %sub3A_390 : i32
        %mul3A_392 = arith.constant 80 : i32
        %mul3A_393 = arith.muli %sub3A_391, %mul3A_392 : i32
        %add3A_394 = arith.addi %mul3A_4, %mul3A_393 : i32
        %dma_start3A_395 = tpu.memref_slice %arg3[%add3A_394] : memref<320000xi32, #tpu.memory_space<hbm>> -> memref<80xi32, #tpu.memory_space<hbm>>
        %dma_start3A_396 = tpu.memref_slice %arg3[%add3A_394] : memref<320000xi32, #tpu.memory_space<hbm>> -> memref<80xi32, #tpu.memory_space<hbm>>
        tpu.enqueue_dma source(%dma_start3A_396 : memref<80xi32, #tpu.memory_space<hbm>>) target(%arg10 : memref<80xi32, #tpu.memory_space<vmem>>) target_semaphore(%arg33 : memref<!tpu.dma_semaphore, #tpu.memory_space<semaphore_mem>>)
        %dma_start3A_397 = tpu.memref_slice %arg4[%add3A_394] : memref<320000xi32, #tpu.memory_space<hbm>> -> memref<80xi32, #tpu.memory_space<hbm>>
        %dma_start3A_398 = tpu.memref_slice %arg4[%add3A_394] : memref<320000xi32, #tpu.memory_space<hbm>> -> memref<80xi32, #tpu.memory_space<hbm>>
        tpu.enqueue_dma source(%dma_start3A_398 : memref<80xi32, #tpu.memory_space<hbm>>) target(%arg18 : memref<80xi32, #tpu.memory_space<vmem>>) target_semaphore(%arg33 : memref<!tpu.dma_semaphore, #tpu.memory_space<semaphore_mem>>)
      } else {
      }
      %add3A_195 = arith.constant 3 : i32
      %add3A_196 = arith.addi %add3A_174, %add3A_195 : i32
      %lt3A_197 = arith.constant 125 : i32
      %lt3A_198 = arith.cmpi slt, %add3A_196, %lt3A_197 : i32
      %convert_element_type3A_199 = arith.extui %lt3A_198 : i1 to i32
      %cond3A_200 = arith.constant 0 : i32
      %cond3A_201 = arith.cmpi ne, %convert_element_type3A_199, %cond3A_200 : i32
      scf.if %cond3A_201 {
        %add3A_388 = arith.constant 3 : i32
        %add3A_389 = arith.addi %add3A_174, %add3A_388 : i32
        %mul3A_390 = arith.constant 80 : i32
        %mul3A_391 = arith.muli %add3A_389, %mul3A_390 : i32
        %add3A_392 = arith.addi %mul3A_4, %mul3A_391 : i32
        %dma_wait3A_393 = tpu.memref_slice %arg3[%add3A_392] : memref<320000xi32, #tpu.memory_space<hbm>> -> memref<80xi32, #tpu.memory_space<hbm>>
        %dma_wait3A_394 = tpu.memref_slice %arg3[%add3A_392] : memref<320000xi32, #tpu.memory_space<hbm>> -> memref<80xi32, #tpu.memory_space<hbm>>
        tpu.wait_dma2 semaphore(%arg37 : memref<!tpu.dma_semaphore, #tpu.memory_space<semaphore_mem>>) src(%dma_wait3A_394 : memref<80xi32, #tpu.memory_space<hbm>>) dst(%arg14 : memref<80xi32, #tpu.memory_space<vmem>>)
        %dma_wait3A_395 = tpu.memref_slice %arg4[%add3A_392] : memref<320000xi32, #tpu.memory_space<hbm>> -> memref<80xi32, #tpu.memory_space<hbm>>
        %dma_wait3A_396 = tpu.memref_slice %arg4[%add3A_392] : memref<320000xi32, #tpu.memory_space<hbm>> -> memref<80xi32, #tpu.memory_space<hbm>>
        tpu.wait_dma2 semaphore(%arg37 : memref<!tpu.dma_semaphore, #tpu.memory_space<semaphore_mem>>) src(%dma_wait3A_396 : memref<80xi32, #tpu.memory_space<hbm>>) dst(%arg22 : memref<80xi32, #tpu.memory_space<vmem>>)
        %dma_start3A_397 = arith.constant 0 : i32
        %dma_start3A_398 = arith.constant 0 : i32
        %dma_start3A_399 = tpu.memref_slice %arg2[%dma_start3A_397, %dma_start3A_398] : memref<10000x128xf32, #tpu.memory_space<hbm>> -> memref<10000x128xf32, #tpu.memory_space<hbm>>
        tpu.enqueue_indirect_dma source(%dma_start3A_399 : memref<10000x128xf32, #tpu.memory_space<hbm>>) target(%arg26 : memref<80x128xf32, #tpu.memory_space<vmem>>) offsets(%arg14 : memref<80xi32, #tpu.memory_space<vmem>>) semaphore(%arg41 : memref<!tpu.dma_semaphore, #tpu.memory_space<semaphore_mem>>)
      } else {
      }
      %mul3A_202 = arith.constant 8 : i32
      %mul3A_203 = arith.muli %scan3A_144, %mul3A_202 : i32
      %add3A_204 = arith.constant 2 : i32
      %add3A_205 = arith.addi %mul3A_203, %add3A_204 : i32
      %dma_wait3A_206 = arith.constant 0 : i32
      %dma_wait3A_207 = arith.constant 0 : i32
      %dma_wait3A_208 = tpu.memref_slice %arg2[%dma_wait3A_206, %dma_wait3A_207] : memref<10000x128xf32, #tpu.memory_space<hbm>> -> memref<10000x128xf32, #tpu.memory_space<hbm>>
      tpu.wait_indirect_dma semaphore(%arg43 : memref<!tpu.dma_semaphore, #tpu.memory_space<semaphore_mem>>) src(%dma_wait3A_208 : memref<10000x128xf32, #tpu.memory_space<hbm>>) dst(%arg28 : memref<80x128xf32, #tpu.memory_space<vmem>>)
      %ge3A_209 = arith.constant 1 : i32
      %ge3A_210 = arith.cmpi sge, %add3A_205, %ge3A_209 : i32
      %convert_element_type3A_211 = arith.extui %ge3A_210 : i1 to i32
      %cond3A_212 = arith.constant 0 : i32
      %cond3A_213 = arith.cmpi ne, %convert_element_type3A_211, %cond3A_212 : i32
      scf.if %cond3A_213 {
        %dma_wait3A_388 = arith.constant 0 : i32
        %dma_wait3A_389 = arith.constant 0 : i32
        %dma_wait3A_390 = tpu.memref_slice %arg31[%dma_wait3A_388, %dma_wait3A_389] : memref<10240x128xf32, #tpu.memory_space<vmem_shared>> -> memref<10240x128xf32, #tpu.memory_space<vmem_shared>>
        tpu.wait_indirect_dma semaphore(%arg46 : memref<!tpu.dma_semaphore, #tpu.memory_space<semaphore_mem>>) src(%arg27 : memref<80x128xf32, #tpu.memory_space<vmem>>) dst(%dma_wait3A_390 : memref<10240x128xf32, #tpu.memory_space<vmem_shared>>)
      } else {
      }
      %dma_start3A_214 = arith.constant 0 : i32
      %dma_start3A_215 = arith.constant 0 : i32
      %dma_start3A_216 = tpu.memref_slice %arg31[%dma_start3A_214, %dma_start3A_215] : memref<10240x128xf32, #tpu.memory_space<vmem_shared>> -> memref<10240x128xf32, #tpu.memory_space<vmem_shared>>
      tpu.enqueue_indirect_dma source(%arg28 : memref<80x128xf32, #tpu.memory_space<vmem>>) target(%dma_start3A_216 : memref<10240x128xf32, #tpu.memory_space<vmem_shared>>) offsets(%arg20 : memref<80xi32, #tpu.memory_space<vmem>>) semaphore(%arg47 : memref<!tpu.dma_semaphore, #tpu.memory_space<semaphore_mem>>) {add = true}
      %add3A_217 = arith.constant 8 : i32
      %add3A_218 = arith.addi %add3A_205, %add3A_217 : i32
      %sub3A_219 = arith.constant 1 : i32
      %sub3A_220 = arith.subi %add3A_218, %sub3A_219 : i32
      %lt3A_221 = arith.constant 125 : i32
      %lt3A_222 = arith.cmpi slt, %sub3A_220, %lt3A_221 : i32
      %convert_element_type3A_223 = arith.extui %lt3A_222 : i1 to i32
      %cond3A_224 = arith.constant 0 : i32
      %cond3A_225 = arith.cmpi ne, %convert_element_type3A_223, %cond3A_224 : i32
      scf.if %cond3A_225 {
        %add3A_388 = arith.constant 8 : i32
        %add3A_389 = arith.addi %add3A_205, %add3A_388 : i32
        %sub3A_390 = arith.constant 1 : i32
        %sub3A_391 = arith.subi %add3A_389, %sub3A_390 : i32
        %mul3A_392 = arith.constant 80 : i32
        %mul3A_393 = arith.muli %sub3A_391, %mul3A_392 : i32
        %add3A_394 = arith.addi %mul3A_4, %mul3A_393 : i32
        %dma_start3A_395 = tpu.memref_slice %arg3[%add3A_394] : memref<320000xi32, #tpu.memory_space<hbm>> -> memref<80xi32, #tpu.memory_space<hbm>>
        %dma_start3A_396 = tpu.memref_slice %arg3[%add3A_394] : memref<320000xi32, #tpu.memory_space<hbm>> -> memref<80xi32, #tpu.memory_space<hbm>>
        tpu.enqueue_dma source(%dma_start3A_396 : memref<80xi32, #tpu.memory_space<hbm>>) target(%arg11 : memref<80xi32, #tpu.memory_space<vmem>>) target_semaphore(%arg34 : memref<!tpu.dma_semaphore, #tpu.memory_space<semaphore_mem>>)
        %dma_start3A_397 = tpu.memref_slice %arg4[%add3A_394] : memref<320000xi32, #tpu.memory_space<hbm>> -> memref<80xi32, #tpu.memory_space<hbm>>
        %dma_start3A_398 = tpu.memref_slice %arg4[%add3A_394] : memref<320000xi32, #tpu.memory_space<hbm>> -> memref<80xi32, #tpu.memory_space<hbm>>
        tpu.enqueue_dma source(%dma_start3A_398 : memref<80xi32, #tpu.memory_space<hbm>>) target(%arg19 : memref<80xi32, #tpu.memory_space<vmem>>) target_semaphore(%arg34 : memref<!tpu.dma_semaphore, #tpu.memory_space<semaphore_mem>>)
      } else {
      }
      %add3A_226 = arith.constant 3 : i32
      %add3A_227 = arith.addi %add3A_205, %add3A_226 : i32
      %lt3A_228 = arith.constant 125 : i32
      %lt3A_229 = arith.cmpi slt, %add3A_227, %lt3A_228 : i32
      %convert_element_type3A_230 = arith.extui %lt3A_229 : i1 to i32
      %cond3A_231 = arith.constant 0 : i32
      %cond3A_232 = arith.cmpi ne, %convert_element_type3A_230, %cond3A_231 : i32
      scf.if %cond3A_232 {
        %add3A_388 = arith.constant 3 : i32
        %add3A_389 = arith.addi %add3A_205, %add3A_388 : i32
        %mul3A_390 = arith.constant 80 : i32
        %mul3A_391 = arith.muli %add3A_389, %mul3A_390 : i32
        %add3A_392 = arith.addi %mul3A_4, %mul3A_391 : i32
        %dma_wait3A_393 = tpu.memref_slice %arg3[%add3A_392] : memref<320000xi32, #tpu.memory_space<hbm>> -> memref<80xi32, #tpu.memory_space<hbm>>
        %dma_wait3A_394 = tpu.memref_slice %arg3[%add3A_392] : memref<320000xi32, #tpu.memory_space<hbm>> -> memref<80xi32, #tpu.memory_space<hbm>>
        tpu.wait_dma2 semaphore(%arg38 : memref<!tpu.dma_semaphore, #tpu.memory_space<semaphore_mem>>) src(%dma_wait3A_394 : memref<80xi32, #tpu.memory_space<hbm>>) dst(%arg15 : memref<80xi32, #tpu.memory_space<vmem>>)
        %dma_wait3A_395 = tpu.memref_slice %arg4[%add3A_392] : memref<320000xi32, #tpu.memory_space<hbm>> -> memref<80xi32, #tpu.memory_space<hbm>>
        %dma_wait3A_396 = tpu.memref_slice %arg4[%add3A_392] : memref<320000xi32, #tpu.memory_space<hbm>> -> memref<80xi32, #tpu.memory_space<hbm>>
        tpu.wait_dma2 semaphore(%arg38 : memref<!tpu.dma_semaphore, #tpu.memory_space<semaphore_mem>>) src(%dma_wait3A_396 : memref<80xi32, #tpu.memory_space<hbm>>) dst(%arg23 : memref<80xi32, #tpu.memory_space<vmem>>)
        %dma_start3A_397 = arith.constant 0 : i32
        %dma_start3A_398 = arith.constant 0 : i32
        %dma_start3A_399 = tpu.memref_slice %arg2[%dma_start3A_397, %dma_start3A_398] : memref<10000x128xf32, #tpu.memory_space<hbm>> -> memref<10000x128xf32, #tpu.memory_space<hbm>>
        tpu.enqueue_indirect_dma source(%dma_start3A_399 : memref<10000x128xf32, #tpu.memory_space<hbm>>) target(%arg27 : memref<80x128xf32, #tpu.memory_space<vmem>>) offsets(%arg15 : memref<80xi32, #tpu.memory_space<vmem>>) semaphore(%arg42 : memref<!tpu.dma_semaphore, #tpu.memory_space<semaphore_mem>>)
      } else {
      }
      %mul3A_233 = arith.constant 8 : i32
      %mul3A_234 = arith.muli %scan3A_144, %mul3A_233 : i32
      %add3A_235 = arith.constant 3 : i32
      %add3A_236 = arith.addi %mul3A_234, %add3A_235 : i32
      %dma_wait3A_237 = arith.constant 0 : i32
      %dma_wait3A_238 = arith.constant 0 : i32
      %dma_wait3A_239 = tpu.memref_slice %arg2[%dma_wait3A_237, %dma_wait3A_238] : memref<10000x128xf32, #tpu.memory_space<hbm>> -> memref<10000x128xf32, #tpu.memory_space<hbm>>
      tpu.wait_indirect_dma semaphore(%arg44 : memref<!tpu.dma_semaphore, #tpu.memory_space<semaphore_mem>>) src(%dma_wait3A_239 : memref<10000x128xf32, #tpu.memory_space<hbm>>) dst(%arg29 : memref<80x128xf32, #tpu.memory_space<vmem>>)
      %ge3A_240 = arith.constant 1 : i32
      %ge3A_241 = arith.cmpi sge, %add3A_236, %ge3A_240 : i32
      %convert_element_type3A_242 = arith.extui %ge3A_241 : i1 to i32
      %cond3A_243 = arith.constant 0 : i32
      %cond3A_244 = arith.cmpi ne, %convert_element_type3A_242, %cond3A_243 : i32
      scf.if %cond3A_244 {
        %dma_wait3A_388 = arith.constant 0 : i32
        %dma_wait3A_389 = arith.constant 0 : i32
        %dma_wait3A_390 = tpu.memref_slice %arg31[%dma_wait3A_388, %dma_wait3A_389] : memref<10240x128xf32, #tpu.memory_space<vmem_shared>> -> memref<10240x128xf32, #tpu.memory_space<vmem_shared>>
        tpu.wait_indirect_dma semaphore(%arg47 : memref<!tpu.dma_semaphore, #tpu.memory_space<semaphore_mem>>) src(%arg28 : memref<80x128xf32, #tpu.memory_space<vmem>>) dst(%dma_wait3A_390 : memref<10240x128xf32, #tpu.memory_space<vmem_shared>>)
      } else {
      }
      %dma_start3A_245 = arith.constant 0 : i32
      %dma_start3A_246 = arith.constant 0 : i32
      %dma_start3A_247 = tpu.memref_slice %arg31[%dma_start3A_245, %dma_start3A_246] : memref<10240x128xf32, #tpu.memory_space<vmem_shared>> -> memref<10240x128xf32, #tpu.memory_space<vmem_shared>>
      tpu.enqueue_indirect_dma source(%arg29 : memref<80x128xf32, #tpu.memory_space<vmem>>) target(%dma_start3A_247 : memref<10240x128xf32, #tpu.memory_space<vmem_shared>>) offsets(%arg21 : memref<80xi32, #tpu.memory_space<vmem>>) semaphore(%arg48 : memref<!tpu.dma_semaphore, #tpu.memory_space<semaphore_mem>>) {add = true}
      %add3A_248 = arith.constant 8 : i32
      %add3A_249 = arith.addi %add3A_236, %add3A_248 : i32
      %sub3A_250 = arith.constant 1 : i32
      %sub3A_251 = arith.subi %add3A_249, %sub3A_250 : i32
      %lt3A_252 = arith.constant 125 : i32
      %lt3A_253 = arith.cmpi slt, %sub3A_251, %lt3A_252 : i32
      %convert_element_type3A_254 = arith.extui %lt3A_253 : i1 to i32
      %cond3A_255 = arith.constant 0 : i32
      %cond3A_256 = arith.cmpi ne, %convert_element_type3A_254, %cond3A_255 : i32
      scf.if %cond3A_256 {
        %add3A_388 = arith.constant 8 : i32
        %add3A_389 = arith.addi %add3A_236, %add3A_388 : i32
        %sub3A_390 = arith.constant 1 : i32
        %sub3A_391 = arith.subi %add3A_389, %sub3A_390 : i32
        %mul3A_392 = arith.constant 80 : i32
        %mul3A_393 = arith.muli %sub3A_391, %mul3A_392 : i32
        %add3A_394 = arith.addi %mul3A_4, %mul3A_393 : i32
        %dma_start3A_395 = tpu.memref_slice %arg3[%add3A_394] : memref<320000xi32, #tpu.memory_space<hbm>> -> memref<80xi32, #tpu.memory_space<hbm>>
        %dma_start3A_396 = tpu.memref_slice %arg3[%add3A_394] : memref<320000xi32, #tpu.memory_space<hbm>> -> memref<80xi32, #tpu.memory_space<hbm>>
        tpu.enqueue_dma source(%dma_start3A_396 : memref<80xi32, #tpu.memory_space<hbm>>) target(%arg12 : memref<80xi32, #tpu.memory_space<vmem>>) target_semaphore(%arg35 : memref<!tpu.dma_semaphore, #tpu.memory_space<semaphore_mem>>)
        %dma_start3A_397 = tpu.memref_slice %arg4[%add3A_394] : memref<320000xi32, #tpu.memory_space<hbm>> -> memref<80xi32, #tpu.memory_space<hbm>>
        %dma_start3A_398 = tpu.memref_slice %arg4[%add3A_394] : memref<320000xi32, #tpu.memory_space<hbm>> -> memref<80xi32, #tpu.memory_space<hbm>>
        tpu.enqueue_dma source(%dma_start3A_398 : memref<80xi32, #tpu.memory_space<hbm>>) target(%arg20 : memref<80xi32, #tpu.memory_space<vmem>>) target_semaphore(%arg35 : memref<!tpu.dma_semaphore, #tpu.memory_space<semaphore_mem>>)
      } else {
      }
      %add3A_257 = arith.constant 3 : i32
      %add3A_258 = arith.addi %add3A_236, %add3A_257 : i32
      %lt3A_259 = arith.constant 125 : i32
      %lt3A_260 = arith.cmpi slt, %add3A_258, %lt3A_259 : i32
      %convert_element_type3A_261 = arith.extui %lt3A_260 : i1 to i32
      %cond3A_262 = arith.constant 0 : i32
      %cond3A_263 = arith.cmpi ne, %convert_element_type3A_261, %cond3A_262 : i32
      scf.if %cond3A_263 {
        %add3A_388 = arith.constant 3 : i32
        %add3A_389 = arith.addi %add3A_236, %add3A_388 : i32
        %mul3A_390 = arith.constant 80 : i32
        %mul3A_391 = arith.muli %add3A_389, %mul3A_390 : i32
        %add3A_392 = arith.addi %mul3A_4, %mul3A_391 : i32
        %dma_wait3A_393 = tpu.memref_slice %arg3[%add3A_392] : memref<320000xi32, #tpu.memory_space<hbm>> -> memref<80xi32, #tpu.memory_space<hbm>>
        %dma_wait3A_394 = tpu.memref_slice %arg3[%add3A_392] : memref<320000xi32, #tpu.memory_space<hbm>> -> memref<80xi32, #tpu.memory_space<hbm>>
        tpu.wait_dma2 semaphore(%arg39 : memref<!tpu.dma_semaphore, #tpu.memory_space<semaphore_mem>>) src(%dma_wait3A_394 : memref<80xi32, #tpu.memory_space<hbm>>) dst(%arg16 : memref<80xi32, #tpu.memory_space<vmem>>)
        %dma_wait3A_395 = tpu.memref_slice %arg4[%add3A_392] : memref<320000xi32, #tpu.memory_space<hbm>> -> memref<80xi32, #tpu.memory_space<hbm>>
        %dma_wait3A_396 = tpu.memref_slice %arg4[%add3A_392] : memref<320000xi32, #tpu.memory_space<hbm>> -> memref<80xi32, #tpu.memory_space<hbm>>
        tpu.wait_dma2 semaphore(%arg39 : memref<!tpu.dma_semaphore, #tpu.memory_space<semaphore_mem>>) src(%dma_wait3A_396 : memref<80xi32, #tpu.memory_space<hbm>>) dst(%arg24 : memref<80xi32, #tpu.memory_space<vmem>>)
        %dma_start3A_397 = arith.constant 0 : i32
        %dma_start3A_398 = arith.constant 0 : i32
        %dma_start3A_399 = tpu.memref_slice %arg2[%dma_start3A_397, %dma_start3A_398] : memref<10000x128xf32, #tpu.memory_space<hbm>> -> memref<10000x128xf32, #tpu.memory_space<hbm>>
        tpu.enqueue_indirect_dma source(%dma_start3A_399 : memref<10000x128xf32, #tpu.memory_space<hbm>>) target(%arg28 : memref<80x128xf32, #tpu.memory_space<vmem>>) offsets(%arg16 : memref<80xi32, #tpu.memory_space<vmem>>) semaphore(%arg43 : memref<!tpu.dma_semaphore, #tpu.memory_space<semaphore_mem>>)
      } else {
      }
      %mul3A_264 = arith.constant 8 : i32
      %mul3A_265 = arith.muli %scan3A_144, %mul3A_264 : i32
      %add3A_266 = arith.constant 4 : i32
      %add3A_267 = arith.addi %mul3A_265, %add3A_266 : i32
      %dma_wait3A_268 = arith.constant 0 : i32
      %dma_wait3A_269 = arith.constant 0 : i32
      %dma_wait3A_270 = tpu.memref_slice %arg2[%dma_wait3A_268, %dma_wait3A_269] : memref<10000x128xf32, #tpu.memory_space<hbm>> -> memref<10000x128xf32, #tpu.memory_space<hbm>>
      tpu.wait_indirect_dma semaphore(%arg41 : memref<!tpu.dma_semaphore, #tpu.memory_space<semaphore_mem>>) src(%dma_wait3A_270 : memref<10000x128xf32, #tpu.memory_space<hbm>>) dst(%arg26 : memref<80x128xf32, #tpu.memory_space<vmem>>)
      %ge3A_271 = arith.constant 1 : i32
      %ge3A_272 = arith.cmpi sge, %add3A_267, %ge3A_271 : i32
      %convert_element_type3A_273 = arith.extui %ge3A_272 : i1 to i32
      %cond3A_274 = arith.constant 0 : i32
      %cond3A_275 = arith.cmpi ne, %convert_element_type3A_273, %cond3A_274 : i32
      scf.if %cond3A_275 {
        %dma_wait3A_388 = arith.constant 0 : i32
        %dma_wait3A_389 = arith.constant 0 : i32
        %dma_wait3A_390 = tpu.memref_slice %arg31[%dma_wait3A_388, %dma_wait3A_389] : memref<10240x128xf32, #tpu.memory_space<vmem_shared>> -> memref<10240x128xf32, #tpu.memory_space<vmem_shared>>
        tpu.wait_indirect_dma semaphore(%arg48 : memref<!tpu.dma_semaphore, #tpu.memory_space<semaphore_mem>>) src(%arg29 : memref<80x128xf32, #tpu.memory_space<vmem>>) dst(%dma_wait3A_390 : memref<10240x128xf32, #tpu.memory_space<vmem_shared>>)
      } else {
      }
      %dma_start3A_276 = arith.constant 0 : i32
      %dma_start3A_277 = arith.constant 0 : i32
      %dma_start3A_278 = tpu.memref_slice %arg31[%dma_start3A_276, %dma_start3A_277] : memref<10240x128xf32, #tpu.memory_space<vmem_shared>> -> memref<10240x128xf32, #tpu.memory_space<vmem_shared>>
      tpu.enqueue_indirect_dma source(%arg26 : memref<80x128xf32, #tpu.memory_space<vmem>>) target(%dma_start3A_278 : memref<10240x128xf32, #tpu.memory_space<vmem_shared>>) offsets(%arg22 : memref<80xi32, #tpu.memory_space<vmem>>) semaphore(%arg45 : memref<!tpu.dma_semaphore, #tpu.memory_space<semaphore_mem>>) {add = true}
      %add3A_279 = arith.constant 8 : i32
      %add3A_280 = arith.addi %add3A_267, %add3A_279 : i32
      %sub3A_281 = arith.constant 1 : i32
      %sub3A_282 = arith.subi %add3A_280, %sub3A_281 : i32
      %lt3A_283 = arith.constant 125 : i32
      %lt3A_284 = arith.cmpi slt, %sub3A_282, %lt3A_283 : i32
      %convert_element_type3A_285 = arith.extui %lt3A_284 : i1 to i32
      %cond3A_286 = arith.constant 0 : i32
      %cond3A_287 = arith.cmpi ne, %convert_element_type3A_285, %cond3A_286 : i32
      scf.if %cond3A_287 {
        %add3A_388 = arith.constant 8 : i32
        %add3A_389 = arith.addi %add3A_267, %add3A_388 : i32
        %sub3A_390 = arith.constant 1 : i32
        %sub3A_391 = arith.subi %add3A_389, %sub3A_390 : i32
        %mul3A_392 = arith.constant 80 : i32
        %mul3A_393 = arith.muli %sub3A_391, %mul3A_392 : i32
        %add3A_394 = arith.addi %mul3A_4, %mul3A_393 : i32
        %dma_start3A_395 = tpu.memref_slice %arg3[%add3A_394] : memref<320000xi32, #tpu.memory_space<hbm>> -> memref<80xi32, #tpu.memory_space<hbm>>
        %dma_start3A_396 = tpu.memref_slice %arg3[%add3A_394] : memref<320000xi32, #tpu.memory_space<hbm>> -> memref<80xi32, #tpu.memory_space<hbm>>
        tpu.enqueue_dma source(%dma_start3A_396 : memref<80xi32, #tpu.memory_space<hbm>>) target(%arg13 : memref<80xi32, #tpu.memory_space<vmem>>) target_semaphore(%arg36 : memref<!tpu.dma_semaphore, #tpu.memory_space<semaphore_mem>>)
        %dma_start3A_397 = tpu.memref_slice %arg4[%add3A_394] : memref<320000xi32, #tpu.memory_space<hbm>> -> memref<80xi32, #tpu.memory_space<hbm>>
        %dma_start3A_398 = tpu.memref_slice %arg4[%add3A_394] : memref<320000xi32, #tpu.memory_space<hbm>> -> memref<80xi32, #tpu.memory_space<hbm>>
        tpu.enqueue_dma source(%dma_start3A_398 : memref<80xi32, #tpu.memory_space<hbm>>) target(%arg21 : memref<80xi32, #tpu.memory_space<vmem>>) target_semaphore(%arg36 : memref<!tpu.dma_semaphore, #tpu.memory_space<semaphore_mem>>)
      } else {
      }
      %add3A_288 = arith.constant 3 : i32
      %add3A_289 = arith.addi %add3A_267, %add3A_288 : i32
      %lt3A_290 = arith.constant 125 : i32
      %lt3A_291 = arith.cmpi slt, %add3A_289, %lt3A_290 : i32
      %convert_element_type3A_292 = arith.extui %lt3A_291 : i1 to i32
      %cond3A_293 = arith.constant 0 : i32
      %cond3A_294 = arith.cmpi ne, %convert_element_type3A_292, %cond3A_293 : i32
      scf.if %cond3A_294 {
        %add3A_388 = arith.constant 3 : i32
        %add3A_389 = arith.addi %add3A_267, %add3A_388 : i32
        %mul3A_390 = arith.constant 80 : i32
        %mul3A_391 = arith.muli %add3A_389, %mul3A_390 : i32
        %add3A_392 = arith.addi %mul3A_4, %mul3A_391 : i32
        %dma_wait3A_393 = tpu.memref_slice %arg3[%add3A_392] : memref<320000xi32, #tpu.memory_space<hbm>> -> memref<80xi32, #tpu.memory_space<hbm>>
        %dma_wait3A_394 = tpu.memref_slice %arg3[%add3A_392] : memref<320000xi32, #tpu.memory_space<hbm>> -> memref<80xi32, #tpu.memory_space<hbm>>
        tpu.wait_dma2 semaphore(%arg40 : memref<!tpu.dma_semaphore, #tpu.memory_space<semaphore_mem>>) src(%dma_wait3A_394 : memref<80xi32, #tpu.memory_space<hbm>>) dst(%arg17 : memref<80xi32, #tpu.memory_space<vmem>>)
        %dma_wait3A_395 = tpu.memref_slice %arg4[%add3A_392] : memref<320000xi32, #tpu.memory_space<hbm>> -> memref<80xi32, #tpu.memory_space<hbm>>
        %dma_wait3A_396 = tpu.memref_slice %arg4[%add3A_392] : memref<320000xi32, #tpu.memory_space<hbm>> -> memref<80xi32, #tpu.memory_space<hbm>>
        tpu.wait_dma2 semaphore(%arg40 : memref<!tpu.dma_semaphore, #tpu.memory_space<semaphore_mem>>) src(%dma_wait3A_396 : memref<80xi32, #tpu.memory_space<hbm>>) dst(%arg25 : memref<80xi32, #tpu.memory_space<vmem>>)
        %dma_start3A_397 = arith.constant 0 : i32
        %dma_start3A_398 = arith.constant 0 : i32
        %dma_start3A_399 = tpu.memref_slice %arg2[%dma_start3A_397, %dma_start3A_398] : memref<10000x128xf32, #tpu.memory_space<hbm>> -> memref<10000x128xf32, #tpu.memory_space<hbm>>
        tpu.enqueue_indirect_dma source(%dma_start3A_399 : memref<10000x128xf32, #tpu.memory_space<hbm>>) target(%arg29 : memref<80x128xf32, #tpu.memory_space<vmem>>) offsets(%arg17 : memref<80xi32, #tpu.memory_space<vmem>>) semaphore(%arg44 : memref<!tpu.dma_semaphore, #tpu.memory_space<semaphore_mem>>)
      } else {
      }
      %mul3A_295 = arith.constant 8 : i32
      %mul3A_296 = arith.muli %scan3A_144, %mul3A_295 : i32
      %add3A_297 = arith.constant 5 : i32
      %add3A_298 = arith.addi %mul3A_296, %add3A_297 : i32
      %dma_wait3A_299 = arith.constant 0 : i32
      %dma_wait3A_300 = arith.constant 0 : i32
      %dma_wait3A_301 = tpu.memref_slice %arg2[%dma_wait3A_299, %dma_wait3A_300] : memref<10000x128xf32, #tpu.memory_space<hbm>> -> memref<10000x128xf32, #tpu.memory_space<hbm>>
      tpu.wait_indirect_dma semaphore(%arg42 : memref<!tpu.dma_semaphore, #tpu.memory_space<semaphore_mem>>) src(%dma_wait3A_301 : memref<10000x128xf32, #tpu.memory_space<hbm>>) dst(%arg27 : memref<80x128xf32, #tpu.memory_space<vmem>>)
      %ge3A_302 = arith.constant 1 : i32
      %ge3A_303 = arith.cmpi sge, %add3A_298, %ge3A_302 : i32
      %convert_element_type3A_304 = arith.extui %ge3A_303 : i1 to i32
      %cond3A_305 = arith.constant 0 : i32
      %cond3A_306 = arith.cmpi ne, %convert_element_type3A_304, %cond3A_305 : i32
      scf.if %cond3A_306 {
        %dma_wait3A_388 = arith.constant 0 : i32
        %dma_wait3A_389 = arith.constant 0 : i32
        %dma_wait3A_390 = tpu.memref_slice %arg31[%dma_wait3A_388, %dma_wait3A_389] : memref<10240x128xf32, #tpu.memory_space<vmem_shared>> -> memref<10240x128xf32, #tpu.memory_space<vmem_shared>>
        tpu.wait_indirect_dma semaphore(%arg45 : memref<!tpu.dma_semaphore, #tpu.memory_space<semaphore_mem>>) src(%arg26 : memref<80x128xf32, #tpu.memory_space<vmem>>) dst(%dma_wait3A_390 : memref<10240x128xf32, #tpu.memory_space<vmem_shared>>)
      } else {
      }
      %dma_start3A_307 = arith.constant 0 : i32
      %dma_start3A_308 = arith.constant 0 : i32
      %dma_start3A_309 = tpu.memref_slice %arg31[%dma_start3A_307, %dma_start3A_308] : memref<10240x128xf32, #tpu.memory_space<vmem_shared>> -> memref<10240x128xf32, #tpu.memory_space<vmem_shared>>
      tpu.enqueue_indirect_dma source(%arg27 : memref<80x128xf32, #tpu.memory_space<vmem>>) target(%dma_start3A_309 : memref<10240x128xf32, #tpu.memory_space<vmem_shared>>) offsets(%arg23 : memref<80xi32, #tpu.memory_space<vmem>>) semaphore(%arg46 : memref<!tpu.dma_semaphore, #tpu.memory_space<semaphore_mem>>) {add = true}
      %add3A_310 = arith.constant 8 : i32
      %add3A_311 = arith.addi %add3A_298, %add3A_310 : i32
      %sub3A_312 = arith.constant 1 : i32
      %sub3A_313 = arith.subi %add3A_311, %sub3A_312 : i32
      %lt3A_314 = arith.constant 125 : i32
      %lt3A_315 = arith.cmpi slt, %sub3A_313, %lt3A_314 : i32
      %convert_element_type3A_316 = arith.extui %lt3A_315 : i1 to i32
      %cond3A_317 = arith.constant 0 : i32
      %cond3A_318 = arith.cmpi ne, %convert_element_type3A_316, %cond3A_317 : i32
      scf.if %cond3A_318 {
        %add3A_388 = arith.constant 8 : i32
        %add3A_389 = arith.addi %add3A_298, %add3A_388 : i32
        %sub3A_390 = arith.constant 1 : i32
        %sub3A_391 = arith.subi %add3A_389, %sub3A_390 : i32
        %mul3A_392 = arith.constant 80 : i32
        %mul3A_393 = arith.muli %sub3A_391, %mul3A_392 : i32
        %add3A_394 = arith.addi %mul3A_4, %mul3A_393 : i32
        %dma_start3A_395 = tpu.memref_slice %arg3[%add3A_394] : memref<320000xi32, #tpu.memory_space<hbm>> -> memref<80xi32, #tpu.memory_space<hbm>>
        %dma_start3A_396 = tpu.memref_slice %arg3[%add3A_394] : memref<320000xi32, #tpu.memory_space<hbm>> -> memref<80xi32, #tpu.memory_space<hbm>>
        tpu.enqueue_dma source(%dma_start3A_396 : memref<80xi32, #tpu.memory_space<hbm>>) target(%arg14 : memref<80xi32, #tpu.memory_space<vmem>>) target_semaphore(%arg37 : memref<!tpu.dma_semaphore, #tpu.memory_space<semaphore_mem>>)
        %dma_start3A_397 = tpu.memref_slice %arg4[%add3A_394] : memref<320000xi32, #tpu.memory_space<hbm>> -> memref<80xi32, #tpu.memory_space<hbm>>
        %dma_start3A_398 = tpu.memref_slice %arg4[%add3A_394] : memref<320000xi32, #tpu.memory_space<hbm>> -> memref<80xi32, #tpu.memory_space<hbm>>
        tpu.enqueue_dma source(%dma_start3A_398 : memref<80xi32, #tpu.memory_space<hbm>>) target(%arg22 : memref<80xi32, #tpu.memory_space<vmem>>) target_semaphore(%arg37 : memref<!tpu.dma_semaphore, #tpu.memory_space<semaphore_mem>>)
      } else {
      }
      %add3A_319 = arith.constant 3 : i32
      %add3A_320 = arith.addi %add3A_298, %add3A_319 : i32
      %lt3A_321 = arith.constant 125 : i32
      %lt3A_322 = arith.cmpi slt, %add3A_320, %lt3A_321 : i32
      %convert_element_type3A_323 = arith.extui %lt3A_322 : i1 to i32
      %cond3A_324 = arith.constant 0 : i32
      %cond3A_325 = arith.cmpi ne, %convert_element_type3A_323, %cond3A_324 : i32
      scf.if %cond3A_325 {
        %add3A_388 = arith.constant 3 : i32
        %add3A_389 = arith.addi %add3A_298, %add3A_388 : i32
        %mul3A_390 = arith.constant 80 : i32
        %mul3A_391 = arith.muli %add3A_389, %mul3A_390 : i32
        %add3A_392 = arith.addi %mul3A_4, %mul3A_391 : i32
        %dma_wait3A_393 = tpu.memref_slice %arg3[%add3A_392] : memref<320000xi32, #tpu.memory_space<hbm>> -> memref<80xi32, #tpu.memory_space<hbm>>
        %dma_wait3A_394 = tpu.memref_slice %arg3[%add3A_392] : memref<320000xi32, #tpu.memory_space<hbm>> -> memref<80xi32, #tpu.memory_space<hbm>>
        tpu.wait_dma2 semaphore(%arg33 : memref<!tpu.dma_semaphore, #tpu.memory_space<semaphore_mem>>) src(%dma_wait3A_394 : memref<80xi32, #tpu.memory_space<hbm>>) dst(%arg10 : memref<80xi32, #tpu.memory_space<vmem>>)
        %dma_wait3A_395 = tpu.memref_slice %arg4[%add3A_392] : memref<320000xi32, #tpu.memory_space<hbm>> -> memref<80xi32, #tpu.memory_space<hbm>>
        %dma_wait3A_396 = tpu.memref_slice %arg4[%add3A_392] : memref<320000xi32, #tpu.memory_space<hbm>> -> memref<80xi32, #tpu.memory_space<hbm>>
        tpu.wait_dma2 semaphore(%arg33 : memref<!tpu.dma_semaphore, #tpu.memory_space<semaphore_mem>>) src(%dma_wait3A_396 : memref<80xi32, #tpu.memory_space<hbm>>) dst(%arg18 : memref<80xi32, #tpu.memory_space<vmem>>)
        %dma_start3A_397 = arith.constant 0 : i32
        %dma_start3A_398 = arith.constant 0 : i32
        %dma_start3A_399 = tpu.memref_slice %arg2[%dma_start3A_397, %dma_start3A_398] : memref<10000x128xf32, #tpu.memory_space<hbm>> -> memref<10000x128xf32, #tpu.memory_space<hbm>>
        tpu.enqueue_indirect_dma source(%dma_start3A_399 : memref<10000x128xf32, #tpu.memory_space<hbm>>) target(%arg26 : memref<80x128xf32, #tpu.memory_space<vmem>>) offsets(%arg10 : memref<80xi32, #tpu.memory_space<vmem>>) semaphore(%arg41 : memref<!tpu.dma_semaphore, #tpu.memory_space<semaphore_mem>>)
      } else {
      }
      %mul3A_326 = arith.constant 8 : i32
      %mul3A_327 = arith.muli %scan3A_144, %mul3A_326 : i32
      %add3A_328 = arith.constant 6 : i32
      %add3A_329 = arith.addi %mul3A_327, %add3A_328 : i32
      %dma_wait3A_330 = arith.constant 0 : i32
      %dma_wait3A_331 = arith.constant 0 : i32
      %dma_wait3A_332 = tpu.memref_slice %arg2[%dma_wait3A_330, %dma_wait3A_331] : memref<10000x128xf32, #tpu.memory_space<hbm>> -> memref<10000x128xf32, #tpu.memory_space<hbm>>
      tpu.wait_indirect_dma semaphore(%arg43 : memref<!tpu.dma_semaphore, #tpu.memory_space<semaphore_mem>>) src(%dma_wait3A_332 : memref<10000x128xf32, #tpu.memory_space<hbm>>) dst(%arg28 : memref<80x128xf32, #tpu.memory_space<vmem>>)
      %ge3A_333 = arith.constant 1 : i32
      %ge3A_334 = arith.cmpi sge, %add3A_329, %ge3A_333 : i32
      %convert_element_type3A_335 = arith.extui %ge3A_334 : i1 to i32
      %cond3A_336 = arith.constant 0 : i32
      %cond3A_337 = arith.cmpi ne, %convert_element_type3A_335, %cond3A_336 : i32
      scf.if %cond3A_337 {
        %dma_wait3A_388 = arith.constant 0 : i32
        %dma_wait3A_389 = arith.constant 0 : i32
        %dma_wait3A_390 = tpu.memref_slice %arg31[%dma_wait3A_388, %dma_wait3A_389] : memref<10240x128xf32, #tpu.memory_space<vmem_shared>> -> memref<10240x128xf32, #tpu.memory_space<vmem_shared>>
        tpu.wait_indirect_dma semaphore(%arg46 : memref<!tpu.dma_semaphore, #tpu.memory_space<semaphore_mem>>) src(%arg27 : memref<80x128xf32, #tpu.memory_space<vmem>>) dst(%dma_wait3A_390 : memref<10240x128xf32, #tpu.memory_space<vmem_shared>>)
      } else {
      }
      %dma_start3A_338 = arith.constant 0 : i32
      %dma_start3A_339 = arith.constant 0 : i32
      %dma_start3A_340 = tpu.memref_slice %arg31[%dma_start3A_338, %dma_start3A_339] : memref<10240x128xf32, #tpu.memory_space<vmem_shared>> -> memref<10240x128xf32, #tpu.memory_space<vmem_shared>>
      tpu.enqueue_indirect_dma source(%arg28 : memref<80x128xf32, #tpu.memory_space<vmem>>) target(%dma_start3A_340 : memref<10240x128xf32, #tpu.memory_space<vmem_shared>>) offsets(%arg24 : memref<80xi32, #tpu.memory_space<vmem>>) semaphore(%arg47 : memref<!tpu.dma_semaphore, #tpu.memory_space<semaphore_mem>>) {add = true}
      %add3A_341 = arith.constant 8 : i32
      %add3A_342 = arith.addi %add3A_329, %add3A_341 : i32
      %sub3A_343 = arith.constant 1 : i32
      %sub3A_344 = arith.subi %add3A_342, %sub3A_343 : i32
      %lt3A_345 = arith.constant 125 : i32
      %lt3A_346 = arith.cmpi slt, %sub3A_344, %lt3A_345 : i32
      %convert_element_type3A_347 = arith.extui %lt3A_346 : i1 to i32
      %cond3A_348 = arith.constant 0 : i32
      %cond3A_349 = arith.cmpi ne, %convert_element_type3A_347, %cond3A_348 : i32
      scf.if %cond3A_349 {
        %add3A_388 = arith.constant 8 : i32
        %add3A_389 = arith.addi %add3A_329, %add3A_388 : i32
        %sub3A_390 = arith.constant 1 : i32
        %sub3A_391 = arith.subi %add3A_389, %sub3A_390 : i32
        %mul3A_392 = arith.constant 80 : i32
        %mul3A_393 = arith.muli %sub3A_391, %mul3A_392 : i32
        %add3A_394 = arith.addi %mul3A_4, %mul3A_393 : i32
        %dma_start3A_395 = tpu.memref_slice %arg3[%add3A_394] : memref<320000xi32, #tpu.memory_space<hbm>> -> memref<80xi32, #tpu.memory_space<hbm>>
        %dma_start3A_396 = tpu.memref_slice %arg3[%add3A_394] : memref<320000xi32, #tpu.memory_space<hbm>> -> memref<80xi32, #tpu.memory_space<hbm>>
        tpu.enqueue_dma source(%dma_start3A_396 : memref<80xi32, #tpu.memory_space<hbm>>) target(%arg15 : memref<80xi32, #tpu.memory_space<vmem>>) target_semaphore(%arg38 : memref<!tpu.dma_semaphore, #tpu.memory_space<semaphore_mem>>)
        %dma_start3A_397 = tpu.memref_slice %arg4[%add3A_394] : memref<320000xi32, #tpu.memory_space<hbm>> -> memref<80xi32, #tpu.memory_space<hbm>>
        %dma_start3A_398 = tpu.memref_slice %arg4[%add3A_394] : memref<320000xi32, #tpu.memory_space<hbm>> -> memref<80xi32, #tpu.memory_space<hbm>>
        tpu.enqueue_dma source(%dma_start3A_398 : memref<80xi32, #tpu.memory_space<hbm>>) target(%arg23 : memref<80xi32, #tpu.memory_space<vmem>>) target_semaphore(%arg38 : memref<!tpu.dma_semaphore, #tpu.memory_space<semaphore_mem>>)
      } else {
      }
      %add3A_350 = arith.constant 3 : i32
      %add3A_351 = arith.addi %add3A_329, %add3A_350 : i32
      %lt3A_352 = arith.constant 125 : i32
      %lt3A_353 = arith.cmpi slt, %add3A_351, %lt3A_352 : i32
      %convert_element_type3A_354 = arith.extui %lt3A_353 : i1 to i32
      %cond3A_355 = arith.constant 0 : i32
      %cond3A_356 = arith.cmpi ne, %convert_element_type3A_354, %cond3A_355 : i32
      scf.if %cond3A_356 {
        %add3A_388 = arith.constant 3 : i32
        %add3A_389 = arith.addi %add3A_329, %add3A_388 : i32
        %mul3A_390 = arith.constant 80 : i32
        %mul3A_391 = arith.muli %add3A_389, %mul3A_390 : i32
        %add3A_392 = arith.addi %mul3A_4, %mul3A_391 : i32
        %dma_wait3A_393 = tpu.memref_slice %arg3[%add3A_392] : memref<320000xi32, #tpu.memory_space<hbm>> -> memref<80xi32, #tpu.memory_space<hbm>>
        %dma_wait3A_394 = tpu.memref_slice %arg3[%add3A_392] : memref<320000xi32, #tpu.memory_space<hbm>> -> memref<80xi32, #tpu.memory_space<hbm>>
        tpu.wait_dma2 semaphore(%arg34 : memref<!tpu.dma_semaphore, #tpu.memory_space<semaphore_mem>>) src(%dma_wait3A_394 : memref<80xi32, #tpu.memory_space<hbm>>) dst(%arg11 : memref<80xi32, #tpu.memory_space<vmem>>)
        %dma_wait3A_395 = tpu.memref_slice %arg4[%add3A_392] : memref<320000xi32, #tpu.memory_space<hbm>> -> memref<80xi32, #tpu.memory_space<hbm>>
        %dma_wait3A_396 = tpu.memref_slice %arg4[%add3A_392] : memref<320000xi32, #tpu.memory_space<hbm>> -> memref<80xi32, #tpu.memory_space<hbm>>
        tpu.wait_dma2 semaphore(%arg34 : memref<!tpu.dma_semaphore, #tpu.memory_space<semaphore_mem>>) src(%dma_wait3A_396 : memref<80xi32, #tpu.memory_space<hbm>>) dst(%arg19 : memref<80xi32, #tpu.memory_space<vmem>>)
        %dma_start3A_397 = arith.constant 0 : i32
        %dma_start3A_398 = arith.constant 0 : i32
        %dma_start3A_399 = tpu.memref_slice %arg2[%dma_start3A_397, %dma_start3A_398] : memref<10000x128xf32, #tpu.memory_space<hbm>> -> memref<10000x128xf32, #tpu.memory_space<hbm>>
        tpu.enqueue_indirect_dma source(%dma_start3A_399 : memref<10000x128xf32, #tpu.memory_space<hbm>>) target(%arg27 : memref<80x128xf32, #tpu.memory_space<vmem>>) offsets(%arg11 : memref<80xi32, #tpu.memory_space<vmem>>) semaphore(%arg42 : memref<!tpu.dma_semaphore, #tpu.memory_space<semaphore_mem>>)
      } else {
      }
      %mul3A_357 = arith.constant 8 : i32
      %mul3A_358 = arith.muli %scan3A_144, %mul3A_357 : i32
      %add3A_359 = arith.constant 7 : i32
      %add3A_360 = arith.addi %mul3A_358, %add3A_359 : i32
      %dma_wait3A_361 = arith.constant 0 : i32
      %dma_wait3A_362 = arith.constant 0 : i32
      %dma_wait3A_363 = tpu.memref_slice %arg2[%dma_wait3A_361, %dma_wait3A_362] : memref<10000x128xf32, #tpu.memory_space<hbm>> -> memref<10000x128xf32, #tpu.memory_space<hbm>>
      tpu.wait_indirect_dma semaphore(%arg44 : memref<!tpu.dma_semaphore, #tpu.memory_space<semaphore_mem>>) src(%dma_wait3A_363 : memref<10000x128xf32, #tpu.memory_space<hbm>>) dst(%arg29 : memref<80x128xf32, #tpu.memory_space<vmem>>)
      %ge3A_364 = arith.constant 1 : i32
      %ge3A_365 = arith.cmpi sge, %add3A_360, %ge3A_364 : i32
      %convert_element_type3A_366 = arith.extui %ge3A_365 : i1 to i32
      %cond3A_367 = arith.constant 0 : i32
      %cond3A_368 = arith.cmpi ne, %convert_element_type3A_366, %cond3A_367 : i32
      scf.if %cond3A_368 {
        %dma_wait3A_388 = arith.constant 0 : i32
        %dma_wait3A_389 = arith.constant 0 : i32
        %dma_wait3A_390 = tpu.memref_slice %arg31[%dma_wait3A_388, %dma_wait3A_389] : memref<10240x128xf32, #tpu.memory_space<vmem_shared>> -> memref<10240x128xf32, #tpu.memory_space<vmem_shared>>
        tpu.wait_indirect_dma semaphore(%arg47 : memref<!tpu.dma_semaphore, #tpu.memory_space<semaphore_mem>>) src(%arg28 : memref<80x128xf32, #tpu.memory_space<vmem>>) dst(%dma_wait3A_390 : memref<10240x128xf32, #tpu.memory_space<vmem_shared>>)
      } else {
      }
      %dma_start3A_369 = arith.constant 0 : i32
      %dma_start3A_370 = arith.constant 0 : i32
      %dma_start3A_371 = tpu.memref_slice %arg31[%dma_start3A_369, %dma_start3A_370] : memref<10240x128xf32, #tpu.memory_space<vmem_shared>> -> memref<10240x128xf32, #tpu.memory_space<vmem_shared>>
      tpu.enqueue_indirect_dma source(%arg29 : memref<80x128xf32, #tpu.memory_space<vmem>>) target(%dma_start3A_371 : memref<10240x128xf32, #tpu.memory_space<vmem_shared>>) offsets(%arg25 : memref<80xi32, #tpu.memory_space<vmem>>) semaphore(%arg48 : memref<!tpu.dma_semaphore, #tpu.memory_space<semaphore_mem>>) {add = true}
      %add3A_372 = arith.constant 8 : i32
      %add3A_373 = arith.addi %add3A_360, %add3A_372 : i32
      %sub3A_374 = arith.constant 1 : i32
      %sub3A_375 = arith.subi %add3A_373, %sub3A_374 : i32
      %lt3A_376 = arith.constant 125 : i32
      %lt3A_377 = arith.cmpi slt, %sub3A_375, %lt3A_376 : i32
      %convert_element_type3A_378 = arith.extui %lt3A_377 : i1 to i32
      %cond3A_379 = arith.constant 0 : i32
      %cond3A_380 = arith.cmpi ne, %convert_element_type3A_378, %cond3A_379 : i32
      scf.if %cond3A_380 {
        %add3A_388 = arith.constant 8 : i32
        %add3A_389 = arith.addi %add3A_360, %add3A_388 : i32
        %sub3A_390 = arith.constant 1 : i32
        %sub3A_391 = arith.subi %add3A_389, %sub3A_390 : i32
        %mul3A_392 = arith.constant 80 : i32
        %mul3A_393 = arith.muli %sub3A_391, %mul3A_392 : i32
        %add3A_394 = arith.addi %mul3A_4, %mul3A_393 : i32
        %dma_start3A_395 = tpu.memref_slice %arg3[%add3A_394] : memref<320000xi32, #tpu.memory_space<hbm>> -> memref<80xi32, #tpu.memory_space<hbm>>
        %dma_start3A_396 = tpu.memref_slice %arg3[%add3A_394] : memref<320000xi32, #tpu.memory_space<hbm>> -> memref<80xi32, #tpu.memory_space<hbm>>
        tpu.enqueue_dma source(%dma_start3A_396 : memref<80xi32, #tpu.memory_space<hbm>>) target(%arg16 : memref<80xi32, #tpu.memory_space<vmem>>) target_semaphore(%arg39 : memref<!tpu.dma_semaphore, #tpu.memory_space<semaphore_mem>>)
        %dma_start3A_397 = tpu.memref_slice %arg4[%add3A_394] : memref<320000xi32, #tpu.memory_space<hbm>> -> memref<80xi32, #tpu.memory_space<hbm>>
        %dma_start3A_398 = tpu.memref_slice %arg4[%add3A_394] : memref<320000xi32, #tpu.memory_space<hbm>> -> memref<80xi32, #tpu.memory_space<hbm>>
        tpu.enqueue_dma source(%dma_start3A_398 : memref<80xi32, #tpu.memory_space<hbm>>) target(%arg24 : memref<80xi32, #tpu.memory_space<vmem>>) target_semaphore(%arg39 : memref<!tpu.dma_semaphore, #tpu.memory_space<semaphore_mem>>)
      } else {
      }
      %add3A_381 = arith.constant 3 : i32
      %add3A_382 = arith.addi %add3A_360, %add3A_381 : i32
      %lt3A_383 = arith.constant 125 : i32
      %lt3A_384 = arith.cmpi slt, %add3A_382, %lt3A_383 : i32
      %convert_element_type3A_385 = arith.extui %lt3A_384 : i1 to i32
      %cond3A_386 = arith.constant 0 : i32
      %cond3A_387 = arith.cmpi ne, %convert_element_type3A_385, %cond3A_386 : i32
      scf.if %cond3A_387 {
        %add3A_388 = arith.constant 3 : i32
        %add3A_389 = arith.addi %add3A_360, %add3A_388 : i32
        %mul3A_390 = arith.constant 80 : i32
        %mul3A_391 = arith.muli %add3A_389, %mul3A_390 : i32
        %add3A_392 = arith.addi %mul3A_4, %mul3A_391 : i32
        %dma_wait3A_393 = tpu.memref_slice %arg3[%add3A_392] : memref<320000xi32, #tpu.memory_space<hbm>> -> memref<80xi32, #tpu.memory_space<hbm>>
        %dma_wait3A_394 = tpu.memref_slice %arg3[%add3A_392] : memref<320000xi32, #tpu.memory_space<hbm>> -> memref<80xi32, #tpu.memory_space<hbm>>
        tpu.wait_dma2 semaphore(%arg35 : memref<!tpu.dma_semaphore, #tpu.memory_space<semaphore_mem>>) src(%dma_wait3A_394 : memref<80xi32, #tpu.memory_space<hbm>>) dst(%arg12 : memref<80xi32, #tpu.memory_space<vmem>>)
        %dma_wait3A_395 = tpu.memref_slice %arg4[%add3A_392] : memref<320000xi32, #tpu.memory_space<hbm>> -> memref<80xi32, #tpu.memory_space<hbm>>
        %dma_wait3A_396 = tpu.memref_slice %arg4[%add3A_392] : memref<320000xi32, #tpu.memory_space<hbm>> -> memref<80xi32, #tpu.memory_space<hbm>>
        tpu.wait_dma2 semaphore(%arg35 : memref<!tpu.dma_semaphore, #tpu.memory_space<semaphore_mem>>) src(%dma_wait3A_396 : memref<80xi32, #tpu.memory_space<hbm>>) dst(%arg20 : memref<80xi32, #tpu.memory_space<vmem>>)
        %dma_start3A_397 = arith.constant 0 : i32
        %dma_start3A_398 = arith.constant 0 : i32
        %dma_start3A_399 = tpu.memref_slice %arg2[%dma_start3A_397, %dma_start3A_398] : memref<10000x128xf32, #tpu.memory_space<hbm>> -> memref<10000x128xf32, #tpu.memory_space<hbm>>
        tpu.enqueue_indirect_dma source(%dma_start3A_399 : memref<10000x128xf32, #tpu.memory_space<hbm>>) target(%arg28 : memref<80x128xf32, #tpu.memory_space<vmem>>) offsets(%arg12 : memref<80xi32, #tpu.memory_space<vmem>>) semaphore(%arg43 : memref<!tpu.dma_semaphore, #tpu.memory_space<semaphore_mem>>)
      } else {
      }
    }
    %scan3A_76 = arith.constant 15 : i32
    %dma_wait3A_77 = arith.constant 0 : i32
    %dma_wait3A_78 = arith.constant 0 : i32
    %dma_wait3A_79 = tpu.memref_slice %arg2[%dma_wait3A_77, %dma_wait3A_78] : memref<10000x128xf32, #tpu.memory_space<hbm>> -> memref<10000x128xf32, #tpu.memory_space<hbm>>
    tpu.wait_indirect_dma semaphore(%arg41 : memref<!tpu.dma_semaphore, #tpu.memory_space<semaphore_mem>>) src(%dma_wait3A_79 : memref<10000x128xf32, #tpu.memory_space<hbm>>) dst(%arg26 : memref<80x128xf32, #tpu.memory_space<vmem>>)
    %dma_wait3A_80 = arith.constant 0 : i32
    %dma_wait3A_81 = arith.constant 0 : i32
    %dma_wait3A_82 = tpu.memref_slice %arg31[%dma_wait3A_80, %dma_wait3A_81] : memref<10240x128xf32, #tpu.memory_space<vmem_shared>> -> memref<10240x128xf32, #tpu.memory_space<vmem_shared>>
    tpu.wait_indirect_dma semaphore(%arg48 : memref<!tpu.dma_semaphore, #tpu.memory_space<semaphore_mem>>) src(%arg29 : memref<80x128xf32, #tpu.memory_space<vmem>>) dst(%dma_wait3A_82 : memref<10240x128xf32, #tpu.memory_space<vmem_shared>>)
    %dma_start3A_83 = arith.constant 0 : i32
    %dma_start3A_84 = arith.constant 0 : i32
    %dma_start3A_85 = tpu.memref_slice %arg31[%dma_start3A_83, %dma_start3A_84] : memref<10240x128xf32, #tpu.memory_space<vmem_shared>> -> memref<10240x128xf32, #tpu.memory_space<vmem_shared>>
    tpu.enqueue_indirect_dma source(%arg26 : memref<80x128xf32, #tpu.memory_space<vmem>>) target(%dma_start3A_85 : memref<10240x128xf32, #tpu.memory_space<vmem_shared>>) offsets(%arg18 : memref<80xi32, #tpu.memory_space<vmem>>) semaphore(%arg45 : memref<!tpu.dma_semaphore, #tpu.memory_space<semaphore_mem>>) {add = true}
    %add3A_86 = arith.constant 9840 : i32
    %add3A_87 = arith.addi %mul3A_4, %add3A_86 : i32
    %dma_wait3A_88 = tpu.memref_slice %arg3[%add3A_87] : memref<320000xi32, #tpu.memory_space<hbm>> -> memref<80xi32, #tpu.memory_space<hbm>>
    %dma_wait3A_89 = tpu.memref_slice %arg3[%add3A_87] : memref<320000xi32, #tpu.memory_space<hbm>> -> memref<80xi32, #tpu.memory_space<hbm>>
    tpu.wait_dma2 semaphore(%arg36 : memref<!tpu.dma_semaphore, #tpu.memory_space<semaphore_mem>>) src(%dma_wait3A_89 : memref<80xi32, #tpu.memory_space<hbm>>) dst(%arg13 : memref<80xi32, #tpu.memory_space<vmem>>)
    %dma_wait3A_90 = tpu.memref_slice %arg4[%add3A_87] : memref<320000xi32, #tpu.memory_space<hbm>> -> memref<80xi32, #tpu.memory_space<hbm>>
    %dma_wait3A_91 = tpu.memref_slice %arg4[%add3A_87] : memref<320000xi32, #tpu.memory_space<hbm>> -> memref<80xi32, #tpu.memory_space<hbm>>
    tpu.wait_dma2 semaphore(%arg36 : memref<!tpu.dma_semaphore, #tpu.memory_space<semaphore_mem>>) src(%dma_wait3A_91 : memref<80xi32, #tpu.memory_space<hbm>>) dst(%arg21 : memref<80xi32, #tpu.memory_space<vmem>>)
    %dma_start3A_92 = arith.constant 0 : i32
    %dma_start3A_93 = arith.constant 0 : i32
    %dma_start3A_94 = tpu.memref_slice %arg2[%dma_start3A_92, %dma_start3A_93] : memref<10000x128xf32, #tpu.memory_space<hbm>> -> memref<10000x128xf32, #tpu.memory_space<hbm>>
    tpu.enqueue_indirect_dma source(%dma_start3A_94 : memref<10000x128xf32, #tpu.memory_space<hbm>>) target(%arg29 : memref<80x128xf32, #tpu.memory_space<vmem>>) offsets(%arg13 : memref<80xi32, #tpu.memory_space<vmem>>) semaphore(%arg44 : memref<!tpu.dma_semaphore, #tpu.memory_space<semaphore_mem>>)
    %dma_wait3A_95 = arith.constant 0 : i32
    %dma_wait3A_96 = arith.constant 0 : i32
    %dma_wait3A_97 = tpu.memref_slice %arg2[%dma_wait3A_95, %dma_wait3A_96] : memref<10000x128xf32, #tpu.memory_space<hbm>> -> memref<10000x128xf32, #tpu.memory_space<hbm>>
    tpu.wait_indirect_dma semaphore(%arg42 : memref<!tpu.dma_semaphore, #tpu.memory_space<semaphore_mem>>) src(%dma_wait3A_97 : memref<10000x128xf32, #tpu.memory_space<hbm>>) dst(%arg27 : memref<80x128xf32, #tpu.memory_space<vmem>>)
    %dma_wait3A_98 = arith.constant 0 : i32
    %dma_wait3A_99 = arith.constant 0 : i32
    %dma_wait3A_100 = tpu.memref_slice %arg31[%dma_wait3A_98, %dma_wait3A_99] : memref<10240x128xf32, #tpu.memory_space<vmem_shared>> -> memref<10240x128xf32, #tpu.memory_space<vmem_shared>>
    tpu.wait_indirect_dma semaphore(%arg45 : memref<!tpu.dma_semaphore, #tpu.memory_space<semaphore_mem>>) src(%arg26 : memref<80x128xf32, #tpu.memory_space<vmem>>) dst(%dma_wait3A_100 : memref<10240x128xf32, #tpu.memory_space<vmem_shared>>)
    %dma_start3A_101 = arith.constant 0 : i32
    %dma_start3A_102 = arith.constant 0 : i32
    %dma_start3A_103 = tpu.memref_slice %arg31[%dma_start3A_101, %dma_start3A_102] : memref<10240x128xf32, #tpu.memory_space<vmem_shared>> -> memref<10240x128xf32, #tpu.memory_space<vmem_shared>>
    tpu.enqueue_indirect_dma source(%arg27 : memref<80x128xf32, #tpu.memory_space<vmem>>) target(%dma_start3A_103 : memref<10240x128xf32, #tpu.memory_space<vmem_shared>>) offsets(%arg19 : memref<80xi32, #tpu.memory_space<vmem>>) semaphore(%arg46 : memref<!tpu.dma_semaphore, #tpu.memory_space<semaphore_mem>>) {add = true}
    %add3A_104 = arith.constant 9920 : i32
    %add3A_105 = arith.addi %mul3A_4, %add3A_104 : i32
    %dma_wait3A_106 = tpu.memref_slice %arg3[%add3A_105] : memref<320000xi32, #tpu.memory_space<hbm>> -> memref<80xi32, #tpu.memory_space<hbm>>
    %dma_wait3A_107 = tpu.memref_slice %arg3[%add3A_105] : memref<320000xi32, #tpu.memory_space<hbm>> -> memref<80xi32, #tpu.memory_space<hbm>>
    tpu.wait_dma2 semaphore(%arg37 : memref<!tpu.dma_semaphore, #tpu.memory_space<semaphore_mem>>) src(%dma_wait3A_107 : memref<80xi32, #tpu.memory_space<hbm>>) dst(%arg14 : memref<80xi32, #tpu.memory_space<vmem>>)
    %dma_wait3A_108 = tpu.memref_slice %arg4[%add3A_105] : memref<320000xi32, #tpu.memory_space<hbm>> -> memref<80xi32, #tpu.memory_space<hbm>>
    %dma_wait3A_109 = tpu.memref_slice %arg4[%add3A_105] : memref<320000xi32, #tpu.memory_space<hbm>> -> memref<80xi32, #tpu.memory_space<hbm>>
    tpu.wait_dma2 semaphore(%arg37 : memref<!tpu.dma_semaphore, #tpu.memory_space<semaphore_mem>>) src(%dma_wait3A_109 : memref<80xi32, #tpu.memory_space<hbm>>) dst(%arg22 : memref<80xi32, #tpu.memory_space<vmem>>)
    %dma_start3A_110 = arith.constant 0 : i32
    %dma_start3A_111 = arith.constant 0 : i32
    %dma_start3A_112 = tpu.memref_slice %arg2[%dma_start3A_110, %dma_start3A_111] : memref<10000x128xf32, #tpu.memory_space<hbm>> -> memref<10000x128xf32, #tpu.memory_space<hbm>>
    tpu.enqueue_indirect_dma source(%dma_start3A_112 : memref<10000x128xf32, #tpu.memory_space<hbm>>) target(%arg26 : memref<80x128xf32, #tpu.memory_space<vmem>>) offsets(%arg14 : memref<80xi32, #tpu.memory_space<vmem>>) semaphore(%arg41 : memref<!tpu.dma_semaphore, #tpu.memory_space<semaphore_mem>>)
    %dma_wait3A_113 = arith.constant 0 : i32
    %dma_wait3A_114 = arith.constant 0 : i32
    %dma_wait3A_115 = tpu.memref_slice %arg2[%dma_wait3A_113, %dma_wait3A_114] : memref<10000x128xf32, #tpu.memory_space<hbm>> -> memref<10000x128xf32, #tpu.memory_space<hbm>>
    tpu.wait_indirect_dma semaphore(%arg43 : memref<!tpu.dma_semaphore, #tpu.memory_space<semaphore_mem>>) src(%dma_wait3A_115 : memref<10000x128xf32, #tpu.memory_space<hbm>>) dst(%arg28 : memref<80x128xf32, #tpu.memory_space<vmem>>)
    %dma_wait3A_116 = arith.constant 0 : i32
    %dma_wait3A_117 = arith.constant 0 : i32
    %dma_wait3A_118 = tpu.memref_slice %arg31[%dma_wait3A_116, %dma_wait3A_117] : memref<10240x128xf32, #tpu.memory_space<vmem_shared>> -> memref<10240x128xf32, #tpu.memory_space<vmem_shared>>
    tpu.wait_indirect_dma semaphore(%arg46 : memref<!tpu.dma_semaphore, #tpu.memory_space<semaphore_mem>>) src(%arg27 : memref<80x128xf32, #tpu.memory_space<vmem>>) dst(%dma_wait3A_118 : memref<10240x128xf32, #tpu.memory_space<vmem_shared>>)
    %dma_start3A_119 = arith.constant 0 : i32
    %dma_start3A_120 = arith.constant 0 : i32
    %dma_start3A_121 = tpu.memref_slice %arg31[%dma_start3A_119, %dma_start3A_120] : memref<10240x128xf32, #tpu.memory_space<vmem_shared>> -> memref<10240x128xf32, #tpu.memory_space<vmem_shared>>
    tpu.enqueue_indirect_dma source(%arg28 : memref<80x128xf32, #tpu.memory_space<vmem>>) target(%dma_start3A_121 : memref<10240x128xf32, #tpu.memory_space<vmem_shared>>) offsets(%arg20 : memref<80xi32, #tpu.memory_space<vmem>>) semaphore(%arg47 : memref<!tpu.dma_semaphore, #tpu.memory_space<semaphore_mem>>) {add = true}
    %dma_wait3A_122 = arith.constant 0 : i32
    %dma_wait3A_123 = arith.constant 0 : i32
    %dma_wait3A_124 = tpu.memref_slice %arg2[%dma_wait3A_122, %dma_wait3A_123] : memref<10000x128xf32, #tpu.memory_space<hbm>> -> memref<10000x128xf32, #tpu.memory_space<hbm>>
    tpu.wait_indirect_dma semaphore(%arg44 : memref<!tpu.dma_semaphore, #tpu.memory_space<semaphore_mem>>) src(%dma_wait3A_124 : memref<10000x128xf32, #tpu.memory_space<hbm>>) dst(%arg29 : memref<80x128xf32, #tpu.memory_space<vmem>>)
    %dma_wait3A_125 = arith.constant 0 : i32
    %dma_wait3A_126 = arith.constant 0 : i32
    %dma_wait3A_127 = tpu.memref_slice %arg31[%dma_wait3A_125, %dma_wait3A_126] : memref<10240x128xf32, #tpu.memory_space<vmem_shared>> -> memref<10240x128xf32, #tpu.memory_space<vmem_shared>>
    tpu.wait_indirect_dma semaphore(%arg47 : memref<!tpu.dma_semaphore, #tpu.memory_space<semaphore_mem>>) src(%arg28 : memref<80x128xf32, #tpu.memory_space<vmem>>) dst(%dma_wait3A_127 : memref<10240x128xf32, #tpu.memory_space<vmem_shared>>)
    %dma_start3A_128 = arith.constant 0 : i32
    %dma_start3A_129 = arith.constant 0 : i32
    %dma_start3A_130 = tpu.memref_slice %arg31[%dma_start3A_128, %dma_start3A_129] : memref<10240x128xf32, #tpu.memory_space<vmem_shared>> -> memref<10240x128xf32, #tpu.memory_space<vmem_shared>>
    tpu.enqueue_indirect_dma source(%arg29 : memref<80x128xf32, #tpu.memory_space<vmem>>) target(%dma_start3A_130 : memref<10240x128xf32, #tpu.memory_space<vmem_shared>>) offsets(%arg21 : memref<80xi32, #tpu.memory_space<vmem>>) semaphore(%arg48 : memref<!tpu.dma_semaphore, #tpu.memory_space<semaphore_mem>>) {add = true}
    %dma_wait3A_131 = arith.constant 0 : i32
    %dma_wait3A_132 = arith.constant 0 : i32
    %dma_wait3A_133 = tpu.memref_slice %arg2[%dma_wait3A_131, %dma_wait3A_132] : memref<10000x128xf32, #tpu.memory_space<hbm>> -> memref<10000x128xf32, #tpu.memory_space<hbm>>
    tpu.wait_indirect_dma semaphore(%arg41 : memref<!tpu.dma_semaphore, #tpu.memory_space<semaphore_mem>>) src(%dma_wait3A_133 : memref<10000x128xf32, #tpu.memory_space<hbm>>) dst(%arg26 : memref<80x128xf32, #tpu.memory_space<vmem>>)
    %dma_wait3A_134 = arith.constant 0 : i32
    %dma_wait3A_135 = arith.constant 0 : i32
    %dma_wait3A_136 = tpu.memref_slice %arg31[%dma_wait3A_134, %dma_wait3A_135] : memref<10240x128xf32, #tpu.memory_space<vmem_shared>> -> memref<10240x128xf32, #tpu.memory_space<vmem_shared>>
    tpu.wait_indirect_dma semaphore(%arg48 : memref<!tpu.dma_semaphore, #tpu.memory_space<semaphore_mem>>) src(%arg29 : memref<80x128xf32, #tpu.memory_space<vmem>>) dst(%dma_wait3A_136 : memref<10240x128xf32, #tpu.memory_space<vmem_shared>>)
    %dma_start3A_137 = arith.constant 0 : i32
    %dma_start3A_138 = arith.constant 0 : i32
    %dma_start3A_139 = tpu.memref_slice %arg31[%dma_start3A_137, %dma_start3A_138] : memref<10240x128xf32, #tpu.memory_space<vmem_shared>> -> memref<10240x128xf32, #tpu.memory_space<vmem_shared>>
    tpu.enqueue_indirect_dma source(%arg26 : memref<80x128xf32, #tpu.memory_space<vmem>>) target(%dma_start3A_139 : memref<10240x128xf32, #tpu.memory_space<vmem_shared>>) offsets(%arg22 : memref<80xi32, #tpu.memory_space<vmem>>) semaphore(%arg45 : memref<!tpu.dma_semaphore, #tpu.memory_space<semaphore_mem>>) {add = true}
    %dma_wait3A_140 = arith.constant 0 : i32
    %dma_wait3A_141 = arith.constant 0 : i32
    %dma_wait3A_142 = tpu.memref_slice %arg31[%dma_wait3A_140, %dma_wait3A_141] : memref<10240x128xf32, #tpu.memory_space<vmem_shared>> -> memref<10240x128xf32, #tpu.memory_space<vmem_shared>>
    tpu.wait_indirect_dma semaphore(%arg45 : memref<!tpu.dma_semaphore, #tpu.memory_space<semaphore_mem>>) src(%arg26 : memref<80x128xf32, #tpu.memory_space<vmem>>) dst(%dma_wait3A_142 : memref<10240x128xf32, #tpu.memory_space<vmem_shared>>)
    %barrier3A_143 = arith.constant 0 : index
    tpu.barrier barrier_id(%barrier3A_143)
    "tpu.region"() ({
      %run_scoped3A = tpu.sem_alloc : memref<!tpu.dma_semaphore, #tpu.memory_space<semaphore_mem>>
      %dma_start3A_144 = arith.constant 0 : i32
      %dma_start3A_145 = tpu.memref_slice %arg8[%arg0, %mul3A_2, %dma_start3A_144] : memref<2x10240x128xf32, #tpu.memory_space<hbm>> -> memref<1x640x128xf32, #tpu.memory_space<hbm>>
      %dma_start3A_146 = tpu.memref_squeeze %dma_start3A_145 : memref<1x640x128xf32, #tpu.memory_space<hbm>> -> memref<640x128xf32, #tpu.memory_space<hbm>>
      %dma_start3A_147 = arith.constant 0 : i32
      %dma_start3A_148 = tpu.memref_slice %arg31[%mul3A_2, %dma_start3A_147] : memref<10240x128xf32, #tpu.memory_space<vmem_shared>> -> memref<640x128xf32, #tpu.memory_space<vmem_shared>>
      tpu.enqueue_dma source(%dma_start3A_148 : memref<640x128xf32, #tpu.memory_space<vmem_shared>>) target(%dma_start3A_146 : memref<640x128xf32, #tpu.memory_space<hbm>>) target_semaphore(%run_scoped3A : memref<!tpu.dma_semaphore, #tpu.memory_space<semaphore_mem>>)
      %dma_wait3A_149 = arith.constant 0 : i32
      %dma_wait3A_150 = tpu.memref_slice %arg8[%arg0, %mul3A_2, %dma_wait3A_149] : memref<2x10240x128xf32, #tpu.memory_space<hbm>> -> memref<1x640x128xf32, #tpu.memory_space<hbm>>
      %dma_wait3A_151 = tpu.memref_squeeze %dma_wait3A_150 : memref<1x640x128xf32, #tpu.memory_space<hbm>> -> memref<640x128xf32, #tpu.memory_space<hbm>>
      %dma_wait3A_152 = arith.constant 0 : i32
      %dma_wait3A_153 = tpu.memref_slice %arg31[%mul3A_2, %dma_wait3A_152] : memref<10240x128xf32, #tpu.memory_space<vmem_shared>> -> memref<640x128xf32, #tpu.memory_space<vmem_shared>>
      tpu.wait_dma2 semaphore(%run_scoped3A : memref<!tpu.dma_semaphore, #tpu.memory_space<semaphore_mem>>) src(%dma_wait3A_153 : memref<640x128xf32, #tpu.memory_space<vmem_shared>>) dst(%dma_wait3A_151 : memref<640x128xf32, #tpu.memory_space<hbm>>)
      tpu.yield
    }) : () -> ()
    return
  }
}

module attributes {stable_mosaic.version = 14 : i64} {
  func.func @_dense_body(%arg0: i32, %arg1: memref<1000x128xf32, #tpu.memory_space<vmem>>, %arg2: memref<2x1000x128xf32, #tpu.memory_space<vmem>>, %arg3: memref<1000x2xf32, #tpu.memory_space<vmem>>, %arg4: memref<128x128xf32, #tpu.memory_space<vmem>>, %arg5: memref<128x128xf32, #tpu.memory_space<vmem>>, %arg6: memref<1x128xf32, #tpu.memory_space<vmem>>, %arg7: memref<1000x128xf32, #tpu.memory_space<vmem>>) attributes {dimension_semantics = [#tpu.dimension_semantics<arbitrary>], iteration_bounds = array<i64: 10>, scalar_prefetch = 0 : i64, scratch_operands = 0 : i64, tpu.core_type = #tpu.core_type<tc>, window_params = [{transform_indices = @transform_0, window_bounds = array<i64: 1000, 128>}, {transform_indices = @transform_1, window_bounds = array<i64: 2, 1000, 128>}, {transform_indices = @transform_2, window_bounds = array<i64: 1000, 2>}, {pipeline_mode = #tpu.pipeline_mode<synchronous>, transform_indices = @transform_3, window_bounds = array<i64: 128, 128>}, {pipeline_mode = #tpu.pipeline_mode<synchronous>, transform_indices = @transform_4, window_bounds = array<i64: 128, 128>}, {pipeline_mode = #tpu.pipeline_mode<synchronous>, transform_indices = @transform_5, window_bounds = array<i64: 1, 128>}, {transform_indices = @transform_6, window_bounds = array<i64: 1000, 128>}]} {
    %get3A = arith.constant 0 : index
    %get3A_0 = arith.constant 0 : index
    %get3A_1 = vector.load %arg3[%get3A, %get3A_0] : memref<1000x2xf32, #tpu.memory_space<vmem>>, vector<1000x1xf32>
    %get3A_2 = arith.constant 0 : index
    %get3A_3 = arith.constant 1 : index
    %get3A_4 = vector.load %arg3[%get3A_2, %get3A_3] : memref<1000x2xf32, #tpu.memory_space<vmem>>, vector<1000x1xf32>
    %add3A = arith.addf %get3A_1, %get3A_4 : vector<1000x1xf32>
    %max3A = arith.constant 1.000000e+00 : f32
    %max3A_5 = vector.broadcast %max3A : f32 to vector<1000x1xf32>
    %max3A_6 = arith.maximumf %add3A, %max3A_5 : vector<1000x1xf32>
    %div3A = arith.constant 1.000000e+00 : f32
    %div3A_7 = vector.broadcast %div3A : f32 to vector<1000x1xf32>
    %div3A_8 = arith.divf %div3A_7, %max3A_6 : vector<1000x1xf32>
    %get3A_9 = arith.constant 0 : index
    %get3A_10 = arith.constant 0 : index
    %get3A_11 = arith.constant 0 : index
    %get3A_12 = vector.load %arg2[%get3A_9, %get3A_10, %get3A_11] : memref<2x1000x128xf32, #tpu.memory_space<vmem>>, vector<1x1000x128xf32>
    %get3A_13 = vector.shape_cast %get3A_12 : vector<1x1000x128xf32> to vector<1000x128xf32>
    %get3A_14 = arith.constant 1 : index
    %get3A_15 = arith.constant 0 : index
    %get3A_16 = arith.constant 0 : index
    %get3A_17 = vector.load %arg2[%get3A_14, %get3A_15, %get3A_16] : memref<2x1000x128xf32, #tpu.memory_space<vmem>>, vector<1x1000x128xf32>
    %get3A_18 = vector.shape_cast %get3A_17 : vector<1x1000x128xf32> to vector<1000x128xf32>
    %add3A_19 = arith.addf %get3A_13, %get3A_18 : vector<1000x128xf32>
    %mul3A = vector.broadcast %div3A_8 : vector<1000x1xf32> to vector<1000x128xf32>
    %mul3A_20 = arith.mulf %add3A_19, %mul3A : vector<1000x128xf32>
    %get3A_21 = arith.constant 0 : index
    %get3A_22 = arith.constant 0 : index
    %get3A_23 = vector.load %arg1[%get3A_21, %get3A_22] : memref<1000x128xf32, #tpu.memory_space<vmem>>, vector<1000x128xf32>
    %get3A_24 = arith.constant 0 : index
    %get3A_25 = arith.constant 0 : index
    %get3A_26 = vector.load %arg4[%get3A_24, %get3A_25] : memref<128x128xf32, #tpu.memory_space<vmem>>, vector<128x128xf32>
    %dot_general3A = arith.constant dense<0.000000e+00> : vector<1000x128xf32>
    %dot_general3A_27 = tpu.matmul %get3A_23, %get3A_26, %dot_general3A {dimension_numbers = #tpu.dot_dimension_numbers<[1], [1], [0], [0], [0, 0, 1, 0], [], []>, transpose_lhs_hint = false} : vector<1000x128xf32>, vector<128x128xf32>, vector<1000x128xf32> -> vector<1000x128xf32>
    %get3A_28 = arith.constant 0 : index
    %get3A_29 = arith.constant 0 : index
    %get3A_30 = vector.load %arg5[%get3A_28, %get3A_29] : memref<128x128xf32, #tpu.memory_space<vmem>>, vector<128x128xf32>
    %dot_general3A_31 = arith.constant dense<0.000000e+00> : vector<1000x128xf32>
    %dot_general3A_32 = tpu.matmul %mul3A_20, %get3A_30, %dot_general3A_31 {dimension_numbers = #tpu.dot_dimension_numbers<[1], [1], [0], [0], [0, 0, 1, 0], [], []>, transpose_lhs_hint = false} : vector<1000x128xf32>, vector<128x128xf32>, vector<1000x128xf32> -> vector<1000x128xf32>
    %add3A_33 = arith.addf %dot_general3A_27, %dot_general3A_32 : vector<1000x128xf32>
    %get3A_34 = arith.constant 0 : index
    %get3A_35 = arith.constant 0 : index
    %get3A_36 = vector.load %arg6[%get3A_34, %get3A_35] : memref<1x128xf32, #tpu.memory_space<vmem>>, vector<1x128xf32>
    %get3A_37 = vector.shape_cast %get3A_36 : vector<1x128xf32> to vector<128xf32>
    %broadcast_in_dim3A = vector.shape_cast %get3A_37 : vector<128xf32> to vector<1x128xf32>
    %add3A_38 = vector.broadcast %broadcast_in_dim3A : vector<1x128xf32> to vector<1000x128xf32>
    %add3A_39 = arith.addf %add3A_33, %add3A_38 : vector<1000x128xf32>
    %max3A_40 = arith.constant 0.000000e+00 : f32
    %max3A_41 = vector.broadcast %max3A_40 : f32 to vector<1000x128xf32>
    %max3A_42 = arith.maximumf %add3A_39, %max3A_41 : vector<1000x128xf32>
    %swap3A = arith.constant 0 : index
    %swap3A_43 = arith.constant 0 : index
    %swap3A_44 = vector.load %arg7[%swap3A, %swap3A_43] : memref<1000x128xf32, #tpu.memory_space<vmem>>, vector<1000x128xf32>
    tpu.vector_store %arg7[%swap3A, %swap3A_43], %max3A_42 {strides = array<i32>} : memref<1000x128xf32, #tpu.memory_space<vmem>>, vector<1000x128xf32>,
    return
  }
  func.func @transform_0(%arg0: i32) -> (i32, i32) {
    %c0_i32 = arith.constant 0 : i32
    %c0_i32_0 = arith.constant 0 : i32
    return %arg0, %c0_i32 : i32, i32
  }
  func.func @transform_1(%arg0: i32) -> (i32, i32, i32) {
    %c0_i32 = arith.constant 0 : i32
    %c0_i32_0 = arith.constant 0 : i32
    %c0_i32_1 = arith.constant 0 : i32
    return %c0_i32, %arg0, %c0_i32_0 : i32, i32, i32
  }
  func.func @transform_2(%arg0: i32) -> (i32, i32) {
    %c0_i32 = arith.constant 0 : i32
    %c0_i32_0 = arith.constant 0 : i32
    return %arg0, %c0_i32 : i32, i32
  }
  func.func @transform_3(%arg0: i32) -> (i32, i32) {
    %c0_i32 = arith.constant 0 : i32
    %c0_i32_0 = arith.constant 0 : i32
    %c0_i32_1 = arith.constant 0 : i32
    return %c0_i32, %c0_i32_0 : i32, i32
  }
  func.func @transform_4(%arg0: i32) -> (i32, i32) {
    %c0_i32 = arith.constant 0 : i32
    %c0_i32_0 = arith.constant 0 : i32
    %c0_i32_1 = arith.constant 0 : i32
    return %c0_i32, %c0_i32_0 : i32, i32
  }
  func.func @transform_5(%arg0: i32) -> (i32, i32) {
    %c0_i32 = arith.constant 0 : i32
    %c0_i32_0 = arith.constant 0 : i32
    %c0_i32_1 = arith.constant 0 : i32
    return %c0_i32, %c0_i32_0 : i32, i32
  }
  func.func @transform_6(%arg0: i32) -> (i32, i32) {
    %c0_i32 = arith.constant 0 : i32
    %c0_i32_0 = arith.constant 0 : i32
    return %arg0, %c0_i32 : i32, i32
  }
}

module attributes {stable_mosaic.version = 14 : i64} {
  func.func @_dense_body(%arg0: i32, %arg1: memref<1000x128xf32, #tpu.memory_space<vmem>>, %arg2: memref<2x1000x128xf32, #tpu.memory_space<vmem>>, %arg3: memref<1000x2xf32, #tpu.memory_space<vmem>>, %arg4: memref<128x128xf32, #tpu.memory_space<vmem>>, %arg5: memref<128x128xf32, #tpu.memory_space<vmem>>, %arg6: memref<1x128xf32, #tpu.memory_space<vmem>>, %arg7: memref<1000x128xf32, #tpu.memory_space<vmem>>) attributes {dimension_semantics = [#tpu.dimension_semantics<arbitrary>], iteration_bounds = array<i64: 10>, scalar_prefetch = 0 : i64, scratch_operands = 0 : i64, tpu.core_type = #tpu.core_type<tc>, window_params = [{transform_indices = @transform_0, window_bounds = array<i64: 1000, 128>}, {transform_indices = @transform_1, window_bounds = array<i64: 2, 1000, 128>}, {transform_indices = @transform_2, window_bounds = array<i64: 1000, 2>}, {pipeline_mode = #tpu.pipeline_mode<synchronous>, transform_indices = @transform_3, window_bounds = array<i64: 128, 128>}, {pipeline_mode = #tpu.pipeline_mode<synchronous>, transform_indices = @transform_4, window_bounds = array<i64: 128, 128>}, {pipeline_mode = #tpu.pipeline_mode<synchronous>, transform_indices = @transform_5, window_bounds = array<i64: 1, 128>}, {transform_indices = @transform_6, window_bounds = array<i64: 1000, 128>}]} {
    %get3A = arith.constant 0 : index
    %get3A_0 = arith.constant 0 : index
    %get3A_1 = vector.load %arg3[%get3A, %get3A_0] : memref<1000x2xf32, #tpu.memory_space<vmem>>, vector<1000x1xf32>
    %get3A_2 = arith.constant 0 : index
    %get3A_3 = arith.constant 1 : index
    %get3A_4 = vector.load %arg3[%get3A_2, %get3A_3] : memref<1000x2xf32, #tpu.memory_space<vmem>>, vector<1000x1xf32>
    %add3A = arith.addf %get3A_1, %get3A_4 : vector<1000x1xf32>
    %max3A = arith.constant 1.000000e+00 : f32
    %max3A_5 = vector.broadcast %max3A : f32 to vector<1000x1xf32>
    %max3A_6 = arith.maximumf %add3A, %max3A_5 : vector<1000x1xf32>
    %div3A = arith.constant 1.000000e+00 : f32
    %div3A_7 = vector.broadcast %div3A : f32 to vector<1000x1xf32>
    %div3A_8 = arith.divf %div3A_7, %max3A_6 : vector<1000x1xf32>
    %get3A_9 = arith.constant 0 : index
    %get3A_10 = arith.constant 0 : index
    %get3A_11 = arith.constant 0 : index
    %get3A_12 = vector.load %arg2[%get3A_9, %get3A_10, %get3A_11] : memref<2x1000x128xf32, #tpu.memory_space<vmem>>, vector<1x1000x128xf32>
    %get3A_13 = vector.shape_cast %get3A_12 : vector<1x1000x128xf32> to vector<1000x128xf32>
    %get3A_14 = arith.constant 1 : index
    %get3A_15 = arith.constant 0 : index
    %get3A_16 = arith.constant 0 : index
    %get3A_17 = vector.load %arg2[%get3A_14, %get3A_15, %get3A_16] : memref<2x1000x128xf32, #tpu.memory_space<vmem>>, vector<1x1000x128xf32>
    %get3A_18 = vector.shape_cast %get3A_17 : vector<1x1000x128xf32> to vector<1000x128xf32>
    %add3A_19 = arith.addf %get3A_13, %get3A_18 : vector<1000x128xf32>
    %mul3A = vector.broadcast %div3A_8 : vector<1000x1xf32> to vector<1000x128xf32>
    %mul3A_20 = arith.mulf %add3A_19, %mul3A : vector<1000x128xf32>
    %get3A_21 = arith.constant 0 : index
    %get3A_22 = arith.constant 0 : index
    %get3A_23 = vector.load %arg1[%get3A_21, %get3A_22] : memref<1000x128xf32, #tpu.memory_space<vmem>>, vector<1000x128xf32>
    %get3A_24 = arith.constant 0 : index
    %get3A_25 = arith.constant 0 : index
    %get3A_26 = vector.load %arg4[%get3A_24, %get3A_25] : memref<128x128xf32, #tpu.memory_space<vmem>>, vector<128x128xf32>
    %dot_general3A = arith.constant dense<0.000000e+00> : vector<1000x128xf32>
    %dot_general3A_27 = tpu.matmul %get3A_23, %get3A_26, %dot_general3A {dimension_numbers = #tpu.dot_dimension_numbers<[1], [1], [0], [0], [0, 0, 1, 0], [], []>, transpose_lhs_hint = false} : vector<1000x128xf32>, vector<128x128xf32>, vector<1000x128xf32> -> vector<1000x128xf32>
    %get3A_28 = arith.constant 0 : index
    %get3A_29 = arith.constant 0 : index
    %get3A_30 = vector.load %arg5[%get3A_28, %get3A_29] : memref<128x128xf32, #tpu.memory_space<vmem>>, vector<128x128xf32>
    %dot_general3A_31 = arith.constant dense<0.000000e+00> : vector<1000x128xf32>
    %dot_general3A_32 = tpu.matmul %mul3A_20, %get3A_30, %dot_general3A_31 {dimension_numbers = #tpu.dot_dimension_numbers<[1], [1], [0], [0], [0, 0, 1, 0], [], []>, transpose_lhs_hint = false} : vector<1000x128xf32>, vector<128x128xf32>, vector<1000x128xf32> -> vector<1000x128xf32>
    %add3A_33 = arith.addf %dot_general3A_27, %dot_general3A_32 : vector<1000x128xf32>
    %get3A_34 = arith.constant 0 : index
    %get3A_35 = arith.constant 0 : index
    %get3A_36 = vector.load %arg6[%get3A_34, %get3A_35] : memref<1x128xf32, #tpu.memory_space<vmem>>, vector<1x128xf32>
    %get3A_37 = vector.shape_cast %get3A_36 : vector<1x128xf32> to vector<128xf32>
    %broadcast_in_dim3A = vector.shape_cast %get3A_37 : vector<128xf32> to vector<1x128xf32>
    %add3A_38 = vector.broadcast %broadcast_in_dim3A : vector<1x128xf32> to vector<1000x128xf32>
    %add3A_39 = arith.addf %add3A_33, %add3A_38 : vector<1000x128xf32>
    %swap3A = arith.constant 0 : index
    %swap3A_40 = arith.constant 0 : index
    %swap3A_41 = vector.load %arg7[%swap3A, %swap3A_40] : memref<1000x128xf32, #tpu.memory_space<vmem>>, vector<1000x128xf32>
    tpu.vector_store %arg7[%swap3A, %swap3A_40], %add3A_39 {strides = array<i32>} : memref<1000x128xf32, #tpu.memory_space<vmem>>, vector<1000x128xf32>,
    return
  }
  func.func @transform_0(%arg0: i32) -> (i32, i32) {
    %c0_i32 = arith.constant 0 : i32
    %c0_i32_0 = arith.constant 0 : i32
    return %arg0, %c0_i32 : i32, i32
  }
  func.func @transform_1(%arg0: i32) -> (i32, i32, i32) {
    %c0_i32 = arith.constant 0 : i32
    %c0_i32_0 = arith.constant 0 : i32
    %c0_i32_1 = arith.constant 0 : i32
    return %c0_i32, %arg0, %c0_i32_0 : i32, i32, i32
  }
  func.func @transform_2(%arg0: i32) -> (i32, i32) {
    %c0_i32 = arith.constant 0 : i32
    %c0_i32_0 = arith.constant 0 : i32
    return %arg0, %c0_i32 : i32, i32
  }
  func.func @transform_3(%arg0: i32) -> (i32, i32) {
    %c0_i32 = arith.constant 0 : i32
    %c0_i32_0 = arith.constant 0 : i32
    %c0_i32_1 = arith.constant 0 : i32
    return %c0_i32, %c0_i32_0 : i32, i32
  }
  func.func @transform_4(%arg0: i32) -> (i32, i32) {
    %c0_i32 = arith.constant 0 : i32
    %c0_i32_0 = arith.constant 0 : i32
    %c0_i32_1 = arith.constant 0 : i32
    return %c0_i32, %c0_i32_0 : i32, i32
  }
  func.func @transform_5(%arg0: i32) -> (i32, i32) {
    %c0_i32 = arith.constant 0 : i32
    %c0_i32_0 = arith.constant 0 : i32
    %c0_i32_1 = arith.constant 0 : i32
    return %c0_i32, %c0_i32_0 : i32, i32
  }
  func.func @transform_6(%arg0: i32) -> (i32, i32) {
    %c0_i32 = arith.constant 0 : i32
    %c0_i32_0 = arith.constant 0 : i32
    return %arg0, %c0_i32 : i32, i32
  }
}

</mosaic_0001>

<sc_bundles>
// kernel: kernel.6.cloned.1.call-start
scs
__scs_entry_jumppad:
0x0: {  	(pc) =	sbr.rel $0x88, $3  }
0x1: {  	(tag) =	ssettag $0x0;
	lr =	simm.s32 $0x1  }
0x2: {  	[smem:$0x3F99] =	sst lr;
	_ =	strace $0xD0000000  }
0x3: {  	_ = 	snop  }
0x4: {  	_ = 	snop  }
0x5: {  	_ = 	snop  }
0x6: {  	_ = 	snop  }
0x7: {  	_ = 	snop  }
__scs_overlays_trampoline_lowered:
0x8: {  	[smem:$0x3FA8] =	sst s0  }
0x9: {  	[smem:$0x3FA9] =	sst s1  }
0xa: {  	[smem:$0x3FAA] =	sst s2  }
0xb: {  	[smem:$0x3FAB] =	sst s3  }
0xc: {  	[smem:$0x3FAC] =	sst s4  }
0xd: {  	[smem:$0x3FAD] =	sst s5  }
0xe: {  	[smem:$0x3FAE] =	sst s6  }
0xf: {  	[smem:$0x3FAF] =	sst s7  }
0x10: {  	[smem:$0x3FB0] =	sst s8  }
0x11: {  	[smem:$0x3FB1] =	sst s9;
	s0 =	simm.s32 @!p0 $0x0  }
0x12: {  	s1 =	sld [smem:$0x3F97];
	s0 =	simm.s32 @p0 $0x1  }
0x13: {  	[smem:$0x3FB2] =	sst s0;
	s0 =	simm.s32 @!p1 $0x0  }
0x14: {  	s2 =	sld [smem:$0x3F96];
	s0 =	simm.s32 @p1 $0x1  }
0x15: {  	[smem:$0x3FB3] =	sst s0;
	s0 =	simm.s32 @!p2 $0x0  }
0x16: {  	s3 =	sld [smem:$0x3FDB];
	s0 =	simm.s32 @p2 $0x1  }
0x17: {  	s4 =	simm.s32 $0x1BF5;
	[smem:$0x3FB5] =	sst s0  }
0x18: {  	s0 =	sld [smem:$0x3F98];
	_ =	swait.ge [sflag:s4], $0x0  }
0x19: {  	s7 =	sld [smem:$0x3F99]  }
0x1a: {  	s8 =	sadd.s32 $0xFFFFE003, lr  }
0x1b: {  	s9 =	sadd.s32 $0xFFFFFEF7, lr;
	s5 =	simm.s32 $0xFFFFFFFF;
	p2 =	slt.u32 s8, $0xFFFFF086  }
0x1c: {  	p1 =	slt.u32 s9, $0xF7A;
	s5 =	simm.s32 @!p2 $0x0  }
0x1d: {  	s5 =	simm.s32 @p1 $0x1;
	p0 =	seq.s32 s7, s2  }
0x1e: {  	s7 =	smul.u32 @!p0 $0xF7A, s2;
	p2 =	seq.s32 @!p0 s5, $0x0  }
0x1f: {  	s9 =	smul.u32 $0xF7A, s1;
	s8 =	simm.s32 @!p0 $0x1BF5;
	p2 =	por !p2, p0  }
0x20: {  	[sflag:s8] =	ssyncset.s32 @!p0 $0xFFFFF086;
	s6 =	sadd.s32 @!p0 s3, s7;
	s7 =	simm.s32 @!p0 $0x108  }
0x21: {  	s3 =	sadd.s32 s3, s9;
	s6 =	sadd.s32 @!p0 $0x88, s6;
	s7 =	simm.s32 @p2 $0x1082  }
0x22: {  	[simem:s7], [sflag:s8] =	dma.local @!p0 [hbm:s6], $0xF7A  }
0x23: {  	s9 =	sor.u32 $0xD0000000, s2;
	s6 =	simm.s32 $0x108;
	_ =	swait.ge @!p0 [sflag:s8], $0x0  }
0x24: {  	s3 =	sadd.s32 $0x88, s3;
	s6 =	simm.s32 @!p1 $0x1082;
	[sflag:s4] =	ssyncset.s32 $0xFFFFF086  }
0x25: {  	[simem:s6], [sflag:s4] =	dma.local [hbm:s3], $0xF7A  }
0x26: {  	[smem:$0x3F99] =	sst s1;
	(tag) =	ssettag s2;
	_ =	strace s9  }
0x27: {  	s1 =	sld [smem:$0x3FA9]  }
0x28: {  	s2 =	sld [smem:$0x3FAA]  }
0x29: {  	s4 =	sld [smem:$0x3FAC]  }
0x2a: {  	p0 =	seq.s32 s5, $0x0;
	s5 =	sld [smem:$0x3FAD]  }
0x2b: {  	s6 =	sld [smem:$0x3FAE]  }
0x2c: {  	s7 =	sld [smem:$0x3FAF]  }
0x2d: {  	s3 =	simm.s32 $0x108;
	s8 =	sld [smem:$0x3FB0]  }
0x2e: {  	s3 =	simm.s32 @!p0 $0x1082;
	s9 =	sld [smem:$0x3FB1]  }
0x2f: {  	lr =	sadd.s32 s0, s3;
	s0 =	sld [smem:$0x3FA8]  }
0x30: {  	s3 =	sld [smem:$0x3FAB]  }
0x31: {  	[smem:$0x3FB4] =	sst s10  }
0x32: {  	s10 =	sld [smem:$0x3FB2];
	_ =	sdelay $0x3  }
0x33: {  	p0 =	seq.s32 s10, $0x1;
	s10 =	sld [smem:$0x3FB4];
	_ =	sdelay $0x3  }
0x34: {  	[smem:$0x3FB4] =	sst s10  }
0x35: {  	s10 =	sld [smem:$0x3FB3];
	_ =	sdelay $0x3  }
0x36: {  	p1 =	seq.s32 s10, $0x1;
	s10 =	sld [smem:$0x3FB4];
	_ =	sdelay $0x3  }
0x37: {  	[smem:$0x3FB4] =	sst s10  }
0x38: {  	s10 =	sld [smem:$0x3FB5]  }
0x39: {  	_ = 	snop;
	(pc) =	sbr.ind lr, $3  }
0x3a: {  	_ = 	snop  }
0x3b: {  	_ = 	snop  }
0x3c: {  	p2 =	seq.s32 s10, $0x1;
	s10 =	sld [smem:$0x3FB4]  }
0x3d: {  	_ =	shalt  }
0x3e: {  	_ =	shalt  }
0x3f: {  	_ =	shalt  }
0x40: {  	_ =	shalt  }
0x41: {  	_ =	shalt  }
0x42: {  	_ =	shalt  }
0x43: {  	_ =	shalt  }
0x44: {  	_ =	shalt  }
0x45: {  	_ =	shalt  }
0x46: {  	_ =	shalt  }
0x47: {  	_ =	shalt  }
0x48: {  	_ =	shalt  }
0x49: {  	_ =	shalt  }
0x4a: {  	_ =	shalt  }
0x4b: {  	_ =	shalt  }
0x4c: {  	_ =	shalt  }
0x4d: {  	_ =	shalt  }
0x4e: {  	_ =	shalt  }
0x4f: {  	_ =	shalt  }
0x50: {  	_ =	shalt  }
0x51: {  	_ =	shalt  }
0x52: {  	_ =	shalt  }
0x53: {  	_ =	shalt  }
0x54: {  	_ =	shalt  }
0x55: {  	_ =	shalt  }
0x56: {  	_ =	shalt  }
0x57: {  	_ =	shalt  }
0x58: {  	_ =	shalt  }
0x59: {  	_ =	shalt  }
0x5a: {  	_ =	shalt  }
0x5b: {  	_ =	shalt  }
0x5c: {  	_ =	shalt  }
0x5d: {  	_ =	shalt  }
0x5e: {  	_ =	shalt  }
0x5f: {  	_ =	shalt  }
0x60: {  	_ =	shalt  }
0x61: {  	_ =	shalt  }
0x62: {  	_ =	shalt  }
0x63: {  	_ =	shalt  }
0x64: {  	_ =	shalt  }
0x65: {  	_ =	shalt  }
0x66: {  	_ =	shalt  }
0x67: {  	_ =	shalt  }
0x68: {  	_ =	shalt  }
0x69: {  	_ =	shalt  }
0x6a: {  	_ =	shalt  }
0x6b: {  	_ =	shalt  }
0x6c: {  	_ =	shalt  }
0x6d: {  	_ =	shalt  }
0x6e: {  	_ =	shalt  }
0x6f: {  	_ =	shalt  }
0x70: {  	_ =	shalt  }
0x71: {  	_ =	shalt  }
0x72: {  	_ =	shalt  }
0x73: {  	_ =	shalt  }
0x74: {  	_ =	shalt  }
0x75: {  	_ =	shalt  }
0x76: {  	_ =	shalt  }
0x77: {  	_ =	shalt  }
0x78: {  	_ =	shalt  }
0x79: {  	_ =	shalt  }
0x7a: {  	_ =	shalt  }
0x7b: {  	_ =	shalt  }
0x7c: {  	_ =	shalt  }
0x7d: {  	_ =	shalt  }
0x7e: {  	_ =	shalt  }
0x7f: {  	_ =	shalt  }
0x80: {  	_ =	shalt  }
0x81: {  	_ =	shalt  }
0x82: {  	_ =	shalt  }
0x83: {  	_ =	shalt  }
0x84: {  	_ =	shalt  }
0x85: {  	_ =	shalt  }
0x86: {  	_ =	shalt  }
0x87: {  	_ =	shalt  }
.Lfunc_end0:
.L_simem_size_0:
called_computation_lowered:
.L_overlay_start_0:
0x88: {  	s2 =	sld [smem:$0x3FD9]  }
0x89: {  	s3 =	sld [smem:$0x3FFE];
	_ =	sdelay $0x1  }
0x8a: {  	s1 =	srdreg.scid  }
0x8b: {  	s0 =	sand.u32 $0x1, s1  }
0x8c: {  	s17 =	sshll.u32 s0, $0xA;
	s2 =	sadd.s32 s3, s2  }
0x8d: {  	s2 =	sadd.s32 s2, s17  }
0x8e: {  	[smem:$0x3FC0] =	sst s2  }
0x8f: {  	_ = 	snop  }
0x90: {  	s2 =	sld [smem:$0x3FC9]  }
0x91: {  	s18 =	sld [smem:$0x3FD0];
	(tm) =	ssettm $0x1  }
0x92: {  	s4 =	sld [smem:$0x3FFB];
	_ =	sdelay $0x3  }
0x93: {  	_ =	strace s4  }
0x94: {  	s4 =	sld [smem:$0x3FFC];
	_ =	sdelay $0x3  }
0x95: {  	_ =	strace s4  }
0x96: {  	s4 =	sld [smem:$0x3FFD];
	_ =	sdelay $0x3  }
0x97: {  	_ =	strace s4  }
0x98: {  	_ =	strace $0x8FFFFFFF  }
0x99: {  	s19 =	sld [smem:$0x3FDB];
	_ =	sdelay $0x1  }
0x9a: {  	s5 =	simm.s32 $_scs_section_size  }
0x9b: {  	s6 =	simm.s32 $_size__tile_overlayer_lowered;
	s7 =	simm.s32 $_tile_overlayer_lowered  }
0x9c: {  	s22 =	simm.s32 $0x1BFF;
	s21 =	sshll.u32 s7, $0x1;
	s4 =	sadd.s32 s5, s19  }
0x9d: {  	s8 =	simm.s32 $0x0;
	s20 =	sshll.u32 s6, $0x1;
	s6 =	sadd.s32 s21, s4  }
0x9e: {  	[timem:s8], [sflag:s22] =	dma.local [hbm:s6], s20  }
0x9f: {  	_ =	swait.ge [sflag:s22], s20  }
0xa0: {  	s5 =	ssub.s32 $0x0, s20;
	[sflag:s22] =	ssyncset.done $0x0  }
0xa1: {  	[sflag:s22] =	ssyncadd.s32 s5;
	_ =	sdelay $0x1  }
0xa2: {  	s23 =	simm.s32 $0x1B8B  }
0xa3: {  	_ =	swait.ge [sflag:s23], $0x1  }
0xa4: {  	[sflag:s23] =	ssyncset.done $0x0  }
0xa5: {  	s25 =	simm.s32 $0x1B8E;
	s24 =	sld [smem:$0x3FFE];
	[sflag:s23] =	ssyncadd.s32 $0xFFFFFFFF  }
0xa6: {  	s26 =	simm.s32 $execute0_lowered;
	[smem:$0x3FD2] =	sst s25  }
0xa7: {  	s6 =	sshll.u32 s26, $0x1;
	_ =	strace $0x80000046;
	[dreg:$0x1] =	wrdreg $0xFFFFFFFF  }
0xa8: {  	s28 =	simm.s32 $_size_execute0_lowered;
	s4 =	sadd.s32 s4, s6;
	[dreg:$0x0] =	wrdreg $0x0  }
0xa9: {  	s6 =	sshll.u32 s28, $0x1;
	[dreg:$0x2] =	wrdreg s4  }
0xaa: {  	[dreg:$0x3] =	wrdreg s6  }
0xab: {  	[dreg:$0x4] =	wrdreg $0xC0  }
0xac: {  	_ =	task [dreg:s8], $0x5FFFF  }
0xad: {  	[dreg:$0x1] =	wrdreg $0xFFFFFFFF  }
0xae: {  	[dreg:$0x0] =	wrdreg $0x60  }
0xaf: {  	[dreg:$0x2] =	wrdreg s2  }
0xb0: {  	[dreg:$0x3] =	wrdreg s24  }
0xb1: {  	[dreg:$0x4] =	wrdreg s18  }
0xb2: {  	[dreg:$0x5] =	wrdreg $0xA8800  }
0xb3: {  	[dreg:$0x6] =	wrdreg $0x1E8800  }
0xb4: {  	[dreg:$0x7] =	wrdreg $0x9  }
0xb5: {  	_ =	task.clear_ibuf [dreg:s8], $0x8FFFF;
	_ =	strace $0x90000046  }
0xb6: {  	s29 =	simm.s32 $0x9;
	_ =	strace $0x80000048  }
0xb7: {  	_ =	swait.ge [sflag:s29], $0x1  }
0xb8: {  	[sflag:s29] =	ssyncadd.s32 $0xFFFFFFFF  }
0xb9: {  	_ =	strace $0x90000048  }
0xba: {  	_ =	sfence  }
0xbb: {  	s30 =	sld [smem:$0x0];
	_ =	sdelay $0x2  }
0xbc: {  	s31 =	sshll.u32 s1, $0xD;
	s1 =	sshrl.u32 s1, $0x2  }
0xbd: {  	s3 =	sand.u32 $0x4000, s31;
	s1 =	sadd.s32 s1, s30  }
0xbe: {  	s0 =	sor.u32 s3, s0;
	s1 =	sshll.u32 s1, $0x11  }
0xbf: {  	s0 =	sor.u32 s1, s0  }
0xc0: {  	s0 =	sadd.s32 $0x8F2B, s0  }
0xc1: {  	[sflag:s0] =	ssyncadd.remote.s32 $0x1  }
0xc2: {  	_ =	sfence.sel $0xFFFF  }
0xc3: {  	[dreg:$0x0] =	wrdreg $0xFFFFFFFF;
	(pc) =	sbr.abs _section_cstart, $3  }
0xc4: {  	[dreg:$0x1] =	wrdreg $0xFFFFFFFF  }
0xc5: {  	_ =	task.clear_ibuf [dreg:s8], $0x2FFFF;
	_ =	strace $0x9FFFFFFF  }
0xc6: {  	(tm) =	ssettm $0x7FFFFFFF  }
0xc7: {  	_ =	shalt  }
tec
execute0_lowered:
.L_overlay_start_1:
0x0: {  	(tag) =	ssettag $0x1  }
0x1: {  	s4 =	rddreg [dreg:$0x1]  }
0x2: {  	s0 =	rddreg [dreg:$0x2]  }
0x3: {  	s1 =	rddreg [dreg:$0x3]  }
0x4: {  	s2 =	rddreg [dreg:$0x4]  }
0x5: {  	s5 =	srdreg.scid;
	s15 =	simm.s32 $0x0;
	s14 =	stileid.u32  }
0x6: {  	s8 =	sand.u32 $0x1, s5;
	[smem:$0x7FF] =	sst s15;
	s7 =	smul.u32 $0x14000, s14  }
0x7: {  	s3 =	sadd.s32 $0xC000, s4;
	s5 =	sadd.s32 $0x2200, s4;
	s9 =	sadd.s32 $0x16200, s4  }
0x8: {  	s18 =	sadd.s32 $0x16000, s4;
	s10 =	smul.u32 $0x280, s14;
	s19 =	sadd.s32 $0x15E00, s4  }
0x9: {  	s20 =	smul.u32 $0x50000, s14;
	_ =	strace $0x80000047;
	[dreg:$0x14] =	wrdreg s9  }
0xa: {  	s13 =	smul.u32 $0x2710, s14;
	s23 =	sshll.u32 s14, $0x6;
	[dreg:$0x15] =	wrdreg s18  }
0xb: {  	s6 =	smul.u32 $0x140000, s8;
	[dreg:$0x16] =	wrdreg s19;
	s21 =	ssub.s32 $0x2, s8  }
0xc: {  	s22 =	sshll.u32 s8, $0x4;
	s11 =	smul.u32 $0x27100, s8;
	s16 =	sor.u32 $0x1C11, s23  }
0xd: {  	s8 =	smul.u32 $0x2800, s8;
	s12 =	sshrl.u32 s21, $0x1;
	s9 =	sor.u32 s14, s22  }
0xe: {  	s24 =	sadd.s32 s10, s2;
	[dreg:$0x18] =	wrdreg s16;
	s6 =	sadd.s32 s7, s6  }
0xf: {  	s9 =	smul.u32 $0x2710, s9;
	s7 =	sshrl.u32 s20, $0x2;
	[dreg:$0x19] =	wrdreg s24  }
0x10: {  	s8 =	sadd.s32 s10, s8;
	s6 =	sshrl.u32 s6, $0x3;
	s7 =	sadd.s32 s7, s1  }
0x11: {  	s8 =	sshrl.u32 s8, $0x3;
	s4 =	sadd.s32 s6, s4;
	s6 =	ssub.s32 s21, s12  }
0x12: {  	[dreg:$0x17] =	wrdreg s7;
	s7 =	sadd.s32 s13, s11;
	s9 =	sshrl.u32 s9, $0x3  }
0x13: {  	s0 =	sadd.s32 s0, s8;
	s11 =	sadd.s32 $0x2D0, s7;
	s12 =	sadd.s32 $0xA, s9  }
0x14: {  	s21 =	sadd.s32 $0x410, s7;
	[dreg:$0x1e] =	wrdreg s0;
	s25 =	sadd.s32 s3, s12  }
0x15: {  	s11 =	sshrl.u32 s11, $0x3;
	s12 =	sadd.s32 s5, s12;
	[dreg:$0x1a] =	wrdreg s25  }
0x16: {  	s23 =	sshrl.u32 s21, $0x3;
	s21 =	sadd.s32 s3, s9;
	[dreg:$0x1b] =	wrdreg s12  }
0x17: {  	s28 =	sadd.s32 $0x320, s7;
	s26 =	sadd.s32 s11, s5;
	[smem:$0x7F5] =	sst s21  }
0x18: {  	s29 =	sshrl.u32 s28, $0x3;
	s11 =	sadd.s32 s11, s3;
	[dreg:$0x6] =	wrdreg s26  }
0x19: {  	s31 =	sadd.s32 $0x370, s7;
	s30 =	sadd.s32 s29, s5;
	[dreg:$0x7] =	wrdreg s11  }
0x1a: {  	s2 =	sshrl.u32 s31, $0x3;
	s1 =	sadd.s32 s29, s3;
	[dreg:$0x8] =	wrdreg s30  }
0x1b: {  	s17 =	sadd.s32 $0x3C0, s7;
	s14 =	sadd.s32 s2, s5;
	[dreg:$0x9] =	wrdreg s1  }
0x1c: {  	s19 =	sshrl.u32 s17, $0x3;
	s18 =	sadd.s32 s2, s3;
	[dreg:$0xa] =	wrdreg s14  }
0x1d: {  	s20 =	sadd.s32 s19, s5;
	[dreg:$0xb] =	wrdreg s18  }
0x1e: {  	s22 =	sadd.s32 s19, s3;
	[dreg:$0xc] =	wrdreg s20  }
0x1f: {  	s31 =	sadd.s32 $0x14, s9;
	s24 =	sadd.s32 s23, s5;
	[dreg:$0xd] =	wrdreg s22  }
0x20: {  	s2 =	sadd.s32 s3, s31;
	[dreg:$0xe] =	wrdreg s24  }
0x21: {  	s17 =	sadd.s32 $0x28, s9;
	s12 =	sadd.s32 s5, s31;
	[dreg:$0x1c] =	wrdreg s2  }
0x22: {  	s0 =	sadd.s32 s5, s17;
	[dreg:$0x1d] =	wrdreg s12  }
0x23: {  	s31 =	sadd.s32 $0x280, s7;
	[smem:$0x7F4] =	sst s0  }
0x24: {  	s10 =	simm.s32 $0x6;
	s26 =	sadd.s32 s23, s3;
	[smem:$0x7FD] =	sst s31  }
0x25: {  	s25 =	sadd.s32 $0x460, s7;
	s20 =	sadd.s32 s3, s17;
	[dreg:$0xf] =	wrdreg s26  }
0x26: {  	s28 =	sshrl.u32 s25, $0x3;
	s23 =	sadd.s32 s5, s9;
	[smem:$0x7F3] =	sst s20  }
0x27: {  	s8 =	smov.u32 s5;
	s29 =	sadd.s32 s28, s5;
	[smem:$0x7F6] =	sst s23  }
0x28: {  	s14 =	sadd.s32 $0x1E, s9;
	s13 =	sadd.s32 s28, s3;
	[dreg:$0x10] =	wrdreg s29  }
0x29: {  	s21 =	smov.u32 s3;
	s18 =	sadd.s32 s3, s14;
	[dreg:$0x11] =	wrdreg s13  }
0x2a: {  	s22 =	sadd.s32 $0x32, s9;
	s19 =	sadd.s32 s5, s14;
	[dreg:$0x1f] =	wrdreg s18  }
0x2b: {  	s30 =	sadd.s32 $0x230, s7;
	s25 =	sadd.s32 s3, s22;
	[smem:$0x7F2] =	sst s19  }
0x2c: {  	s24 =	sadd.s32 $0x3C, s9;
	s0 =	sadd.s32 s5, s22;
	[smem:$0x7F7] =	sst s25  }
0x2d: {  	s17 =	simm.s32 $0x0;
	s26 =	sadd.s32 s3, s24;
	[smem:$0x7F8] =	sst s0  }
0x2e: {  	s11 =	sshrl.u32 s30, $0x3;
	s28 =	sadd.s32 s5, s24;
	[smem:$0x7F9] =	sst s26  }
0x2f: {  	s30 =	smax.u32 s6, $0x1;
	s14 =	simm.s32 $0x280;
	[smem:$0x7FA] =	sst s28  }
0x30: {  	s24 =	simm.s32 $0x50;
	s1 =	sadd.s32 s11, s5;
	[smem:$0x7FC] =	sst s30  }
0x31: {  	s11 =	sadd.s32 s11, s3;
	s29 =	sadd.s32 $0x18A00, s4;
	[dreg:$0x12] =	wrdreg s1  }
0x32: {  	s4 =	simm.s32 $0x11;
	s25 =	simm.s32 $0x80;
	[dreg:$0x13] =	wrdreg s11  }
0x33: {  	s13 =	simm.s32 $0x380;
	s0 =	simm.s32 $0x0;
	[smem:$0x7FB] =	sst s29  }
.LBB2_1:
0x34: {  	[smem:$0x7EF] =	sst s0  }
0x35: {  	s9 =	rddreg [dreg:$0x17]  }
0x36: {  	s6 =	rddreg [dreg:$0x14];
	s5 =	sshrl.u32 s9, $0x3  }
0x37: {  	[smem:$0x7F0] =	sst s5  }
0x38: {  	[spmem:s5], [sflag:s16] =	dma.local [hbm:s6], $0x2800  }
0x39: {  	_ =	swait.ge [sflag:s4], $0x2800  }
0x3a: {  	s7 =	rddreg [dreg:$0x19]  }
0x3b: {  	[sflag:s4] =	ssyncset.done $0x0;
	s11 =	rddreg [dreg:$0x15];
	s9 =	sshrl.u32 s7, $0x3  }
0x3c: {  	[sflag:s4] =	ssyncadd.s32 $0xFFFFD800;
	[smem:$0x7F1] =	sst s9  }
0x3d: {  	[spmem:s9], [sflag:s16] =	dma.local [hbm:s11], $0x50  }
0x3e: {  	_ =	swait.ge [sflag:s4], $0x50  }
0x3f: {  	[sflag:s4] =	ssyncset.done $0x0  }
0x40: {  	s22 =	simm.s32 $0xA800;
	s12 =	rddreg [dreg:$0x16];
	[sflag:s4] =	ssyncadd.s32 $0xFFFFFFB0  }
0x41: {  	[tilespmem:s22], [sflag:$0x11] =	stream.linear.gather [hbm4b:s12+s15], $0x80, $0x38;
	[tilespmem:$0x1EB00] =	vst v63  }
0x42: {  	_ =	swait.ge [sflag:s4], $0x80  }
0x43: {  	[sflag:s4] =	ssyncset.done $0x0  }
0x44: {  	[sflag:s4] =	ssyncadd.s32 $0xFFFFFF80  }
0x45: {  	[bflag:$0x0] =	sbarrier.arrive $0xFFFF  }
0x46: {  	s16 =	sld [smem:$0x7F5];
	_ =	sdelay $0x1  }
0x47: {  	s18 =	sld [smem:$0x7F6]  }
0x48: {  	[tilespmem:s15], [sflag:$0x1] =	stream.linear.gather [hbm4b:s16+s15], $0x50, $0x38;
	[tilespmem:$0x1EB00] =	vst v63  }
0x49: {  	s12 =	simm.s32 $0x400;
	s19 =	rddreg [dreg:$0x1a]  }
0x4a: {  	[tilespmem:s12], [sflag:$0x1] =	stream.linear.gather [hbm4b:s18+s15], $0x50, $0x38;
	[tilespmem:$0x1EB00] =	vst v63  }
0x4b: {  	s20 =	rddreg [dreg:$0x1b]  }
0x4c: {  	[tilespmem:s25], [sflag:$0x2] =	stream.linear.gather [hbm4b:s19+s15], $0x50, $0x38;
	[tilespmem:$0x1EB00] =	vst v63  }
0x4d: {  	s5 =	simm.s32 $0x480;
	s23 =	rddreg [dreg:$0x1c]  }
0x4e: {  	[tilespmem:s5], [sflag:$0x2] =	stream.linear.gather [hbm4b:s20+s15], $0x50, $0x38;
	[tilespmem:$0x1EB00] =	vst v63  }
0x4f: {  	s29 =	simm.s32 $0x100;
	s26 =	rddreg [dreg:$0x1d]  }
0x50: {  	[tilespmem:s29], [sflag:$0x3] =	stream.linear.gather [hbm4b:s23+s15], $0x50, $0x38;
	[tilespmem:$0x1EB00] =	vst v63  }
0x51: {  	s28 =	simm.s32 $0x500;
	s30 =	rddreg [dreg:$0x1f]  }
0x52: {  	[tilespmem:s28], [sflag:$0x3] =	stream.linear.gather [hbm4b:s26+s15], $0x50, $0x38;
	[tilespmem:$0x1EB00] =	vst v63  }
0x53: {  	s31 =	simm.s32 $0x180;
	s0 =	sld [smem:$0x7F2]  }
0x54: {  	[tilespmem:s31], [sflag:$0x4] =	stream.linear.gather [hbm4b:s30+s15], $0x50, $0x38;
	[tilespmem:$0x1EB00] =	vst v63  }
0x55: {  	s1 =	sld [smem:$0x7F3];
	s30 =	simm.s32 $0x580  }
0x56: {  	[tilespmem:s30], [sflag:$0x4] =	stream.linear.gather [hbm4b:s0+s15], $0x50, $0x38;
	[tilespmem:$0x1EB00] =	vst v63  }
0x57: {  	s2 =	simm.s32 $0x200;
	s3 =	sld [smem:$0x7F4]  }
0x58: {  	[tilespmem:s2], [sflag:$0x5] =	stream.linear.gather [hbm4b:s1+s15], $0x50, $0x38;
	[tilespmem:$0x1EB00] =	vst v63  }
0x59: {  	s6 =	simm.s32 $0x600;
	s7 =	sld [smem:$0x7F7]  }
0x5a: {  	[tilespmem:s6], [sflag:$0x5] =	stream.linear.gather [hbm4b:s3+s15], $0x50, $0x38;
	[tilespmem:$0x1EB00] =	vst v63  }
0x5b: {  	s16 =	sld [smem:$0x7F8]  }
0x5c: {  	[tilespmem:s14], [sflag:$0x6] =	stream.linear.gather [hbm4b:s7+s15], $0x50, $0x38;
	[tilespmem:$0x1EB00] =	vst v63  }
0x5d: {  	s18 =	simm.s32 $0x680;
	s19 =	sld [smem:$0x7F9]  }
0x5e: {  	[tilespmem:s18], [sflag:$0x6] =	stream.linear.gather [hbm4b:s16+s15], $0x50, $0x38;
	[tilespmem:$0x1EB00] =	vst v63  }
0x5f: {  	s20 =	simm.s32 $0x300;
	s23 =	sld [smem:$0x7FA]  }
0x60: {  	[tilespmem:s20], [sflag:$0x7] =	stream.linear.gather [hbm4b:s19+s15], $0x50, $0x38;
	[tilespmem:$0x1EB00] =	vst v63  }
0x61: {  	s26 =	simm.s32 $0x700;
	s18 =	simm.s32 $0x1  }
0x62: {  	[tilespmem:s26], [sflag:$0x7] =	stream.linear.gather [hbm4b:s23+s15], $0x50, $0x38;
	[tilespmem:$0x1EB00] =	vst v63  }
0x63: {  	_ =	swait.ge [sflag:s18], $0x50  }
0x64: {  	[sflag:s18] =	ssyncset.done $0x0  }
0x65: {  	[sflag:s18] =	ssyncadd.s32 $0xFFFFFFB0  }
0x66: {  	_ =	swait.ge [sflag:s18], $0x50  }
0x67: {  	[sflag:s18] =	ssyncset.done $0x0  }
0x68: {  	[sflag:s18] =	ssyncadd.s32 $0xFFFFFFB0  }
0x69: {  	s20 =	simm.s32 $0x800;
	s23 =	simm.s32 $0x2;
	s2 =	rddreg [dreg:$0x0]  }
0x6a: {  	[tilespmem:s20], [sflag:$0x9] =	stream.indirect.gather [hbm4b:s2+s24], $0x80, s15, s24, $0xb8;
	[tilespmem:$0x1EB00] =	vst v63  }
0x6b: {  	_ =	swait.ge [sflag:s23], $0x50  }
0x6c: {  	[sflag:s23] =	ssyncset.done $0x0  }
0x6d: {  	[sflag:s23] =	ssyncadd.s32 $0xFFFFFFB0  }
0x6e: {  	_ =	swait.ge [sflag:s23], $0x50  }
0x6f: {  	[sflag:s23] =	ssyncset.done $0x0  }
0x70: {  	s26 =	simm.s32 $0x3000;
	s15 =	simm.s32 $0x3;
	[sflag:s23] =	ssyncadd.s32 $0xFFFFFFB0  }
0x71: {  	[tilespmem:s26], [sflag:$0xA] =	stream.indirect.gather [hbm4b:s2+s24], $0x80, s25, s24, $0xb8;
	[tilespmem:$0x1EB00] =	vst v63  }
0x72: {  	_ =	swait.ge [sflag:s15], $0x50  }
0x73: {  	[sflag:s15] =	ssyncset.done $0x0  }
0x74: {  	[sflag:s15] =	ssyncadd.s32 $0xFFFFFFB0  }
0x75: {  	_ =	swait.ge [sflag:s15], $0x50  }
0x76: {  	[sflag:s15] =	ssyncset.done $0x0  }
0x77: {  	s7 =	simm.s32 $0x9;
	s19 =	simm.s32 $0x5800;
	[sflag:s15] =	ssyncadd.s32 $0xFFFFFFB0  }
0x78: {  	[tilespmem:s19], [sflag:$0xB] =	stream.indirect.gather [hbm4b:s2+s24], $0x80, s29, s24, $0xb8;
	[tilespmem:$0x1EB00] =	vst v63  }
0x79: {  	_ =	swait.ge [sflag:s7], $0x2800  }
0x7a: {  	p0 =	por $0x1, $0x1;
	[sflag:s7] =	ssyncset.done $0x0  }
0x7b: {  	s14 =	simm.s32 @!p0 $0x10;
	[sflag:s7] =	ssyncadd.s32 $0xFFFFD800  }
0x7c: {  	_ =	swait.ge @!p0 [sflag:s14], $0x2800  }
0x7d: {  	[sflag:s14] =	ssyncset.done @!p0 $0x0  }
0x7e: {  	[sflag:s14] =	ssyncadd.s32 @!p0 $0xFFFFD800  }
0x7f: {  	s3 =	rddreg [dreg:$0x3]  }
0x80: {  	[spmem:s3] =	stream.indirect.scatter.add.f32 [tilespmem:s20], [sflag:$0xD], $0x80, s12, s24, $0xb8;
	[tilespmem:$0x1EB00] =	vst v63  }
0x81: {  	s6 =	rddreg [dreg:$0x4]  }
0x82: {  	[spmem:s6] =	stream.indirect.scatter.add.f32 [tilespmem:s22], [sflag:$0x11], $0x1, s12, s24, $0xb8;
	[tilespmem:$0x1EB00] =	vst v63  }
0x83: {  	_ =	swait.ge [sflag:s4], $0x50  }
0x84: {  	s31 =	rddreg [dreg:$0x13];
	[sflag:s4] =	ssyncset.done $0x0  }
0x85: {  	s0 =	rddreg [dreg:$0x12];
	[sflag:s4] =	ssyncadd.s32 $0xFFFFFFB0;
	s14 =	sadd.s32 $0x0, s31  }
0x86: {  	[tilespmem:s13], [sflag:$0x8] =	stream.linear.gather [hbm4b:s14+s17], $0x50, $0x38;
	[tilespmem:$0x1EB00] =	vst v63  }
0x87: {  	s9 =	simm.s32 $0x780;
	s31 =	sadd.s32 $0x0, s0;
	s0 =	simm.s32 $0x4  }
0x88: {  	[tilespmem:s9], [sflag:$0x8] =	stream.linear.gather [hbm4b:s31+s17], $0x50, $0x38;
	[tilespmem:$0x1EB00] =	vst v63  }
0x89: {  	_ =	swait.ge [sflag:s0], $0x50  }
0x8a: {  	[sflag:s0] =	ssyncset.done $0x0  }
0x8b: {  	[sflag:s0] =	ssyncadd.s32 $0xFFFFFFB0  }
0x8c: {  	_ =	swait.ge [sflag:s0], $0x50  }
0x8d: {  	s11 =	simm.s32 $0x180;
	[sflag:s0] =	ssyncset.done $0x0  }
0x8e: {  	s9 =	simm.s32 $0x8000;
	s31 =	simm.s32 $0xA;
	[sflag:s0] =	ssyncadd.s32 $0xFFFFFFB0  }
0x8f: {  	[tilespmem:s9], [sflag:$0xC] =	stream.indirect.gather [hbm4b:s2+s24], $0x80, s11, s24, $0xb8;
	[tilespmem:$0x1EB00] =	vst v63  }
0x90: {  	_ =	swait.ge [sflag:s31], $0x2800  }
0x91: {  	[sflag:s31] =	ssyncset.done $0x0  }
0x92: {  	s0 =	simm.s32 $0xD;
	[sflag:s31] =	ssyncadd.s32 $0xFFFFD800  }
0x93: {  	_ =	swait.ge [sflag:s0], $0x2800  }
0x94: {  	[sflag:s0] =	ssyncset.done $0x0  }
0x95: {  	[sflag:s0] =	ssyncadd.s32 $0xFFFFD800  }
0x96: {  	[spmem:s3] =	stream.indirect.scatter.add.f32 [tilespmem:s26], [sflag:$0xE], $0x80, s5, s24, $0xb8;
	[tilespmem:$0x1EB00] =	vst v63  }
0x97: {  	_ = 	snop  }
0x98: {  	[spmem:s6] =	stream.indirect.scatter.add.f32 [tilespmem:s22], [sflag:$0x11], $0x1, s5, s24, $0xb8;
	[tilespmem:$0x1EB00] =	vst v63  }
0x99: {  	_ =	swait.ge [sflag:s4], $0x50  }
0x9a: {  	s13 =	sld [smem:$0x7FD];
	_ =	sdelay $0x2  }
0x9b: {  	[sflag:s4] =	ssyncset.done $0x0;
	s14 =	sshrl.u32 s13, $0x3  }
0x9c: {  	[sflag:s4] =	ssyncadd.s32 $0xFFFFFFB0;
	s11 =	sadd.s32 s21, s14  }
0x9d: {  	[tilespmem:s17], [sflag:$0x1] =	stream.linear.gather [hbm4b:s11+s17], $0x50, $0x38;
	[tilespmem:$0x1EB00] =	vst v63  }
0x9e: {  	s14 =	sadd.s32 s8, s14  }
0x9f: {  	[tilespmem:s12], [sflag:$0x1] =	stream.linear.gather [hbm4b:s14+s17], $0x50, $0x38;
	[tilespmem:$0x1EB00] =	vst v63  }
0xa0: {  	s14 =	simm.s32 $0x5  }
0xa1: {  	_ =	swait.ge [sflag:s14], $0x50  }
0xa2: {  	[sflag:s14] =	ssyncset.done $0x0  }
0xa3: {  	[sflag:s14] =	ssyncadd.s32 $0xFFFFFFB0  }
0xa4: {  	_ =	swait.ge [sflag:s14], $0x50  }
0xa5: {  	[sflag:s14] =	ssyncset.done $0x0  }
0xa6: {  	s1 =	simm.s32 $0x200;
	s11 =	simm.s32 $0xB;
	[sflag:s14] =	ssyncadd.s32 $0xFFFFFFB0  }
0xa7: {  	[tilespmem:s20], [sflag:$0x9] =	stream.indirect.gather [hbm4b:s2+s24], $0x80, s1, s24, $0xb8;
	[tilespmem:$0x1EB00] =	vst v63  }
0xa8: {  	_ =	swait.ge [sflag:s11], $0x2800  }
0xa9: {  	[sflag:s11] =	ssyncset.done $0x0  }
0xaa: {  	s1 =	simm.s32 $0xE;
	[sflag:s11] =	ssyncadd.s32 $0xFFFFD800  }
0xab: {  	_ =	swait.ge [sflag:s1], $0x2800  }
0xac: {  	[sflag:s1] =	ssyncset.done $0x0  }
0xad: {  	[sflag:s1] =	ssyncadd.s32 $0xFFFFD800  }
0xae: {  	[spmem:s3] =	stream.indirect.scatter.add.f32 [tilespmem:s19], [sflag:$0xF], $0x80, s28, s24, $0xb8;
	[tilespmem:$0x1EB00] =	vst v63  }
0xaf: {  	_ = 	snop  }
0xb0: {  	[spmem:s6] =	stream.indirect.scatter.add.f32 [tilespmem:s22], [sflag:$0x11], $0x1, s28, s24, $0xb8;
	[tilespmem:$0x1EB00] =	vst v63  }
0xb1: {  	_ =	swait.ge [sflag:s4], $0x50  }
0xb2: {  	s16 =	rddreg [dreg:$0x7];
	[sflag:s4] =	ssyncset.done $0x0  }
0xb3: {  	s12 =	rddreg [dreg:$0x6];
	[sflag:s4] =	ssyncadd.s32 $0xFFFFFFB0;
	s14 =	sadd.s32 $0x0, s16  }
0xb4: {  	[tilespmem:s25], [sflag:$0x2] =	stream.linear.gather [hbm4b:s14+s17], $0x50, $0x38;
	[tilespmem:$0x1EB00] =	vst v63  }
0xb5: {  	s12 =	sadd.s32 $0x0, s12  }
0xb6: {  	[tilespmem:s5], [sflag:$0x2] =	stream.linear.gather [hbm4b:s12+s17], $0x50, $0x38;
	[tilespmem:$0x1EB00] =	vst v63  }
0xb7: {  	_ =	swait.ge [sflag:s10], $0x50  }
0xb8: {  	[sflag:s10] =	ssyncset.done $0x0  }
0xb9: {  	[sflag:s10] =	ssyncadd.s32 $0xFFFFFFB0  }
0xba: {  	_ =	swait.ge [sflag:s10], $0x50  }
0xbb: {  	[sflag:s10] =	ssyncset.done $0x0  }
0xbc: {  	s14 =	simm.s32 $0x280;
	s5 =	simm.s32 $0xC;
	[sflag:s10] =	ssyncadd.s32 $0xFFFFFFB0  }
0xbd: {  	[tilespmem:s26], [sflag:$0xA] =	stream.indirect.gather [hbm4b:s2+s24], $0x80, s14, s24, $0xb8;
	[tilespmem:$0x1EB00] =	vst v63  }
0xbe: {  	_ =	swait.ge [sflag:s5], $0x2800  }
0xbf: {  	[sflag:s5] =	ssyncset.done $0x0  }
0xc0: {  	s10 =	simm.s32 $0xF;
	[sflag:s5] =	ssyncadd.s32 $0xFFFFD800  }
0xc1: {  	_ =	swait.ge [sflag:s10], $0x2800  }
0xc2: {  	[sflag:s10] =	ssyncset.done $0x0  }
0xc3: {  	[sflag:s10] =	ssyncadd.s32 $0xFFFFD800  }
0xc4: {  	[spmem:s3] =	stream.indirect.scatter.add.f32 [tilespmem:s9], [sflag:$0x10], $0x80, s30, s24, $0xb8;
	[tilespmem:$0x1EB00] =	vst v63  }
0xc5: {  	_ = 	snop  }
0xc6: {  	[spmem:s6] =	stream.indirect.scatter.add.f32 [tilespmem:s22], [sflag:$0x11], $0x1, s30, s24, $0xb8;
	[tilespmem:$0x1EB00] =	vst v63  }
0xc7: {  	_ =	swait.ge [sflag:s4], $0x50  }
0xc8: {  	s16 =	rddreg [dreg:$0x9];
	[sflag:s4] =	ssyncset.done $0x0  }
0xc9: {  	s12 =	rddreg [dreg:$0x8];
	[sflag:s4] =	ssyncadd.s32 $0xFFFFFFB0;
	s14 =	sadd.s32 $0x0, s16  }
0xca: {  	[tilespmem:s29], [sflag:$0x3] =	stream.linear.gather [hbm4b:s14+s17], $0x50, $0x38;
	[tilespmem:$0x1EB00] =	vst v63  }
0xcb: {  	s16 =	sadd.s32 $0x0, s12  }
0xcc: {  	[tilespmem:s28], [sflag:$0x3] =	stream.linear.gather [hbm4b:s16+s17], $0x50, $0x38;
	[tilespmem:$0x1EB00] =	vst v63  }
0xcd: {  	s28 =	simm.s32 $0x7  }
0xce: {  	_ =	swait.ge [sflag:s28], $0x50  }
0xcf: {  	[sflag:s28] =	ssyncset.done $0x0  }
0xd0: {  	[sflag:s28] =	ssyncadd.s32 $0xFFFFFFB0  }
0xd1: {  	_ =	swait.ge [sflag:s28], $0x50  }
0xd2: {  	[sflag:s28] =	ssyncset.done $0x0  }
0xd3: {  	s29 =	simm.s32 $0x300;
	[sflag:s28] =	ssyncadd.s32 $0xFFFFFFB0  }
0xd4: {  	[tilespmem:s19], [sflag:$0xB] =	stream.indirect.gather [hbm4b:s2+s24], $0x80, s29, s24, $0xb8;
	[tilespmem:$0x1EB00] =	vst v63  }
0xd5: {  	_ =	swait.ge [sflag:s7], $0x2800  }
0xd6: {  	[sflag:s7] =	ssyncset.done $0x0  }
0xd7: {  	s12 =	simm.s32 $0x10;
	[sflag:s7] =	ssyncadd.s32 $0xFFFFD800  }
0xd8: {  	_ =	swait.ge [sflag:s12], $0x2800  }
0xd9: {  	[sflag:s12] =	ssyncset.done $0x0  }
0xda: {  	s14 =	simm.s32 $0x600;
	[sflag:s12] =	ssyncadd.s32 $0xFFFFD800  }
0xdb: {  	[spmem:s3] =	stream.indirect.scatter.add.f32 [tilespmem:s20], [sflag:$0xD], $0x80, s14, s24, $0xb8;
	[tilespmem:$0x1EB00] =	vst v63  }
0xdc: {  	_ = 	snop  }
0xdd: {  	[spmem:s6] =	stream.indirect.scatter.add.f32 [tilespmem:s22], [sflag:$0x11], $0x1, s14, s24, $0xb8;
	[tilespmem:$0x1EB00] =	vst v63  }
0xde: {  	_ =	swait.ge [sflag:s4], $0x50  }
0xdf: {  	s29 =	simm.s32 $0x180;
	s16 =	rddreg [dreg:$0xb];
	[sflag:s4] =	ssyncset.done $0x0  }
0xe0: {  	s28 =	rddreg [dreg:$0xa];
	[sflag:s4] =	ssyncadd.s32 $0xFFFFFFB0;
	s14 =	sadd.s32 $0x0, s16  }
0xe1: {  	[tilespmem:s29], [sflag:$0x4] =	stream.linear.gather [hbm4b:s14+s17], $0x50, $0x38;
	[tilespmem:$0x1EB00] =	vst v63  }
0xe2: {  	s28 =	sadd.s32 $0x0, s28;
	s29 =	simm.s32 $0x8  }
0xe3: {  	[tilespmem:s30], [sflag:$0x4] =	stream.linear.gather [hbm4b:s28+s17], $0x50, $0x38;
	[tilespmem:$0x1EB00] =	vst v63  }
0xe4: {  	_ =	swait.ge [sflag:s29], $0x50  }
0xe5: {  	[sflag:s29] =	ssyncset.done $0x0  }
0xe6: {  	[sflag:s29] =	ssyncadd.s32 $0xFFFFFFB0  }
0xe7: {  	_ =	swait.ge [sflag:s29], $0x50  }
0xe8: {  	[sflag:s29] =	ssyncset.done $0x0  }
0xe9: {  	s30 =	simm.s32 $0x380;
	[sflag:s29] =	ssyncadd.s32 $0xFFFFFFB0  }
0xea: {  	[tilespmem:s9], [sflag:$0xC] =	stream.indirect.gather [hbm4b:s2+s24], $0x80, s30, s24, $0xb8;
	[tilespmem:$0x1EB00] =	vst v63  }
0xeb: {  	_ =	swait.ge [sflag:s31], $0x2800  }
0xec: {  	[sflag:s31] =	ssyncset.done $0x0  }
0xed: {  	[sflag:s31] =	ssyncadd.s32 $0xFFFFD800  }
0xee: {  	_ =	swait.ge [sflag:s0], $0x2800  }
0xef: {  	[sflag:s0] =	ssyncset.done $0x0  }
0xf0: {  	s14 =	simm.s32 $0x680;
	[sflag:s0] =	ssyncadd.s32 $0xFFFFD800  }
0xf1: {  	[spmem:s3] =	stream.indirect.scatter.add.f32 [tilespmem:s26], [sflag:$0xE], $0x80, s14, s24, $0xb8;
	[tilespmem:$0x1EB00] =	vst v63  }
0xf2: {  	_ = 	snop  }
0xf3: {  	[spmem:s6] =	stream.indirect.scatter.add.f32 [tilespmem:s22], [sflag:$0x11], $0x1, s14, s24, $0xb8;
	[tilespmem:$0x1EB00] =	vst v63  }
0xf4: {  	_ =	swait.ge [sflag:s4], $0x50  }
0xf5: {  	s29 =	simm.s32 $0x200;
	s16 =	rddreg [dreg:$0xd];
	[sflag:s4] =	ssyncset.done $0x0  }
0xf6: {  	s28 =	rddreg [dreg:$0xc];
	[sflag:s4] =	ssyncadd.s32 $0xFFFFFFB0;
	s14 =	sadd.s32 $0x0, s16  }
0xf7: {  	[tilespmem:s29], [sflag:$0x5] =	stream.linear.gather [hbm4b:s14+s17], $0x50, $0x38;
	[tilespmem:$0x1EB00] =	vst v63  }
0xf8: {  	s12 =	simm.s32 $0x600;
	s30 =	sadd.s32 $0x0, s28  }
0xf9: {  	[tilespmem:s12], [sflag:$0x5] =	stream.linear.gather [hbm4b:s30+s17], $0x50, $0x38;
	[tilespmem:$0x1EB00] =	vst v63  }
0xfa: {  	_ =	swait.ge [sflag:s18], $0x50  }
0xfb: {  	[sflag:s18] =	ssyncset.done $0x0  }
0xfc: {  	[sflag:s18] =	ssyncadd.s32 $0xFFFFFFB0  }
0xfd: {  	_ =	swait.ge [sflag:s18], $0x50  }
0xfe: {  	[sflag:s18] =	ssyncset.done $0x0  }
0xff: {  	[sflag:s18] =	ssyncadd.s32 $0xFFFFFFB0  }
0x100: {  	[tilespmem:s20], [sflag:$0x9] =	stream.indirect.gather [hbm4b:s2+s24], $0x80, s17, s24, $0xb8;
	[tilespmem:$0x1EB00] =	vst v63  }
0x101: {  	_ =	swait.ge [sflag:s11], $0x2800  }
0x102: {  	[sflag:s11] =	ssyncset.done $0x0  }
0x103: {  	[sflag:s11] =	ssyncadd.s32 $0xFFFFD800  }
0x104: {  	_ =	swait.ge [sflag:s1], $0x2800  }
0x105: {  	[sflag:s1] =	ssyncset.done $0x0  }
0x106: {  	s31 =	simm.s32 $0x700;
	[sflag:s1] =	ssyncadd.s32 $0xFFFFD800  }
0x107: {  	[spmem:s3] =	stream.indirect.scatter.add.f32 [tilespmem:s19], [sflag:$0xF], $0x80, s31, s24, $0xb8;
	[tilespmem:$0x1EB00] =	vst v63  }
0x108: {  	p0 =	por $0x0, $0x0  }
0x109: {  	[spmem:s6] =	stream.indirect.scatter.add.f32 [tilespmem:s22], [sflag:$0x11], $0x1, s31, s24, $0xb8;
	[tilespmem:$0x1EB00] =	vst v63  }
0x10a: {  	s0 =	simm.s32 @!p0 $0x0;
	_ =	swait.ge [sflag:s4], $0x50  }
0x10b: {  	s18 =	simm.s32 @!p0 $0x280;
	s14 =	rddreg [dreg:$0xf];
	[sflag:s4] =	ssyncset.done $0x0  }
0x10c: {  	s16 =	rddreg [dreg:$0xe];
	[sflag:s4] =	ssyncadd.s32 $0xFFFFFFB0;
	s14 =	sadd.s32 @!p0 $0x0, s14  }
0x10d: {  	[tilespmem:s18], [sflag:$0x6] =	stream.linear.gather @!p0 [hbm4b:s14+s0], $0x50, $0x38;
	[tilespmem:$0x1EB00] =	vst v63  }
0x10e: {  	s16 =	sadd.s32 @!p0 $0x0, s16;
	s14 =	simm.s32 @!p0 $0x680  }
0x10f: {  	[tilespmem:s14], [sflag:$0x6] =	stream.linear.gather @!p0 [hbm4b:s16+s0], $0x50, $0x38;
	[tilespmem:$0x1EB00] =	vst v63  }
0x110: {  	_ =	swait.ge [sflag:s23], $0x50  }
0x111: {  	[sflag:s23] =	ssyncset.done $0x0  }
0x112: {  	[sflag:s23] =	ssyncadd.s32 $0xFFFFFFB0  }
0x113: {  	_ =	swait.ge [sflag:s23], $0x50  }
0x114: {  	[sflag:s23] =	ssyncset.done $0x0  }
0x115: {  	[sflag:s23] =	ssyncadd.s32 $0xFFFFFFB0  }
0x116: {  	[tilespmem:s26], [sflag:$0xA] =	stream.indirect.gather [hbm4b:s2+s24], $0x80, s25, s24, $0xb8;
	[tilespmem:$0x1EB00] =	vst v63  }
0x117: {  	_ =	swait.ge [sflag:s5], $0x2800  }
0x118: {  	[sflag:s5] =	ssyncset.done $0x0  }
0x119: {  	[sflag:s5] =	ssyncadd.s32 $0xFFFFD800  }
0x11a: {  	_ =	swait.ge [sflag:s10], $0x2800  }
0x11b: {  	[sflag:s10] =	ssyncset.done $0x0  }
0x11c: {  	s19 =	simm.s32 $0x780;
	[sflag:s10] =	ssyncadd.s32 $0xFFFFD800  }
0x11d: {  	[spmem:s3] =	stream.indirect.scatter.add.f32 [tilespmem:s9], [sflag:$0x10], $0x80, s19, s24, $0xb8;
	[tilespmem:$0x1EB00] =	vst v63  }
0x11e: {  	_ = 	snop  }
0x11f: {  	[spmem:s6] =	stream.indirect.scatter.add.f32 [tilespmem:s22], [sflag:$0x11], $0x1, s19, s24, $0xb8;
	[tilespmem:$0x1EB00] =	vst v63  }
0x120: {  	_ =	swait.ge [sflag:s4], $0x50  }
0x121: {  	s18 =	simm.s32 @!p0 $0x300;
	s14 =	rddreg [dreg:$0x11];
	[sflag:s4] =	ssyncset.done $0x0  }
0x122: {  	s16 =	rddreg [dreg:$0x10];
	[sflag:s4] =	ssyncadd.s32 $0xFFFFFFB0;
	s14 =	sadd.s32 @!p0 $0x0, s14  }
0x123: {  	[tilespmem:s18], [sflag:$0x7] =	stream.linear.gather @!p0 [hbm4b:s14+s0], $0x50, $0x38;
	[tilespmem:$0x1EB00] =	vst v63  }
0x124: {  	s16 =	sadd.s32 @!p0 $0x0, s16;
	s14 =	simm.s32 @!p0 $0x700  }
0x125: {  	[tilespmem:s14], [sflag:$0x7] =	stream.linear.gather @!p0 [hbm4b:s16+s0], $0x50, $0x38;
	[tilespmem:$0x1EB00] =	vst v63  }
0x126: {  	_ =	swait.ge [sflag:s15], $0x50  }
0x127: {  	[sflag:s15] =	ssyncset.done $0x0  }
0x128: {  	[sflag:s15] =	ssyncadd.s32 $0xFFFFFFB0  }
0x129: {  	_ =	swait.ge [sflag:s15], $0x50  }
0x12a: {  	s14 =	simm.s32 $0x50;
	s16 =	smov.u32 s13;
	[sflag:s15] =	ssyncset.done $0x0  }
.LBB2_2:
0x12b: {  	s15 =	simm.s32 $0x3  }
0x12c: {  	s30 =	simm.s32 $0x100;
	[sflag:s15] =	ssyncadd.s32 $0xFFFFFFB0  }
0x12d: {  	s25 =	simm.s32 $0x5800;
	s29 =	simm.s32 $0x9;
	s2 =	rddreg [dreg:$0x0]  }
0x12e: {  	[tilespmem:s25], [sflag:$0xB] =	stream.indirect.gather [hbm4b:s2+s24], $0x80, s30, s24, $0xb8;
	[tilespmem:$0x1EB00] =	vst v63  }
0x12f: {  	s18 =	smov.u32 s14;
	_ =	swait.ge [sflag:s29], $0x2800  }
0x130: {  	p1 =	seq.s32 s18, $0x0;
	[sflag:s29] =	ssyncset.done $0x0  }
0x131: {  	s12 =	simm.s32 @!p1 $0x10;
	[sflag:s29] =	ssyncadd.s32 $0xFFFFD800  }
0x132: {  	_ =	swait.ge @!p1 [sflag:s12], $0x2800  }
0x133: {  	[sflag:s12] =	ssyncset.done @!p1 $0x0  }
0x134: {  	[sflag:s12] =	ssyncadd.s32 @!p1 $0xFFFFD800  }
0x135: {  	s23 =	simm.s32 $0x400;
	s7 =	simm.s32 $0x800;
	s3 =	rddreg [dreg:$0x3]  }
0x136: {  	[spmem:s3] =	stream.indirect.scatter.add.f32 [tilespmem:s7], [sflag:$0xD], $0x80, s23, s24, $0xb8;
	[tilespmem:$0x1EB00] =	vst v63  }
0x137: {  	s26 =	simm.s32 $0xA800;
	s6 =	rddreg [dreg:$0x4]  }
0x138: {  	[spmem:s6] =	stream.indirect.scatter.add.f32 [tilespmem:s26], [sflag:$0x11], $0x1, s23, s24, $0xb8;
	[tilespmem:$0x1EB00] =	vst v63  }
0x139: {  	_ =	swait.ge [sflag:s4], $0x50  }
0x13a: {  	s0 =	simm.s32 $0x380;
	s11 =	rddreg [dreg:$0x13];
	[sflag:s4] =	ssyncset.done $0x0  }
0x13b: {  	s9 =	rddreg [dreg:$0x12];
	[sflag:s4] =	ssyncadd.s32 $0xFFFFFFB0;
	s12 =	sadd.s32 s18, s11  }
0x13c: {  	[tilespmem:s0], [sflag:$0x8] =	stream.linear.gather [hbm4b:s12+s17], $0x50, $0x38;
	[tilespmem:$0x1EB00] =	vst v63  }
0x13d: {  	s9 =	sadd.s32 s18, s9;
	s12 =	simm.s32 $0x4  }
0x13e: {  	[tilespmem:s19], [sflag:$0x8] =	stream.linear.gather [hbm4b:s9+s17], $0x50, $0x38;
	[tilespmem:$0x1EB00] =	vst v63  }
0x13f: {  	_ =	swait.ge [sflag:s12], $0x50  }
0x140: {  	[sflag:s12] =	ssyncset.done $0x0  }
0x141: {  	[sflag:s12] =	ssyncadd.s32 $0xFFFFFFB0  }
0x142: {  	_ =	swait.ge [sflag:s12], $0x50  }
0x143: {  	s31 =	simm.s32 $0x180;
	[sflag:s12] =	ssyncset.done $0x0  }
0x144: {  	s13 =	simm.s32 $0x8000;
	s22 =	simm.s32 $0xA;
	[sflag:s12] =	ssyncadd.s32 $0xFFFFFFB0  }
0x145: {  	[tilespmem:s13], [sflag:$0xC] =	stream.indirect.gather [hbm4b:s2+s24], $0x80, s31, s24, $0xb8;
	[tilespmem:$0x1EB00] =	vst v63  }
0x146: {  	_ =	swait.ge [sflag:s22], $0x2800  }
0x147: {  	[sflag:s22] =	ssyncset.done $0x0  }
0x148: {  	s0 =	simm.s32 $0xD;
	[sflag:s22] =	ssyncadd.s32 $0xFFFFD800  }
0x149: {  	_ =	swait.ge [sflag:s0], $0x2800  }
0x14a: {  	[sflag:s0] =	ssyncset.done $0x0  }
0x14b: {  	s28 =	simm.s32 $0x480;
	s13 =	simm.s32 $0x3000;
	[sflag:s0] =	ssyncadd.s32 $0xFFFFD800  }
0x14c: {  	[spmem:s3] =	stream.indirect.scatter.add.f32 [tilespmem:s13], [sflag:$0xE], $0x80, s28, s24, $0xb8;
	[tilespmem:$0x1EB00] =	vst v63  }
0x14d: {  	_ = 	snop  }
0x14e: {  	[spmem:s6] =	stream.indirect.scatter.add.f32 [tilespmem:s26], [sflag:$0x11], $0x1, s28, s24, $0xb8;
	[tilespmem:$0x1EB00] =	vst v63  }
0x14f: {  	s16 =	sadd.s32 $0x280, s16;
	_ =	swait.ge [sflag:s4], $0x50  }
0x150: {  	s19 =	sshrl.u32 s16, $0x3;
	[sflag:s4] =	ssyncset.done $0x0  }
0x151: {  	s20 =	sadd.s32 s21, s19;
	[sflag:s4] =	ssyncadd.s32 $0xFFFFFFB0  }
0x152: {  	[tilespmem:s17], [sflag:$0x1] =	stream.linear.gather [hbm4b:s20+s17], $0x50, $0x38;
	[tilespmem:$0x1EB00] =	vst v63  }
0x153: {  	s1 =	simm.s32 $0x5;
	s9 =	sadd.s32 s8, s19  }
0x154: {  	[tilespmem:s23], [sflag:$0x1] =	stream.linear.gather [hbm4b:s9+s17], $0x50, $0x38;
	[tilespmem:$0x1EB00] =	vst v63  }
0x155: {  	_ =	swait.ge [sflag:s1], $0x50  }
0x156: {  	[sflag:s1] =	ssyncset.done $0x0  }
0x157: {  	[sflag:s1] =	ssyncadd.s32 $0xFFFFFFB0  }
0x158: {  	_ =	swait.ge [sflag:s1], $0x50  }
0x159: {  	[sflag:s1] =	ssyncset.done $0x0  }
0x15a: {  	s11 =	simm.s32 $0xB;
	s19 =	simm.s32 $0x200;
	[sflag:s1] =	ssyncadd.s32 $0xFFFFFFB0  }
0x15b: {  	[tilespmem:s7], [sflag:$0x9] =	stream.indirect.gather [hbm4b:s2+s24], $0x80, s19, s24, $0xb8;
	[tilespmem:$0x1EB00] =	vst v63  }
0x15c: {  	_ =	swait.ge [sflag:s11], $0x2800  }
0x15d: {  	[sflag:s11] =	ssyncset.done $0x0  }
0x15e: {  	s1 =	simm.s32 $0xE;
	[sflag:s11] =	ssyncadd.s32 $0xFFFFD800  }
0x15f: {  	_ =	swait.ge [sflag:s1], $0x2800  }
0x160: {  	[sflag:s1] =	ssyncset.done $0x0  }
0x161: {  	s23 =	simm.s32 $0x500;
	[sflag:s1] =	ssyncadd.s32 $0xFFFFD800  }
0x162: {  	[spmem:s3] =	stream.indirect.scatter.add.f32 [tilespmem:s25], [sflag:$0xF], $0x80, s23, s24, $0xb8;
	[tilespmem:$0x1EB00] =	vst v63  }
0x163: {  	_ = 	snop  }
0x164: {  	[spmem:s6] =	stream.indirect.scatter.add.f32 [tilespmem:s26], [sflag:$0x11], $0x1, s23, s24, $0xb8;
	[tilespmem:$0x1EB00] =	vst v63  }
0x165: {  	s5 =	smov.u32 s8;
	_ =	swait.ge [sflag:s4], $0x50  }
0x166: {  	s20 =	simm.s32 $0x80;
	s8 =	rddreg [dreg:$0x7];
	[sflag:s4] =	ssyncset.done $0x0  }
0x167: {  	s10 =	rddreg [dreg:$0x6];
	[sflag:s4] =	ssyncadd.s32 $0xFFFFFFB0;
	s9 =	sadd.s32 s18, s8  }
0x168: {  	[tilespmem:s20], [sflag:$0x2] =	stream.linear.gather [hbm4b:s9+s17], $0x50, $0x38;
	[tilespmem:$0x1EB00] =	vst v63  }
0x169: {  	s8 =	sadd.s32 s18, s10;
	s9 =	simm.s32 $0x6  }
0x16a: {  	[tilespmem:s28], [sflag:$0x2] =	stream.linear.gather [hbm4b:s8+s17], $0x50, $0x38;
	[tilespmem:$0x1EB00] =	vst v63  }
0x16b: {  	_ =	swait.ge [sflag:s9], $0x50  }
0x16c: {  	[sflag:s9] =	ssyncset.done $0x0  }
0x16d: {  	[sflag:s9] =	ssyncadd.s32 $0xFFFFFFB0  }
0x16e: {  	_ =	swait.ge [sflag:s9], $0x50  }
0x16f: {  	[sflag:s9] =	ssyncset.done $0x0  }
0x170: {  	s10 =	simm.s32 $0x280;
	s8 =	simm.s32 $0xC;
	[sflag:s9] =	ssyncadd.s32 $0xFFFFFFB0  }
0x171: {  	[tilespmem:s13], [sflag:$0xA] =	stream.indirect.gather [hbm4b:s2+s24], $0x80, s10, s24, $0xb8;
	[tilespmem:$0x1EB00] =	vst v63  }
0x172: {  	_ =	swait.ge [sflag:s8], $0x2800  }
0x173: {  	[sflag:s8] =	ssyncset.done $0x0  }
0x174: {  	s10 =	simm.s32 $0xF;
	[sflag:s8] =	ssyncadd.s32 $0xFFFFD800  }
0x175: {  	_ =	swait.ge [sflag:s10], $0x2800  }
0x176: {  	[sflag:s10] =	ssyncset.done $0x0  }
0x177: {  	s20 =	simm.s32 $0x8000;
	s28 =	simm.s32 $0x580;
	[sflag:s10] =	ssyncadd.s32 $0xFFFFD800  }
0x178: {  	[spmem:s3] =	stream.indirect.scatter.add.f32 [tilespmem:s20], [sflag:$0x10], $0x80, s28, s24, $0xb8;
	[tilespmem:$0x1EB00] =	vst v63  }
0x179: {  	_ = 	snop  }
0x17a: {  	[spmem:s6] =	stream.indirect.scatter.add.f32 [tilespmem:s26], [sflag:$0x11], $0x1, s28, s24, $0xb8;
	[tilespmem:$0x1EB00] =	vst v63  }
0x17b: {  	_ =	swait.ge [sflag:s4], $0x50  }
0x17c: {  	s9 =	rddreg [dreg:$0x9];
	[sflag:s4] =	ssyncset.done $0x0  }
0x17d: {  	s12 =	rddreg [dreg:$0x8];
	[sflag:s4] =	ssyncadd.s32 $0xFFFFFFB0;
	s9 =	sadd.s32 s18, s9  }
0x17e: {  	[tilespmem:s30], [sflag:$0x3] =	stream.linear.gather [hbm4b:s9+s17], $0x50, $0x38;
	[tilespmem:$0x1EB00] =	vst v63  }
0x17f: {  	s12 =	sadd.s32 s18, s12;
	s30 =	simm.s32 $0x7  }
0x180: {  	[tilespmem:s23], [sflag:$0x3] =	stream.linear.gather [hbm4b:s12+s17], $0x50, $0x38;
	[tilespmem:$0x1EB00] =	vst v63  }
0x181: {  	_ =	swait.ge [sflag:s30], $0x50  }
0x182: {  	[sflag:s30] =	ssyncset.done $0x0  }
0x183: {  	[sflag:s30] =	ssyncadd.s32 $0xFFFFFFB0  }
0x184: {  	_ =	swait.ge [sflag:s30], $0x50  }
0x185: {  	[sflag:s30] =	ssyncset.done $0x0  }
0x186: {  	s12 =	simm.s32 $0x300;
	[sflag:s30] =	ssyncadd.s32 $0xFFFFFFB0  }
0x187: {  	[tilespmem:s25], [sflag:$0xB] =	stream.indirect.gather [hbm4b:s2+s24], $0x80, s12, s24, $0xb8;
	[tilespmem:$0x1EB00] =	vst v63  }
0x188: {  	_ =	swait.ge [sflag:s29], $0x2800  }
0x189: {  	[sflag:s29] =	ssyncset.done $0x0  }
0x18a: {  	s23 =	simm.s32 $0x10;
	[sflag:s29] =	ssyncadd.s32 $0xFFFFD800  }
0x18b: {  	_ =	swait.ge [sflag:s23], $0x2800  }
0x18c: {  	[sflag:s23] =	ssyncset.done $0x0  }
0x18d: {  	[sflag:s23] =	ssyncadd.s32 $0xFFFFD800;
	s23 =	simm.s32 $0x600  }
0x18e: {  	[spmem:s3] =	stream.indirect.scatter.add.f32 [tilespmem:s7], [sflag:$0xD], $0x80, s23, s24, $0xb8;
	[tilespmem:$0x1EB00] =	vst v63  }
0x18f: {  	_ = 	snop  }
0x190: {  	[spmem:s6] =	stream.indirect.scatter.add.f32 [tilespmem:s26], [sflag:$0x11], $0x1, s23, s24, $0xb8;
	[tilespmem:$0x1EB00] =	vst v63  }
0x191: {  	_ =	swait.ge [sflag:s4], $0x50  }
0x192: {  	s29 =	rddreg [dreg:$0xb];
	[sflag:s4] =	ssyncset.done $0x0  }
0x193: {  	s30 =	rddreg [dreg:$0xa];
	[sflag:s4] =	ssyncadd.s32 $0xFFFFFFB0;
	s9 =	sadd.s32 s18, s29  }
0x194: {  	[tilespmem:s31], [sflag:$0x4] =	stream.linear.gather [hbm4b:s9+s17], $0x50, $0x38;
	[tilespmem:$0x1EB00] =	vst v63  }
0x195: {  	s29 =	sadd.s32 s18, s30;
	s30 =	simm.s32 $0x8  }
0x196: {  	[tilespmem:s28], [sflag:$0x4] =	stream.linear.gather [hbm4b:s29+s17], $0x50, $0x38;
	[tilespmem:$0x1EB00] =	vst v63  }
0x197: {  	_ =	swait.ge [sflag:s30], $0x50  }
0x198: {  	[sflag:s30] =	ssyncset.done $0x0  }
0x199: {  	[sflag:s30] =	ssyncadd.s32 $0xFFFFFFB0  }
0x19a: {  	_ =	swait.ge [sflag:s30], $0x50  }
0x19b: {  	[sflag:s30] =	ssyncset.done $0x0  }
0x19c: {  	s12 =	simm.s32 $0x380;
	[sflag:s30] =	ssyncadd.s32 $0xFFFFFFB0  }
0x19d: {  	[tilespmem:s20], [sflag:$0xC] =	stream.indirect.gather [hbm4b:s2+s24], $0x80, s12, s24, $0xb8;
	[tilespmem:$0x1EB00] =	vst v63  }
0x19e: {  	_ =	swait.ge [sflag:s22], $0x2800  }
0x19f: {  	[sflag:s22] =	ssyncset.done $0x0  }
0x1a0: {  	[sflag:s22] =	ssyncadd.s32 $0xFFFFD800  }
0x1a1: {  	_ =	swait.ge [sflag:s0], $0x2800  }
0x1a2: {  	[sflag:s0] =	ssyncset.done $0x0  }
0x1a3: {  	s28 =	simm.s32 $0x680;
	[sflag:s0] =	ssyncadd.s32 $0xFFFFD800  }
0x1a4: {  	[spmem:s3] =	stream.indirect.scatter.add.f32 [tilespmem:s13], [sflag:$0xE], $0x80, s28, s24, $0xb8;
	[tilespmem:$0x1EB00] =	vst v63  }
0x1a5: {  	_ = 	snop  }
0x1a6: {  	[spmem:s6] =	stream.indirect.scatter.add.f32 [tilespmem:s26], [sflag:$0x11], $0x1, s28, s24, $0xb8;
	[tilespmem:$0x1EB00] =	vst v63  }
0x1a7: {  	_ =	swait.ge [sflag:s4], $0x50  }
0x1a8: {  	s30 =	rddreg [dreg:$0xd];
	[sflag:s4] =	ssyncset.done $0x0  }
0x1a9: {  	s0 =	rddreg [dreg:$0xc];
	[sflag:s4] =	ssyncadd.s32 $0xFFFFFFB0;
	s9 =	sadd.s32 s18, s30  }
0x1aa: {  	[tilespmem:s19], [sflag:$0x5] =	stream.linear.gather [hbm4b:s9+s17], $0x50, $0x38;
	[tilespmem:$0x1EB00] =	vst v63  }
0x1ab: {  	s22 =	simm.s32 $0x1;
	s20 =	sadd.s32 s18, s0  }
0x1ac: {  	[tilespmem:s23], [sflag:$0x5] =	stream.linear.gather [hbm4b:s20+s17], $0x50, $0x38;
	[tilespmem:$0x1EB00] =	vst v63  }
0x1ad: {  	_ =	swait.ge [sflag:s22], $0x50  }
0x1ae: {  	[sflag:s22] =	ssyncset.done $0x0  }
0x1af: {  	[sflag:s22] =	ssyncadd.s32 $0xFFFFFFB0  }
0x1b0: {  	_ =	swait.ge [sflag:s22], $0x50  }
0x1b1: {  	[sflag:s22] =	ssyncset.done $0x0  }
0x1b2: {  	[sflag:s22] =	ssyncadd.s32 $0xFFFFFFB0  }
0x1b3: {  	[tilespmem:s7], [sflag:$0x9] =	stream.indirect.gather [hbm4b:s2+s24], $0x80, s17, s24, $0xb8;
	[tilespmem:$0x1EB00] =	vst v63  }
0x1b4: {  	_ =	swait.ge [sflag:s11], $0x2800  }
0x1b5: {  	[sflag:s11] =	ssyncset.done $0x0  }
0x1b6: {  	[sflag:s11] =	ssyncadd.s32 $0xFFFFD800  }
0x1b7: {  	_ =	swait.ge [sflag:s1], $0x2800  }
0x1b8: {  	[sflag:s1] =	ssyncset.done $0x0  }
0x1b9: {  	s23 =	simm.s32 $0x700;
	[sflag:s1] =	ssyncadd.s32 $0xFFFFD800  }
0x1ba: {  	[spmem:s3] =	stream.indirect.scatter.add.f32 [tilespmem:s25], [sflag:$0xF], $0x80, s23, s24, $0xb8;
	[tilespmem:$0x1EB00] =	vst v63  }
0x1bb: {  	p1 =	seq.s32 s18, $0x460  }
0x1bc: {  	[spmem:s6] =	stream.indirect.scatter.add.f32 [tilespmem:s26], [sflag:$0x11], $0x1, s23, s24, $0xb8;
	[tilespmem:$0x1EB00] =	vst v63  }
0x1bd: {  	s28 =	simm.s32 @!p1 $0x280;
	_ =	swait.ge [sflag:s4], $0x50  }
0x1be: {  	s25 =	simm.s32 @!p1 $0x0;
	s9 =	rddreg [dreg:$0xf];
	[sflag:s4] =	ssyncset.done $0x0  }
0x1bf: {  	s12 =	rddreg [dreg:$0xe];
	[sflag:s4] =	ssyncadd.s32 $0xFFFFFFB0;
	s9 =	sadd.s32 @!p1 s18, s9  }
0x1c0: {  	[tilespmem:s28], [sflag:$0x6] =	stream.linear.gather @!p1 [hbm4b:s9+s25], $0x50, $0x38;
	[tilespmem:$0x1EB00] =	vst v63  }
0x1c1: {  	s30 =	simm.s32 @!p1 $0x680;
	s9 =	sadd.s32 @!p1 s18, s12;
	s28 =	simm.s32 $0x2  }
0x1c2: {  	[tilespmem:s30], [sflag:$0x6] =	stream.linear.gather @!p1 [hbm4b:s9+s25], $0x50, $0x38;
	[tilespmem:$0x1EB00] =	vst v63  }
0x1c3: {  	_ =	swait.ge [sflag:s28], $0x50  }
0x1c4: {  	[sflag:s28] =	ssyncset.done $0x0  }
0x1c5: {  	[sflag:s28] =	ssyncadd.s32 $0xFFFFFFB0  }
0x1c6: {  	_ =	swait.ge [sflag:s28], $0x50  }
0x1c7: {  	[sflag:s28] =	ssyncset.done $0x0  }
0x1c8: {  	s30 =	simm.s32 $0x80;
	[sflag:s28] =	ssyncadd.s32 $0xFFFFFFB0  }
0x1c9: {  	[tilespmem:s13], [sflag:$0xA] =	stream.indirect.gather [hbm4b:s2+s24], $0x80, s30, s24, $0xb8;
	[tilespmem:$0x1EB00] =	vst v63  }
0x1ca: {  	_ =	swait.ge [sflag:s8], $0x2800  }
0x1cb: {  	[sflag:s8] =	ssyncset.done $0x0  }
0x1cc: {  	[sflag:s8] =	ssyncadd.s32 $0xFFFFD800  }
0x1cd: {  	_ =	swait.ge [sflag:s10], $0x2800  }
0x1ce: {  	[sflag:s10] =	ssyncset.done $0x0  }
0x1cf: {  	s29 =	simm.s32 $0x8000;
	s19 =	simm.s32 $0x780;
	[sflag:s10] =	ssyncadd.s32 $0xFFFFD800  }
0x1d0: {  	[spmem:s3] =	stream.indirect.scatter.add.f32 [tilespmem:s29], [sflag:$0x10], $0x80, s19, s24, $0xb8;
	[tilespmem:$0x1EB00] =	vst v63  }
0x1d1: {  	_ = 	snop  }
0x1d2: {  	[spmem:s6] =	stream.indirect.scatter.add.f32 [tilespmem:s26], [sflag:$0x11], $0x1, s19, s24, $0xb8;
	[tilespmem:$0x1EB00] =	vst v63  }
0x1d3: {  	s14 =	sadd.s32 $0x50, s14;
	_ =	swait.ge [sflag:s4], $0x50  }
0x1d4: {  	s28 =	simm.s32 @!p1 $0x300;
	s9 =	rddreg [dreg:$0x11];
	[sflag:s4] =	ssyncset.done $0x0  }
0x1d5: {  	s12 =	rddreg [dreg:$0x10];
	[sflag:s4] =	ssyncadd.s32 $0xFFFFFFB0;
	s9 =	sadd.s32 @!p1 s18, s9  }
0x1d6: {  	[tilespmem:s28], [sflag:$0x7] =	stream.linear.gather @!p1 [hbm4b:s9+s25], $0x50, $0x38;
	[tilespmem:$0x1EB00] =	vst v63  }
0x1d7: {  	p0 =	sne.s32 s14, $0x4B0;
	s30 =	simm.s32 @!p1 $0x700;
	s9 =	sadd.s32 @!p1 s18, s12  }
0x1d8: {  	[tilespmem:s30], [sflag:$0x7] =	stream.linear.gather @!p1 [hbm4b:s9+s25], $0x50, $0x38;
	[tilespmem:$0x1EB00] =	vst v63  }
.Ltmp0:
0x1d9: {  	_ =	swait.ge [sflag:s15], $0x50;
	(pc) =	sbr.rel @p0 .LBB2_2-.Ltmp0, $4  }
0x1da: {  	[sflag:s15] =	ssyncset.done $0x0  }
0x1db: {  	[sflag:s15] =	ssyncadd.s32 $0xFFFFFFB0  }
0x1dc: {  	s31 =	simm.s32 $0x200;
	s7 =	simm.s32 $0x3000;
	_ =	swait.ge [sflag:s15], $0x50  }
0x1dd: {  	s8 =	smov.u32 s5;
	s9 =	simm.s32 $0x3;
	[sflag:s15] =	ssyncset.done $0x0  }
0x1de: {  	[sflag:s9] =	ssyncadd.s32 $0xFFFFFFB0;
	s10 =	simm.s32 $0x5800  }
0x1df: {  	s0 =	simm.s32 $0x100;
	s12 =	simm.s32 $0x9;
	s1 =	rddreg [dreg:$0x0]  }
0x1e0: {  	[tilespmem:s10], [sflag:$0xB] =	stream.indirect.gather [hbm4b:s1+s24], $0x80, s0, s24, $0xb8;
	[tilespmem:$0x1EB00] =	vst v63  }
0x1e1: {  	_ =	swait.ge [sflag:s12], $0x2800  }
0x1e2: {  	[sflag:s12] =	ssyncset.done $0x0  }
0x1e3: {  	s11 =	simm.s32 $0x10;
	[sflag:s12] =	ssyncadd.s32 $0xFFFFD800  }
0x1e4: {  	_ =	swait.ge [sflag:s11], $0x2800  }
0x1e5: {  	[sflag:s11] =	ssyncset.done $0x0  }
0x1e6: {  	[sflag:s11] =	ssyncadd.s32 $0xFFFFD800  }
0x1e7: {  	s23 =	simm.s32 $0x400;
	s6 =	simm.s32 $0x800;
	s2 =	rddreg [dreg:$0x3]  }
0x1e8: {  	[spmem:s2] =	stream.indirect.scatter.add.f32 [tilespmem:s6], [sflag:$0xD], $0x80, s23, s24, $0xb8;
	[tilespmem:$0x1EB00] =	vst v63  }
0x1e9: {  	s5 =	simm.s32 $0xA800;
	s3 =	rddreg [dreg:$0x4]  }
0x1ea: {  	[spmem:s3] =	stream.indirect.scatter.add.f32 [tilespmem:s5], [sflag:$0x11], $0x1, s23, s24, $0xb8;
	[tilespmem:$0x1EB00] =	vst v63  }
0x1eb: {  	_ =	swait.ge [sflag:s4], $0x50  }
0x1ec: {  	[sflag:s4] =	ssyncset.done $0x0  }
0x1ed: {  	s25 =	simm.s32 $0x4;
	[sflag:s4] =	ssyncadd.s32 $0xFFFFFFB0  }
0x1ee: {  	_ =	swait.ge [sflag:s25], $0x50  }
0x1ef: {  	[sflag:s25] =	ssyncset.done $0x0  }
0x1f0: {  	[sflag:s25] =	ssyncadd.s32 $0xFFFFFFB0  }
0x1f1: {  	_ =	swait.ge [sflag:s25], $0x50  }
0x1f2: {  	s13 =	simm.s32 $0x8000;
	[sflag:s25] =	ssyncset.done $0x0  }
0x1f3: {  	s26 =	simm.s32 $0x180;
	s28 =	simm.s32 $0xA;
	[sflag:s25] =	ssyncadd.s32 $0xFFFFFFB0  }
0x1f4: {  	[tilespmem:s13], [sflag:$0xC] =	stream.indirect.gather [hbm4b:s1+s24], $0x80, s26, s24, $0xb8;
	[tilespmem:$0x1EB00] =	vst v63  }
0x1f5: {  	_ =	swait.ge [sflag:s28], $0x2800  }
0x1f6: {  	[sflag:s28] =	ssyncset.done $0x0  }
0x1f7: {  	s29 =	simm.s32 $0xD;
	[sflag:s28] =	ssyncadd.s32 $0xFFFFD800  }
0x1f8: {  	_ =	swait.ge [sflag:s29], $0x2800  }
0x1f9: {  	[sflag:s29] =	ssyncset.done $0x0  }
0x1fa: {  	s30 =	simm.s32 $0x480;
	[sflag:s29] =	ssyncadd.s32 $0xFFFFD800  }
0x1fb: {  	[spmem:s2] =	stream.indirect.scatter.add.f32 [tilespmem:s7], [sflag:$0xE], $0x80, s30, s24, $0xb8;
	[tilespmem:$0x1EB00] =	vst v63  }
0x1fc: {  	_ = 	snop  }
0x1fd: {  	[spmem:s3] =	stream.indirect.scatter.add.f32 [tilespmem:s5], [sflag:$0x11], $0x1, s30, s24, $0xb8;
	[tilespmem:$0x1EB00] =	vst v63  }
0x1fe: {  	_ =	swait.ge [sflag:s4], $0x50  }
0x1ff: {  	[sflag:s4] =	ssyncset.done $0x0  }
0x200: {  	s14 =	simm.s32 $0x5;
	[sflag:s4] =	ssyncadd.s32 $0xFFFFFFB0  }
0x201: {  	_ =	swait.ge [sflag:s14], $0x50  }
0x202: {  	[sflag:s14] =	ssyncset.done $0x0  }
0x203: {  	[sflag:s14] =	ssyncadd.s32 $0xFFFFFFB0  }
0x204: {  	_ =	swait.ge [sflag:s14], $0x50  }
0x205: {  	[sflag:s14] =	ssyncset.done $0x0  }
0x206: {  	s15 =	simm.s32 $0xB;
	[sflag:s14] =	ssyncadd.s32 $0xFFFFFFB0  }
0x207: {  	[tilespmem:s6], [sflag:$0x9] =	stream.indirect.gather [hbm4b:s1+s24], $0x80, s31, s24, $0xb8;
	[tilespmem:$0x1EB00] =	vst v63  }
0x208: {  	_ =	swait.ge [sflag:s15], $0x2800  }
0x209: {  	[sflag:s15] =	ssyncset.done $0x0  }
0x20a: {  	s16 =	simm.s32 $0xE;
	[sflag:s15] =	ssyncadd.s32 $0xFFFFD800  }
0x20b: {  	_ =	swait.ge [sflag:s16], $0x2800  }
0x20c: {  	[sflag:s16] =	ssyncset.done $0x0  }
0x20d: {  	s18 =	simm.s32 $0x500;
	[sflag:s16] =	ssyncadd.s32 $0xFFFFD800  }
0x20e: {  	[spmem:s2] =	stream.indirect.scatter.add.f32 [tilespmem:s10], [sflag:$0xF], $0x80, s18, s24, $0xb8;
	[tilespmem:$0x1EB00] =	vst v63  }
0x20f: {  	_ = 	snop  }
0x210: {  	[spmem:s3] =	stream.indirect.scatter.add.f32 [tilespmem:s5], [sflag:$0x11], $0x1, s18, s24, $0xb8;
	[tilespmem:$0x1EB00] =	vst v63  }
0x211: {  	_ =	swait.ge [sflag:s4], $0x50  }
0x212: {  	[sflag:s4] =	ssyncset.done $0x0  }
0x213: {  	s19 =	simm.s32 $0xC;
	[sflag:s4] =	ssyncadd.s32 $0xFFFFFFB0  }
0x214: {  	_ =	swait.ge [sflag:s19], $0x2800  }
0x215: {  	[sflag:s19] =	ssyncset.done $0x0  }
0x216: {  	s20 =	simm.s32 $0xF;
	[sflag:s19] =	ssyncadd.s32 $0xFFFFD800  }
0x217: {  	_ =	swait.ge [sflag:s20], $0x2800  }
0x218: {  	[sflag:s20] =	ssyncset.done $0x0  }
0x219: {  	s22 =	simm.s32 $0x580;
	[sflag:s20] =	ssyncadd.s32 $0xFFFFD800  }
0x21a: {  	[spmem:s2] =	stream.indirect.scatter.add.f32 [tilespmem:s13], [sflag:$0x10], $0x80, s22, s24, $0xb8;
	[tilespmem:$0x1EB00] =	vst v63  }
0x21b: {  	_ = 	snop  }
0x21c: {  	[spmem:s3] =	stream.indirect.scatter.add.f32 [tilespmem:s5], [sflag:$0x11], $0x1, s22, s24, $0xb8;
	[tilespmem:$0x1EB00] =	vst v63  }
0x21d: {  	_ =	swait.ge [sflag:s4], $0x50  }
0x21e: {  	[sflag:s4] =	ssyncset.done $0x0  }
0x21f: {  	[sflag:s4] =	ssyncadd.s32 $0xFFFFFFB0  }
0x220: {  	_ =	swait.ge [sflag:s12], $0x2800  }
0x221: {  	[sflag:s12] =	ssyncset.done $0x0  }
0x222: {  	[sflag:s12] =	ssyncadd.s32 $0xFFFFD800  }
0x223: {  	_ =	swait.ge [sflag:s11], $0x2800  }
0x224: {  	[sflag:s11] =	ssyncset.done $0x0  }
0x225: {  	s23 =	simm.s32 $0x600;
	[sflag:s11] =	ssyncadd.s32 $0xFFFFD800  }
0x226: {  	[spmem:s2] =	stream.indirect.scatter.add.f32 [tilespmem:s6], [sflag:$0xD], $0x80, s23, s24, $0xb8;
	[tilespmem:$0x1EB00] =	vst v63  }
0x227: {  	_ = 	snop  }
0x228: {  	[spmem:s3] =	stream.indirect.scatter.add.f32 [tilespmem:s5], [sflag:$0x11], $0x1, s23, s24, $0xb8;
	[tilespmem:$0x1EB00] =	vst v63  }
0x229: {  	_ =	swait.ge [sflag:s4], $0x50  }
0x22a: {  	[sflag:s4] =	ssyncset.done $0x0  }
0x22b: {  	[sflag:s4] =	ssyncadd.s32 $0xFFFFFFB0  }
0x22c: {  	_ =	swait.ge [sflag:s29], $0x2800  }
0x22d: {  	[sflag:s29] =	ssyncset.done $0x0  }
0x22e: {  	[sflag:s29] =	ssyncadd.s32 $0xFFFFD800  }
0x22f: {  	[bflag:$0x0] =	sbarrier.arrive $0xFFFF  }
0x230: {  	s25 =	sld [smem:$0x7FB]  }
0x231: {  	s26 =	sld [smem:$0x7F0];
	_ =	sdelay $0x1  }
0x232: {  	s16 =	rddreg [dreg:$0x18]  }
0x233: {  	[hbm:s25], [sflag:s16] =	dma.local [spmem:s26], $0x2800  }
0x234: {  	_ =	swait.ge [sflag:s4], $0x2800  }
0x235: {  	s29 =	sld [smem:$0x7F1]  }
0x236: {  	[sflag:s4] =	ssyncset.done $0x0  }
0x237: {  	s28 =	rddreg [dreg:$0x1e];
	[sflag:s4] =	ssyncadd.s32 $0xFFFFD800  }
0x238: {  	[hbm:s28], [sflag:s16] =	dma.local [spmem:s29], $0x50  }
0x239: {  	_ =	swait.ge [sflag:s4], $0x50  }
0x23a: {  	s30 =	sld [smem:$0x7EF]  }
0x23b: {  	s31 =	sld [smem:$0x7FC];
	_ =	sdelay $0x1  }
0x23c: {  	s0 =	sadd.s32 $0x1, s30  }
0x23d: {  	p0 =	sne.s32 s0, s31  }
.Ltmp1:
0x23e: {  	_ = 	snop;
	(pc) =	sbr.rel @p0 .LBB2_1-.Ltmp1, $4  }
0x23f: {  	_ = 	snop  }
0x240: {  	s14 =	simm.s32 $0x280  }
0x241: {  	s15 =	simm.s32 $0x0;
	s10 =	simm.s32 $0x6;
	[sflag:s4] =	ssyncset.done $0x0  }
0x242: {  	s13 =	simm.s32 $0x380;
	s25 =	simm.s32 $0x80;
	[sflag:s4] =	ssyncadd.s32 $0xFFFFFFB0  }
0x243: {  	_ =	sfence.sel $0x180000  }
0x244: {  	[bflag:$0x0] =	sbarrier.arrive $0xFFFF  }
0x245: {  	_ =	strace $0x90000047  }
0x246: {  	s0 =	stileid.u32;
	[bflag:$0x2] =	sbarrier.arrive $0xFFFF  }
0x247: {  	p0 =	sne.s32 s0, $0x0;
	s0 =	rddreg [dreg:$0x5]  }
0x248: {  	s0 =	sadd.s32 @!p0 $0x100000, s0  }
0x249: {  	[sflag:s0] =	ssyncadd.tile.s32 @!p0 $0x1;
	_ =	shalt  }
.Lfunc_end2:
_tile_overlayer_lowered:
.L_overlay_start_2:
0x24a: {  	(tag) =	ssettag $0x2  }
0x24b: {  	s0 =	rddreg [dreg:$0x0];
	s2 =	stileid.u32  }
0x24c: {  	s1 =	rddreg [dreg:$0x1];
	p0 =	sne.s32 s2, $0x0  }
0x24d: {  	s3 =	rddreg [dreg:$0x2];
	[bflag:$0x3] =	sbarrier.arrive $0xFFFF;
	s2 =	simm.s32 @!p0 $0x1C11  }
0x24e: {  	[timem:s3], [sflag:s2] =	dma.local @!p0 [hbm:s0], s1  }
0x24f: {  	s0 =	simm.s32 @!p0 $0x11  }
0x250: {  	_ =	swait.ge @!p0 [sflag:s0], s1  }
0x251: {  	s1 =	ssub.s32 @!p0 $0x0, s1;
	[sflag:s0] =	ssyncset.done @!p0 $0x0  }
0x252: {  	[sflag:s0] =	ssyncadd.s32 @!p0 s1  }
0x253: {  	[bflag:$0x3] =	sbarrier.arrive $0xFFFF  }
0x254: {  	_ =	shalt  }

// kernel: kernel.9.cloned.1.call-start
scs
__scs_entry_jumppad:
0x0: {  	(pc) =	sbr.rel $0x88, $3  }
0x1: {  	(tag) =	ssettag $0x0;
	lr =	simm.s32 $0x1  }
0x2: {  	[smem:$0x3F99] =	sst lr;
	_ =	strace $0xD0000000  }
0x3: {  	_ = 	snop  }
0x4: {  	_ = 	snop  }
0x5: {  	_ = 	snop  }
0x6: {  	_ = 	snop  }
0x7: {  	_ = 	snop  }
__scs_overlays_trampoline_lowered:
0x8: {  	[smem:$0x3FA8] =	sst s0  }
0x9: {  	[smem:$0x3FA9] =	sst s1  }
0xa: {  	[smem:$0x3FAA] =	sst s2  }
0xb: {  	[smem:$0x3FAB] =	sst s3  }
0xc: {  	[smem:$0x3FAC] =	sst s4  }
0xd: {  	[smem:$0x3FAD] =	sst s5  }
0xe: {  	[smem:$0x3FAE] =	sst s6  }
0xf: {  	[smem:$0x3FAF] =	sst s7  }
0x10: {  	[smem:$0x3FB0] =	sst s8  }
0x11: {  	[smem:$0x3FB1] =	sst s9;
	s0 =	simm.s32 @!p0 $0x0  }
0x12: {  	s1 =	sld [smem:$0x3F97];
	s0 =	simm.s32 @p0 $0x1  }
0x13: {  	[smem:$0x3FB2] =	sst s0;
	s0 =	simm.s32 @!p1 $0x0  }
0x14: {  	s2 =	sld [smem:$0x3F96];
	s0 =	simm.s32 @p1 $0x1  }
0x15: {  	[smem:$0x3FB3] =	sst s0;
	s0 =	simm.s32 @!p2 $0x0  }
0x16: {  	s3 =	sld [smem:$0x3FDB];
	s0 =	simm.s32 @p2 $0x1  }
0x17: {  	s4 =	simm.s32 $0x1BF5;
	[smem:$0x3FB5] =	sst s0  }
0x18: {  	s0 =	sld [smem:$0x3F98];
	_ =	swait.ge [sflag:s4], $0x0  }
0x19: {  	s7 =	sld [smem:$0x3F99]  }
0x1a: {  	s8 =	sadd.s32 $0xFFFFE003, lr  }
0x1b: {  	s9 =	sadd.s32 $0xFFFFFEF7, lr;
	s5 =	simm.s32 $0xFFFFFFFF;
	p2 =	slt.u32 s8, $0xFFFFF086  }
0x1c: {  	p1 =	slt.u32 s9, $0xF7A;
	s5 =	simm.s32 @!p2 $0x0  }
0x1d: {  	s5 =	simm.s32 @p1 $0x1;
	p0 =	seq.s32 s7, s2  }
0x1e: {  	s7 =	smul.u32 @!p0 $0xF7A, s2;
	p2 =	seq.s32 @!p0 s5, $0x0  }
0x1f: {  	s9 =	smul.u32 $0xF7A, s1;
	s8 =	simm.s32 @!p0 $0x1BF5;
	p2 =	por !p2, p0  }
0x20: {  	[sflag:s8] =	ssyncset.s32 @!p0 $0xFFFFF086;
	s6 =	sadd.s32 @!p0 s3, s7;
	s7 =	simm.s32 @!p0 $0x108  }
0x21: {  	s3 =	sadd.s32 s3, s9;
	s6 =	sadd.s32 @!p0 $0x88, s6;
	s7 =	simm.s32 @p2 $0x1082  }
0x22: {  	[simem:s7], [sflag:s8] =	dma.local @!p0 [hbm:s6], $0xF7A  }
0x23: {  	s9 =	sor.u32 $0xD0000000, s2;
	s6 =	simm.s32 $0x108;
	_ =	swait.ge @!p0 [sflag:s8], $0x0  }
0x24: {  	s3 =	sadd.s32 $0x88, s3;
	s6 =	simm.s32 @!p1 $0x1082;
	[sflag:s4] =	ssyncset.s32 $0xFFFFF086  }
0x25: {  	[simem:s6], [sflag:s4] =	dma.local [hbm:s3], $0xF7A  }
0x26: {  	[smem:$0x3F99] =	sst s1;
	(tag) =	ssettag s2;
	_ =	strace s9  }
0x27: {  	s1 =	sld [smem:$0x3FA9]  }
0x28: {  	s2 =	sld [smem:$0x3FAA]  }
0x29: {  	s4 =	sld [smem:$0x3FAC]  }
0x2a: {  	p0 =	seq.s32 s5, $0x0;
	s5 =	sld [smem:$0x3FAD]  }
0x2b: {  	s6 =	sld [smem:$0x3FAE]  }
0x2c: {  	s7 =	sld [smem:$0x3FAF]  }
0x2d: {  	s3 =	simm.s32 $0x108;
	s8 =	sld [smem:$0x3FB0]  }
0x2e: {  	s3 =	simm.s32 @!p0 $0x1082;
	s9 =	sld [smem:$0x3FB1]  }
0x2f: {  	lr =	sadd.s32 s0, s3;
	s0 =	sld [smem:$0x3FA8]  }
0x30: {  	s3 =	sld [smem:$0x3FAB]  }
0x31: {  	[smem:$0x3FB4] =	sst s10  }
0x32: {  	s10 =	sld [smem:$0x3FB2];
	_ =	sdelay $0x3  }
0x33: {  	p0 =	seq.s32 s10, $0x1;
	s10 =	sld [smem:$0x3FB4];
	_ =	sdelay $0x3  }
0x34: {  	[smem:$0x3FB4] =	sst s10  }
0x35: {  	s10 =	sld [smem:$0x3FB3];
	_ =	sdelay $0x3  }
0x36: {  	p1 =	seq.s32 s10, $0x1;
	s10 =	sld [smem:$0x3FB4];
	_ =	sdelay $0x3  }
0x37: {  	[smem:$0x3FB4] =	sst s10  }
0x38: {  	s10 =	sld [smem:$0x3FB5]  }
0x39: {  	_ = 	snop;
	(pc) =	sbr.ind lr, $3  }
0x3a: {  	_ = 	snop  }
0x3b: {  	_ = 	snop  }
0x3c: {  	p2 =	seq.s32 s10, $0x1;
	s10 =	sld [smem:$0x3FB4]  }
0x3d: {  	_ =	shalt  }
0x3e: {  	_ =	shalt  }
0x3f: {  	_ =	shalt  }
0x40: {  	_ =	shalt  }
0x41: {  	_ =	shalt  }
0x42: {  	_ =	shalt  }
0x43: {  	_ =	shalt  }
0x44: {  	_ =	shalt  }
0x45: {  	_ =	shalt  }
0x46: {  	_ =	shalt  }
0x47: {  	_ =	shalt  }
0x48: {  	_ =	shalt  }
0x49: {  	_ =	shalt  }
0x4a: {  	_ =	shalt  }
0x4b: {  	_ =	shalt  }
0x4c: {  	_ =	shalt  }
0x4d: {  	_ =	shalt  }
0x4e: {  	_ =	shalt  }
0x4f: {  	_ =	shalt  }
0x50: {  	_ =	shalt  }
0x51: {  	_ =	shalt  }
0x52: {  	_ =	shalt  }
0x53: {  	_ =	shalt  }
0x54: {  	_ =	shalt  }
0x55: {  	_ =	shalt  }
0x56: {  	_ =	shalt  }
0x57: {  	_ =	shalt  }
0x58: {  	_ =	shalt  }
0x59: {  	_ =	shalt  }
0x5a: {  	_ =	shalt  }
0x5b: {  	_ =	shalt  }
0x5c: {  	_ =	shalt  }
0x5d: {  	_ =	shalt  }
0x5e: {  	_ =	shalt  }
0x5f: {  	_ =	shalt  }
0x60: {  	_ =	shalt  }
0x61: {  	_ =	shalt  }
0x62: {  	_ =	shalt  }
0x63: {  	_ =	shalt  }
0x64: {  	_ =	shalt  }
0x65: {  	_ =	shalt  }
0x66: {  	_ =	shalt  }
0x67: {  	_ =	shalt  }
0x68: {  	_ =	shalt  }
0x69: {  	_ =	shalt  }
0x6a: {  	_ =	shalt  }
0x6b: {  	_ =	shalt  }
0x6c: {  	_ =	shalt  }
0x6d: {  	_ =	shalt  }
0x6e: {  	_ =	shalt  }
0x6f: {  	_ =	shalt  }
0x70: {  	_ =	shalt  }
0x71: {  	_ =	shalt  }
0x72: {  	_ =	shalt  }
0x73: {  	_ =	shalt  }
0x74: {  	_ =	shalt  }
0x75: {  	_ =	shalt  }
0x76: {  	_ =	shalt  }
0x77: {  	_ =	shalt  }
0x78: {  	_ =	shalt  }
0x79: {  	_ =	shalt  }
0x7a: {  	_ =	shalt  }
0x7b: {  	_ =	shalt  }
0x7c: {  	_ =	shalt  }
0x7d: {  	_ =	shalt  }
0x7e: {  	_ =	shalt  }
0x7f: {  	_ =	shalt  }
0x80: {  	_ =	shalt  }
0x81: {  	_ =	shalt  }
0x82: {  	_ =	shalt  }
0x83: {  	_ =	shalt  }
0x84: {  	_ =	shalt  }
0x85: {  	_ =	shalt  }
0x86: {  	_ =	shalt  }
0x87: {  	_ =	shalt  }
.Lfunc_end0:
.L_simem_size_0:
called_computation.1_lowered:
.L_overlay_start_0:
0x88: {  	s2 =	sld [smem:$0x3FD9]  }
0x89: {  	s3 =	sld [smem:$0x3FFE];
	_ =	sdelay $0x1  }
0x8a: {  	s1 =	srdreg.scid  }
0x8b: {  	s0 =	sand.u32 $0x1, s1  }
0x8c: {  	s17 =	sshll.u32 s0, $0xA;
	s2 =	sadd.s32 s3, s2  }
0x8d: {  	s2 =	sadd.s32 s2, s17  }
0x8e: {  	[smem:$0x3FC0] =	sst s2  }
0x8f: {  	_ = 	snop  }
0x90: {  	s2 =	sld [smem:$0x3FD0];
	(tm) =	ssettm $0x1  }
0x91: {  	s18 =	sld [smem:$0x3FFB];
	_ =	sdelay $0x3  }
0x92: {  	_ =	strace s18  }
0x93: {  	s3 =	sld [smem:$0x3FFC];
	_ =	sdelay $0x3  }
0x94: {  	_ =	strace s3  }
0x95: {  	s3 =	sld [smem:$0x3FFD];
	_ =	sdelay $0x3  }
0x96: {  	_ =	strace s3  }
0x97: {  	_ =	strace $0x8FFFFFFF  }
0x98: {  	s19 =	sld [smem:$0x3FDB];
	_ =	sdelay $0x1  }
0x99: {  	s4 =	simm.s32 $_scs_section_size  }
0x9a: {  	s5 =	simm.s32 $_size__tile_overlayer_lowered;
	s6 =	simm.s32 $_tile_overlayer_lowered  }
0x9b: {  	s22 =	simm.s32 $0x1BFF;
	s21 =	sshll.u32 s6, $0x1;
	s3 =	sadd.s32 s4, s19  }
0x9c: {  	s7 =	simm.s32 $0x0;
	s20 =	sshll.u32 s5, $0x1;
	s5 =	sadd.s32 s21, s3  }
0x9d: {  	[timem:s7], [sflag:s22] =	dma.local [hbm:s5], s20  }
0x9e: {  	_ =	swait.ge [sflag:s22], s20  }
0x9f: {  	s4 =	ssub.s32 $0x0, s20;
	[sflag:s22] =	ssyncset.done $0x0  }
0xa0: {  	[sflag:s22] =	ssyncadd.s32 s4;
	_ =	sdelay $0x1  }
0xa1: {  	s23 =	simm.s32 $0x1B8B  }
0xa2: {  	_ =	swait.ge [sflag:s23], $0x1  }
0xa3: {  	[sflag:s23] =	ssyncset.done $0x0  }
0xa4: {  	s25 =	simm.s32 $0x1B8E;
	s24 =	sld [smem:$0x3FFE];
	[sflag:s23] =	ssyncadd.s32 $0xFFFFFFFF  }
0xa5: {  	s26 =	simm.s32 $execute0_lowered;
	[smem:$0x3FD2] =	sst s25  }
0xa6: {  	s5 =	sshll.u32 s26, $0x1;
	_ =	strace $0x80000049;
	[dreg:$0x1] =	wrdreg $0xFFFFFFFF  }
0xa7: {  	s28 =	simm.s32 $_size_execute0_lowered;
	s3 =	sadd.s32 s3, s5;
	[dreg:$0x0] =	wrdreg $0x0  }
0xa8: {  	s5 =	sshll.u32 s28, $0x1;
	[dreg:$0x2] =	wrdreg s3  }
0xa9: {  	[dreg:$0x3] =	wrdreg s5  }
0xaa: {  	[dreg:$0x4] =	wrdreg $0xC0  }
0xab: {  	_ =	task [dreg:s7], $0x5FFFF  }
0xac: {  	[dreg:$0x1] =	wrdreg $0xFFFFFFFF  }
0xad: {  	[dreg:$0x0] =	wrdreg $0x60  }
0xae: {  	[dreg:$0x2] =	wrdreg s2  }
0xaf: {  	[dreg:$0x3] =	wrdreg s24  }
0xb0: {  	[dreg:$0x4] =	wrdreg $0xA8000  }
0xb1: {  	[dreg:$0x5] =	wrdreg $0x9  }
0xb2: {  	_ =	task.clear_ibuf [dreg:s7], $0x6FFFF;
	_ =	strace $0x90000049  }
0xb3: {  	s29 =	simm.s32 $0x9;
	_ =	strace $0x8000004B  }
0xb4: {  	_ =	swait.ge [sflag:s29], $0x1  }
0xb5: {  	[sflag:s29] =	ssyncadd.s32 $0xFFFFFFFF  }
0xb6: {  	_ =	strace $0x9000004B  }
0xb7: {  	_ =	sfence  }
0xb8: {  	s30 =	sld [smem:$0x0];
	_ =	sdelay $0x2  }
0xb9: {  	s31 =	sshll.u32 s1, $0xD;
	s1 =	sshrl.u32 s1, $0x2  }
0xba: {  	s3 =	sand.u32 $0x4000, s31;
	s1 =	sadd.s32 s1, s30  }
0xbb: {  	s0 =	sor.u32 s3, s0;
	s1 =	sshll.u32 s1, $0x11  }
0xbc: {  	s0 =	sor.u32 s1, s0  }
0xbd: {  	s0 =	sadd.s32 $0x8F2B, s0  }
0xbe: {  	[sflag:s0] =	ssyncadd.remote.s32 $0x1  }
0xbf: {  	_ =	sfence.sel $0xFFFF  }
0xc0: {  	[dreg:$0x0] =	wrdreg $0xFFFFFFFF;
	(pc) =	sbr.abs _section_cstart, $3  }
0xc1: {  	[dreg:$0x1] =	wrdreg $0xFFFFFFFF  }
0xc2: {  	_ =	task.clear_ibuf [dreg:s7], $0x2FFFF;
	_ =	strace $0x9FFFFFFF  }
0xc3: {  	(tm) =	ssettm $0x7FFFFFFF  }
tec
execute0_lowered:
.L_overlay_start_1:
0x0: {  	(tag) =	ssettag $0x1  }
0x1: {  	s0 =	rddreg [dreg:$0x1]  }
0x2: {  	s1 =	rddreg [dreg:$0x2]  }
0x3: {  	s3 =	srdreg.scid;
	s4 =	simm.s32 $0x0;
	s11 =	stileid.u32  }
0x4: {  	s3 =	sand.u32 $0x1, s3;
	[smem:$0x7FF] =	sst s4;
	s8 =	smul.u32 $0x14000, s11  }
0x5: {  	s5 =	sadd.s32 $0xC000, s0;
	s6 =	sadd.s32 $0x2200, s0;
	s25 =	smul.u32 $0x50000, s11  }
0x6: {  	s9 =	sadd.s32 $0x16200, s0;
	s28 =	sshll.u32 s11, $0x6;
	s7 =	smul.u32 $0x140000, s3  }
0x7: {  	_ =	strace $0x8000004A;
	[dreg:$0xc] =	wrdreg s9;
	s24 =	sshll.u32 s3, $0x4  }
0x8: {  	s26 =	sshrl.u32 s25, $0x2;
	s7 =	sadd.s32 s8, s7;
	s8 =	sor.u32 s11, s24  }
0x9: {  	s11 =	sor.u32 $0x1C11, s28;
	s7 =	sshrl.u32 s7, $0x3;
	s12 =	smul.u32 $0x2710, s8  }
0xa: {  	[dreg:$0xe] =	wrdreg s11;
	s0 =	sadd.s32 s7, s0;
	s7 =	sadd.s32 s26, s1  }
0xb: {  	[dreg:$0xd] =	wrdreg s7  }
0xc: {  	s14 =	sadd.s32 $0x280, s12;
	[dreg:$0xb] =	wrdreg s12  }
0xd: {  	s15 =	sadd.s32 $0x2D0, s12;
	[dreg:$0x4] =	wrdreg s14  }
0xe: {  	s17 =	sadd.s32 $0x320, s12;
	[dreg:$0x5] =	wrdreg s15  }
0xf: {  	s19 =	sadd.s32 $0x370, s12;
	[dreg:$0x6] =	wrdreg s17  }
0x10: {  	s20 =	sadd.s32 $0x3C0, s12;
	[dreg:$0x7] =	wrdreg s19  }
0x11: {  	s22 =	sadd.s32 $0x410, s12;
	[dreg:$0x8] =	wrdreg s20  }
0x12: {  	s3 =	ssub.s32 $0x2, s3;
	s24 =	sadd.s32 $0x460, s12;
	[dreg:$0x9] =	wrdreg s22  }
0x13: {  	s8 =	sshrl.u32 s12, $0x3;
	s0 =	sadd.s32 $0x19400, s0;
	[dreg:$0xa] =	wrdreg s24  }
0x14: {  	s10 =	sshrl.u32 s3, $0x1;
	s30 =	sadd.s32 s5, s8;
	[dreg:$0x1d] =	wrdreg s0  }
0x15: {  	s31 =	sadd.s32 $0xA, s8;
	s1 =	sadd.s32 s6, s8;
	[dreg:$0xf] =	wrdreg s30  }
0x16: {  	s3 =	ssub.s32 s3, s10;
	[dreg:$0x10] =	wrdreg s1;
	s2 =	sadd.s32 s5, s31  }
0x17: {  	s10 =	sadd.s32 $0x14, s8;
	s7 =	sadd.s32 s6, s31;
	[dreg:$0x11] =	wrdreg s2  }
0x18: {  	s29 =	simm.s32 $0x2;
	s13 =	sadd.s32 s5, s10;
	[dreg:$0x12] =	wrdreg s7  }
0x19: {  	s16 =	sadd.s32 $0x1E, s8;
	s9 =	sadd.s32 s6, s10;
	[dreg:$0x13] =	wrdreg s13  }
0x1a: {  	s21 =	sadd.s32 $0x28, s8;
	s18 =	sadd.s32 s5, s16;
	[dreg:$0x14] =	wrdreg s9  }
0x1b: {  	s25 =	sadd.s32 $0x32, s8;
	s23 =	sadd.s32 s5, s21;
	[dreg:$0x15] =	wrdreg s18  }
0x1c: {  	s24 =	simm.s32 $0x280;
	s26 =	sadd.s32 s5, s25;
	[dreg:$0x17] =	wrdreg s23  }
0x1d: {  	s0 =	simm.s32 $0x6;
	s28 =	sadd.s32 s6, s25;
	[dreg:$0x19] =	wrdreg s26  }
0x1e: {  	s30 =	sadd.s32 $0x3C, s8;
	s31 =	smax.u32 s3, $0x1;
	[dreg:$0x1a] =	wrdreg s28  }
0x1f: {  	s25 =	simm.s32 $0x80;
	s9 =	sadd.s32 s6, s16;
	[dreg:$0x1e] =	wrdreg s31  }
0x20: {  	s1 =	simm.s32 $0x7;
	s8 =	sadd.s32 s5, s30;
	[dreg:$0x16] =	wrdreg s9  }
0x21: {  	s7 =	sadd.s32 s6, s30;
	s18 =	simm.s32 $0x50;
	[dreg:$0x1b] =	wrdreg s8  }
0x22: {  	s2 =	simm.s32 $0x8;
	s9 =	sadd.s32 s6, s21;
	[dreg:$0x1c] =	wrdreg s7  }
0x23: {  	s7 =	simm.s32 $0x0;
	[dreg:$0x18] =	wrdreg s9;
	s9 =	simm.s32 $0x11  }
.LBB2_1:
0x24: {  	[dreg:$0x1f] =	wrdreg s7  }
0x25: {  	s3 =	rddreg [dreg:$0xd]  }
0x26: {  	s8 =	rddreg [dreg:$0xc];
	s3 =	sshrl.u32 s3, $0x3  }
0x27: {  	[smem:$0x7FD] =	sst s3  }
0x28: {  	[spmem:s3], [sflag:s11] =	dma.local [hbm:s8], $0x2800  }
0x29: {  	_ =	swait.ge [sflag:s9], $0x2800  }
0x2a: {  	[sflag:s9] =	ssyncset.done $0x0  }
0x2b: {  	[sflag:s9] =	ssyncadd.s32 $0xFFFFD800  }
0x2c: {  	[bflag:$0x0] =	sbarrier.arrive $0xFFFF  }
0x2d: {  	s9 =	rddreg [dreg:$0xf]  }
0x2e: {  	[tilespmem:s4], [sflag:$0x1] =	stream.linear.gather [hbm4b:s9+s4], $0x50, $0x38;
	[tilespmem:$0x1E800] =	vst v63  }
0x2f: {  	s19 =	simm.s32 $0x400;
	s10 =	rddreg [dreg:$0x10]  }
0x30: {  	[tilespmem:s19], [sflag:$0x1] =	stream.linear.gather [hbm4b:s10+s4], $0x50, $0x38;
	[tilespmem:$0x1E800] =	vst v63  }
0x31: {  	s11 =	rddreg [dreg:$0x11]  }
0x32: {  	[tilespmem:s25], [sflag:$0x2] =	stream.linear.gather [hbm4b:s11+s4], $0x50, $0x38;
	[tilespmem:$0x1E800] =	vst v63  }
0x33: {  	s7 =	simm.s32 $0x480;
	s13 =	rddreg [dreg:$0x12]  }
0x34: {  	[tilespmem:s7], [sflag:$0x2] =	stream.linear.gather [hbm4b:s13+s4], $0x50, $0x38;
	[tilespmem:$0x1E800] =	vst v63  }
0x35: {  	s23 =	simm.s32 $0x100;
	s14 =	rddreg [dreg:$0x13]  }
0x36: {  	[tilespmem:s23], [sflag:$0x3] =	stream.linear.gather [hbm4b:s14+s4], $0x50, $0x38;
	[tilespmem:$0x1E800] =	vst v63  }
0x37: {  	s26 =	simm.s32 $0x500;
	s15 =	rddreg [dreg:$0x14]  }
0x38: {  	[tilespmem:s26], [sflag:$0x3] =	stream.linear.gather [hbm4b:s15+s4], $0x50, $0x38;
	[tilespmem:$0x1E800] =	vst v63  }
0x39: {  	s28 =	simm.s32 $0x180;
	s16 =	rddreg [dreg:$0x15]  }
0x3a: {  	[tilespmem:s28], [sflag:$0x4] =	stream.linear.gather [hbm4b:s16+s4], $0x50, $0x38;
	[tilespmem:$0x1E800] =	vst v63  }
0x3b: {  	s8 =	simm.s32 $0x580;
	s17 =	rddreg [dreg:$0x16]  }
0x3c: {  	[tilespmem:s8], [sflag:$0x4] =	stream.linear.gather [hbm4b:s17+s4], $0x50, $0x38;
	[tilespmem:$0x1E800] =	vst v63  }
0x3d: {  	s21 =	simm.s32 $0x200;
	s20 =	rddreg [dreg:$0x17]  }
0x3e: {  	[tilespmem:s21], [sflag:$0x5] =	stream.linear.gather [hbm4b:s20+s4], $0x50, $0x38;
	[tilespmem:$0x1E800] =	vst v63  }
0x3f: {  	s31 =	simm.s32 $0x600;
	s22 =	rddreg [dreg:$0x18]  }
0x40: {  	[tilespmem:s31], [sflag:$0x5] =	stream.linear.gather [hbm4b:s22+s4], $0x50, $0x38;
	[tilespmem:$0x1E800] =	vst v63  }
0x41: {  	s8 =	rddreg [dreg:$0x19]  }
0x42: {  	[tilespmem:s24], [sflag:$0x6] =	stream.linear.gather [hbm4b:s8+s4], $0x50, $0x38;
	[tilespmem:$0x1E800] =	vst v63  }
0x43: {  	s9 =	rddreg [dreg:$0x1a];
	s10 =	simm.s32 $0x680  }
0x44: {  	[tilespmem:s10], [sflag:$0x6] =	stream.linear.gather [hbm4b:s9+s4], $0x50, $0x38;
	[tilespmem:$0x1E800] =	vst v63  }
0x45: {  	s11 =	rddreg [dreg:$0x1b];
	s13 =	simm.s32 $0x300  }
0x46: {  	[tilespmem:s13], [sflag:$0x7] =	stream.linear.gather [hbm4b:s11+s4], $0x50, $0x38;
	[tilespmem:$0x1E800] =	vst v63  }
0x47: {  	s14 =	rddreg [dreg:$0x1c];
	s15 =	simm.s32 $0x700;
	s21 =	simm.s32 $0x1  }
0x48: {  	[tilespmem:s15], [sflag:$0x7] =	stream.linear.gather [hbm4b:s14+s4], $0x50, $0x38;
	[tilespmem:$0x1E800] =	vst v63  }
0x49: {  	_ =	swait.ge [sflag:s21], $0x50  }
0x4a: {  	[sflag:s21] =	ssyncset.done $0x0  }
0x4b: {  	[sflag:s21] =	ssyncadd.s32 $0xFFFFFFB0  }
0x4c: {  	_ =	swait.ge [sflag:s21], $0x50  }
0x4d: {  	[sflag:s21] =	ssyncset.done $0x0  }
0x4e: {  	[sflag:s21] =	ssyncadd.s32 $0xFFFFFFB0  }
0x4f: {  	s20 =	simm.s32 $0x800;
	s10 =	rddreg [dreg:$0x0]  }
0x50: {  	[tilespmem:s20], [sflag:$0x9] =	stream.indirect.gather [hbm4b:s10+s18], $0x80, s4, s18, $0xb8;
	[tilespmem:$0x1E800] =	vst v63  }
0x51: {  	_ =	swait.ge [sflag:s29], $0x50  }
0x52: {  	[sflag:s29] =	ssyncset.done $0x0  }
0x53: {  	[sflag:s29] =	ssyncadd.s32 $0xFFFFFFB0  }
0x54: {  	_ =	swait.ge [sflag:s29], $0x50  }
0x55: {  	[sflag:s29] =	ssyncset.done $0x0  }
0x56: {  	s15 =	simm.s32 $0x3000;
	s14 =	simm.s32 $0x3;
	[sflag:s29] =	ssyncadd.s32 $0xFFFFFFB0  }
0x57: {  	[tilespmem:s15], [sflag:$0xA] =	stream.indirect.gather [hbm4b:s10+s18], $0x80, s25, s18, $0xb8;
	[tilespmem:$0x1E800] =	vst v63  }
0x58: {  	_ =	swait.ge [sflag:s14], $0x50  }
0x59: {  	[sflag:s14] =	ssyncset.done $0x0  }
0x5a: {  	[sflag:s14] =	ssyncadd.s32 $0xFFFFFFB0  }
0x5b: {  	_ =	swait.ge [sflag:s14], $0x50  }
0x5c: {  	[sflag:s14] =	ssyncset.done $0x0  }
0x5d: {  	s3 =	simm.s32 $0x9;
	s17 =	simm.s32 $0x5800;
	[sflag:s14] =	ssyncadd.s32 $0xFFFFFFB0  }
0x5e: {  	[tilespmem:s17], [sflag:$0xB] =	stream.indirect.gather [hbm4b:s10+s18], $0x80, s23, s18, $0xb8;
	[tilespmem:$0x1E800] =	vst v63  }
0x5f: {  	_ =	swait.ge [sflag:s3], $0x2800  }
0x60: {  	p0 =	por $0x0, $0x0;
	[sflag:s3] =	ssyncset.done $0x0  }
0x61: {  	s9 =	simm.s32 @p0 $0x10;
	[sflag:s3] =	ssyncadd.s32 $0xFFFFD800  }
0x62: {  	s11 =	simm.s32 @p0 $0x230;
	_ =	swait.ge @p0 [sflag:s9], $0x2800  }
0x63: {  	s16 =	simm.s32 @p0 $0x800;
	s11 =	simm.s32 @!p0 $0x230;
	[sflag:s9] =	ssyncset.done @p0 $0x0  }
0x64: {  	s8 =	simm.s32 @!p0 $0x800;
	s11 =	sadd.s32 s12, s11;
	[sflag:s9] =	ssyncadd.s32 @p0 $0xFFFFD800  }
0x65: {  	s12 =	simm.s32 @p0 $0x400;
	s9 =	simm.s32 @p0 $0x50;
	s31 =	rddreg [dreg:$0x2]  }
0x66: {  	[spmem:s31] =	stream.indirect.scatter.add.f32 @p0 [tilespmem:s16], [sflag:$0xD], $0x80, s12, s9, $0xb8;
	[tilespmem:$0x1E800] =	vst v63  }
0x67: {  	s11 =	sshrl.u32 s11, $0x3;
	s9 =	simm.s32 @!p0 $0x50;
	s12 =	simm.s32 @!p0 $0x400  }
0x68: {  	[spmem:s31] =	stream.indirect.scatter.add.f32 @!p0 [tilespmem:s8], [sflag:$0xD], $0x80, s12, s9, $0xb8;
	[tilespmem:$0x1E800] =	vst v63  }
0x69: {  	s22 =	simm.s32 $0x380;
	s16 =	sadd.s32 s5, s11  }
0x6a: {  	[tilespmem:s22], [sflag:$0x8] =	stream.linear.gather [hbm4b:s16+s4], $0x50, $0x38;
	[tilespmem:$0x1E800] =	vst v63  }
0x6b: {  	s13 =	simm.s32 $0x780;
	s8 =	sadd.s32 s6, s11;
	s11 =	simm.s32 $0x4  }
0x6c: {  	[tilespmem:s13], [sflag:$0x8] =	stream.linear.gather [hbm4b:s8+s4], $0x50, $0x38;
	[tilespmem:$0x1E800] =	vst v63  }
0x6d: {  	_ =	swait.ge [sflag:s11], $0x50  }
0x6e: {  	[sflag:s11] =	ssyncset.done $0x0  }
0x6f: {  	[sflag:s11] =	ssyncadd.s32 $0xFFFFFFB0  }
0x70: {  	_ =	swait.ge [sflag:s11], $0x50  }
0x71: {  	[sflag:s11] =	ssyncset.done $0x0  }
0x72: {  	s16 =	simm.s32 $0x8000;
	s13 =	simm.s32 $0xA;
	[sflag:s11] =	ssyncadd.s32 $0xFFFFFFB0  }
0x73: {  	[tilespmem:s16], [sflag:$0xC] =	stream.indirect.gather [hbm4b:s10+s18], $0x80, s28, s18, $0xb8;
	[tilespmem:$0x1E800] =	vst v63  }
0x74: {  	_ =	swait.ge [sflag:s13], $0x2800  }
0x75: {  	[sflag:s13] =	ssyncset.done $0x0  }
0x76: {  	s8 =	simm.s32 $0xD;
	[sflag:s13] =	ssyncadd.s32 $0xFFFFD800  }
0x77: {  	s9 =	simm.s32 $0x0;
	_ =	swait.ge [sflag:s8], $0x2800  }
0x78: {  	s9 =	simm.s32 @!p0 $0x0;
	[sflag:s8] =	ssyncset.done $0x0;
	s12 =	rddreg [dreg:$0x4]  }
0x79: {  	[sflag:s8] =	ssyncadd.s32 $0xFFFFD800;
	s11 =	sadd.s32 s9, s12  }
0x7a: {  	[spmem:s31] =	stream.indirect.scatter.add.f32 [tilespmem:s15], [sflag:$0xE], $0x80, s7, s18, $0xb8;
	[tilespmem:$0x1E800] =	vst v63  }
0x7b: {  	s11 =	sshrl.u32 s11, $0x3  }
0x7c: {  	s12 =	sadd.s32 s5, s11  }
0x7d: {  	[tilespmem:s4], [sflag:$0x1] =	stream.linear.gather [hbm4b:s12+s4], $0x50, $0x38;
	[tilespmem:$0x1E800] =	vst v63  }
0x7e: {  	s11 =	sadd.s32 s6, s11  }
0x7f: {  	[tilespmem:s19], [sflag:$0x1] =	stream.linear.gather [hbm4b:s11+s4], $0x50, $0x38;
	[tilespmem:$0x1E800] =	vst v63  }
0x80: {  	s19 =	simm.s32 $0x5  }
0x81: {  	_ =	swait.ge [sflag:s19], $0x50  }
0x82: {  	[sflag:s19] =	ssyncset.done $0x0  }
0x83: {  	[sflag:s19] =	ssyncadd.s32 $0xFFFFFFB0  }
0x84: {  	_ =	swait.ge [sflag:s19], $0x50  }
0x85: {  	[sflag:s19] =	ssyncset.done $0x0  }
0x86: {  	s30 =	simm.s32 $0x200;
	[sflag:s19] =	ssyncadd.s32 $0xFFFFFFB0;
	s19 =	simm.s32 $0xB  }
0x87: {  	[tilespmem:s20], [sflag:$0x9] =	stream.indirect.gather [hbm4b:s10+s18], $0x80, s30, s18, $0xb8;
	[tilespmem:$0x1E800] =	vst v63  }
0x88: {  	_ =	swait.ge [sflag:s19], $0x2800  }
0x89: {  	[sflag:s19] =	ssyncset.done $0x0  }
0x8a: {  	s30 =	simm.s32 $0xE;
	[sflag:s19] =	ssyncadd.s32 $0xFFFFD800  }
0x8b: {  	_ =	swait.ge [sflag:s30], $0x2800  }
0x8c: {  	[sflag:s30] =	ssyncset.done $0x0;
	s12 =	rddreg [dreg:$0x5]  }
0x8d: {  	[sflag:s30] =	ssyncadd.s32 $0xFFFFD800;
	s11 =	sadd.s32 s9, s12  }
0x8e: {  	[spmem:s31] =	stream.indirect.scatter.add.f32 [tilespmem:s17], [sflag:$0xF], $0x80, s26, s18, $0xb8;
	[tilespmem:$0x1E800] =	vst v63  }
0x8f: {  	s11 =	sshrl.u32 s11, $0x3  }
0x90: {  	s12 =	sadd.s32 s5, s11  }
0x91: {  	[tilespmem:s25], [sflag:$0x2] =	stream.linear.gather [hbm4b:s12+s4], $0x50, $0x38;
	[tilespmem:$0x1E800] =	vst v63  }
0x92: {  	s11 =	sadd.s32 s6, s11  }
0x93: {  	[tilespmem:s7], [sflag:$0x2] =	stream.linear.gather [hbm4b:s11+s4], $0x50, $0x38;
	[tilespmem:$0x1E800] =	vst v63  }
0x94: {  	_ =	swait.ge [sflag:s0], $0x50  }
0x95: {  	[sflag:s0] =	ssyncset.done $0x0  }
0x96: {  	[sflag:s0] =	ssyncadd.s32 $0xFFFFFFB0  }
0x97: {  	_ =	swait.ge [sflag:s0], $0x50  }
0x98: {  	[sflag:s0] =	ssyncset.done $0x0  }
0x99: {  	[sflag:s0] =	ssyncadd.s32 $0xFFFFFFB0;
	s0 =	simm.s32 $0xC  }
0x9a: {  	[tilespmem:s15], [sflag:$0xA] =	stream.indirect.gather [hbm4b:s10+s18], $0x80, s24, s18, $0xb8;
	[tilespmem:$0x1E800] =	vst v63  }
0x9b: {  	_ =	swait.ge [sflag:s0], $0x2800  }
0x9c: {  	[sflag:s0] =	ssyncset.done $0x0  }
0x9d: {  	s7 =	simm.s32 $0xF;
	[sflag:s0] =	ssyncadd.s32 $0xFFFFD800  }
0x9e: {  	_ =	swait.ge [sflag:s7], $0x2800  }
0x9f: {  	[sflag:s7] =	ssyncset.done $0x0;
	s12 =	rddreg [dreg:$0x6]  }
0xa0: {  	s24 =	simm.s32 $0x580;
	[sflag:s7] =	ssyncadd.s32 $0xFFFFD800;
	s11 =	sadd.s32 s9, s12  }
0xa1: {  	[spmem:s31] =	stream.indirect.scatter.add.f32 [tilespmem:s16], [sflag:$0x10], $0x80, s24, s18, $0xb8;
	[tilespmem:$0x1E800] =	vst v63  }
0xa2: {  	s11 =	sshrl.u32 s11, $0x3  }
0xa3: {  	s12 =	sadd.s32 s5, s11  }
0xa4: {  	[tilespmem:s23], [sflag:$0x3] =	stream.linear.gather [hbm4b:s12+s4], $0x50, $0x38;
	[tilespmem:$0x1E800] =	vst v63  }
0xa5: {  	s11 =	sadd.s32 s6, s11  }
0xa6: {  	[tilespmem:s26], [sflag:$0x3] =	stream.linear.gather [hbm4b:s11+s4], $0x50, $0x38;
	[tilespmem:$0x1E800] =	vst v63  }
0xa7: {  	_ =	swait.ge [sflag:s1], $0x50  }
0xa8: {  	[sflag:s1] =	ssyncset.done $0x0  }
0xa9: {  	[sflag:s1] =	ssyncadd.s32 $0xFFFFFFB0  }
0xaa: {  	_ =	swait.ge [sflag:s1], $0x50  }
0xab: {  	[sflag:s1] =	ssyncset.done $0x0  }
0xac: {  	s12 =	simm.s32 $0x300;
	[sflag:s1] =	ssyncadd.s32 $0xFFFFFFB0  }
0xad: {  	[tilespmem:s17], [sflag:$0xB] =	stream.indirect.gather [hbm4b:s10+s18], $0x80, s12, s18, $0xb8;
	[tilespmem:$0x1E800] =	vst v63  }
0xae: {  	_ =	swait.ge [sflag:s3], $0x2800  }
0xaf: {  	[sflag:s3] =	ssyncset.done $0x0  }
0xb0: {  	s23 =	simm.s32 $0x10;
	[sflag:s3] =	ssyncadd.s32 $0xFFFFD800  }
0xb1: {  	_ =	swait.ge [sflag:s23], $0x2800  }
0xb2: {  	[sflag:s23] =	ssyncset.done $0x0;
	s26 =	rddreg [dreg:$0x7]  }
0xb3: {  	s1 =	simm.s32 $0x600;
	[sflag:s23] =	ssyncadd.s32 $0xFFFFD800;
	s11 =	sadd.s32 s9, s26  }
0xb4: {  	[spmem:s31] =	stream.indirect.scatter.add.f32 [tilespmem:s20], [sflag:$0xD], $0x80, s1, s18, $0xb8;
	[tilespmem:$0x1E800] =	vst v63  }
0xb5: {  	s11 =	sshrl.u32 s11, $0x3  }
0xb6: {  	s3 =	sadd.s32 s5, s11  }
0xb7: {  	[tilespmem:s28], [sflag:$0x4] =	stream.linear.gather [hbm4b:s3+s4], $0x50, $0x38;
	[tilespmem:$0x1E800] =	vst v63  }
0xb8: {  	s11 =	sadd.s32 s6, s11  }
0xb9: {  	[tilespmem:s24], [sflag:$0x4] =	stream.linear.gather [hbm4b:s11+s4], $0x50, $0x38;
	[tilespmem:$0x1E800] =	vst v63  }
0xba: {  	_ =	swait.ge [sflag:s2], $0x50  }
0xbb: {  	[sflag:s2] =	ssyncset.done $0x0  }
0xbc: {  	[sflag:s2] =	ssyncadd.s32 $0xFFFFFFB0  }
0xbd: {  	_ =	swait.ge [sflag:s2], $0x50  }
0xbe: {  	[sflag:s2] =	ssyncset.done $0x0  }
0xbf: {  	[sflag:s2] =	ssyncadd.s32 $0xFFFFFFB0  }
0xc0: {  	[tilespmem:s16], [sflag:$0xC] =	stream.indirect.gather [hbm4b:s10+s18], $0x80, s22, s18, $0xb8;
	[tilespmem:$0x1E800] =	vst v63  }
0xc1: {  	_ =	swait.ge [sflag:s13], $0x2800  }
0xc2: {  	[sflag:s13] =	ssyncset.done $0x0  }
0xc3: {  	[sflag:s13] =	ssyncadd.s32 $0xFFFFD800  }
0xc4: {  	_ =	swait.ge [sflag:s8], $0x2800  }
0xc5: {  	[sflag:s8] =	ssyncset.done $0x0;
	s23 =	rddreg [dreg:$0x8]  }
0xc6: {  	s24 =	simm.s32 $0x680;
	[sflag:s8] =	ssyncadd.s32 $0xFFFFD800;
	s11 =	sadd.s32 s9, s23  }
0xc7: {  	[spmem:s31] =	stream.indirect.scatter.add.f32 [tilespmem:s15], [sflag:$0xE], $0x80, s24, s18, $0xb8;
	[tilespmem:$0x1E800] =	vst v63  }
0xc8: {  	s11 =	sshrl.u32 s11, $0x3  }
0xc9: {  	s28 =	simm.s32 $0x200;
	s26 =	sadd.s32 s5, s11  }
0xca: {  	[tilespmem:s28], [sflag:$0x5] =	stream.linear.gather [hbm4b:s26+s4], $0x50, $0x38;
	[tilespmem:$0x1E800] =	vst v63  }
0xcb: {  	s11 =	sadd.s32 s6, s11  }
0xcc: {  	[tilespmem:s1], [sflag:$0x5] =	stream.linear.gather [hbm4b:s11+s4], $0x50, $0x38;
	[tilespmem:$0x1E800] =	vst v63  }
0xcd: {  	_ =	swait.ge [sflag:s21], $0x50  }
0xce: {  	[sflag:s21] =	ssyncset.done $0x0  }
0xcf: {  	[sflag:s21] =	ssyncadd.s32 $0xFFFFFFB0  }
0xd0: {  	_ =	swait.ge [sflag:s21], $0x50  }
0xd1: {  	[sflag:s21] =	ssyncset.done $0x0  }
0xd2: {  	[sflag:s21] =	ssyncadd.s32 $0xFFFFFFB0  }
0xd3: {  	[tilespmem:s20], [sflag:$0x9] =	stream.indirect.gather [hbm4b:s10+s18], $0x80, s4, s18, $0xb8;
	[tilespmem:$0x1E800] =	vst v63  }
0xd4: {  	_ =	swait.ge [sflag:s19], $0x2800  }
0xd5: {  	[sflag:s19] =	ssyncset.done $0x0  }
0xd6: {  	[sflag:s19] =	ssyncadd.s32 $0xFFFFD800  }
0xd7: {  	_ =	swait.ge [sflag:s30], $0x2800  }
0xd8: {  	p0 =	por $0x0, $0x0;
	[sflag:s30] =	ssyncset.done $0x0;
	s11 =	rddreg [dreg:$0x9]  }
0xd9: {  	[sflag:s30] =	ssyncadd.s32 $0xFFFFD800;
	s30 =	simm.s32 $0x700;
	s11 =	sadd.s32 @!p0 s9, s11  }
0xda: {  	[spmem:s31] =	stream.indirect.scatter.add.f32 [tilespmem:s17], [sflag:$0xF], $0x80, s30, s18, $0xb8;
	[tilespmem:$0x1E800] =	vst v63  }
0xdb: {  	s11 =	sshrl.u32 @!p0 s11, $0x3  }
0xdc: {  	s2 =	simm.s32 @!p0 $0x280;
	s1 =	simm.s32 @!p0 $0x0;
	s12 =	sadd.s32 @!p0 s5, s11  }
0xdd: {  	[tilespmem:s2], [sflag:$0x6] =	stream.linear.gather @!p0 [hbm4b:s12+s1], $0x50, $0x38;
	[tilespmem:$0x1E800] =	vst v63  }
0xde: {  	s11 =	sadd.s32 @!p0 s6, s11;
	s12 =	simm.s32 @!p0 $0x680  }
0xdf: {  	[tilespmem:s12], [sflag:$0x6] =	stream.linear.gather @!p0 [hbm4b:s11+s1], $0x50, $0x38;
	[tilespmem:$0x1E800] =	vst v63  }
0xe0: {  	_ =	swait.ge [sflag:s29], $0x50  }
0xe1: {  	[sflag:s29] =	ssyncset.done $0x0  }
0xe2: {  	[sflag:s29] =	ssyncadd.s32 $0xFFFFFFB0  }
0xe3: {  	_ =	swait.ge [sflag:s29], $0x50  }
0xe4: {  	[sflag:s29] =	ssyncset.done $0x0  }
0xe5: {  	[sflag:s29] =	ssyncadd.s32 $0xFFFFFFB0  }
0xe6: {  	[tilespmem:s15], [sflag:$0xA] =	stream.indirect.gather [hbm4b:s10+s18], $0x80, s25, s18, $0xb8;
	[tilespmem:$0x1E800] =	vst v63  }
0xe7: {  	_ =	swait.ge [sflag:s0], $0x2800  }
0xe8: {  	[sflag:s0] =	ssyncset.done $0x0  }
0xe9: {  	[sflag:s0] =	ssyncadd.s32 $0xFFFFD800  }
0xea: {  	_ =	swait.ge [sflag:s7], $0x2800  }
0xeb: {  	[sflag:s7] =	ssyncset.done $0x0;
	s11 =	rddreg [dreg:$0xa]  }
0xec: {  	s13 =	simm.s32 $0x780;
	[sflag:s7] =	ssyncadd.s32 $0xFFFFD800;
	s9 =	sadd.s32 @!p0 s9, s11  }
0xed: {  	[spmem:s31] =	stream.indirect.scatter.add.f32 [tilespmem:s16], [sflag:$0x10], $0x80, s13, s18, $0xb8;
	[tilespmem:$0x1E800] =	vst v63  }
0xee: {  	s9 =	sshrl.u32 @!p0 s9, $0x3  }
0xef: {  	s11 =	simm.s32 @!p0 $0x300;
	s12 =	sadd.s32 @!p0 s5, s9  }
0xf0: {  	[tilespmem:s11], [sflag:$0x7] =	stream.linear.gather @!p0 [hbm4b:s12+s1], $0x50, $0x38;
	[tilespmem:$0x1E800] =	vst v63  }
0xf1: {  	s9 =	sadd.s32 @!p0 s6, s9;
	s11 =	simm.s32 @!p0 $0x700  }
0xf2: {  	[tilespmem:s11], [sflag:$0x7] =	stream.linear.gather @!p0 [hbm4b:s9+s1], $0x50, $0x38;
	[tilespmem:$0x1E800] =	vst v63  }
0xf3: {  	_ =	swait.ge [sflag:s14], $0x50  }
0xf4: {  	[sflag:s14] =	ssyncset.done $0x0  }
0xf5: {  	s2 =	simm.s32 $0x8;
	s0 =	simm.s32 $0x6;
	[sflag:s14] =	ssyncadd.s32 $0xFFFFFFB0  }
0xf6: {  	s9 =	simm.s32 $0x280;
	s1 =	simm.s32 $0x7;
	_ =	swait.ge [sflag:s14], $0x50  }
.LBB2_2:
0xf7: {  	s14 =	simm.s32 $0x3  }
0xf8: {  	[sflag:s14] =	ssyncset.done $0x0  }
0xf9: {  	s28 =	simm.s32 $0x100;
	[sflag:s14] =	ssyncadd.s32 $0xFFFFFFB0  }
0xfa: {  	s15 =	simm.s32 $0x5800;
	s17 =	simm.s32 $0x9;
	s21 =	rddreg [dreg:$0x0]  }
0xfb: {  	[tilespmem:s15], [sflag:$0xB] =	stream.indirect.gather [hbm4b:s21+s18], $0x80, s28, s18, $0xb8;
	[tilespmem:$0x1E800] =	vst v63  }
0xfc: {  	s12 =	smov.u32 s9;
	_ =	swait.ge [sflag:s17], $0x2800  }
0xfd: {  	p1 =	sne.s32 s12, $0x0;
	[sflag:s17] =	ssyncset.done $0x0  }
0xfe: {  	s11 =	simm.s32 @p1 $0x10;
	[sflag:s17] =	ssyncadd.s32 $0xFFFFD800  }
0xff: {  	s25 =	sadd.s32 @p1 $0x230, s12;
	s26 =	simm.s32 @!p1 $0x800;
	_ =	swait.ge @p1 [sflag:s11], $0x2800  }
0x100: {  	s25 =	simm.s32 @!p1 $0x230;
	[sflag:s11] =	ssyncset.done @p1 $0x0;
	s3 =	rddreg [dreg:$0xb]  }
0x101: {  	s19 =	simm.s32 @p1 $0x800;
	s25 =	sadd.s32 s3, s25;
	[sflag:s11] =	ssyncadd.s32 @p1 $0xFFFFD800  }
0x102: {  	s11 =	simm.s32 @p1 $0x50;
	s3 =	simm.s32 @p1 $0x400;
	s23 =	rddreg [dreg:$0x2]  }
0x103: {  	[spmem:s23] =	stream.indirect.scatter.add.f32 @p1 [tilespmem:s19], [sflag:$0xD], $0x80, s3, s11, $0xb8;
	[tilespmem:$0x1E800] =	vst v63  }
0x104: {  	s22 =	sshrl.u32 s25, $0x3;
	s3 =	simm.s32 @!p1 $0x50;
	s11 =	simm.s32 @!p1 $0x400  }
0x105: {  	[spmem:s23] =	stream.indirect.scatter.add.f32 @!p1 [tilespmem:s26], [sflag:$0xD], $0x80, s11, s3, $0xb8;
	[tilespmem:$0x1E800] =	vst v63  }
0x106: {  	s7 =	simm.s32 $0x380;
	s24 =	sadd.s32 s5, s22  }
0x107: {  	[tilespmem:s7], [sflag:$0x8] =	stream.linear.gather [hbm4b:s24+s4], $0x50, $0x38;
	[tilespmem:$0x1E800] =	vst v63  }
0x108: {  	s25 =	sadd.s32 s6, s22;
	s26 =	simm.s32 $0x4  }
0x109: {  	[tilespmem:s13], [sflag:$0x8] =	stream.linear.gather [hbm4b:s25+s4], $0x50, $0x38;
	[tilespmem:$0x1E800] =	vst v63  }
0x10a: {  	_ =	swait.ge [sflag:s26], $0x50  }
0x10b: {  	[sflag:s26] =	ssyncset.done $0x0  }
0x10c: {  	[sflag:s26] =	ssyncadd.s32 $0xFFFFFFB0  }
0x10d: {  	_ =	swait.ge [sflag:s26], $0x50  }
0x10e: {  	s20 =	simm.s32 $0x180;
	[sflag:s26] =	ssyncset.done $0x0  }
0x10f: {  	s16 =	simm.s32 $0x8000;
	s24 =	simm.s32 $0xA;
	[sflag:s26] =	ssyncadd.s32 $0xFFFFFFB0  }
0x110: {  	[tilespmem:s16], [sflag:$0xC] =	stream.indirect.gather [hbm4b:s21+s18], $0x80, s20, s18, $0xb8;
	[tilespmem:$0x1E800] =	vst v63  }
0x111: {  	_ =	swait.ge [sflag:s24], $0x2800  }
0x112: {  	[sflag:s24] =	ssyncset.done $0x0  }
0x113: {  	s8 =	simm.s32 $0xD;
	s11 =	smov.u32 s12;
	[sflag:s24] =	ssyncadd.s32 $0xFFFFD800  }
0x114: {  	s11 =	simm.s32 @!p1 $0x0;
	_ =	swait.ge [sflag:s8], $0x2800  }
0x115: {  	s25 =	simm.s32 $0x480;
	[sflag:s8] =	ssyncset.done $0x0;
	s30 =	rddreg [dreg:$0x4]  }
0x116: {  	s13 =	simm.s32 $0x3000;
	[sflag:s8] =	ssyncadd.s32 $0xFFFFD800;
	s3 =	sadd.s32 s11, s30  }
0x117: {  	[spmem:s23] =	stream.indirect.scatter.add.f32 [tilespmem:s13], [sflag:$0xE], $0x80, s25, s18, $0xb8;
	[tilespmem:$0x1E800] =	vst v63  }
0x118: {  	s3 =	sshrl.u32 s3, $0x3  }
0x119: {  	s31 =	sadd.s32 s5, s3  }
0x11a: {  	[tilespmem:s4], [sflag:$0x1] =	stream.linear.gather [hbm4b:s31+s4], $0x50, $0x38;
	[tilespmem:$0x1E800] =	vst v63  }
0x11b: {  	s10 =	simm.s32 $0x5;
	s7 =	simm.s32 $0x400;
	s3 =	sadd.s32 s6, s3  }
0x11c: {  	[tilespmem:s7], [sflag:$0x1] =	stream.linear.gather [hbm4b:s3+s4], $0x50, $0x38;
	[tilespmem:$0x1E800] =	vst v63  }
0x11d: {  	_ =	swait.ge [sflag:s10], $0x50  }
0x11e: {  	[sflag:s10] =	ssyncset.done $0x0  }
0x11f: {  	[sflag:s10] =	ssyncadd.s32 $0xFFFFFFB0  }
0x120: {  	_ =	swait.ge [sflag:s10], $0x50  }
0x121: {  	s29 =	simm.s32 $0x800;
	[sflag:s10] =	ssyncset.done $0x0  }
0x122: {  	s22 =	simm.s32 $0x200;
	s30 =	simm.s32 $0xB;
	[sflag:s10] =	ssyncadd.s32 $0xFFFFFFB0  }
0x123: {  	[tilespmem:s29], [sflag:$0x9] =	stream.indirect.gather [hbm4b:s21+s18], $0x80, s22, s18, $0xb8;
	[tilespmem:$0x1E800] =	vst v63  }
0x124: {  	_ =	swait.ge [sflag:s30], $0x2800  }
0x125: {  	[sflag:s30] =	ssyncset.done $0x0  }
0x126: {  	s31 =	simm.s32 $0xE;
	[sflag:s30] =	ssyncadd.s32 $0xFFFFD800  }
0x127: {  	_ =	swait.ge [sflag:s31], $0x2800  }
0x128: {  	[sflag:s31] =	ssyncset.done $0x0;
	s19 =	rddreg [dreg:$0x5]  }
0x129: {  	s26 =	simm.s32 $0x500;
	[sflag:s31] =	ssyncadd.s32 $0xFFFFD800;
	s3 =	sadd.s32 s11, s19  }
0x12a: {  	[spmem:s23] =	stream.indirect.scatter.add.f32 [tilespmem:s15], [sflag:$0xF], $0x80, s26, s18, $0xb8;
	[tilespmem:$0x1E800] =	vst v63  }
0x12b: {  	s3 =	sshrl.u32 s3, $0x3  }
0x12c: {  	s10 =	simm.s32 $0x80;
	s7 =	sadd.s32 s5, s3  }
0x12d: {  	[tilespmem:s10], [sflag:$0x2] =	stream.linear.gather [hbm4b:s7+s4], $0x50, $0x38;
	[tilespmem:$0x1E800] =	vst v63  }
0x12e: {  	s3 =	sadd.s32 s6, s3  }
0x12f: {  	[tilespmem:s25], [sflag:$0x2] =	stream.linear.gather [hbm4b:s3+s4], $0x50, $0x38;
	[tilespmem:$0x1E800] =	vst v63  }
0x130: {  	_ =	swait.ge [sflag:s0], $0x50  }
0x131: {  	[sflag:s0] =	ssyncset.done $0x0  }
0x132: {  	[sflag:s0] =	ssyncadd.s32 $0xFFFFFFB0  }
0x133: {  	_ =	swait.ge [sflag:s0], $0x50  }
0x134: {  	[sflag:s0] =	ssyncset.done $0x0  }
0x135: {  	s10 =	simm.s32 $0x280;
	s7 =	simm.s32 $0xC;
	[sflag:s0] =	ssyncadd.s32 $0xFFFFFFB0  }
0x136: {  	[tilespmem:s13], [sflag:$0xA] =	stream.indirect.gather [hbm4b:s21+s18], $0x80, s10, s18, $0xb8;
	[tilespmem:$0x1E800] =	vst v63  }
0x137: {  	_ =	swait.ge [sflag:s7], $0x2800  }
0x138: {  	[sflag:s7] =	ssyncset.done $0x0  }
0x139: {  	s10 =	simm.s32 $0xF;
	[sflag:s7] =	ssyncadd.s32 $0xFFFFD800  }
0x13a: {  	_ =	swait.ge [sflag:s10], $0x2800  }
0x13b: {  	[sflag:s10] =	ssyncset.done $0x0;
	s19 =	rddreg [dreg:$0x6]  }
0x13c: {  	s25 =	simm.s32 $0x580;
	[sflag:s10] =	ssyncadd.s32 $0xFFFFD800;
	s3 =	sadd.s32 s11, s19  }
0x13d: {  	[spmem:s23] =	stream.indirect.scatter.add.f32 [tilespmem:s16], [sflag:$0x10], $0x80, s25, s18, $0xb8;
	[tilespmem:$0x1E800] =	vst v63  }
0x13e: {  	s3 =	sshrl.u32 s3, $0x3  }
0x13f: {  	s19 =	sadd.s32 s5, s3  }
0x140: {  	[tilespmem:s28], [sflag:$0x3] =	stream.linear.gather [hbm4b:s19+s4], $0x50, $0x38;
	[tilespmem:$0x1E800] =	vst v63  }
0x141: {  	s3 =	sadd.s32 s6, s3  }
0x142: {  	[tilespmem:s26], [sflag:$0x3] =	stream.linear.gather [hbm4b:s3+s4], $0x50, $0x38;
	[tilespmem:$0x1E800] =	vst v63  }
0x143: {  	_ =	swait.ge [sflag:s1], $0x50  }
0x144: {  	[sflag:s1] =	ssyncset.done $0x0  }
0x145: {  	[sflag:s1] =	ssyncadd.s32 $0xFFFFFFB0  }
0x146: {  	_ =	swait.ge [sflag:s1], $0x50  }
0x147: {  	[sflag:s1] =	ssyncset.done $0x0  }
0x148: {  	s26 =	simm.s32 $0x300;
	[sflag:s1] =	ssyncadd.s32 $0xFFFFFFB0  }
0x149: {  	[tilespmem:s15], [sflag:$0xB] =	stream.indirect.gather [hbm4b:s21+s18], $0x80, s26, s18, $0xb8;
	[tilespmem:$0x1E800] =	vst v63  }
0x14a: {  	_ =	swait.ge [sflag:s17], $0x2800  }
0x14b: {  	[sflag:s17] =	ssyncset.done $0x0  }
0x14c: {  	s3 =	simm.s32 $0x10;
	[sflag:s17] =	ssyncadd.s32 $0xFFFFD800  }
0x14d: {  	_ =	swait.ge [sflag:s3], $0x2800  }
0x14e: {  	[sflag:s3] =	ssyncset.done $0x0;
	s19 =	rddreg [dreg:$0x7]  }
0x14f: {  	s26 =	simm.s32 $0x600;
	[sflag:s3] =	ssyncadd.s32 $0xFFFFD800;
	s3 =	sadd.s32 s11, s19  }
0x150: {  	[spmem:s23] =	stream.indirect.scatter.add.f32 [tilespmem:s29], [sflag:$0xD], $0x80, s26, s18, $0xb8;
	[tilespmem:$0x1E800] =	vst v63  }
0x151: {  	s3 =	sshrl.u32 s3, $0x3  }
0x152: {  	s19 =	sadd.s32 s5, s3  }
0x153: {  	[tilespmem:s20], [sflag:$0x4] =	stream.linear.gather [hbm4b:s19+s4], $0x50, $0x38;
	[tilespmem:$0x1E800] =	vst v63  }
0x154: {  	s3 =	sadd.s32 s6, s3  }
0x155: {  	[tilespmem:s25], [sflag:$0x4] =	stream.linear.gather [hbm4b:s3+s4], $0x50, $0x38;
	[tilespmem:$0x1E800] =	vst v63  }
0x156: {  	_ =	swait.ge [sflag:s2], $0x50  }
0x157: {  	[sflag:s2] =	ssyncset.done $0x0  }
0x158: {  	[sflag:s2] =	ssyncadd.s32 $0xFFFFFFB0  }
0x159: {  	_ =	swait.ge [sflag:s2], $0x50  }
0x15a: {  	[sflag:s2] =	ssyncset.done $0x0  }
0x15b: {  	s25 =	simm.s32 $0x380;
	[sflag:s2] =	ssyncadd.s32 $0xFFFFFFB0  }
0x15c: {  	[tilespmem:s16], [sflag:$0xC] =	stream.indirect.gather [hbm4b:s21+s18], $0x80, s25, s18, $0xb8;
	[tilespmem:$0x1E800] =	vst v63  }
0x15d: {  	_ =	swait.ge [sflag:s24], $0x2800  }
0x15e: {  	[sflag:s24] =	ssyncset.done $0x0  }
0x15f: {  	[sflag:s24] =	ssyncadd.s32 $0xFFFFD800  }
0x160: {  	_ =	swait.ge [sflag:s8], $0x2800  }
0x161: {  	[sflag:s8] =	ssyncset.done $0x0;
	s19 =	rddreg [dreg:$0x8]  }
0x162: {  	s24 =	simm.s32 $0x680;
	[sflag:s8] =	ssyncadd.s32 $0xFFFFD800;
	s3 =	sadd.s32 s11, s19  }
0x163: {  	[spmem:s23] =	stream.indirect.scatter.add.f32 [tilespmem:s13], [sflag:$0xE], $0x80, s24, s18, $0xb8;
	[tilespmem:$0x1E800] =	vst v63  }
0x164: {  	s3 =	sshrl.u32 s3, $0x3  }
0x165: {  	s25 =	sadd.s32 s5, s3  }
0x166: {  	[tilespmem:s22], [sflag:$0x5] =	stream.linear.gather [hbm4b:s25+s4], $0x50, $0x38;
	[tilespmem:$0x1E800] =	vst v63  }
0x167: {  	s3 =	sadd.s32 s6, s3  }
0x168: {  	[tilespmem:s26], [sflag:$0x5] =	stream.linear.gather [hbm4b:s3+s4], $0x50, $0x38;
	[tilespmem:$0x1E800] =	vst v63  }
0x169: {  	s26 =	simm.s32 $0x1  }
0x16a: {  	_ =	swait.ge [sflag:s26], $0x50  }
0x16b: {  	[sflag:s26] =	ssyncset.done $0x0  }
0x16c: {  	[sflag:s26] =	ssyncadd.s32 $0xFFFFFFB0  }
0x16d: {  	_ =	swait.ge [sflag:s26], $0x50  }
0x16e: {  	[sflag:s26] =	ssyncset.done $0x0  }
0x16f: {  	[sflag:s26] =	ssyncadd.s32 $0xFFFFFFB0  }
0x170: {  	[tilespmem:s29], [sflag:$0x9] =	stream.indirect.gather [hbm4b:s21+s18], $0x80, s4, s18, $0xb8;
	[tilespmem:$0x1E800] =	vst v63  }
0x171: {  	_ =	swait.ge [sflag:s30], $0x2800  }
0x172: {  	[sflag:s30] =	ssyncset.done $0x0  }
0x173: {  	[sflag:s30] =	ssyncadd.s32 $0xFFFFD800  }
0x174: {  	_ =	swait.ge [sflag:s31], $0x2800  }
0x175: {  	p1 =	seq.s32 s12, $0x2300;
	[sflag:s31] =	ssyncset.done $0x0;
	s3 =	rddreg [dreg:$0x9]  }
0x176: {  	s30 =	simm.s32 $0x700;
	[sflag:s31] =	ssyncadd.s32 $0xFFFFD800;
	s3 =	sadd.s32 @!p1 s11, s3  }
0x177: {  	[spmem:s23] =	stream.indirect.scatter.add.f32 [tilespmem:s15], [sflag:$0xF], $0x80, s30, s18, $0xb8;
	[tilespmem:$0x1E800] =	vst v63  }
0x178: {  	s3 =	sshrl.u32 @!p1 s3, $0x3  }
0x179: {  	s12 =	simm.s32 @!p1 $0x0;
	s19 =	simm.s32 @!p1 $0x280;
	s25 =	sadd.s32 @!p1 s5, s3  }
0x17a: {  	[tilespmem:s19], [sflag:$0x6] =	stream.linear.gather @!p1 [hbm4b:s25+s12], $0x50, $0x38;
	[tilespmem:$0x1E800] =	vst v63  }
0x17b: {  	s26 =	simm.s32 @!p1 $0x680;
	s29 =	simm.s32 $0x2;
	s3 =	sadd.s32 @!p1 s6, s3  }
0x17c: {  	[tilespmem:s26], [sflag:$0x6] =	stream.linear.gather @!p1 [hbm4b:s3+s12], $0x50, $0x38;
	[tilespmem:$0x1E800] =	vst v63  }
0x17d: {  	_ =	swait.ge [sflag:s29], $0x50  }
0x17e: {  	[sflag:s29] =	ssyncset.done $0x0  }
0x17f: {  	[sflag:s29] =	ssyncadd.s32 $0xFFFFFFB0  }
0x180: {  	_ =	swait.ge [sflag:s29], $0x50  }
0x181: {  	[sflag:s29] =	ssyncset.done $0x0  }
0x182: {  	s31 =	simm.s32 $0x80;
	[sflag:s29] =	ssyncadd.s32 $0xFFFFFFB0  }
0x183: {  	[tilespmem:s13], [sflag:$0xA] =	stream.indirect.gather [hbm4b:s21+s18], $0x80, s31, s18, $0xb8;
	[tilespmem:$0x1E800] =	vst v63  }
0x184: {  	_ =	swait.ge [sflag:s7], $0x2800  }
0x185: {  	[sflag:s7] =	ssyncset.done $0x0  }
0x186: {  	[sflag:s7] =	ssyncadd.s32 $0xFFFFD800  }
0x187: {  	_ =	swait.ge [sflag:s10], $0x2800  }
0x188: {  	[sflag:s10] =	ssyncset.done $0x0;
	s3 =	rddreg [dreg:$0xa]  }
0x189: {  	s13 =	simm.s32 $0x780;
	[sflag:s10] =	ssyncadd.s32 $0xFFFFD800;
	s3 =	sadd.s32 @!p1 s11, s3  }
0x18a: {  	[spmem:s23] =	stream.indirect.scatter.add.f32 [tilespmem:s16], [sflag:$0x10], $0x80, s13, s18, $0xb8;
	[tilespmem:$0x1E800] =	vst v63  }
0x18b: {  	s3 =	sshrl.u32 @!p1 s3, $0x3  }
0x18c: {  	s9 =	sadd.s32 $0x280, s9;
	s11 =	simm.s32 @!p1 $0x300;
	s19 =	sadd.s32 @!p1 s5, s3  }
0x18d: {  	[tilespmem:s11], [sflag:$0x7] =	stream.linear.gather @!p1 [hbm4b:s19+s12], $0x50, $0x38;
	[tilespmem:$0x1E800] =	vst v63  }
0x18e: {  	p0 =	sne.s32 s9, $0x2580;
	s25 =	simm.s32 @!p1 $0x700;
	s3 =	sadd.s32 @!p1 s6, s3  }
0x18f: {  	[tilespmem:s25], [sflag:$0x7] =	stream.linear.gather @!p1 [hbm4b:s3+s12], $0x50, $0x38;
	[tilespmem:$0x1E800] =	vst v63  }
.Ltmp0:
0x190: {  	_ = 	snop;
	(pc) =	sbr.rel @p0 .LBB2_2-.Ltmp0, $4  }
0x191: {  	_ =	swait.ge [sflag:s14], $0x50  }
0x192: {  	s28 =	simm.s32 $0x500;
	s17 =	simm.s32 $0x180;
	[sflag:s14] =	ssyncset.done $0x0  }
0x193: {  	s20 =	simm.s32 $0x580;
	s24 =	simm.s32 $0x200;
	[sflag:s14] =	ssyncadd.s32 $0xFFFFFFB0  }
0x194: {  	s22 =	simm.s32 $0x600;
	s26 =	simm.s32 $0x3000;
	_ =	swait.ge [sflag:s14], $0x50  }
0x195: {  	s3 =	simm.s32 $0x3  }
0x196: {  	[sflag:s3] =	ssyncset.done $0x0  }
0x197: {  	s10 =	simm.s32 $0x5800;
	[sflag:s3] =	ssyncadd.s32 $0xFFFFFFB0  }
0x198: {  	s0 =	simm.s32 $0x100;
	s11 =	simm.s32 $0x9;
	s1 =	rddreg [dreg:$0x0]  }
0x199: {  	[tilespmem:s10], [sflag:$0xB] =	stream.indirect.gather [hbm4b:s1+s18], $0x80, s0, s18, $0xb8;
	[tilespmem:$0x1E800] =	vst v63  }
0x19a: {  	_ =	swait.ge [sflag:s11], $0x2800  }
0x19b: {  	[sflag:s11] =	ssyncset.done $0x0  }
0x19c: {  	s7 =	simm.s32 $0x10;
	[sflag:s11] =	ssyncadd.s32 $0xFFFFD800  }
0x19d: {  	_ =	swait.ge [sflag:s7], $0x2800  }
0x19e: {  	[sflag:s7] =	ssyncset.done $0x0  }
0x19f: {  	s14 =	simm.s32 $0x400;
	[sflag:s7] =	ssyncadd.s32 $0xFFFFD800  }
0x1a0: {  	s9 =	simm.s32 $0x800;
	s15 =	simm.s32 $0x4;
	s2 =	rddreg [dreg:$0x2]  }
0x1a1: {  	[spmem:s2] =	stream.indirect.scatter.add.f32 [tilespmem:s9], [sflag:$0xD], $0x80, s14, s18, $0xb8;
	[tilespmem:$0x1E800] =	vst v63  }
0x1a2: {  	_ =	swait.ge [sflag:s15], $0x50  }
0x1a3: {  	[sflag:s15] =	ssyncset.done $0x0  }
0x1a4: {  	[sflag:s15] =	ssyncadd.s32 $0xFFFFFFB0  }
0x1a5: {  	_ =	swait.ge [sflag:s15], $0x50  }
0x1a6: {  	[sflag:s15] =	ssyncset.done $0x0  }
0x1a7: {  	s16 =	simm.s32 $0x8000;
	s12 =	simm.s32 $0xA;
	[sflag:s15] =	ssyncadd.s32 $0xFFFFFFB0  }
0x1a8: {  	[tilespmem:s16], [sflag:$0xC] =	stream.indirect.gather [hbm4b:s1+s18], $0x80, s17, s18, $0xb8;
	[tilespmem:$0x1E800] =	vst v63  }
0x1a9: {  	_ =	swait.ge [sflag:s12], $0x2800  }
0x1aa: {  	[sflag:s12] =	ssyncset.done $0x0  }
0x1ab: {  	s8 =	simm.s32 $0xD;
	[sflag:s12] =	ssyncadd.s32 $0xFFFFD800  }
0x1ac: {  	_ =	swait.ge [sflag:s8], $0x2800  }
0x1ad: {  	[sflag:s8] =	ssyncset.done $0x0  }
0x1ae: {  	s19 =	simm.s32 $0x5;
	s17 =	simm.s32 $0x480;
	[sflag:s8] =	ssyncadd.s32 $0xFFFFD800  }
0x1af: {  	[spmem:s2] =	stream.indirect.scatter.add.f32 [tilespmem:s26], [sflag:$0xE], $0x80, s17, s18, $0xb8;
	[tilespmem:$0x1E800] =	vst v63  }
0x1b0: {  	_ =	swait.ge [sflag:s19], $0x50  }
0x1b1: {  	[sflag:s19] =	ssyncset.done $0x0  }
0x1b2: {  	[sflag:s19] =	ssyncadd.s32 $0xFFFFFFB0  }
0x1b3: {  	_ =	swait.ge [sflag:s19], $0x50  }
0x1b4: {  	[sflag:s19] =	ssyncset.done $0x0  }
0x1b5: {  	s21 =	simm.s32 $0xB;
	[sflag:s19] =	ssyncadd.s32 $0xFFFFFFB0  }
0x1b6: {  	[tilespmem:s9], [sflag:$0x9] =	stream.indirect.gather [hbm4b:s1+s18], $0x80, s24, s18, $0xb8;
	[tilespmem:$0x1E800] =	vst v63  }
0x1b7: {  	_ =	swait.ge [sflag:s21], $0x2800  }
0x1b8: {  	[sflag:s21] =	ssyncset.done $0x0  }
0x1b9: {  	s23 =	simm.s32 $0xE;
	[sflag:s21] =	ssyncadd.s32 $0xFFFFD800  }
0x1ba: {  	_ =	swait.ge [sflag:s23], $0x2800  }
0x1bb: {  	[sflag:s23] =	ssyncset.done $0x0  }
0x1bc: {  	s24 =	simm.s32 $0xC;
	[sflag:s23] =	ssyncadd.s32 $0xFFFFD800  }
0x1bd: {  	[spmem:s2] =	stream.indirect.scatter.add.f32 [tilespmem:s10], [sflag:$0xF], $0x80, s28, s18, $0xb8;
	[tilespmem:$0x1E800] =	vst v63  }
0x1be: {  	_ =	swait.ge [sflag:s24], $0x2800  }
0x1bf: {  	[sflag:s24] =	ssyncset.done $0x0  }
0x1c0: {  	s25 =	simm.s32 $0xF;
	[sflag:s24] =	ssyncadd.s32 $0xFFFFD800  }
0x1c1: {  	_ =	swait.ge [sflag:s25], $0x2800  }
0x1c2: {  	[sflag:s25] =	ssyncset.done $0x0  }
0x1c3: {  	[sflag:s25] =	ssyncadd.s32 $0xFFFFD800  }
0x1c4: {  	[spmem:s2] =	stream.indirect.scatter.add.f32 [tilespmem:s16], [sflag:$0x10], $0x80, s20, s18, $0xb8;
	[tilespmem:$0x1E800] =	vst v63  }
0x1c5: {  	_ =	swait.ge [sflag:s11], $0x2800  }
0x1c6: {  	[sflag:s11] =	ssyncset.done $0x0  }
0x1c7: {  	[sflag:s11] =	ssyncadd.s32 $0xFFFFD800  }
0x1c8: {  	_ =	swait.ge [sflag:s7], $0x2800  }
0x1c9: {  	[sflag:s7] =	ssyncset.done $0x0  }
0x1ca: {  	[sflag:s7] =	ssyncadd.s32 $0xFFFFD800  }
0x1cb: {  	[spmem:s2] =	stream.indirect.scatter.add.f32 [tilespmem:s9], [sflag:$0xD], $0x80, s22, s18, $0xb8;
	[tilespmem:$0x1E800] =	vst v63  }
0x1cc: {  	_ =	swait.ge [sflag:s8], $0x2800  }
0x1cd: {  	[sflag:s8] =	ssyncset.done $0x0  }
0x1ce: {  	[sflag:s8] =	ssyncadd.s32 $0xFFFFD800  }
0x1cf: {  	[bflag:$0x0] =	sbarrier.arrive $0xFFFF  }
0x1d0: {  	s28 =	sld [smem:$0x7FD]  }
0x1d1: {  	s11 =	rddreg [dreg:$0xe]  }
0x1d2: {  	s9 =	simm.s32 $0x11;
	s26 =	rddreg [dreg:$0x1d]  }
0x1d3: {  	[hbm:s26], [sflag:s11] =	dma.local [spmem:s28], $0x2800  }
0x1d4: {  	_ =	swait.ge [sflag:s9], $0x2800  }
0x1d5: {  	s30 =	rddreg [dreg:$0x1f]  }
0x1d6: {  	s31 =	rddreg [dreg:$0x1e];
	s7 =	sadd.s32 $0x1, s30  }
0x1d7: {  	p0 =	sne.s32 s7, s31  }
.Ltmp1:
0x1d8: {  	_ = 	snop;
	(pc) =	sbr.rel @p0 .LBB2_1-.Ltmp1, $4  }
0x1d9: {  	_ = 	snop  }
0x1da: {  	s0 =	simm.s32 $0x6;
	s1 =	simm.s32 $0x7  }
0x1db: {  	s24 =	simm.s32 $0x280;
	s25 =	simm.s32 $0x80;
	[sflag:s9] =	ssyncset.done $0x0  }
0x1dc: {  	s2 =	simm.s32 $0x8;
	s12 =	rddreg [dreg:$0xb];
	[sflag:s9] =	ssyncadd.s32 $0xFFFFD800  }
0x1dd: {  	_ =	sfence.sel $0x180000  }
0x1de: {  	[bflag:$0x0] =	sbarrier.arrive $0xFFFF  }
0x1df: {  	_ =	strace $0x9000004A  }
0x1e0: {  	s0 =	stileid.u32;
	[bflag:$0x2] =	sbarrier.arrive $0xFFFF  }
0x1e1: {  	p0 =	sne.s32 s0, $0x0;
	s0 =	rddreg [dreg:$0x3]  }
0x1e2: {  	s0 =	sadd.s32 @!p0 $0x100000, s0  }
0x1e3: {  	[sflag:s0] =	ssyncadd.tile.s32 @!p0 $0x1;
	_ =	shalt  }
.Lfunc_end2:
_tile_overlayer_lowered:
.L_overlay_start_2:
0x1e4: {  	(tag) =	ssettag $0x2  }
0x1e5: {  	s0 =	rddreg [dreg:$0x0];
	s2 =	stileid.u32  }
0x1e6: {  	s1 =	rddreg [dreg:$0x1];
	p0 =	sne.s32 s2, $0x0  }
0x1e7: {  	s3 =	rddreg [dreg:$0x2];
	[bflag:$0x3] =	sbarrier.arrive $0xFFFF;
	s2 =	simm.s32 @!p0 $0x1C11  }
0x1e8: {  	[timem:s3], [sflag:s2] =	dma.local @!p0 [hbm:s0], s1  }
0x1e9: {  	s0 =	simm.s32 @!p0 $0x11  }
0x1ea: {  	_ =	swait.ge @!p0 [sflag:s0], s1  }
0x1eb: {  	s1 =	ssub.s32 @!p0 $0x0, s1;
	[sflag:s0] =	ssyncset.done @!p0 $0x0  }
0x1ec: {  	[sflag:s0] =	ssyncadd.s32 @!p0 s1  }
0x1ed: {  	[bflag:$0x3] =	sbarrier.arrive $0xFFFF  }
0x1ee: {  	_ =	shalt  }

</sc_bundles>
